<compile_context>
chip_gen: v7x
topology: tpu7x:2x2x1
jax: 0.10.2.dev20260603
libtpu: 0.0.44.dev20260713+nightly
codegen_flags: <defaults>
</compile_context>

<pallas_src>
import dataclasses

import numpy as np

import jax
import jax.numpy as jnp
from jax import lax
from jax.experimental import pallas as pl
from jax.experimental.pallas import tpu as pltpu
from jax.experimental.pallas import tpu_sc as plsc

NUM_CORES = 2
NUM_SUBCORES = 16
NUM_TILES = NUM_CORES * NUM_SUBCORES
LANES = 16
GATHER_CHUNK = 128
SLOW_CID = 0
CH_S = 2304
CH_F = 3968
NG_S = CH_S // GATHER_CHUNK
NG_F = CH_F // GATHER_CHUNK
NV_S = CH_S // LANES
NV_F = CH_F // LANES
ROWS0_F = NUM_SUBCORES * CH_S
TOTAL = NUM_SUBCORES * (CH_S + CH_F)
BUF = 128
BUF_VREGS = BUF // LANES
COMPACT_AT = BUF - LANES
KEEP = 30
CAND = NUM_TILES * 32


def _rev(v):
    return lax.rev(v, (0,))


def _sortkv(k, i):
    return plsc.sort_key_val(k, i, descending=True)


def _merge16(ak, ai, bk, bi):
    rbk, rbi = _rev(bk), _rev(bi)
    m = ak >= rbk
    hk = jnp.where(m, ak, rbk)
    hi = jnp.where(m, ai, rbi)
    lk = jnp.where(m, rbk, ak)
    li = jnp.where(m, rbi, ai)
    hk, hi = _sortkv(hk, hi)
    lk, li = _sortkv(lk, li)
    return hk, hi, lk, li


def _merge32(a, b):
    ak0, ai0, ak1, ai1 = a
    bk0, bi0, bk1, bi1 = b
    r0k, r0i = _rev(bk1), _rev(bi1)
    r1k, r1i = _rev(bk0), _rev(bi0)
    m0 = ak0 >= r0k
    c0k = jnp.where(m0, ak0, r0k)
    c0i = jnp.where(m0, ai0, r0i)
    m1 = ak1 >= r1k
    c1k = jnp.where(m1, ak1, r1k)
    c1i = jnp.where(m1, ai1, r1i)
    m2 = c0k >= c1k
    hk = jnp.where(m2, c0k, c1k)
    hi = jnp.where(m2, c0i, c1i)
    lk = jnp.where(m2, c1k, c0k)
    li = jnp.where(m2, c1i, c0i)
    hk, hi = _sortkv(hk, hi)
    lk, li = _sortkv(lk, li)
    return hk, hi, lk, li


def _merge_tree(runs):
    while len(runs) > 1:
        runs = [_merge32(runs[2 * p], runs[2 * p + 1])
                for p in range(len(runs) // 2)]
    return runs[0]


def _compact(bk_ref, bi_ref, bufk_ref, bufi_ref, neg):
    runs16 = []
    for v in range(BUF_VREGS):
        k = bufk_ref[pl.ds(v * LANES, LANES)]
        i = bufi_ref[pl.ds(v * LANES, LANES)]
        runs16.append(_sortkv(k, i))
    runs32 = [_merge16(*runs16[2 * p], *runs16[2 * p + 1])
              for p in range(BUF_VREGS // 2)]
    top = _merge_tree(runs32)
    best = (bk_ref[pl.ds(0, LANES)], bi_ref[pl.ds(0, LANES)],
            bk_ref[pl.ds(LANES, LANES)], bi_ref[pl.ds(LANES, LANES)])
    hk, hi, lk, li = _merge32(best, top)
    bk_ref[pl.ds(0, LANES)] = hk
    bi_ref[pl.ds(0, LANES)] = hi
    bk_ref[pl.ds(LANES, LANES)] = lk
    bi_ref[pl.ds(LANES, LANES)] = li
    for v in range(BUF_VREGS):
        bufk_ref[pl.ds(v * LANES, LANES)] = neg
    return jnp.min(lk)


def _k1_body(n_real, feat_flat_hbm, idx_hbm, candk_hbm, candi_hbm,
             idxs_ref, keys_ref, bufk_ref, bufi_ref, bk_ref, bi_ref, *sems):
    cid = lax.axis_index("c")
    sid = lax.axis_index("s")
    wid = cid * NUM_SUBCORES + sid
    neg = jnp.full((LANES,), -jnp.inf, dtype=jnp.float32)
    zero = jnp.zeros((LANES,), dtype=jnp.int32)
    for v in range(BUF_VREGS):
        bufk_ref[pl.ds(v * LANES, LANES)] = neg
    bk_ref[pl.ds(0, LANES)] = neg
    bk_ref[pl.ds(LANES, LANES)] = neg
    bi_ref[pl.ds(0, LANES)] = zero
    bi_ref[pl.ds(LANES, LANES)] = zero

    lane = lax.iota(jnp.int32, LANES)
    sem = sems[0]

    def side(nchunks, chunk_base, row0, nvr):
        pltpu.sync_copy(
            idx_hbm.at[pl.ds(chunk_base * GATHER_CHUNK,
                             nchunks * GATHER_CHUNK)],
            idxs_ref.at[pl.ds(0, nchunks * GATHER_CHUNK)])
        handles = [
            pltpu.async_copy(
                feat_flat_hbm.at[idxs_ref.at[pl.ds(j * GATHER_CHUNK,
                                                   GATHER_CHUNK)]],
                keys_ref.at[pl.ds(j * GATHER_CHUNK, GATHER_CHUNK)],
                sem)
            for j in range(nchunks)
        ]
        for h in handles:
            h.wait()

        def scan_body(c, carry):
            thr, cnt = carry
            loc = c * LANES + lane
            x = keys_ref[pl.ds(c * LANES, LANES)]
            mask = x > thr
            xi = row0 + loc
            plsc.store_compressed(bufk_ref.at[pl.ds(cnt, LANES)], x,
                                  mask=mask)
            plsc.store_compressed(bufi_ref.at[pl.ds(cnt, LANES)], xi,
                                  mask=mask)
            cnt2 = cnt + plsc.all_reduce_population_count(mask)[0]

            def do_compact():
                new_thr = _compact(bk_ref, bi_ref, bufk_ref, bufi_ref, neg)
                return new_thr, jnp.int32(0)

            return lax.cond(cnt2 > COMPACT_AT, do_compact,
                            lambda: (thr, cnt2))

        lax.fori_loop(0, nvr, scan_body,
                      (jnp.float32(-jnp.inf), jnp.int32(0)))
        _compact(bk_ref, bi_ref, bufk_ref, bufi_ref, neg)
        pltpu.sync_copy(bk_ref, candk_hbm.at[pl.ds(wid * 32, 32)])
        pltpu.sync_copy(bi_ref, candi_hbm.at[pl.ds(wid * 32, 32)])

    last_vr = (n_real - ROWS0_F - (NUM_SUBCORES - 1) * CH_F) // LANES

    @pl.when(cid == SLOW_CID)
    def _():
        side(NG_S, sid * NG_S, sid * CH_S, jnp.int32(NV_S))

    @pl.when(cid != SLOW_CID)
    def _():
        nvr = jnp.where(sid == NUM_SUBCORES - 1, last_vr, NV_F)
        side(NG_F, NUM_SUBCORES * NG_S + sid * NG_F,
             ROWS0_F + sid * CH_F, nvr)


def _k2_body(candk_hbm, candi_hbm, feat_hbm, out_hbm,
             ck_ref, ci_ref, wi_ref, rows_ref, sem):
    cid = lax.axis_index("c")
    sid = lax.axis_index("s")
    wid = cid * NUM_SUBCORES + sid

    @pl.when(wid == 0)
    def _():
        pltpu.sync_copy(candk_hbm, ck_ref)
        pltpu.sync_copy(candi_hbm, ci_ref)
        runs = []
        for t in range(NUM_TILES):
            o = t * 32
            runs.append((ck_ref[pl.ds(o, LANES)], ci_ref[pl.ds(o, LANES)],
                         ck_ref[pl.ds(o + LANES, LANES)],
                         ci_ref[pl.ds(o + LANES, LANES)]))
        hk, hi, lk, li = _merge_tree(runs)
        wi_ref[pl.ds(0, LANES)] = hi
        wi_ref[pl.ds(LANES, LANES)] = li
        pltpu.async_copy(feat_hbm.at[wi_ref], rows_ref, sem).wait()
        pltpu.sync_copy(rows_ref.at[pl.ds(0, KEEP)], out_hbm)


@jax.jit
def kernel(features):
    n, d = features.shape
    mesh = plsc.VectorSubcoreMesh(core_axis_name="c", subcore_axis_name="s")
    cp = pltpu.CompilerParams()
    if "needs_layout_passes" in pltpu.CompilerParams.__dataclass_fields__:
        cp = dataclasses.replace(cp, needs_layout_passes=False)

    rows = np.minimum(np.arange(TOTAL, dtype=np.int32), n - 1)
    idx_all = jnp.asarray(rows * d + (d - 1))
    flat = features.reshape(-1)

    k1 = pl.kernel(
        lambda *args: _k1_body(n, *args),
        out_type=(jax.ShapeDtypeStruct((CAND,), jnp.float32),
                  jax.ShapeDtypeStruct((CAND,), jnp.int32)),
        mesh=mesh,
        scratch_types=[
            pltpu.VMEM((CH_F,), jnp.int32),
            pltpu.VMEM((CH_F,), jnp.float32),
            pltpu.VMEM((BUF,), jnp.float32),
            pltpu.VMEM((BUF,), jnp.int32),
            pltpu.VMEM((32,), jnp.float32),
            pltpu.VMEM((32,), jnp.int32),
            pltpu.SemaphoreType.DMA,
        ],
        compiler_params=cp,
    )
    cand_k, cand_i = k1(flat, idx_all)

    k2 = pl.kernel(
        _k2_body,
        out_type=jax.ShapeDtypeStruct((KEEP, d), jnp.float32),
        mesh=mesh,
        scratch_types=[
            pltpu.VMEM((CAND,), jnp.float32),
            pltpu.VMEM((CAND,), jnp.int32),
            pltpu.VMEM((32,), jnp.int32),
            pltpu.VMEM((32, d), jnp.float32),
            pltpu.SemaphoreType.DMA,
        ],
        compiler_params=cp,
    )
    return k2(cand_k, cand_i, features)

# --- scband reference (transcript-rebuilt; emitter-appended) ---
"""Pipeline reference for scband-sort-pooling-65206193488418 (READ-ONLY COPY).

The authoritative reference and input builder live on the scoring server;
editing this copy changes nothing except your own understanding.
"""

import jax, jax.numpy as jnp
import numpy as np

KEEP_NODES = 30

def setup_inputs(seed: int = 0) -> dict:
    key = jax.random.key(seed)
    features = jax.random.normal(key, (100000, 128), dtype=jnp.float32)
    return {"features": features}

def reference(features):
    # SortPooling: sort nodes by the last feature channel, keep top keep_nodes rows.
    keep_nodes = KEEP_NODES
    n, d = features.shape
    _, idx = jax.lax.top_k(features[:, -1], keep_nodes)
    reordered = jnp.take(features, idx, axis=0)
    # Padding branch (only triggers when n < keep_nodes; here n >= keep_nodes so no-op,
    # kept for faithfulness to the original module logic).
    if n < keep_nodes:
        extend_rows = jnp.zeros((keep_nodes - n, d), dtype=features.dtype)
        reordered = jnp.concatenate([reordered, extend_rows], axis=0)
    return reordered

if __name__ == "__main__":
    import jax
    _d = setup_inputs()
    print(jax.jit(kernel)(*tuple(_d.values())))

</pallas_src>

<mosaic_0001>
#map = affine_map<(d0, d1) -> (0)>
module attributes {stable_mosaic.version = 14 : i64} {
  func.func @_lambda_(%arg0: i32, %arg1: i32, %arg2: memref<12800000xf32, #tpu.memory_space<hbm>>, %arg3: memref<100352xi32, #tpu.memory_space<hbm>>, %arg4: memref<1024xf32, #tpu.memory_space<hbm>>, %arg5: memref<1024xi32, #tpu.memory_space<hbm>>, %arg6: memref<3968xi32, #tpu.memory_space<vmem>>, %arg7: memref<3968xf32, #tpu.memory_space<vmem>>, %arg8: memref<128xf32, #tpu.memory_space<vmem>>, %arg9: memref<128xi32, #tpu.memory_space<vmem>>, %arg10: memref<32xf32, #tpu.memory_space<vmem>>, %arg11: memref<32xi32, #tpu.memory_space<vmem>>, %arg12: memref<!tpu.dma_semaphore, #tpu.memory_space<semaphore_mem>>) attributes {dimension_semantics = [#tpu.dimension_semantics<core_parallel>, #tpu.dimension_semantics<subcore_parallel>], iteration_bounds = array<i64: 2, 16>, scalar_prefetch = 0 : i64, scratch_operands = 7 : i64, tpu.core_type = #tpu.core_type<sc_vector_subcore>, window_params = [{transform_indices = #map}, {transform_indices = #map}, {transform_indices = #map}, {transform_indices = #map}]} {
    %mul3A = arith.constant 16 : i32
    %mul3A_0 = arith.muli %arg0, %mul3A : i32
    %add3A = arith.addi %mul3A_0, %arg1 : i32
    %broadcast_in_dim3A = arith.constant 0xFF800000 : f32
    %broadcast_in_dim3A_1 = vector.broadcast %broadcast_in_dim3A : f32 to vector<16xf32>
    %broadcast_in_dim3A_2 = arith.constant 0 : i32
    %broadcast_in_dim3A_3 = vector.broadcast %broadcast_in_dim3A_2 : i32 to vector<16xi32>
    %swap3A = arith.constant 0 : index
    %swap3A_4 = tpu.vector_load %arg8[%swap3A] {strides = array<i32>} : memref<128xf32, #tpu.memory_space<vmem>>, vector<16xf32>,
    tpu.vector_store %arg8[%swap3A], %broadcast_in_dim3A_1 {strides = array<i32>} : memref<128xf32, #tpu.memory_space<vmem>>, vector<16xf32>,
    %swap3A_5 = arith.constant 16 : index
    %swap3A_6 = tpu.vector_load %arg8[%swap3A_5] {strides = array<i32>} : memref<128xf32, #tpu.memory_space<vmem>>, vector<16xf32>,
    tpu.vector_store %arg8[%swap3A_5], %broadcast_in_dim3A_1 {strides = array<i32>} : memref<128xf32, #tpu.memory_space<vmem>>, vector<16xf32>,
    %swap3A_7 = arith.constant 32 : index
    %swap3A_8 = tpu.vector_load %arg8[%swap3A_7] {strides = array<i32>} : memref<128xf32, #tpu.memory_space<vmem>>, vector<16xf32>,
    tpu.vector_store %arg8[%swap3A_7], %broadcast_in_dim3A_1 {strides = array<i32>} : memref<128xf32, #tpu.memory_space<vmem>>, vector<16xf32>,
    %swap3A_9 = arith.constant 48 : index
    %swap3A_10 = tpu.vector_load %arg8[%swap3A_9] {strides = array<i32>} : memref<128xf32, #tpu.memory_space<vmem>>, vector<16xf32>,
    tpu.vector_store %arg8[%swap3A_9], %broadcast_in_dim3A_1 {strides = array<i32>} : memref<128xf32, #tpu.memory_space<vmem>>, vector<16xf32>,
    %swap3A_11 = arith.constant 64 : index
    %swap3A_12 = tpu.vector_load %arg8[%swap3A_11] {strides = array<i32>} : memref<128xf32, #tpu.memory_space<vmem>>, vector<16xf32>,
    tpu.vector_store %arg8[%swap3A_11], %broadcast_in_dim3A_1 {strides = array<i32>} : memref<128xf32, #tpu.memory_space<vmem>>, vector<16xf32>,
    %swap3A_13 = arith.constant 80 : index
    %swap3A_14 = tpu.vector_load %arg8[%swap3A_13] {strides = array<i32>} : memref<128xf32, #tpu.memory_space<vmem>>, vector<16xf32>,
    tpu.vector_store %arg8[%swap3A_13], %broadcast_in_dim3A_1 {strides = array<i32>} : memref<128xf32, #tpu.memory_space<vmem>>, vector<16xf32>,
    %swap3A_15 = arith.constant 96 : index
    %swap3A_16 = tpu.vector_load %arg8[%swap3A_15] {strides = array<i32>} : memref<128xf32, #tpu.memory_space<vmem>>, vector<16xf32>,
    tpu.vector_store %arg8[%swap3A_15], %broadcast_in_dim3A_1 {strides = array<i32>} : memref<128xf32, #tpu.memory_space<vmem>>, vector<16xf32>,
    %swap3A_17 = arith.constant 112 : index
    %swap3A_18 = tpu.vector_load %arg8[%swap3A_17] {strides = array<i32>} : memref<128xf32, #tpu.memory_space<vmem>>, vector<16xf32>,
    tpu.vector_store %arg8[%swap3A_17], %broadcast_in_dim3A_1 {strides = array<i32>} : memref<128xf32, #tpu.memory_space<vmem>>, vector<16xf32>,
    %swap3A_19 = arith.constant 0 : index
    %swap3A_20 = tpu.vector_load %arg10[%swap3A_19] {strides = array<i32>} : memref<32xf32, #tpu.memory_space<vmem>>, vector<16xf32>,
    tpu.vector_store %arg10[%swap3A_19], %broadcast_in_dim3A_1 {strides = array<i32>} : memref<32xf32, #tpu.memory_space<vmem>>, vector<16xf32>,
    %swap3A_21 = arith.constant 16 : index
    %swap3A_22 = tpu.vector_load %arg10[%swap3A_21] {strides = array<i32>} : memref<32xf32, #tpu.memory_space<vmem>>, vector<16xf32>,
    tpu.vector_store %arg10[%swap3A_21], %broadcast_in_dim3A_1 {strides = array<i32>} : memref<32xf32, #tpu.memory_space<vmem>>, vector<16xf32>,
    %swap3A_23 = arith.constant 0 : index
    %swap3A_24 = tpu.vector_load %arg11[%swap3A_23] {strides = array<i32>} : memref<32xi32, #tpu.memory_space<vmem>>, vector<16xi32>,
    tpu.vector_store %arg11[%swap3A_23], %broadcast_in_dim3A_3 {strides = array<i32>} : memref<32xi32, #tpu.memory_space<vmem>>, vector<16xi32>,
    %swap3A_25 = arith.constant 16 : index
    %swap3A_26 = tpu.vector_load %arg11[%swap3A_25] {strides = array<i32>} : memref<32xi32, #tpu.memory_space<vmem>>, vector<16xi32>,
    tpu.vector_store %arg11[%swap3A_25], %broadcast_in_dim3A_3 {strides = array<i32>} : memref<32xi32, #tpu.memory_space<vmem>>, vector<16xi32>,
    %iota3A = tpu.iota {dimensions = array<i32: 0>} : vector<16xi32>
    %eq3A = arith.constant 0 : i32
    %eq3A_27 = arith.cmpi eq, %arg0, %eq3A : i32
    %convert_element_type3A = arith.extui %eq3A_27 : i1 to i32
    %cond3A = arith.constant 0 : i32
    %cond3A_28 = arith.cmpi ne, %convert_element_type3A, %cond3A : i32
    scf.if %cond3A_28 {
      %mul3A_33 = arith.constant 18 : i32
      %mul3A_34 = arith.muli %arg1, %mul3A_33 : i32
      %mul3A_35 = arith.constant 2304 : i32
      %mul3A_36 = arith.muli %arg1, %mul3A_35 : i32
      %mul3A_37 = arith.constant 128 : i32
      %mul3A_38 = arith.muli %mul3A_34, %mul3A_37 : i32
      "tpu.region"() ({
        %run_scoped3A = tpu.sem_alloc : memref<!tpu.dma_semaphore, #tpu.memory_space<semaphore_mem>>
        %dma_start3A_612 = arith.constant 0 : i32
        %dma_start3A_613 = tpu.memref_slice %arg6[%dma_start3A_612] : memref<3968xi32, #tpu.memory_space<vmem>> -> memref<2304xi32, #tpu.memory_space<vmem>>
        %dma_start3A_614 = tpu.memref_slice %arg3[%mul3A_38] : memref<100352xi32, #tpu.memory_space<hbm>> -> memref<2304xi32, #tpu.memory_space<hbm>>
        %dma_start3A_615 = arith.constant 0 : i32
        %dma_start3A_616 = tpu.memref_slice %arg6[%dma_start3A_615] : memref<3968xi32, #tpu.memory_space<vmem>> -> memref<2304xi32, #tpu.memory_space<vmem>>
        %dma_start3A_617 = tpu.memref_slice %arg3[%mul3A_38] : memref<100352xi32, #tpu.memory_space<hbm>> -> memref<2304xi32, #tpu.memory_space<hbm>>
        tpu.enqueue_dma source(%dma_start3A_617 : memref<2304xi32, #tpu.memory_space<hbm>>) target(%dma_start3A_616 : memref<2304xi32, #tpu.memory_space<vmem>>) target_semaphore(%run_scoped3A : memref<!tpu.dma_semaphore, #tpu.memory_space<semaphore_mem>>)
        %dma_wait3A_618 = arith.constant 0 : i32
        %dma_wait3A_619 = tpu.memref_slice %arg6[%dma_wait3A_618] : memref<3968xi32, #tpu.memory_space<vmem>> -> memref<2304xi32, #tpu.memory_space<vmem>>
        %dma_wait3A_620 = tpu.memref_slice %arg3[%mul3A_38] : memref<100352xi32, #tpu.memory_space<hbm>> -> memref<2304xi32, #tpu.memory_space<hbm>>
        %dma_wait3A_621 = arith.constant 0 : i32
        %dma_wait3A_622 = tpu.memref_slice %arg6[%dma_wait3A_621] : memref<3968xi32, #tpu.memory_space<vmem>> -> memref<2304xi32, #tpu.memory_space<vmem>>
        %dma_wait3A_623 = tpu.memref_slice %arg3[%mul3A_38] : memref<100352xi32, #tpu.memory_space<hbm>> -> memref<2304xi32, #tpu.memory_space<hbm>>
        tpu.wait_dma2 semaphore(%run_scoped3A : memref<!tpu.dma_semaphore, #tpu.memory_space<semaphore_mem>>) src(%dma_wait3A_623 : memref<2304xi32, #tpu.memory_space<hbm>>) dst(%dma_wait3A_622 : memref<2304xi32, #tpu.memory_space<vmem>>)
        tpu.yield
      }) : () -> ()
      %dma_start3A = arith.constant 0 : i32
      %dma_start3A_39 = tpu.memref_slice %arg7[%dma_start3A] : memref<3968xf32, #tpu.memory_space<vmem>> -> memref<128xf32, #tpu.memory_space<vmem>>
      %dma_start3A_40 = arith.constant 0 : i32
      %dma_start3A_41 = tpu.memref_slice %arg6[%dma_start3A_40] : memref<3968xi32, #tpu.memory_space<vmem>> -> memref<128xi32, #tpu.memory_space<vmem>>
      %dma_start3A_42 = arith.constant 0 : i32
      %dma_start3A_43 = tpu.memref_slice %arg2[%dma_start3A_42] : memref<12800000xf32, #tpu.memory_space<hbm>> -> memref<12800000xf32, #tpu.memory_space<hbm>>
      tpu.enqueue_indirect_dma source(%dma_start3A_43 : memref<12800000xf32, #tpu.memory_space<hbm>>) target(%dma_start3A_39 : memref<128xf32, #tpu.memory_space<vmem>>) offsets(%dma_start3A_41 : memref<128xi32, #tpu.memory_space<vmem>>) semaphore(%arg12 : memref<!tpu.dma_semaphore, #tpu.memory_space<semaphore_mem>>)
      %dma_start3A_44 = arith.constant 128 : i32
      %dma_start3A_45 = tpu.memref_slice %arg7[%dma_start3A_44] : memref<3968xf32, #tpu.memory_space<vmem>> -> memref<128xf32, #tpu.memory_space<vmem>>
      %dma_start3A_46 = arith.constant 128 : i32
      %dma_start3A_47 = tpu.memref_slice %arg6[%dma_start3A_46] : memref<3968xi32, #tpu.memory_space<vmem>> -> memref<128xi32, #tpu.memory_space<vmem>>
      %dma_start3A_48 = arith.constant 0 : i32
      %dma_start3A_49 = tpu.memref_slice %arg2[%dma_start3A_48] : memref<12800000xf32, #tpu.memory_space<hbm>> -> memref<12800000xf32, #tpu.memory_space<hbm>>
      tpu.enqueue_indirect_dma source(%dma_start3A_49 : memref<12800000xf32, #tpu.memory_space<hbm>>) target(%dma_start3A_45 : memref<128xf32, #tpu.memory_space<vmem>>) offsets(%dma_start3A_47 : memref<128xi32, #tpu.memory_space<vmem>>) semaphore(%arg12 : memref<!tpu.dma_semaphore, #tpu.memory_space<semaphore_mem>>)
      %dma_start3A_50 = arith.constant 256 : i32
      %dma_start3A_51 = tpu.memref_slice %arg7[%dma_start3A_50] : memref<3968xf32, #tpu.memory_space<vmem>> -> memref<128xf32, #tpu.memory_space<vmem>>
      %dma_start3A_52 = arith.constant 256 : i32
      %dma_start3A_53 = tpu.memref_slice %arg6[%dma_start3A_52] : memref<3968xi32, #tpu.memory_space<vmem>> -> memref<128xi32, #tpu.memory_space<vmem>>
      %dma_start3A_54 = arith.constant 0 : i32
      %dma_start3A_55 = tpu.memref_slice %arg2[%dma_start3A_54] : memref<12800000xf32, #tpu.memory_space<hbm>> -> memref<12800000xf32, #tpu.memory_space<hbm>>
      tpu.enqueue_indirect_dma source(%dma_start3A_55 : memref<12800000xf32, #tpu.memory_space<hbm>>) target(%dma_start3A_51 : memref<128xf32, #tpu.memory_space<vmem>>) offsets(%dma_start3A_53 : memref<128xi32, #tpu.memory_space<vmem>>) semaphore(%arg12 : memref<!tpu.dma_semaphore, #tpu.memory_space<semaphore_mem>>)
      %dma_start3A_56 = arith.constant 384 : i32
      %dma_start3A_57 = tpu.memref_slice %arg7[%dma_start3A_56] : memref<3968xf32, #tpu.memory_space<vmem>> -> memref<128xf32, #tpu.memory_space<vmem>>
      %dma_start3A_58 = arith.constant 384 : i32
      %dma_start3A_59 = tpu.memref_slice %arg6[%dma_start3A_58] : memref<3968xi32, #tpu.memory_space<vmem>> -> memref<128xi32, #tpu.memory_space<vmem>>
      %dma_start3A_60 = arith.constant 0 : i32
      %dma_start3A_61 = tpu.memref_slice %arg2[%dma_start3A_60] : memref<12800000xf32, #tpu.memory_space<hbm>> -> memref<12800000xf32, #tpu.memory_space<hbm>>
      tpu.enqueue_indirect_dma source(%dma_start3A_61 : memref<12800000xf32, #tpu.memory_space<hbm>>) target(%dma_start3A_57 : memref<128xf32, #tpu.memory_space<vmem>>) offsets(%dma_start3A_59 : memref<128xi32, #tpu.memory_space<vmem>>) semaphore(%arg12 : memref<!tpu.dma_semaphore, #tpu.memory_space<semaphore_mem>>)
      %dma_start3A_62 = arith.constant 512 : i32
      %dma_start3A_63 = tpu.memref_slice %arg7[%dma_start3A_62] : memref<3968xf32, #tpu.memory_space<vmem>> -> memref<128xf32, #tpu.memory_space<vmem>>
      %dma_start3A_64 = arith.constant 512 : i32
      %dma_start3A_65 = tpu.memref_slice %arg6[%dma_start3A_64] : memref<3968xi32, #tpu.memory_space<vmem>> -> memref<128xi32, #tpu.memory_space<vmem>>
      %dma_start3A_66 = arith.constant 0 : i32
      %dma_start3A_67 = tpu.memref_slice %arg2[%dma_start3A_66] : memref<12800000xf32, #tpu.memory_space<hbm>> -> memref<12800000xf32, #tpu.memory_space<hbm>>
      tpu.enqueue_indirect_dma source(%dma_start3A_67 : memref<12800000xf32, #tpu.memory_space<hbm>>) target(%dma_start3A_63 : memref<128xf32, #tpu.memory_space<vmem>>) offsets(%dma_start3A_65 : memref<128xi32, #tpu.memory_space<vmem>>) semaphore(%arg12 : memref<!tpu.dma_semaphore, #tpu.memory_space<semaphore_mem>>)
      %dma_start3A_68 = arith.constant 640 : i32
      %dma_start3A_69 = tpu.memref_slice %arg7[%dma_start3A_68] : memref<3968xf32, #tpu.memory_space<vmem>> -> memref<128xf32, #tpu.memory_space<vmem>>
      %dma_start3A_70 = arith.constant 640 : i32
      %dma_start3A_71 = tpu.memref_slice %arg6[%dma_start3A_70] : memref<3968xi32, #tpu.memory_space<vmem>> -> memref<128xi32, #tpu.memory_space<vmem>>
      %dma_start3A_72 = arith.constant 0 : i32
      %dma_start3A_73 = tpu.memref_slice %arg2[%dma_start3A_72] : memref<12800000xf32, #tpu.memory_space<hbm>> -> memref<12800000xf32, #tpu.memory_space<hbm>>
      tpu.enqueue_indirect_dma source(%dma_start3A_73 : memref<12800000xf32, #tpu.memory_space<hbm>>) target(%dma_start3A_69 : memref<128xf32, #tpu.memory_space<vmem>>) offsets(%dma_start3A_71 : memref<128xi32, #tpu.memory_space<vmem>>) semaphore(%arg12 : memref<!tpu.dma_semaphore, #tpu.memory_space<semaphore_mem>>)
      %dma_start3A_74 = arith.constant 768 : i32
      %dma_start3A_75 = tpu.memref_slice %arg7[%dma_start3A_74] : memref<3968xf32, #tpu.memory_space<vmem>> -> memref<128xf32, #tpu.memory_space<vmem>>
      %dma_start3A_76 = arith.constant 768 : i32
      %dma_start3A_77 = tpu.memref_slice %arg6[%dma_start3A_76] : memref<3968xi32, #tpu.memory_space<vmem>> -> memref<128xi32, #tpu.memory_space<vmem>>
      %dma_start3A_78 = arith.constant 0 : i32
      %dma_start3A_79 = tpu.memref_slice %arg2[%dma_start3A_78] : memref<12800000xf32, #tpu.memory_space<hbm>> -> memref<12800000xf32, #tpu.memory_space<hbm>>
      tpu.enqueue_indirect_dma source(%dma_start3A_79 : memref<12800000xf32, #tpu.memory_space<hbm>>) target(%dma_start3A_75 : memref<128xf32, #tpu.memory_space<vmem>>) offsets(%dma_start3A_77 : memref<128xi32, #tpu.memory_space<vmem>>) semaphore(%arg12 : memref<!tpu.dma_semaphore, #tpu.memory_space<semaphore_mem>>)
      %dma_start3A_80 = arith.constant 896 : i32
      %dma_start3A_81 = tpu.memref_slice %arg7[%dma_start3A_80] : memref<3968xf32, #tpu.memory_space<vmem>> -> memref<128xf32, #tpu.memory_space<vmem>>
      %dma_start3A_82 = arith.constant 896 : i32
      %dma_start3A_83 = tpu.memref_slice %arg6[%dma_start3A_82] : memref<3968xi32, #tpu.memory_space<vmem>> -> memref<128xi32, #tpu.memory_space<vmem>>
      %dma_start3A_84 = arith.constant 0 : i32
      %dma_start3A_85 = tpu.memref_slice %arg2[%dma_start3A_84] : memref<12800000xf32, #tpu.memory_space<hbm>> -> memref<12800000xf32, #tpu.memory_space<hbm>>
      tpu.enqueue_indirect_dma source(%dma_start3A_85 : memref<12800000xf32, #tpu.memory_space<hbm>>) target(%dma_start3A_81 : memref<128xf32, #tpu.memory_space<vmem>>) offsets(%dma_start3A_83 : memref<128xi32, #tpu.memory_space<vmem>>) semaphore(%arg12 : memref<!tpu.dma_semaphore, #tpu.memory_space<semaphore_mem>>)
      %dma_start3A_86 = arith.constant 1024 : i32
      %dma_start3A_87 = tpu.memref_slice %arg7[%dma_start3A_86] : memref<3968xf32, #tpu.memory_space<vmem>> -> memref<128xf32, #tpu.memory_space<vmem>>
      %dma_start3A_88 = arith.constant 1024 : i32
      %dma_start3A_89 = tpu.memref_slice %arg6[%dma_start3A_88] : memref<3968xi32, #tpu.memory_space<vmem>> -> memref<128xi32, #tpu.memory_space<vmem>>
      %dma_start3A_90 = arith.constant 0 : i32
      %dma_start3A_91 = tpu.memref_slice %arg2[%dma_start3A_90] : memref<12800000xf32, #tpu.memory_space<hbm>> -> memref<12800000xf32, #tpu.memory_space<hbm>>
      tpu.enqueue_indirect_dma source(%dma_start3A_91 : memref<12800000xf32, #tpu.memory_space<hbm>>) target(%dma_start3A_87 : memref<128xf32, #tpu.memory_space<vmem>>) offsets(%dma_start3A_89 : memref<128xi32, #tpu.memory_space<vmem>>) semaphore(%arg12 : memref<!tpu.dma_semaphore, #tpu.memory_space<semaphore_mem>>)
      %dma_start3A_92 = arith.constant 1152 : i32
      %dma_start3A_93 = tpu.memref_slice %arg7[%dma_start3A_92] : memref<3968xf32, #tpu.memory_space<vmem>> -> memref<128xf32, #tpu.memory_space<vmem>>
      %dma_start3A_94 = arith.constant 1152 : i32
      %dma_start3A_95 = tpu.memref_slice %arg6[%dma_start3A_94] : memref<3968xi32, #tpu.memory_space<vmem>> -> memref<128xi32, #tpu.memory_space<vmem>>
      %dma_start3A_96 = arith.constant 0 : i32
      %dma_start3A_97 = tpu.memref_slice %arg2[%dma_start3A_96] : memref<12800000xf32, #tpu.memory_space<hbm>> -> memref<12800000xf32, #tpu.memory_space<hbm>>
      tpu.enqueue_indirect_dma source(%dma_start3A_97 : memref<12800000xf32, #tpu.memory_space<hbm>>) target(%dma_start3A_93 : memref<128xf32, #tpu.memory_space<vmem>>) offsets(%dma_start3A_95 : memref<128xi32, #tpu.memory_space<vmem>>) semaphore(%arg12 : memref<!tpu.dma_semaphore, #tpu.memory_space<semaphore_mem>>)
      %dma_start3A_98 = arith.constant 1280 : i32
      %dma_start3A_99 = tpu.memref_slice %arg7[%dma_start3A_98] : memref<3968xf32, #tpu.memory_space<vmem>> -> memref<128xf32, #tpu.memory_space<vmem>>
      %dma_start3A_100 = arith.constant 1280 : i32
      %dma_start3A_101 = tpu.memref_slice %arg6[%dma_start3A_100] : memref<3968xi32, #tpu.memory_space<vmem>> -> memref<128xi32, #tpu.memory_space<vmem>>
      %dma_start3A_102 = arith.constant 0 : i32
      %dma_start3A_103 = tpu.memref_slice %arg2[%dma_start3A_102] : memref<12800000xf32, #tpu.memory_space<hbm>> -> memref<12800000xf32, #tpu.memory_space<hbm>>
      tpu.enqueue_indirect_dma source(%dma_start3A_103 : memref<12800000xf32, #tpu.memory_space<hbm>>) target(%dma_start3A_99 : memref<128xf32, #tpu.memory_space<vmem>>) offsets(%dma_start3A_101 : memref<128xi32, #tpu.memory_space<vmem>>) semaphore(%arg12 : memref<!tpu.dma_semaphore, #tpu.memory_space<semaphore_mem>>)
      %dma_start3A_104 = arith.constant 1408 : i32
      %dma_start3A_105 = tpu.memref_slice %arg7[%dma_start3A_104] : memref<3968xf32, #tpu.memory_space<vmem>> -> memref<128xf32, #tpu.memory_space<vmem>>
      %dma_start3A_106 = arith.constant 1408 : i32
      %dma_start3A_107 = tpu.memref_slice %arg6[%dma_start3A_106] : memref<3968xi32, #tpu.memory_space<vmem>> -> memref<128xi32, #tpu.memory_space<vmem>>
      %dma_start3A_108 = arith.constant 0 : i32
      %dma_start3A_109 = tpu.memref_slice %arg2[%dma_start3A_108] : memref<12800000xf32, #tpu.memory_space<hbm>> -> memref<12800000xf32, #tpu.memory_space<hbm>>
      tpu.enqueue_indirect_dma source(%dma_start3A_109 : memref<12800000xf32, #tpu.memory_space<hbm>>) target(%dma_start3A_105 : memref<128xf32, #tpu.memory_space<vmem>>) offsets(%dma_start3A_107 : memref<128xi32, #tpu.memory_space<vmem>>) semaphore(%arg12 : memref<!tpu.dma_semaphore, #tpu.memory_space<semaphore_mem>>)
      %dma_start3A_110 = arith.constant 1536 : i32
      %dma_start3A_111 = tpu.memref_slice %arg7[%dma_start3A_110] : memref<3968xf32, #tpu.memory_space<vmem>> -> memref<128xf32, #tpu.memory_space<vmem>>
      %dma_start3A_112 = arith.constant 1536 : i32
      %dma_start3A_113 = tpu.memref_slice %arg6[%dma_start3A_112] : memref<3968xi32, #tpu.memory_space<vmem>> -> memref<128xi32, #tpu.memory_space<vmem>>
      %dma_start3A_114 = arith.constant 0 : i32
      %dma_start3A_115 = tpu.memref_slice %arg2[%dma_start3A_114] : memref<12800000xf32, #tpu.memory_space<hbm>> -> memref<12800000xf32, #tpu.memory_space<hbm>>
      tpu.enqueue_indirect_dma source(%dma_start3A_115 : memref<12800000xf32, #tpu.memory_space<hbm>>) target(%dma_start3A_111 : memref<128xf32, #tpu.memory_space<vmem>>) offsets(%dma_start3A_113 : memref<128xi32, #tpu.memory_space<vmem>>) semaphore(%arg12 : memref<!tpu.dma_semaphore, #tpu.memory_space<semaphore_mem>>)
      %dma_start3A_116 = arith.constant 1664 : i32
      %dma_start3A_117 = tpu.memref_slice %arg7[%dma_start3A_116] : memref<3968xf32, #tpu.memory_space<vmem>> -> memref<128xf32, #tpu.memory_space<vmem>>
      %dma_start3A_118 = arith.constant 1664 : i32
      %dma_start3A_119 = tpu.memref_slice %arg6[%dma_start3A_118] : memref<3968xi32, #tpu.memory_space<vmem>> -> memref<128xi32, #tpu.memory_space<vmem>>
      %dma_start3A_120 = arith.constant 0 : i32
      %dma_start3A_121 = tpu.memref_slice %arg2[%dma_start3A_120] : memref<12800000xf32, #tpu.memory_space<hbm>> -> memref<12800000xf32, #tpu.memory_space<hbm>>
      tpu.enqueue_indirect_dma source(%dma_start3A_121 : memref<12800000xf32, #tpu.memory_space<hbm>>) target(%dma_start3A_117 : memref<128xf32, #tpu.memory_space<vmem>>) offsets(%dma_start3A_119 : memref<128xi32, #tpu.memory_space<vmem>>) semaphore(%arg12 : memref<!tpu.dma_semaphore, #tpu.memory_space<semaphore_mem>>)
      %dma_start3A_122 = arith.constant 1792 : i32
      %dma_start3A_123 = tpu.memref_slice %arg7[%dma_start3A_122] : memref<3968xf32, #tpu.memory_space<vmem>> -> memref<128xf32, #tpu.memory_space<vmem>>
      %dma_start3A_124 = arith.constant 1792 : i32
      %dma_start3A_125 = tpu.memref_slice %arg6[%dma_start3A_124] : memref<3968xi32, #tpu.memory_space<vmem>> -> memref<128xi32, #tpu.memory_space<vmem>>
      %dma_start3A_126 = arith.constant 0 : i32
      %dma_start3A_127 = tpu.memref_slice %arg2[%dma_start3A_126] : memref<12800000xf32, #tpu.memory_space<hbm>> -> memref<12800000xf32, #tpu.memory_space<hbm>>
      tpu.enqueue_indirect_dma source(%dma_start3A_127 : memref<12800000xf32, #tpu.memory_space<hbm>>) target(%dma_start3A_123 : memref<128xf32, #tpu.memory_space<vmem>>) offsets(%dma_start3A_125 : memref<128xi32, #tpu.memory_space<vmem>>) semaphore(%arg12 : memref<!tpu.dma_semaphore, #tpu.memory_space<semaphore_mem>>)
      %dma_start3A_128 = arith.constant 1920 : i32
      %dma_start3A_129 = tpu.memref_slice %arg7[%dma_start3A_128] : memref<3968xf32, #tpu.memory_space<vmem>> -> memref<128xf32, #tpu.memory_space<vmem>>
      %dma_start3A_130 = arith.constant 1920 : i32
      %dma_start3A_131 = tpu.memref_slice %arg6[%dma_start3A_130] : memref<3968xi32, #tpu.memory_space<vmem>> -> memref<128xi32, #tpu.memory_space<vmem>>
      %dma_start3A_132 = arith.constant 0 : i32
      %dma_start3A_133 = tpu.memref_slice %arg2[%dma_start3A_132] : memref<12800000xf32, #tpu.memory_space<hbm>> -> memref<12800000xf32, #tpu.memory_space<hbm>>
      tpu.enqueue_indirect_dma source(%dma_start3A_133 : memref<12800000xf32, #tpu.memory_space<hbm>>) target(%dma_start3A_129 : memref<128xf32, #tpu.memory_space<vmem>>) offsets(%dma_start3A_131 : memref<128xi32, #tpu.memory_space<vmem>>) semaphore(%arg12 : memref<!tpu.dma_semaphore, #tpu.memory_space<semaphore_mem>>)
      %dma_start3A_134 = arith.constant 2048 : i32
      %dma_start3A_135 = tpu.memref_slice %arg7[%dma_start3A_134] : memref<3968xf32, #tpu.memory_space<vmem>> -> memref<128xf32, #tpu.memory_space<vmem>>
      %dma_start3A_136 = arith.constant 2048 : i32
      %dma_start3A_137 = tpu.memref_slice %arg6[%dma_start3A_136] : memref<3968xi32, #tpu.memory_space<vmem>> -> memref<128xi32, #tpu.memory_space<vmem>>
      %dma_start3A_138 = arith.constant 0 : i32
      %dma_start3A_139 = tpu.memref_slice %arg2[%dma_start3A_138] : memref<12800000xf32, #tpu.memory_space<hbm>> -> memref<12800000xf32, #tpu.memory_space<hbm>>
      tpu.enqueue_indirect_dma source(%dma_start3A_139 : memref<12800000xf32, #tpu.memory_space<hbm>>) target(%dma_start3A_135 : memref<128xf32, #tpu.memory_space<vmem>>) offsets(%dma_start3A_137 : memref<128xi32, #tpu.memory_space<vmem>>) semaphore(%arg12 : memref<!tpu.dma_semaphore, #tpu.memory_space<semaphore_mem>>)
      %dma_start3A_140 = arith.constant 2176 : i32
      %dma_start3A_141 = tpu.memref_slice %arg7[%dma_start3A_140] : memref<3968xf32, #tpu.memory_space<vmem>> -> memref<128xf32, #tpu.memory_space<vmem>>
      %dma_start3A_142 = arith.constant 2176 : i32
      %dma_start3A_143 = tpu.memref_slice %arg6[%dma_start3A_142] : memref<3968xi32, #tpu.memory_space<vmem>> -> memref<128xi32, #tpu.memory_space<vmem>>
      %dma_start3A_144 = arith.constant 0 : i32
      %dma_start3A_145 = tpu.memref_slice %arg2[%dma_start3A_144] : memref<12800000xf32, #tpu.memory_space<hbm>> -> memref<12800000xf32, #tpu.memory_space<hbm>>
      tpu.enqueue_indirect_dma source(%dma_start3A_145 : memref<12800000xf32, #tpu.memory_space<hbm>>) target(%dma_start3A_141 : memref<128xf32, #tpu.memory_space<vmem>>) offsets(%dma_start3A_143 : memref<128xi32, #tpu.memory_space<vmem>>) semaphore(%arg12 : memref<!tpu.dma_semaphore, #tpu.memory_space<semaphore_mem>>)
      %dma_wait3A = arith.constant 0 : i32
      %dma_wait3A_146 = tpu.memref_slice %arg7[%dma_wait3A] : memref<3968xf32, #tpu.memory_space<vmem>> -> memref<128xf32, #tpu.memory_space<vmem>>
      %dma_wait3A_147 = arith.constant 0 : i32
      %dma_wait3A_148 = tpu.memref_slice %arg6[%dma_wait3A_147] : memref<3968xi32, #tpu.memory_space<vmem>> -> memref<128xi32, #tpu.memory_space<vmem>>
      %dma_wait3A_149 = arith.constant 0 : i32
      %dma_wait3A_150 = tpu.memref_slice %arg2[%dma_wait3A_149] : memref<12800000xf32, #tpu.memory_space<hbm>> -> memref<12800000xf32, #tpu.memory_space<hbm>>
      tpu.wait_indirect_dma semaphore(%arg12 : memref<!tpu.dma_semaphore, #tpu.memory_space<semaphore_mem>>) src(%dma_wait3A_150 : memref<12800000xf32, #tpu.memory_space<hbm>>) dst(%dma_wait3A_146 : memref<128xf32, #tpu.memory_space<vmem>>)
      %dma_wait3A_151 = arith.constant 128 : i32
      %dma_wait3A_152 = tpu.memref_slice %arg7[%dma_wait3A_151] : memref<3968xf32, #tpu.memory_space<vmem>> -> memref<128xf32, #tpu.memory_space<vmem>>
      %dma_wait3A_153 = arith.constant 128 : i32
      %dma_wait3A_154 = tpu.memref_slice %arg6[%dma_wait3A_153] : memref<3968xi32, #tpu.memory_space<vmem>> -> memref<128xi32, #tpu.memory_space<vmem>>
      %dma_wait3A_155 = arith.constant 0 : i32
      %dma_wait3A_156 = tpu.memref_slice %arg2[%dma_wait3A_155] : memref<12800000xf32, #tpu.memory_space<hbm>> -> memref<12800000xf32, #tpu.memory_space<hbm>>
      tpu.wait_indirect_dma semaphore(%arg12 : memref<!tpu.dma_semaphore, #tpu.memory_space<semaphore_mem>>) src(%dma_wait3A_156 : memref<12800000xf32, #tpu.memory_space<hbm>>) dst(%dma_wait3A_152 : memref<128xf32, #tpu.memory_space<vmem>>)
      %dma_wait3A_157 = arith.constant 256 : i32
      %dma_wait3A_158 = tpu.memref_slice %arg7[%dma_wait3A_157] : memref<3968xf32, #tpu.memory_space<vmem>> -> memref<128xf32, #tpu.memory_space<vmem>>
      %dma_wait3A_159 = arith.constant 256 : i32
      %dma_wait3A_160 = tpu.memref_slice %arg6[%dma_wait3A_159] : memref<3968xi32, #tpu.memory_space<vmem>> -> memref<128xi32, #tpu.memory_space<vmem>>
      %dma_wait3A_161 = arith.constant 0 : i32
      %dma_wait3A_162 = tpu.memref_slice %arg2[%dma_wait3A_161] : memref<12800000xf32, #tpu.memory_space<hbm>> -> memref<12800000xf32, #tpu.memory_space<hbm>>
      tpu.wait_indirect_dma semaphore(%arg12 : memref<!tpu.dma_semaphore, #tpu.memory_space<semaphore_mem>>) src(%dma_wait3A_162 : memref<12800000xf32, #tpu.memory_space<hbm>>) dst(%dma_wait3A_158 : memref<128xf32, #tpu.memory_space<vmem>>)
      %dma_wait3A_163 = arith.constant 384 : i32
      %dma_wait3A_164 = tpu.memref_slice %arg7[%dma_wait3A_163] : memref<3968xf32, #tpu.memory_space<vmem>> -> memref<128xf32, #tpu.memory_space<vmem>>
      %dma_wait3A_165 = arith.constant 384 : i32
      %dma_wait3A_166 = tpu.memref_slice %arg6[%dma_wait3A_165] : memref<3968xi32, #tpu.memory_space<vmem>> -> memref<128xi32, #tpu.memory_space<vmem>>
      %dma_wait3A_167 = arith.constant 0 : i32
      %dma_wait3A_168 = tpu.memref_slice %arg2[%dma_wait3A_167] : memref<12800000xf32, #tpu.memory_space<hbm>> -> memref<12800000xf32, #tpu.memory_space<hbm>>
      tpu.wait_indirect_dma semaphore(%arg12 : memref<!tpu.dma_semaphore, #tpu.memory_space<semaphore_mem>>) src(%dma_wait3A_168 : memref<12800000xf32, #tpu.memory_space<hbm>>) dst(%dma_wait3A_164 : memref<128xf32, #tpu.memory_space<vmem>>)
      %dma_wait3A_169 = arith.constant 512 : i32
      %dma_wait3A_170 = tpu.memref_slice %arg7[%dma_wait3A_169] : memref<3968xf32, #tpu.memory_space<vmem>> -> memref<128xf32, #tpu.memory_space<vmem>>
      %dma_wait3A_171 = arith.constant 512 : i32
      %dma_wait3A_172 = tpu.memref_slice %arg6[%dma_wait3A_171] : memref<3968xi32, #tpu.memory_space<vmem>> -> memref<128xi32, #tpu.memory_space<vmem>>
      %dma_wait3A_173 = arith.constant 0 : i32
      %dma_wait3A_174 = tpu.memref_slice %arg2[%dma_wait3A_173] : memref<12800000xf32, #tpu.memory_space<hbm>> -> memref<12800000xf32, #tpu.memory_space<hbm>>
      tpu.wait_indirect_dma semaphore(%arg12 : memref<!tpu.dma_semaphore, #tpu.memory_space<semaphore_mem>>) src(%dma_wait3A_174 : memref<12800000xf32, #tpu.memory_space<hbm>>) dst(%dma_wait3A_170 : memref<128xf32, #tpu.memory_space<vmem>>)
      %dma_wait3A_175 = arith.constant 640 : i32
      %dma_wait3A_176 = tpu.memref_slice %arg7[%dma_wait3A_175] : memref<3968xf32, #tpu.memory_space<vmem>> -> memref<128xf32, #tpu.memory_space<vmem>>
      %dma_wait3A_177 = arith.constant 640 : i32
      %dma_wait3A_178 = tpu.memref_slice %arg6[%dma_wait3A_177] : memref<3968xi32, #tpu.memory_space<vmem>> -> memref<128xi32, #tpu.memory_space<vmem>>
      %dma_wait3A_179 = arith.constant 0 : i32
      %dma_wait3A_180 = tpu.memref_slice %arg2[%dma_wait3A_179] : memref<12800000xf32, #tpu.memory_space<hbm>> -> memref<12800000xf32, #tpu.memory_space<hbm>>
      tpu.wait_indirect_dma semaphore(%arg12 : memref<!tpu.dma_semaphore, #tpu.memory_space<semaphore_mem>>) src(%dma_wait3A_180 : memref<12800000xf32, #tpu.memory_space<hbm>>) dst(%dma_wait3A_176 : memref<128xf32, #tpu.memory_space<vmem>>)
      %dma_wait3A_181 = arith.constant 768 : i32
      %dma_wait3A_182 = tpu.memref_slice %arg7[%dma_wait3A_181] : memref<3968xf32, #tpu.memory_space<vmem>> -> memref<128xf32, #tpu.memory_space<vmem>>
      %dma_wait3A_183 = arith.constant 768 : i32
      %dma_wait3A_184 = tpu.memref_slice %arg6[%dma_wait3A_183] : memref<3968xi32, #tpu.memory_space<vmem>> -> memref<128xi32, #tpu.memory_space<vmem>>
      %dma_wait3A_185 = arith.constant 0 : i32
      %dma_wait3A_186 = tpu.memref_slice %arg2[%dma_wait3A_185] : memref<12800000xf32, #tpu.memory_space<hbm>> -> memref<12800000xf32, #tpu.memory_space<hbm>>
      tpu.wait_indirect_dma semaphore(%arg12 : memref<!tpu.dma_semaphore, #tpu.memory_space<semaphore_mem>>) src(%dma_wait3A_186 : memref<12800000xf32, #tpu.memory_space<hbm>>) dst(%dma_wait3A_182 : memref<128xf32, #tpu.memory_space<vmem>>)
      %dma_wait3A_187 = arith.constant 896 : i32
      %dma_wait3A_188 = tpu.memref_slice %arg7[%dma_wait3A_187] : memref<3968xf32, #tpu.memory_space<vmem>> -> memref<128xf32, #tpu.memory_space<vmem>>
      %dma_wait3A_189 = arith.constant 896 : i32
      %dma_wait3A_190 = tpu.memref_slice %arg6[%dma_wait3A_189] : memref<3968xi32, #tpu.memory_space<vmem>> -> memref<128xi32, #tpu.memory_space<vmem>>
      %dma_wait3A_191 = arith.constant 0 : i32
      %dma_wait3A_192 = tpu.memref_slice %arg2[%dma_wait3A_191] : memref<12800000xf32, #tpu.memory_space<hbm>> -> memref<12800000xf32, #tpu.memory_space<hbm>>
      tpu.wait_indirect_dma semaphore(%arg12 : memref<!tpu.dma_semaphore, #tpu.memory_space<semaphore_mem>>) src(%dma_wait3A_192 : memref<12800000xf32, #tpu.memory_space<hbm>>) dst(%dma_wait3A_188 : memref<128xf32, #tpu.memory_space<vmem>>)
      %dma_wait3A_193 = arith.constant 1024 : i32
      %dma_wait3A_194 = tpu.memref_slice %arg7[%dma_wait3A_193] : memref<3968xf32, #tpu.memory_space<vmem>> -> memref<128xf32, #tpu.memory_space<vmem>>
      %dma_wait3A_195 = arith.constant 1024 : i32
      %dma_wait3A_196 = tpu.memref_slice %arg6[%dma_wait3A_195] : memref<3968xi32, #tpu.memory_space<vmem>> -> memref<128xi32, #tpu.memory_space<vmem>>
      %dma_wait3A_197 = arith.constant 0 : i32
      %dma_wait3A_198 = tpu.memref_slice %arg2[%dma_wait3A_197] : memref<12800000xf32, #tpu.memory_space<hbm>> -> memref<12800000xf32, #tpu.memory_space<hbm>>
      tpu.wait_indirect_dma semaphore(%arg12 : memref<!tpu.dma_semaphore, #tpu.memory_space<semaphore_mem>>) src(%dma_wait3A_198 : memref<12800000xf32, #tpu.memory_space<hbm>>) dst(%dma_wait3A_194 : memref<128xf32, #tpu.memory_space<vmem>>)
      %dma_wait3A_199 = arith.constant 1152 : i32
      %dma_wait3A_200 = tpu.memref_slice %arg7[%dma_wait3A_199] : memref<3968xf32, #tpu.memory_space<vmem>> -> memref<128xf32, #tpu.memory_space<vmem>>
      %dma_wait3A_201 = arith.constant 1152 : i32
      %dma_wait3A_202 = tpu.memref_slice %arg6[%dma_wait3A_201] : memref<3968xi32, #tpu.memory_space<vmem>> -> memref<128xi32, #tpu.memory_space<vmem>>
      %dma_wait3A_203 = arith.constant 0 : i32
      %dma_wait3A_204 = tpu.memref_slice %arg2[%dma_wait3A_203] : memref<12800000xf32, #tpu.memory_space<hbm>> -> memref<12800000xf32, #tpu.memory_space<hbm>>
      tpu.wait_indirect_dma semaphore(%arg12 : memref<!tpu.dma_semaphore, #tpu.memory_space<semaphore_mem>>) src(%dma_wait3A_204 : memref<12800000xf32, #tpu.memory_space<hbm>>) dst(%dma_wait3A_200 : memref<128xf32, #tpu.memory_space<vmem>>)
      %dma_wait3A_205 = arith.constant 1280 : i32
      %dma_wait3A_206 = tpu.memref_slice %arg7[%dma_wait3A_205] : memref<3968xf32, #tpu.memory_space<vmem>> -> memref<128xf32, #tpu.memory_space<vmem>>
      %dma_wait3A_207 = arith.constant 1280 : i32
      %dma_wait3A_208 = tpu.memref_slice %arg6[%dma_wait3A_207] : memref<3968xi32, #tpu.memory_space<vmem>> -> memref<128xi32, #tpu.memory_space<vmem>>
      %dma_wait3A_209 = arith.constant 0 : i32
      %dma_wait3A_210 = tpu.memref_slice %arg2[%dma_wait3A_209] : memref<12800000xf32, #tpu.memory_space<hbm>> -> memref<12800000xf32, #tpu.memory_space<hbm>>
      tpu.wait_indirect_dma semaphore(%arg12 : memref<!tpu.dma_semaphore, #tpu.memory_space<semaphore_mem>>) src(%dma_wait3A_210 : memref<12800000xf32, #tpu.memory_space<hbm>>) dst(%dma_wait3A_206 : memref<128xf32, #tpu.memory_space<vmem>>)
      %dma_wait3A_211 = arith.constant 1408 : i32
      %dma_wait3A_212 = tpu.memref_slice %arg7[%dma_wait3A_211] : memref<3968xf32, #tpu.memory_space<vmem>> -> memref<128xf32, #tpu.memory_space<vmem>>
      %dma_wait3A_213 = arith.constant 1408 : i32
      %dma_wait3A_214 = tpu.memref_slice %arg6[%dma_wait3A_213] : memref<3968xi32, #tpu.memory_space<vmem>> -> memref<128xi32, #tpu.memory_space<vmem>>
      %dma_wait3A_215 = arith.constant 0 : i32
      %dma_wait3A_216 = tpu.memref_slice %arg2[%dma_wait3A_215] : memref<12800000xf32, #tpu.memory_space<hbm>> -> memref<12800000xf32, #tpu.memory_space<hbm>>
      tpu.wait_indirect_dma semaphore(%arg12 : memref<!tpu.dma_semaphore, #tpu.memory_space<semaphore_mem>>) src(%dma_wait3A_216 : memref<12800000xf32, #tpu.memory_space<hbm>>) dst(%dma_wait3A_212 : memref<128xf32, #tpu.memory_space<vmem>>)
      %dma_wait3A_217 = arith.constant 1536 : i32
      %dma_wait3A_218 = tpu.memref_slice %arg7[%dma_wait3A_217] : memref<3968xf32, #tpu.memory_space<vmem>> -> memref<128xf32, #tpu.memory_space<vmem>>
      %dma_wait3A_219 = arith.constant 1536 : i32
      %dma_wait3A_220 = tpu.memref_slice %arg6[%dma_wait3A_219] : memref<3968xi32, #tpu.memory_space<vmem>> -> memref<128xi32, #tpu.memory_space<vmem>>
      %dma_wait3A_221 = arith.constant 0 : i32
      %dma_wait3A_222 = tpu.memref_slice %arg2[%dma_wait3A_221] : memref<12800000xf32, #tpu.memory_space<hbm>> -> memref<12800000xf32, #tpu.memory_space<hbm>>
      tpu.wait_indirect_dma semaphore(%arg12 : memref<!tpu.dma_semaphore, #tpu.memory_space<semaphore_mem>>) src(%dma_wait3A_222 : memref<12800000xf32, #tpu.memory_space<hbm>>) dst(%dma_wait3A_218 : memref<128xf32, #tpu.memory_space<vmem>>)
      %dma_wait3A_223 = arith.constant 1664 : i32
      %dma_wait3A_224 = tpu.memref_slice %arg7[%dma_wait3A_223] : memref<3968xf32, #tpu.memory_space<vmem>> -> memref<128xf32, #tpu.memory_space<vmem>>
      %dma_wait3A_225 = arith.constant 1664 : i32
      %dma_wait3A_226 = tpu.memref_slice %arg6[%dma_wait3A_225] : memref<3968xi32, #tpu.memory_space<vmem>> -> memref<128xi32, #tpu.memory_space<vmem>>
      %dma_wait3A_227 = arith.constant 0 : i32
      %dma_wait3A_228 = tpu.memref_slice %arg2[%dma_wait3A_227] : memref<12800000xf32, #tpu.memory_space<hbm>> -> memref<12800000xf32, #tpu.memory_space<hbm>>
      tpu.wait_indirect_dma semaphore(%arg12 : memref<!tpu.dma_semaphore, #tpu.memory_space<semaphore_mem>>) src(%dma_wait3A_228 : memref<12800000xf32, #tpu.memory_space<hbm>>) dst(%dma_wait3A_224 : memref<128xf32, #tpu.memory_space<vmem>>)
      %dma_wait3A_229 = arith.constant 1792 : i32
      %dma_wait3A_230 = tpu.memref_slice %arg7[%dma_wait3A_229] : memref<3968xf32, #tpu.memory_space<vmem>> -> memref<128xf32, #tpu.memory_space<vmem>>
      %dma_wait3A_231 = arith.constant 1792 : i32
      %dma_wait3A_232 = tpu.memref_slice %arg6[%dma_wait3A_231] : memref<3968xi32, #tpu.memory_space<vmem>> -> memref<128xi32, #tpu.memory_space<vmem>>
      %dma_wait3A_233 = arith.constant 0 : i32
      %dma_wait3A_234 = tpu.memref_slice %arg2[%dma_wait3A_233] : memref<12800000xf32, #tpu.memory_space<hbm>> -> memref<12800000xf32, #tpu.memory_space<hbm>>
      tpu.wait_indirect_dma semaphore(%arg12 : memref<!tpu.dma_semaphore, #tpu.memory_space<semaphore_mem>>) src(%dma_wait3A_234 : memref<12800000xf32, #tpu.memory_space<hbm>>) dst(%dma_wait3A_230 : memref<128xf32, #tpu.memory_space<vmem>>)
      %dma_wait3A_235 = arith.constant 1920 : i32
      %dma_wait3A_236 = tpu.memref_slice %arg7[%dma_wait3A_235] : memref<3968xf32, #tpu.memory_space<vmem>> -> memref<128xf32, #tpu.memory_space<vmem>>
      %dma_wait3A_237 = arith.constant 1920 : i32
      %dma_wait3A_238 = tpu.memref_slice %arg6[%dma_wait3A_237] : memref<3968xi32, #tpu.memory_space<vmem>> -> memref<128xi32, #tpu.memory_space<vmem>>
      %dma_wait3A_239 = arith.constant 0 : i32
      %dma_wait3A_240 = tpu.memref_slice %arg2[%dma_wait3A_239] : memref<12800000xf32, #tpu.memory_space<hbm>> -> memref<12800000xf32, #tpu.memory_space<hbm>>
      tpu.wait_indirect_dma semaphore(%arg12 : memref<!tpu.dma_semaphore, #tpu.memory_space<semaphore_mem>>) src(%dma_wait3A_240 : memref<12800000xf32, #tpu.memory_space<hbm>>) dst(%dma_wait3A_236 : memref<128xf32, #tpu.memory_space<vmem>>)
      %dma_wait3A_241 = arith.constant 2048 : i32
      %dma_wait3A_242 = tpu.memref_slice %arg7[%dma_wait3A_241] : memref<3968xf32, #tpu.memory_space<vmem>> -> memref<128xf32, #tpu.memory_space<vmem>>
      %dma_wait3A_243 = arith.constant 2048 : i32
      %dma_wait3A_244 = tpu.memref_slice %arg6[%dma_wait3A_243] : memref<3968xi32, #tpu.memory_space<vmem>> -> memref<128xi32, #tpu.memory_space<vmem>>
      %dma_wait3A_245 = arith.constant 0 : i32
      %dma_wait3A_246 = tpu.memref_slice %arg2[%dma_wait3A_245] : memref<12800000xf32, #tpu.memory_space<hbm>> -> memref<12800000xf32, #tpu.memory_space<hbm>>
      tpu.wait_indirect_dma semaphore(%arg12 : memref<!tpu.dma_semaphore, #tpu.memory_space<semaphore_mem>>) src(%dma_wait3A_246 : memref<12800000xf32, #tpu.memory_space<hbm>>) dst(%dma_wait3A_242 : memref<128xf32, #tpu.memory_space<vmem>>)
      %dma_wait3A_247 = arith.constant 2176 : i32
      %dma_wait3A_248 = tpu.memref_slice %arg7[%dma_wait3A_247] : memref<3968xf32, #tpu.memory_space<vmem>> -> memref<128xf32, #tpu.memory_space<vmem>>
      %dma_wait3A_249 = arith.constant 2176 : i32
      %dma_wait3A_250 = tpu.memref_slice %arg6[%dma_wait3A_249] : memref<3968xi32, #tpu.memory_space<vmem>> -> memref<128xi32, #tpu.memory_space<vmem>>
      %dma_wait3A_251 = arith.constant 0 : i32
      %dma_wait3A_252 = tpu.memref_slice %arg2[%dma_wait3A_251] : memref<12800000xf32, #tpu.memory_space<hbm>> -> memref<12800000xf32, #tpu.memory_space<hbm>>
      tpu.wait_indirect_dma semaphore(%arg12 : memref<!tpu.dma_semaphore, #tpu.memory_space<semaphore_mem>>) src(%dma_wait3A_252 : memref<12800000xf32, #tpu.memory_space<hbm>>) dst(%dma_wait3A_248 : memref<128xf32, #tpu.memory_space<vmem>>)
      %while3A = arith.constant 0 : i32
      %while3A_253 = arith.constant 144 : i32
      %while3A_254 = arith.constant 0xFF800000 : f32
      %while3A_255 = arith.constant 0 : i32
      %while3A_256 = arith.subi %while3A_253, %while3A : i32
      %while3A_257 = arith.addi %while3A, %while3A_256 : i32
      %while3A_258 = arith.constant 1 : i32
      %while3A_259 = arith.divsi %while3A_256, %while3A_258 : i32
      %while3A_260 = arith.muli %while3A_259, %while3A_258 : i32
      %while3A_261 = arith.addi %while3A, %while3A_260 : i32
      %while3A_262 = arith.constant 1 : i32
      %while3A_263:2 = scf.for %while3A_612 = %while3A to %while3A_261 step %while3A_262 iter_args(%while3A_613 = %while3A_254, %while3A_614 = %while3A_255) -> (f32, i32)  : i32 {
        %mul3A_615 = arith.constant 16 : i32
        %mul3A_616 = arith.muli %while3A_612, %mul3A_615 : i32
        %add3A_617 = vector.broadcast %mul3A_616 : i32 to vector<16xi32>
        %add3A_618 = arith.addi %add3A_617, %iota3A : vector<16xi32>
        %mul3A_619 = arith.constant 16 : i32
        %mul3A_620 = arith.muli %while3A_612, %mul3A_619 : i32
        %get3A_621 = arith.index_cast %mul3A_620 : i32 to index
        %get3A_622 = tpu.vector_load %arg7[%get3A_621] {strides = array<i32>} : memref<3968xf32, #tpu.memory_space<vmem>>, vector<16xf32>,
        %gt3A = vector.broadcast %while3A_613 : f32 to vector<16xf32>
        %gt3A_623 = arith.cmpf ogt, %get3A_622, %gt3A : vector<16xf32>
        %add3A_624 = vector.broadcast %mul3A_36 : i32 to vector<16xi32>
        %add3A_625 = arith.addi %add3A_624, %add3A_618 : vector<16xi32>
        %swap3A_626 = arith.index_cast %while3A_614 : i32 to index
        %swap3A_627 = tpu.vector_load %arg8[%swap3A_626] masked %gt3A_623 {strides = array<i32>} : memref<128xf32, #tpu.memory_space<vmem>>, vector<16xf32>, vector<16xi1>
        tpu.vector_store %arg8[%swap3A_626], %get3A_622 masked %gt3A_623 {strides = array<i32>} : memref<128xf32, #tpu.memory_space<vmem>>, vector<16xf32>, vector<16xi1>
        %swap3A_628 = arith.index_cast %while3A_614 : i32 to index
        %swap3A_629 = tpu.vector_load %arg9[%swap3A_628] masked %gt3A_623 {strides = array<i32>} : memref<128xi32, #tpu.memory_space<vmem>>, vector<16xi32>, vector<16xi1>
        tpu.vector_store %arg9[%swap3A_628], %add3A_625 masked %gt3A_623 {strides = array<i32>} : memref<128xi32, #tpu.memory_space<vmem>>, vector<16xi32>, vector<16xi1>
        %all_reduce_population_count3A = tpu.all_reduce %gt3A_623 {dim = 0 : i64, kind = #tpu.reduction_kind<sum>} : vector<16xi1> -> vector<16xi32>
        %slice3A = vector.extract_strided_slice %all_reduce_population_count3A {offsets = [0], sizes = [1], strides = [1]} : vector<16xi32> to vector<1xi32>
        %squeeze3A = vector.extract %slice3A[0] : i32 from vector<1xi32>
        %add3A_630 = arith.addi %while3A_614, %squeeze3A : i32
        %gt3A_631 = arith.constant 112 : i32
        %gt3A_632 = arith.cmpi sgt, %add3A_630, %gt3A_631 : i32
        %convert_element_type3A_633 = arith.extui %gt3A_632 : i1 to i32
        %cond3A_634 = arith.constant 0 : i32
        %cond3A_635 = arith.cmpi ne, %convert_element_type3A_633, %cond3A_634 : i32
        %cond3A_636:2 = scf.if %cond3A_635 -> (f32, i32) {
          %get3A_637 = arith.constant 0 : index
          %get3A_638 = tpu.vector_load %arg8[%get3A_637] {strides = array<i32>} : memref<128xf32, #tpu.memory_space<vmem>>, vector<16xf32>,
          %get3A_639 = arith.constant 0 : index
          %get3A_640 = tpu.vector_load %arg9[%get3A_639] {strides = array<i32>} : memref<128xi32, #tpu.memory_space<vmem>>, vector<16xi32>,
          %masked_sort3A_641 = arith.constant dense<true> : vector<16xi1>
          %masked_sort3A_642, %masked_sort3A_643, %masked_sort3A_644 = tpu.sort %get3A_638, %get3A_640 masked %masked_sort3A_641 {descending = true} : (vector<16xf32>, vector<16xi32>, vector<16xi1>) -> (vector<16xi1>, vector<16xf32>, vector<16xi32>)
          %get3A_645 = arith.constant 16 : index
          %get3A_646 = tpu.vector_load %arg8[%get3A_645] {strides = array<i32>} : memref<128xf32, #tpu.memory_space<vmem>>, vector<16xf32>,
          %get3A_647 = arith.constant 16 : index
          %get3A_648 = tpu.vector_load %arg9[%get3A_647] {strides = array<i32>} : memref<128xi32, #tpu.memory_space<vmem>>, vector<16xi32>,
          %masked_sort3A_649 = arith.constant dense<true> : vector<16xi1>
          %masked_sort3A_650, %masked_sort3A_651, %masked_sort3A_652 = tpu.sort %get3A_646, %get3A_648 masked %masked_sort3A_649 {descending = true} : (vector<16xf32>, vector<16xi32>, vector<16xi1>) -> (vector<16xi1>, vector<16xf32>, vector<16xi32>)
          %get3A_653 = arith.constant 32 : index
          %get3A_654 = tpu.vector_load %arg8[%get3A_653] {strides = array<i32>} : memref<128xf32, #tpu.memory_space<vmem>>, vector<16xf32>,
          %get3A_655 = arith.constant 32 : index
          %get3A_656 = tpu.vector_load %arg9[%get3A_655] {strides = array<i32>} : memref<128xi32, #tpu.memory_space<vmem>>, vector<16xi32>,
          %masked_sort3A_657 = arith.constant dense<true> : vector<16xi1>
          %masked_sort3A_658, %masked_sort3A_659, %masked_sort3A_660 = tpu.sort %get3A_654, %get3A_656 masked %masked_sort3A_657 {descending = true} : (vector<16xf32>, vector<16xi32>, vector<16xi1>) -> (vector<16xi1>, vector<16xf32>, vector<16xi32>)
          %get3A_661 = arith.constant 48 : index
          %get3A_662 = tpu.vector_load %arg8[%get3A_661] {strides = array<i32>} : memref<128xf32, #tpu.memory_space<vmem>>, vector<16xf32>,
          %get3A_663 = arith.constant 48 : index
          %get3A_664 = tpu.vector_load %arg9[%get3A_663] {strides = array<i32>} : memref<128xi32, #tpu.memory_space<vmem>>, vector<16xi32>,
          %masked_sort3A_665 = arith.constant dense<true> : vector<16xi1>
          %masked_sort3A_666, %masked_sort3A_667, %masked_sort3A_668 = tpu.sort %get3A_662, %get3A_664 masked %masked_sort3A_665 {descending = true} : (vector<16xf32>, vector<16xi32>, vector<16xi1>) -> (vector<16xi1>, vector<16xf32>, vector<16xi32>)
          %get3A_669 = arith.constant 64 : index
          %get3A_670 = tpu.vector_load %arg8[%get3A_669] {strides = array<i32>} : memref<128xf32, #tpu.memory_space<vmem>>, vector<16xf32>,
          %get3A_671 = arith.constant 64 : index
          %get3A_672 = tpu.vector_load %arg9[%get3A_671] {strides = array<i32>} : memref<128xi32, #tpu.memory_space<vmem>>, vector<16xi32>,
          %masked_sort3A_673 = arith.constant dense<true> : vector<16xi1>
          %masked_sort3A_674, %masked_sort3A_675, %masked_sort3A_676 = tpu.sort %get3A_670, %get3A_672 masked %masked_sort3A_673 {descending = true} : (vector<16xf32>, vector<16xi32>, vector<16xi1>) -> (vector<16xi1>, vector<16xf32>, vector<16xi32>)
          %get3A_677 = arith.constant 80 : index
          %get3A_678 = tpu.vector_load %arg8[%get3A_677] {strides = array<i32>} : memref<128xf32, #tpu.memory_space<vmem>>, vector<16xf32>,
          %get3A_679 = arith.constant 80 : index
          %get3A_680 = tpu.vector_load %arg9[%get3A_679] {strides = array<i32>} : memref<128xi32, #tpu.memory_space<vmem>>, vector<16xi32>,
          %masked_sort3A_681 = arith.constant dense<true> : vector<16xi1>
          %masked_sort3A_682, %masked_sort3A_683, %masked_sort3A_684 = tpu.sort %get3A_678, %get3A_680 masked %masked_sort3A_681 {descending = true} : (vector<16xf32>, vector<16xi32>, vector<16xi1>) -> (vector<16xi1>, vector<16xf32>, vector<16xi32>)
          %get3A_685 = arith.constant 96 : index
          %get3A_686 = tpu.vector_load %arg8[%get3A_685] {strides = array<i32>} : memref<128xf32, #tpu.memory_space<vmem>>, vector<16xf32>,
          %get3A_687 = arith.constant 96 : index
          %get3A_688 = tpu.vector_load %arg9[%get3A_687] {strides = array<i32>} : memref<128xi32, #tpu.memory_space<vmem>>, vector<16xi32>,
          %masked_sort3A_689 = arith.constant dense<true> : vector<16xi1>
          %masked_sort3A_690, %masked_sort3A_691, %masked_sort3A_692 = tpu.sort %get3A_686, %get3A_688 masked %masked_sort3A_689 {descending = true} : (vector<16xf32>, vector<16xi32>, vector<16xi1>) -> (vector<16xi1>, vector<16xf32>, vector<16xi32>)
          %get3A_693 = arith.constant 112 : index
          %get3A_694 = tpu.vector_load %arg8[%get3A_693] {strides = array<i32>} : memref<128xf32, #tpu.memory_space<vmem>>, vector<16xf32>,
          %get3A_695 = arith.constant 112 : index
          %get3A_696 = tpu.vector_load %arg9[%get3A_695] {strides = array<i32>} : memref<128xi32, #tpu.memory_space<vmem>>, vector<16xi32>,
          %masked_sort3A_697 = arith.constant dense<true> : vector<16xi1>
          %masked_sort3A_698, %masked_sort3A_699, %masked_sort3A_700 = tpu.sort %get3A_694, %get3A_696 masked %masked_sort3A_697 {descending = true} : (vector<16xf32>, vector<16xi32>, vector<16xi1>) -> (vector<16xi1>, vector<16xf32>, vector<16xi32>)
          %rev3A_701 = arith.constant 15 : i32
          %rev3A_702 = vector.broadcast %rev3A_701 : i32 to vector<16xi32>
          %rev3A_703 = tpu.iota {dimensions = array<i32: 0>} : vector<16xi32>
          %rev3A_704 = arith.subi %rev3A_702, %rev3A_703 : vector<16xi32>
          %rev3A_705 = tpu.dynamic_gather %masked_sort3A_651[%rev3A_704] in [0] : vector<16xf32>, vector<16xi32> -> vector<16xf32>
          %rev3A_706 = arith.constant 15 : i32
          %rev3A_707 = vector.broadcast %rev3A_706 : i32 to vector<16xi32>
          %rev3A_708 = tpu.iota {dimensions = array<i32: 0>} : vector<16xi32>
          %rev3A_709 = arith.subi %rev3A_707, %rev3A_708 : vector<16xi32>
          %rev3A_710 = tpu.dynamic_gather %masked_sort3A_652[%rev3A_709] in [0] : vector<16xi32>, vector<16xi32> -> vector<16xi32>
          %ge3A_711 = arith.cmpf oge, %masked_sort3A_643, %rev3A_705 : vector<16xf32>
          %select_n3A_712 = arith.select %ge3A_711, %masked_sort3A_643, %rev3A_705 : vector<16xi1>, vector<16xf32>
          %select_n3A_713 = arith.select %ge3A_711, %masked_sort3A_644, %rev3A_710 : vector<16xi1>, vector<16xi32>
          %select_n3A_714 = arith.select %ge3A_711, %rev3A_705, %masked_sort3A_643 : vector<16xi1>, vector<16xf32>
          %select_n3A_715 = arith.select %ge3A_711, %rev3A_710, %masked_sort3A_644 : vector<16xi1>, vector<16xi32>
          %masked_sort3A_716 = arith.constant dense<true> : vector<16xi1>
          %masked_sort3A_717, %masked_sort3A_718, %masked_sort3A_719 = tpu.sort %select_n3A_712, %select_n3A_713 masked %masked_sort3A_716 {descending = true} : (vector<16xf32>, vector<16xi32>, vector<16xi1>) -> (vector<16xi1>, vector<16xf32>, vector<16xi32>)
          %masked_sort3A_720 = arith.constant dense<true> : vector<16xi1>
          %masked_sort3A_721, %masked_sort3A_722, %masked_sort3A_723 = tpu.sort %select_n3A_714, %select_n3A_715 masked %masked_sort3A_720 {descending = true} : (vector<16xf32>, vector<16xi32>, vector<16xi1>) -> (vector<16xi1>, vector<16xf32>, vector<16xi32>)
          %rev3A_724 = arith.constant 15 : i32
          %rev3A_725 = vector.broadcast %rev3A_724 : i32 to vector<16xi32>
          %rev3A_726 = tpu.iota {dimensions = array<i32: 0>} : vector<16xi32>
          %rev3A_727 = arith.subi %rev3A_725, %rev3A_726 : vector<16xi32>
          %rev3A_728 = tpu.dynamic_gather %masked_sort3A_667[%rev3A_727] in [0] : vector<16xf32>, vector<16xi32> -> vector<16xf32>
          %rev3A_729 = arith.constant 15 : i32
          %rev3A_730 = vector.broadcast %rev3A_729 : i32 to vector<16xi32>
          %rev3A_731 = tpu.iota {dimensions = array<i32: 0>} : vector<16xi32>
          %rev3A_732 = arith.subi %rev3A_730, %rev3A_731 : vector<16xi32>
          %rev3A_733 = tpu.dynamic_gather %masked_sort3A_668[%rev3A_732] in [0] : vector<16xi32>, vector<16xi32> -> vector<16xi32>
          %ge3A_734 = arith.cmpf oge, %masked_sort3A_659, %rev3A_728 : vector<16xf32>
          %select_n3A_735 = arith.select %ge3A_734, %masked_sort3A_659, %rev3A_728 : vector<16xi1>, vector<16xf32>
          %select_n3A_736 = arith.select %ge3A_734, %masked_sort3A_660, %rev3A_733 : vector<16xi1>, vector<16xi32>
          %select_n3A_737 = arith.select %ge3A_734, %rev3A_728, %masked_sort3A_659 : vector<16xi1>, vector<16xf32>
          %select_n3A_738 = arith.select %ge3A_734, %rev3A_733, %masked_sort3A_660 : vector<16xi1>, vector<16xi32>
          %masked_sort3A_739 = arith.constant dense<true> : vector<16xi1>
          %masked_sort3A_740, %masked_sort3A_741, %masked_sort3A_742 = tpu.sort %select_n3A_735, %select_n3A_736 masked %masked_sort3A_739 {descending = true} : (vector<16xf32>, vector<16xi32>, vector<16xi1>) -> (vector<16xi1>, vector<16xf32>, vector<16xi32>)
          %masked_sort3A_743 = arith.constant dense<true> : vector<16xi1>
          %masked_sort3A_744, %masked_sort3A_745, %masked_sort3A_746 = tpu.sort %select_n3A_737, %select_n3A_738 masked %masked_sort3A_743 {descending = true} : (vector<16xf32>, vector<16xi32>, vector<16xi1>) -> (vector<16xi1>, vector<16xf32>, vector<16xi32>)
          %rev3A_747 = arith.constant 15 : i32
          %rev3A_748 = vector.broadcast %rev3A_747 : i32 to vector<16xi32>
          %rev3A_749 = tpu.iota {dimensions = array<i32: 0>} : vector<16xi32>
          %rev3A_750 = arith.subi %rev3A_748, %rev3A_749 : vector<16xi32>
          %rev3A_751 = tpu.dynamic_gather %masked_sort3A_683[%rev3A_750] in [0] : vector<16xf32>, vector<16xi32> -> vector<16xf32>
          %rev3A_752 = arith.constant 15 : i32
          %rev3A_753 = vector.broadcast %rev3A_752 : i32 to vector<16xi32>
          %rev3A_754 = tpu.iota {dimensions = array<i32: 0>} : vector<16xi32>
          %rev3A_755 = arith.subi %rev3A_753, %rev3A_754 : vector<16xi32>
          %rev3A_756 = tpu.dynamic_gather %masked_sort3A_684[%rev3A_755] in [0] : vector<16xi32>, vector<16xi32> -> vector<16xi32>
          %ge3A_757 = arith.cmpf oge, %masked_sort3A_675, %rev3A_751 : vector<16xf32>
          %select_n3A_758 = arith.select %ge3A_757, %masked_sort3A_675, %rev3A_751 : vector<16xi1>, vector<16xf32>
          %select_n3A_759 = arith.select %ge3A_757, %masked_sort3A_676, %rev3A_756 : vector<16xi1>, vector<16xi32>
          %select_n3A_760 = arith.select %ge3A_757, %rev3A_751, %masked_sort3A_675 : vector<16xi1>, vector<16xf32>
          %select_n3A_761 = arith.select %ge3A_757, %rev3A_756, %masked_sort3A_676 : vector<16xi1>, vector<16xi32>
          %masked_sort3A_762 = arith.constant dense<true> : vector<16xi1>
          %masked_sort3A_763, %masked_sort3A_764, %masked_sort3A_765 = tpu.sort %select_n3A_758, %select_n3A_759 masked %masked_sort3A_762 {descending = true} : (vector<16xf32>, vector<16xi32>, vector<16xi1>) -> (vector<16xi1>, vector<16xf32>, vector<16xi32>)
          %masked_sort3A_766 = arith.constant dense<true> : vector<16xi1>
          %masked_sort3A_767, %masked_sort3A_768, %masked_sort3A_769 = tpu.sort %select_n3A_760, %select_n3A_761 masked %masked_sort3A_766 {descending = true} : (vector<16xf32>, vector<16xi32>, vector<16xi1>) -> (vector<16xi1>, vector<16xf32>, vector<16xi32>)
          %rev3A_770 = arith.constant 15 : i32
          %rev3A_771 = vector.broadcast %rev3A_770 : i32 to vector<16xi32>
          %rev3A_772 = tpu.iota {dimensions = array<i32: 0>} : vector<16xi32>
          %rev3A_773 = arith.subi %rev3A_771, %rev3A_772 : vector<16xi32>
          %rev3A_774 = tpu.dynamic_gather %masked_sort3A_699[%rev3A_773] in [0] : vector<16xf32>, vector<16xi32> -> vector<16xf32>
          %rev3A_775 = arith.constant 15 : i32
          %rev3A_776 = vector.broadcast %rev3A_775 : i32 to vector<16xi32>
          %rev3A_777 = tpu.iota {dimensions = array<i32: 0>} : vector<16xi32>
          %rev3A_778 = arith.subi %rev3A_776, %rev3A_777 : vector<16xi32>
          %rev3A_779 = tpu.dynamic_gather %masked_sort3A_700[%rev3A_778] in [0] : vector<16xi32>, vector<16xi32> -> vector<16xi32>
          %ge3A_780 = arith.cmpf oge, %masked_sort3A_691, %rev3A_774 : vector<16xf32>
          %select_n3A_781 = arith.select %ge3A_780, %masked_sort3A_691, %rev3A_774 : vector<16xi1>, vector<16xf32>
          %select_n3A_782 = arith.select %ge3A_780, %masked_sort3A_692, %rev3A_779 : vector<16xi1>, vector<16xi32>
          %select_n3A_783 = arith.select %ge3A_780, %rev3A_774, %masked_sort3A_691 : vector<16xi1>, vector<16xf32>
          %select_n3A_784 = arith.select %ge3A_780, %rev3A_779, %masked_sort3A_692 : vector<16xi1>, vector<16xi32>
          %masked_sort3A_785 = arith.constant dense<true> : vector<16xi1>
          %masked_sort3A_786, %masked_sort3A_787, %masked_sort3A_788 = tpu.sort %select_n3A_781, %select_n3A_782 masked %masked_sort3A_785 {descending = true} : (vector<16xf32>, vector<16xi32>, vector<16xi1>) -> (vector<16xi1>, vector<16xf32>, vector<16xi32>)
          %masked_sort3A_789 = arith.constant dense<true> : vector<16xi1>
          %masked_sort3A_790, %masked_sort3A_791, %masked_sort3A_792 = tpu.sort %select_n3A_783, %select_n3A_784 masked %masked_sort3A_789 {descending = true} : (vector<16xf32>, vector<16xi32>, vector<16xi1>) -> (vector<16xi1>, vector<16xf32>, vector<16xi32>)
          %rev3A_793 = arith.constant 15 : i32
          %rev3A_794 = vector.broadcast %rev3A_793 : i32 to vector<16xi32>
          %rev3A_795 = tpu.iota {dimensions = array<i32: 0>} : vector<16xi32>
          %rev3A_796 = arith.subi %rev3A_794, %rev3A_795 : vector<16xi32>
          %rev3A_797 = tpu.dynamic_gather %masked_sort3A_745[%rev3A_796] in [0] : vector<16xf32>, vector<16xi32> -> vector<16xf32>
          %rev3A_798 = arith.constant 15 : i32
          %rev3A_799 = vector.broadcast %rev3A_798 : i32 to vector<16xi32>
          %rev3A_800 = tpu.iota {dimensions = array<i32: 0>} : vector<16xi32>
          %rev3A_801 = arith.subi %rev3A_799, %rev3A_800 : vector<16xi32>
          %rev3A_802 = tpu.dynamic_gather %masked_sort3A_746[%rev3A_801] in [0] : vector<16xi32>, vector<16xi32> -> vector<16xi32>
          %rev3A_803 = arith.constant 15 : i32
          %rev3A_804 = vector.broadcast %rev3A_803 : i32 to vector<16xi32>
          %rev3A_805 = tpu.iota {dimensions = array<i32: 0>} : vector<16xi32>
          %rev3A_806 = arith.subi %rev3A_804, %rev3A_805 : vector<16xi32>
          %rev3A_807 = tpu.dynamic_gather %masked_sort3A_741[%rev3A_806] in [0] : vector<16xf32>, vector<16xi32> -> vector<16xf32>
          %rev3A_808 = arith.constant 15 : i32
          %rev3A_809 = vector.broadcast %rev3A_808 : i32 to vector<16xi32>
          %rev3A_810 = tpu.iota {dimensions = array<i32: 0>} : vector<16xi32>
          %rev3A_811 = arith.subi %rev3A_809, %rev3A_810 : vector<16xi32>
          %rev3A_812 = tpu.dynamic_gather %masked_sort3A_742[%rev3A_811] in [0] : vector<16xi32>, vector<16xi32> -> vector<16xi32>
          %ge3A_813 = arith.cmpf oge, %masked_sort3A_718, %rev3A_797 : vector<16xf32>
          %select_n3A_814 = arith.select %ge3A_813, %masked_sort3A_718, %rev3A_797 : vector<16xi1>, vector<16xf32>
          %select_n3A_815 = arith.select %ge3A_813, %masked_sort3A_719, %rev3A_802 : vector<16xi1>, vector<16xi32>
          %ge3A_816 = arith.cmpf oge, %masked_sort3A_722, %rev3A_807 : vector<16xf32>
          %select_n3A_817 = arith.select %ge3A_816, %masked_sort3A_722, %rev3A_807 : vector<16xi1>, vector<16xf32>
          %select_n3A_818 = arith.select %ge3A_816, %masked_sort3A_723, %rev3A_812 : vector<16xi1>, vector<16xi32>
          %ge3A_819 = arith.cmpf oge, %select_n3A_814, %select_n3A_817 : vector<16xf32>
          %select_n3A_820 = arith.select %ge3A_819, %select_n3A_814, %select_n3A_817 : vector<16xi1>, vector<16xf32>
          %select_n3A_821 = arith.select %ge3A_819, %select_n3A_815, %select_n3A_818 : vector<16xi1>, vector<16xi32>
          %select_n3A_822 = arith.select %ge3A_819, %select_n3A_817, %select_n3A_814 : vector<16xi1>, vector<16xf32>
          %select_n3A_823 = arith.select %ge3A_819, %select_n3A_818, %select_n3A_815 : vector<16xi1>, vector<16xi32>
          %masked_sort3A_824 = arith.constant dense<true> : vector<16xi1>
          %masked_sort3A_825, %masked_sort3A_826, %masked_sort3A_827 = tpu.sort %select_n3A_820, %select_n3A_821 masked %masked_sort3A_824 {descending = true} : (vector<16xf32>, vector<16xi32>, vector<16xi1>) -> (vector<16xi1>, vector<16xf32>, vector<16xi32>)
          %masked_sort3A_828 = arith.constant dense<true> : vector<16xi1>
          %masked_sort3A_829, %masked_sort3A_830, %masked_sort3A_831 = tpu.sort %select_n3A_822, %select_n3A_823 masked %masked_sort3A_828 {descending = true} : (vector<16xf32>, vector<16xi32>, vector<16xi1>) -> (vector<16xi1>, vector<16xf32>, vector<16xi32>)
          %rev3A_832 = arith.constant 15 : i32
          %rev3A_833 = vector.broadcast %rev3A_832 : i32 to vector<16xi32>
          %rev3A_834 = tpu.iota {dimensions = array<i32: 0>} : vector<16xi32>
          %rev3A_835 = arith.subi %rev3A_833, %rev3A_834 : vector<16xi32>
          %rev3A_836 = tpu.dynamic_gather %masked_sort3A_791[%rev3A_835] in [0] : vector<16xf32>, vector<16xi32> -> vector<16xf32>
          %rev3A_837 = arith.constant 15 : i32
          %rev3A_838 = vector.broadcast %rev3A_837 : i32 to vector<16xi32>
          %rev3A_839 = tpu.iota {dimensions = array<i32: 0>} : vector<16xi32>
          %rev3A_840 = arith.subi %rev3A_838, %rev3A_839 : vector<16xi32>
          %rev3A_841 = tpu.dynamic_gather %masked_sort3A_792[%rev3A_840] in [0] : vector<16xi32>, vector<16xi32> -> vector<16xi32>
          %rev3A_842 = arith.constant 15 : i32
          %rev3A_843 = vector.broadcast %rev3A_842 : i32 to vector<16xi32>
          %rev3A_844 = tpu.iota {dimensions = array<i32: 0>} : vector<16xi32>
          %rev3A_845 = arith.subi %rev3A_843, %rev3A_844 : vector<16xi32>
          %rev3A_846 = tpu.dynamic_gather %masked_sort3A_787[%rev3A_845] in [0] : vector<16xf32>, vector<16xi32> -> vector<16xf32>
          %rev3A_847 = arith.constant 15 : i32
          %rev3A_848 = vector.broadcast %rev3A_847 : i32 to vector<16xi32>
          %rev3A_849 = tpu.iota {dimensions = array<i32: 0>} : vector<16xi32>
          %rev3A_850 = arith.subi %rev3A_848, %rev3A_849 : vector<16xi32>
          %rev3A_851 = tpu.dynamic_gather %masked_sort3A_788[%rev3A_850] in [0] : vector<16xi32>, vector<16xi32> -> vector<16xi32>
          %ge3A_852 = arith.cmpf oge, %masked_sort3A_764, %rev3A_836 : vector<16xf32>
          %select_n3A_853 = arith.select %ge3A_852, %masked_sort3A_764, %rev3A_836 : vector<16xi1>, vector<16xf32>
          %select_n3A_854 = arith.select %ge3A_852, %masked_sort3A_765, %rev3A_841 : vector<16xi1>, vector<16xi32>
          %ge3A_855 = arith.cmpf oge, %masked_sort3A_768, %rev3A_846 : vector<16xf32>
          %select_n3A_856 = arith.select %ge3A_855, %masked_sort3A_768, %rev3A_846 : vector<16xi1>, vector<16xf32>
          %select_n3A_857 = arith.select %ge3A_855, %masked_sort3A_769, %rev3A_851 : vector<16xi1>, vector<16xi32>
          %ge3A_858 = arith.cmpf oge, %select_n3A_853, %select_n3A_856 : vector<16xf32>
          %select_n3A_859 = arith.select %ge3A_858, %select_n3A_853, %select_n3A_856 : vector<16xi1>, vector<16xf32>
          %select_n3A_860 = arith.select %ge3A_858, %select_n3A_854, %select_n3A_857 : vector<16xi1>, vector<16xi32>
          %select_n3A_861 = arith.select %ge3A_858, %select_n3A_856, %select_n3A_853 : vector<16xi1>, vector<16xf32>
          %select_n3A_862 = arith.select %ge3A_858, %select_n3A_857, %select_n3A_854 : vector<16xi1>, vector<16xi32>
          %masked_sort3A_863 = arith.constant dense<true> : vector<16xi1>
          %masked_sort3A_864, %masked_sort3A_865, %masked_sort3A_866 = tpu.sort %select_n3A_859, %select_n3A_860 masked %masked_sort3A_863 {descending = true} : (vector<16xf32>, vector<16xi32>, vector<16xi1>) -> (vector<16xi1>, vector<16xf32>, vector<16xi32>)
          %masked_sort3A_867 = arith.constant dense<true> : vector<16xi1>
          %masked_sort3A_868, %masked_sort3A_869, %masked_sort3A_870 = tpu.sort %select_n3A_861, %select_n3A_862 masked %masked_sort3A_867 {descending = true} : (vector<16xf32>, vector<16xi32>, vector<16xi1>) -> (vector<16xi1>, vector<16xf32>, vector<16xi32>)
          %rev3A_871 = arith.constant 15 : i32
          %rev3A_872 = vector.broadcast %rev3A_871 : i32 to vector<16xi32>
          %rev3A_873 = tpu.iota {dimensions = array<i32: 0>} : vector<16xi32>
          %rev3A_874 = arith.subi %rev3A_872, %rev3A_873 : vector<16xi32>
          %rev3A_875 = tpu.dynamic_gather %masked_sort3A_869[%rev3A_874] in [0] : vector<16xf32>, vector<16xi32> -> vector<16xf32>
          %rev3A_876 = arith.constant 15 : i32
          %rev3A_877 = vector.broadcast %rev3A_876 : i32 to vector<16xi32>
          %rev3A_878 = tpu.iota {dimensions = array<i32: 0>} : vector<16xi32>
          %rev3A_879 = arith.subi %rev3A_877, %rev3A_878 : vector<16xi32>
          %rev3A_880 = tpu.dynamic_gather %masked_sort3A_870[%rev3A_879] in [0] : vector<16xi32>, vector<16xi32> -> vector<16xi32>
          %rev3A_881 = arith.constant 15 : i32
          %rev3A_882 = vector.broadcast %rev3A_881 : i32 to vector<16xi32>
          %rev3A_883 = tpu.iota {dimensions = array<i32: 0>} : vector<16xi32>
          %rev3A_884 = arith.subi %rev3A_882, %rev3A_883 : vector<16xi32>
          %rev3A_885 = tpu.dynamic_gather %masked_sort3A_865[%rev3A_884] in [0] : vector<16xf32>, vector<16xi32> -> vector<16xf32>
          %rev3A_886 = arith.constant 15 : i32
          %rev3A_887 = vector.broadcast %rev3A_886 : i32 to vector<16xi32>
          %rev3A_888 = tpu.iota {dimensions = array<i32: 0>} : vector<16xi32>
          %rev3A_889 = arith.subi %rev3A_887, %rev3A_888 : vector<16xi32>
          %rev3A_890 = tpu.dynamic_gather %masked_sort3A_866[%rev3A_889] in [0] : vector<16xi32>, vector<16xi32> -> vector<16xi32>
          %ge3A_891 = arith.cmpf oge, %masked_sort3A_826, %rev3A_875 : vector<16xf32>
          %select_n3A_892 = arith.select %ge3A_891, %masked_sort3A_826, %rev3A_875 : vector<16xi1>, vector<16xf32>
          %select_n3A_893 = arith.select %ge3A_891, %masked_sort3A_827, %rev3A_880 : vector<16xi1>, vector<16xi32>
          %ge3A_894 = arith.cmpf oge, %masked_sort3A_830, %rev3A_885 : vector<16xf32>
          %select_n3A_895 = arith.select %ge3A_894, %masked_sort3A_830, %rev3A_885 : vector<16xi1>, vector<16xf32>
          %select_n3A_896 = arith.select %ge3A_894, %masked_sort3A_831, %rev3A_890 : vector<16xi1>, vector<16xi32>
          %ge3A_897 = arith.cmpf oge, %select_n3A_892, %select_n3A_895 : vector<16xf32>
          %select_n3A_898 = arith.select %ge3A_897, %select_n3A_892, %select_n3A_895 : vector<16xi1>, vector<16xf32>
          %select_n3A_899 = arith.select %ge3A_897, %select_n3A_893, %select_n3A_896 : vector<16xi1>, vector<16xi32>
          %select_n3A_900 = arith.select %ge3A_897, %select_n3A_895, %select_n3A_892 : vector<16xi1>, vector<16xf32>
          %select_n3A_901 = arith.select %ge3A_897, %select_n3A_896, %select_n3A_893 : vector<16xi1>, vector<16xi32>
          %masked_sort3A_902 = arith.constant dense<true> : vector<16xi1>
          %masked_sort3A_903, %masked_sort3A_904, %masked_sort3A_905 = tpu.sort %select_n3A_898, %select_n3A_899 masked %masked_sort3A_902 {descending = true} : (vector<16xf32>, vector<16xi32>, vector<16xi1>) -> (vector<16xi1>, vector<16xf32>, vector<16xi32>)
          %masked_sort3A_906 = arith.constant dense<true> : vector<16xi1>
          %masked_sort3A_907, %masked_sort3A_908, %masked_sort3A_909 = tpu.sort %select_n3A_900, %select_n3A_901 masked %masked_sort3A_906 {descending = true} : (vector<16xf32>, vector<16xi32>, vector<16xi1>) -> (vector<16xi1>, vector<16xf32>, vector<16xi32>)
          %get3A_910 = arith.constant 0 : index
          %get3A_911 = tpu.vector_load %arg10[%get3A_910] {strides = array<i32>} : memref<32xf32, #tpu.memory_space<vmem>>, vector<16xf32>,
          %get3A_912 = arith.constant 0 : index
          %get3A_913 = tpu.vector_load %arg11[%get3A_912] {strides = array<i32>} : memref<32xi32, #tpu.memory_space<vmem>>, vector<16xi32>,
          %get3A_914 = arith.constant 16 : index
          %get3A_915 = tpu.vector_load %arg10[%get3A_914] {strides = array<i32>} : memref<32xf32, #tpu.memory_space<vmem>>, vector<16xf32>,
          %get3A_916 = arith.constant 16 : index
          %get3A_917 = tpu.vector_load %arg11[%get3A_916] {strides = array<i32>} : memref<32xi32, #tpu.memory_space<vmem>>, vector<16xi32>,
          %rev3A_918 = arith.constant 15 : i32
          %rev3A_919 = vector.broadcast %rev3A_918 : i32 to vector<16xi32>
          %rev3A_920 = tpu.iota {dimensions = array<i32: 0>} : vector<16xi32>
          %rev3A_921 = arith.subi %rev3A_919, %rev3A_920 : vector<16xi32>
          %rev3A_922 = tpu.dynamic_gather %masked_sort3A_908[%rev3A_921] in [0] : vector<16xf32>, vector<16xi32> -> vector<16xf32>
          %rev3A_923 = arith.constant 15 : i32
          %rev3A_924 = vector.broadcast %rev3A_923 : i32 to vector<16xi32>
          %rev3A_925 = tpu.iota {dimensions = array<i32: 0>} : vector<16xi32>
          %rev3A_926 = arith.subi %rev3A_924, %rev3A_925 : vector<16xi32>
          %rev3A_927 = tpu.dynamic_gather %masked_sort3A_909[%rev3A_926] in [0] : vector<16xi32>, vector<16xi32> -> vector<16xi32>
          %rev3A_928 = arith.constant 15 : i32
          %rev3A_929 = vector.broadcast %rev3A_928 : i32 to vector<16xi32>
          %rev3A_930 = tpu.iota {dimensions = array<i32: 0>} : vector<16xi32>
          %rev3A_931 = arith.subi %rev3A_929, %rev3A_930 : vector<16xi32>
          %rev3A_932 = tpu.dynamic_gather %masked_sort3A_904[%rev3A_931] in [0] : vector<16xf32>, vector<16xi32> -> vector<16xf32>
          %rev3A_933 = arith.constant 15 : i32
          %rev3A_934 = vector.broadcast %rev3A_933 : i32 to vector<16xi32>
          %rev3A_935 = tpu.iota {dimensions = array<i32: 0>} : vector<16xi32>
          %rev3A_936 = arith.subi %rev3A_934, %rev3A_935 : vector<16xi32>
          %rev3A_937 = tpu.dynamic_gather %masked_sort3A_905[%rev3A_936] in [0] : vector<16xi32>, vector<16xi32> -> vector<16xi32>
          %ge3A_938 = arith.cmpf oge, %get3A_911, %rev3A_922 : vector<16xf32>
          %select_n3A_939 = arith.select %ge3A_938, %get3A_911, %rev3A_922 : vector<16xi1>, vector<16xf32>
          %select_n3A_940 = arith.select %ge3A_938, %get3A_913, %rev3A_927 : vector<16xi1>, vector<16xi32>
          %ge3A_941 = arith.cmpf oge, %get3A_915, %rev3A_932 : vector<16xf32>
          %select_n3A_942 = arith.select %ge3A_941, %get3A_915, %rev3A_932 : vector<16xi1>, vector<16xf32>
          %select_n3A_943 = arith.select %ge3A_941, %get3A_917, %rev3A_937 : vector<16xi1>, vector<16xi32>
          %ge3A_944 = arith.cmpf oge, %select_n3A_939, %select_n3A_942 : vector<16xf32>
          %select_n3A_945 = arith.select %ge3A_944, %select_n3A_939, %select_n3A_942 : vector<16xi1>, vector<16xf32>
          %select_n3A_946 = arith.select %ge3A_944, %select_n3A_940, %select_n3A_943 : vector<16xi1>, vector<16xi32>
          %select_n3A_947 = arith.select %ge3A_944, %select_n3A_942, %select_n3A_939 : vector<16xi1>, vector<16xf32>
          %select_n3A_948 = arith.select %ge3A_944, %select_n3A_943, %select_n3A_940 : vector<16xi1>, vector<16xi32>
          %masked_sort3A_949 = arith.constant dense<true> : vector<16xi1>
          %masked_sort3A_950, %masked_sort3A_951, %masked_sort3A_952 = tpu.sort %select_n3A_945, %select_n3A_946 masked %masked_sort3A_949 {descending = true} : (vector<16xf32>, vector<16xi32>, vector<16xi1>) -> (vector<16xi1>, vector<16xf32>, vector<16xi32>)
          %masked_sort3A_953 = arith.constant dense<true> : vector<16xi1>
          %masked_sort3A_954, %masked_sort3A_955, %masked_sort3A_956 = tpu.sort %select_n3A_947, %select_n3A_948 masked %masked_sort3A_953 {descending = true} : (vector<16xf32>, vector<16xi32>, vector<16xi1>) -> (vector<16xi1>, vector<16xf32>, vector<16xi32>)
          %swap3A_957 = arith.constant 0 : index
          %swap3A_958 = tpu.vector_load %arg10[%swap3A_957] {strides = array<i32>} : memref<32xf32, #tpu.memory_space<vmem>>, vector<16xf32>,
          tpu.vector_store %arg10[%swap3A_957], %masked_sort3A_951 {strides = array<i32>} : memref<32xf32, #tpu.memory_space<vmem>>, vector<16xf32>,
          %swap3A_959 = arith.constant 0 : index
          %swap3A_960 = tpu.vector_load %arg11[%swap3A_959] {strides = array<i32>} : memref<32xi32, #tpu.memory_space<vmem>>, vector<16xi32>,
          tpu.vector_store %arg11[%swap3A_959], %masked_sort3A_952 {strides = array<i32>} : memref<32xi32, #tpu.memory_space<vmem>>, vector<16xi32>,
          %swap3A_961 = arith.constant 16 : index
          %swap3A_962 = tpu.vector_load %arg10[%swap3A_961] {strides = array<i32>} : memref<32xf32, #tpu.memory_space<vmem>>, vector<16xf32>,
          tpu.vector_store %arg10[%swap3A_961], %masked_sort3A_955 {strides = array<i32>} : memref<32xf32, #tpu.memory_space<vmem>>, vector<16xf32>,
          %swap3A_963 = arith.constant 16 : index
          %swap3A_964 = tpu.vector_load %arg11[%swap3A_963] {strides = array<i32>} : memref<32xi32, #tpu.memory_space<vmem>>, vector<16xi32>,
          tpu.vector_store %arg11[%swap3A_963], %masked_sort3A_956 {strides = array<i32>} : memref<32xi32, #tpu.memory_space<vmem>>, vector<16xi32>,
          %swap3A_965 = arith.constant 0 : index
          %swap3A_966 = tpu.vector_load %arg8[%swap3A_965] {strides = array<i32>} : memref<128xf32, #tpu.memory_space<vmem>>, vector<16xf32>,
          tpu.vector_store %arg8[%swap3A_965], %broadcast_in_dim3A_1 {strides = array<i32>} : memref<128xf32, #tpu.memory_space<vmem>>, vector<16xf32>,
          %swap3A_967 = arith.constant 16 : index
          %swap3A_968 = tpu.vector_load %arg8[%swap3A_967] {strides = array<i32>} : memref<128xf32, #tpu.memory_space<vmem>>, vector<16xf32>,
          tpu.vector_store %arg8[%swap3A_967], %broadcast_in_dim3A_1 {strides = array<i32>} : memref<128xf32, #tpu.memory_space<vmem>>, vector<16xf32>,
          %swap3A_969 = arith.constant 32 : index
          %swap3A_970 = tpu.vector_load %arg8[%swap3A_969] {strides = array<i32>} : memref<128xf32, #tpu.memory_space<vmem>>, vector<16xf32>,
          tpu.vector_store %arg8[%swap3A_969], %broadcast_in_dim3A_1 {strides = array<i32>} : memref<128xf32, #tpu.memory_space<vmem>>, vector<16xf32>,
          %swap3A_971 = arith.constant 48 : index
          %swap3A_972 = tpu.vector_load %arg8[%swap3A_971] {strides = array<i32>} : memref<128xf32, #tpu.memory_space<vmem>>, vector<16xf32>,
          tpu.vector_store %arg8[%swap3A_971], %broadcast_in_dim3A_1 {strides = array<i32>} : memref<128xf32, #tpu.memory_space<vmem>>, vector<16xf32>,
          %swap3A_973 = arith.constant 64 : index
          %swap3A_974 = tpu.vector_load %arg8[%swap3A_973] {strides = array<i32>} : memref<128xf32, #tpu.memory_space<vmem>>, vector<16xf32>,
          tpu.vector_store %arg8[%swap3A_973], %broadcast_in_dim3A_1 {strides = array<i32>} : memref<128xf32, #tpu.memory_space<vmem>>, vector<16xf32>,
          %swap3A_975 = arith.constant 80 : index
          %swap3A_976 = tpu.vector_load %arg8[%swap3A_975] {strides = array<i32>} : memref<128xf32, #tpu.memory_space<vmem>>, vector<16xf32>,
          tpu.vector_store %arg8[%swap3A_975], %broadcast_in_dim3A_1 {strides = array<i32>} : memref<128xf32, #tpu.memory_space<vmem>>, vector<16xf32>,
          %swap3A_977 = arith.constant 96 : index
          %swap3A_978 = tpu.vector_load %arg8[%swap3A_977] {strides = array<i32>} : memref<128xf32, #tpu.memory_space<vmem>>, vector<16xf32>,
          tpu.vector_store %arg8[%swap3A_977], %broadcast_in_dim3A_1 {strides = array<i32>} : memref<128xf32, #tpu.memory_space<vmem>>, vector<16xf32>,
          %swap3A_979 = arith.constant 112 : index
          %swap3A_980 = tpu.vector_load %arg8[%swap3A_979] {strides = array<i32>} : memref<128xf32, #tpu.memory_space<vmem>>, vector<16xf32>,
          tpu.vector_store %arg8[%swap3A_979], %broadcast_in_dim3A_1 {strides = array<i32>} : memref<128xf32, #tpu.memory_space<vmem>>, vector<16xf32>,
          %reduce_min3A_981 = arith.constant true
          %reduce_min3A_982 = vector.broadcast %reduce_min3A_981 : i1 to vector<16xi1>
          %reduce_min3A_983 = tpu.scan <min>, %masked_sort3A_955 masked %reduce_min3A_982 : vector<16xf32>, vector<16xi1> -> vector<16xf32>
          %reduce_min3A_984 = vector.extract %reduce_min3A_983[15] : f32 from vector<16xf32>
          %cond3A_985 = arith.constant 0 : i32
          scf.yield %reduce_min3A_984, %cond3A_985 : f32, i32
        } else {
          scf.yield %while3A_613, %add3A_630 : f32, i32
        }
        scf.yield %cond3A_636#0, %cond3A_636#1 : f32, i32
      }
      %while3A_264 = arith.constant 1 : i32
      %while3A_265:2 = scf.for %while3A_612 = %while3A_261 to %while3A_257 step %while3A_264 iter_args(%while3A_613 = %while3A_263#0, %while3A_614 = %while3A_263#1) -> (f32, i32)  : i32 {
        %mul3A_615 = arith.constant 16 : i32
        %mul3A_616 = arith.muli %while3A_612, %mul3A_615 : i32
        %add3A_617 = vector.broadcast %mul3A_616 : i32 to vector<16xi32>
        %add3A_618 = arith.addi %add3A_617, %iota3A : vector<16xi32>
        %mul3A_619 = arith.constant 16 : i32
        %mul3A_620 = arith.muli %while3A_612, %mul3A_619 : i32
        %get3A_621 = arith.index_cast %mul3A_620 : i32 to index
        %get3A_622 = tpu.vector_load %arg7[%get3A_621] {strides = array<i32>} : memref<3968xf32, #tpu.memory_space<vmem>>, vector<16xf32>,
        %gt3A = vector.broadcast %while3A_613 : f32 to vector<16xf32>
        %gt3A_623 = arith.cmpf ogt, %get3A_622, %gt3A : vector<16xf32>
        %add3A_624 = vector.broadcast %mul3A_36 : i32 to vector<16xi32>
        %add3A_625 = arith.addi %add3A_624, %add3A_618 : vector<16xi32>
        %swap3A_626 = arith.index_cast %while3A_614 : i32 to index
        %swap3A_627 = tpu.vector_load %arg8[%swap3A_626] masked %gt3A_623 {strides = array<i32>} : memref<128xf32, #tpu.memory_space<vmem>>, vector<16xf32>, vector<16xi1>
        tpu.vector_store %arg8[%swap3A_626], %get3A_622 masked %gt3A_623 {strides = array<i32>} : memref<128xf32, #tpu.memory_space<vmem>>, vector<16xf32>, vector<16xi1>
        %swap3A_628 = arith.index_cast %while3A_614 : i32 to index
        %swap3A_629 = tpu.vector_load %arg9[%swap3A_628] masked %gt3A_623 {strides = array<i32>} : memref<128xi32, #tpu.memory_space<vmem>>, vector<16xi32>, vector<16xi1>
        tpu.vector_store %arg9[%swap3A_628], %add3A_625 masked %gt3A_623 {strides = array<i32>} : memref<128xi32, #tpu.memory_space<vmem>>, vector<16xi32>, vector<16xi1>
        %all_reduce_population_count3A = tpu.all_reduce %gt3A_623 {dim = 0 : i64, kind = #tpu.reduction_kind<sum>} : vector<16xi1> -> vector<16xi32>
        %slice3A = vector.extract_strided_slice %all_reduce_population_count3A {offsets = [0], sizes = [1], strides = [1]} : vector<16xi32> to vector<1xi32>
        %squeeze3A = vector.extract %slice3A[0] : i32 from vector<1xi32>
        %add3A_630 = arith.addi %while3A_614, %squeeze3A : i32
        %gt3A_631 = arith.constant 112 : i32
        %gt3A_632 = arith.cmpi sgt, %add3A_630, %gt3A_631 : i32
        %convert_element_type3A_633 = arith.extui %gt3A_632 : i1 to i32
        %cond3A_634 = arith.constant 0 : i32
        %cond3A_635 = arith.cmpi ne, %convert_element_type3A_633, %cond3A_634 : i32
        %cond3A_636:2 = scf.if %cond3A_635 -> (f32, i32) {
          %get3A_637 = arith.constant 0 : index
          %get3A_638 = tpu.vector_load %arg8[%get3A_637] {strides = array<i32>} : memref<128xf32, #tpu.memory_space<vmem>>, vector<16xf32>,
          %get3A_639 = arith.constant 0 : index
          %get3A_640 = tpu.vector_load %arg9[%get3A_639] {strides = array<i32>} : memref<128xi32, #tpu.memory_space<vmem>>, vector<16xi32>,
          %masked_sort3A_641 = arith.constant dense<true> : vector<16xi1>
          %masked_sort3A_642, %masked_sort3A_643, %masked_sort3A_644 = tpu.sort %get3A_638, %get3A_640 masked %masked_sort3A_641 {descending = true} : (vector<16xf32>, vector<16xi32>, vector<16xi1>) -> (vector<16xi1>, vector<16xf32>, vector<16xi32>)
          %get3A_645 = arith.constant 16 : index
          %get3A_646 = tpu.vector_load %arg8[%get3A_645] {strides = array<i32>} : memref<128xf32, #tpu.memory_space<vmem>>, vector<16xf32>,
          %get3A_647 = arith.constant 16 : index
          %get3A_648 = tpu.vector_load %arg9[%get3A_647] {strides = array<i32>} : memref<128xi32, #tpu.memory_space<vmem>>, vector<16xi32>,
          %masked_sort3A_649 = arith.constant dense<true> : vector<16xi1>
          %masked_sort3A_650, %masked_sort3A_651, %masked_sort3A_652 = tpu.sort %get3A_646, %get3A_648 masked %masked_sort3A_649 {descending = true} : (vector<16xf32>, vector<16xi32>, vector<16xi1>) -> (vector<16xi1>, vector<16xf32>, vector<16xi32>)
          %get3A_653 = arith.constant 32 : index
          %get3A_654 = tpu.vector_load %arg8[%get3A_653] {strides = array<i32>} : memref<128xf32, #tpu.memory_space<vmem>>, vector<16xf32>,
          %get3A_655 = arith.constant 32 : index
          %get3A_656 = tpu.vector_load %arg9[%get3A_655] {strides = array<i32>} : memref<128xi32, #tpu.memory_space<vmem>>, vector<16xi32>,
          %masked_sort3A_657 = arith.constant dense<true> : vector<16xi1>
          %masked_sort3A_658, %masked_sort3A_659, %masked_sort3A_660 = tpu.sort %get3A_654, %get3A_656 masked %masked_sort3A_657 {descending = true} : (vector<16xf32>, vector<16xi32>, vector<16xi1>) -> (vector<16xi1>, vector<16xf32>, vector<16xi32>)
          %get3A_661 = arith.constant 48 : index
          %get3A_662 = tpu.vector_load %arg8[%get3A_661] {strides = array<i32>} : memref<128xf32, #tpu.memory_space<vmem>>, vector<16xf32>,
          %get3A_663 = arith.constant 48 : index
          %get3A_664 = tpu.vector_load %arg9[%get3A_663] {strides = array<i32>} : memref<128xi32, #tpu.memory_space<vmem>>, vector<16xi32>,
          %masked_sort3A_665 = arith.constant dense<true> : vector<16xi1>
          %masked_sort3A_666, %masked_sort3A_667, %masked_sort3A_668 = tpu.sort %get3A_662, %get3A_664 masked %masked_sort3A_665 {descending = true} : (vector<16xf32>, vector<16xi32>, vector<16xi1>) -> (vector<16xi1>, vector<16xf32>, vector<16xi32>)
          %get3A_669 = arith.constant 64 : index
          %get3A_670 = tpu.vector_load %arg8[%get3A_669] {strides = array<i32>} : memref<128xf32, #tpu.memory_space<vmem>>, vector<16xf32>,
          %get3A_671 = arith.constant 64 : index
          %get3A_672 = tpu.vector_load %arg9[%get3A_671] {strides = array<i32>} : memref<128xi32, #tpu.memory_space<vmem>>, vector<16xi32>,
          %masked_sort3A_673 = arith.constant dense<true> : vector<16xi1>
          %masked_sort3A_674, %masked_sort3A_675, %masked_sort3A_676 = tpu.sort %get3A_670, %get3A_672 masked %masked_sort3A_673 {descending = true} : (vector<16xf32>, vector<16xi32>, vector<16xi1>) -> (vector<16xi1>, vector<16xf32>, vector<16xi32>)
          %get3A_677 = arith.constant 80 : index
          %get3A_678 = tpu.vector_load %arg8[%get3A_677] {strides = array<i32>} : memref<128xf32, #tpu.memory_space<vmem>>, vector<16xf32>,
          %get3A_679 = arith.constant 80 : index
          %get3A_680 = tpu.vector_load %arg9[%get3A_679] {strides = array<i32>} : memref<128xi32, #tpu.memory_space<vmem>>, vector<16xi32>,
          %masked_sort3A_681 = arith.constant dense<true> : vector<16xi1>
          %masked_sort3A_682, %masked_sort3A_683, %masked_sort3A_684 = tpu.sort %get3A_678, %get3A_680 masked %masked_sort3A_681 {descending = true} : (vector<16xf32>, vector<16xi32>, vector<16xi1>) -> (vector<16xi1>, vector<16xf32>, vector<16xi32>)
          %get3A_685 = arith.constant 96 : index
          %get3A_686 = tpu.vector_load %arg8[%get3A_685] {strides = array<i32>} : memref<128xf32, #tpu.memory_space<vmem>>, vector<16xf32>,
          %get3A_687 = arith.constant 96 : index
          %get3A_688 = tpu.vector_load %arg9[%get3A_687] {strides = array<i32>} : memref<128xi32, #tpu.memory_space<vmem>>, vector<16xi32>,
          %masked_sort3A_689 = arith.constant dense<true> : vector<16xi1>
          %masked_sort3A_690, %masked_sort3A_691, %masked_sort3A_692 = tpu.sort %get3A_686, %get3A_688 masked %masked_sort3A_689 {descending = true} : (vector<16xf32>, vector<16xi32>, vector<16xi1>) -> (vector<16xi1>, vector<16xf32>, vector<16xi32>)
          %get3A_693 = arith.constant 112 : index
          %get3A_694 = tpu.vector_load %arg8[%get3A_693] {strides = array<i32>} : memref<128xf32, #tpu.memory_space<vmem>>, vector<16xf32>,
          %get3A_695 = arith.constant 112 : index
          %get3A_696 = tpu.vector_load %arg9[%get3A_695] {strides = array<i32>} : memref<128xi32, #tpu.memory_space<vmem>>, vector<16xi32>,
          %masked_sort3A_697 = arith.constant dense<true> : vector<16xi1>
          %masked_sort3A_698, %masked_sort3A_699, %masked_sort3A_700 = tpu.sort %get3A_694, %get3A_696 masked %masked_sort3A_697 {descending = true} : (vector<16xf32>, vector<16xi32>, vector<16xi1>) -> (vector<16xi1>, vector<16xf32>, vector<16xi32>)
          %rev3A_701 = arith.constant 15 : i32
          %rev3A_702 = vector.broadcast %rev3A_701 : i32 to vector<16xi32>
          %rev3A_703 = tpu.iota {dimensions = array<i32: 0>} : vector<16xi32>
          %rev3A_704 = arith.subi %rev3A_702, %rev3A_703 : vector<16xi32>
          %rev3A_705 = tpu.dynamic_gather %masked_sort3A_651[%rev3A_704] in [0] : vector<16xf32>, vector<16xi32> -> vector<16xf32>
          %rev3A_706 = arith.constant 15 : i32
          %rev3A_707 = vector.broadcast %rev3A_706 : i32 to vector<16xi32>
          %rev3A_708 = tpu.iota {dimensions = array<i32: 0>} : vector<16xi32>
          %rev3A_709 = arith.subi %rev3A_707, %rev3A_708 : vector<16xi32>
          %rev3A_710 = tpu.dynamic_gather %masked_sort3A_652[%rev3A_709] in [0] : vector<16xi32>, vector<16xi32> -> vector<16xi32>
          %ge3A_711 = arith.cmpf oge, %masked_sort3A_643, %rev3A_705 : vector<16xf32>
          %select_n3A_712 = arith.select %ge3A_711, %masked_sort3A_643, %rev3A_705 : vector<16xi1>, vector<16xf32>
          %select_n3A_713 = arith.select %ge3A_711, %masked_sort3A_644, %rev3A_710 : vector<16xi1>, vector<16xi32>
          %select_n3A_714 = arith.select %ge3A_711, %rev3A_705, %masked_sort3A_643 : vector<16xi1>, vector<16xf32>
          %select_n3A_715 = arith.select %ge3A_711, %rev3A_710, %masked_sort3A_644 : vector<16xi1>, vector<16xi32>
          %masked_sort3A_716 = arith.constant dense<true> : vector<16xi1>
          %masked_sort3A_717, %masked_sort3A_718, %masked_sort3A_719 = tpu.sort %select_n3A_712, %select_n3A_713 masked %masked_sort3A_716 {descending = true} : (vector<16xf32>, vector<16xi32>, vector<16xi1>) -> (vector<16xi1>, vector<16xf32>, vector<16xi32>)
          %masked_sort3A_720 = arith.constant dense<true> : vector<16xi1>
          %masked_sort3A_721, %masked_sort3A_722, %masked_sort3A_723 = tpu.sort %select_n3A_714, %select_n3A_715 masked %masked_sort3A_720 {descending = true} : (vector<16xf32>, vector<16xi32>, vector<16xi1>) -> (vector<16xi1>, vector<16xf32>, vector<16xi32>)
          %rev3A_724 = arith.constant 15 : i32
          %rev3A_725 = vector.broadcast %rev3A_724 : i32 to vector<16xi32>
          %rev3A_726 = tpu.iota {dimensions = array<i32: 0>} : vector<16xi32>
          %rev3A_727 = arith.subi %rev3A_725, %rev3A_726 : vector<16xi32>
          %rev3A_728 = tpu.dynamic_gather %masked_sort3A_667[%rev3A_727] in [0] : vector<16xf32>, vector<16xi32> -> vector<16xf32>
          %rev3A_729 = arith.constant 15 : i32
          %rev3A_730 = vector.broadcast %rev3A_729 : i32 to vector<16xi32>
          %rev3A_731 = tpu.iota {dimensions = array<i32: 0>} : vector<16xi32>
          %rev3A_732 = arith.subi %rev3A_730, %rev3A_731 : vector<16xi32>
          %rev3A_733 = tpu.dynamic_gather %masked_sort3A_668[%rev3A_732] in [0] : vector<16xi32>, vector<16xi32> -> vector<16xi32>
          %ge3A_734 = arith.cmpf oge, %masked_sort3A_659, %rev3A_728 : vector<16xf32>
          %select_n3A_735 = arith.select %ge3A_734, %masked_sort3A_659, %rev3A_728 : vector<16xi1>, vector<16xf32>
          %select_n3A_736 = arith.select %ge3A_734, %masked_sort3A_660, %rev3A_733 : vector<16xi1>, vector<16xi32>
          %select_n3A_737 = arith.select %ge3A_734, %rev3A_728, %masked_sort3A_659 : vector<16xi1>, vector<16xf32>
          %select_n3A_738 = arith.select %ge3A_734, %rev3A_733, %masked_sort3A_660 : vector<16xi1>, vector<16xi32>
          %masked_sort3A_739 = arith.constant dense<true> : vector<16xi1>
          %masked_sort3A_740, %masked_sort3A_741, %masked_sort3A_742 = tpu.sort %select_n3A_735, %select_n3A_736 masked %masked_sort3A_739 {descending = true} : (vector<16xf32>, vector<16xi32>, vector<16xi1>) -> (vector<16xi1>, vector<16xf32>, vector<16xi32>)
          %masked_sort3A_743 = arith.constant dense<true> : vector<16xi1>
          %masked_sort3A_744, %masked_sort3A_745, %masked_sort3A_746 = tpu.sort %select_n3A_737, %select_n3A_738 masked %masked_sort3A_743 {descending = true} : (vector<16xf32>, vector<16xi32>, vector<16xi1>) -> (vector<16xi1>, vector<16xf32>, vector<16xi32>)
          %rev3A_747 = arith.constant 15 : i32
          %rev3A_748 = vector.broadcast %rev3A_747 : i32 to vector<16xi32>
          %rev3A_749 = tpu.iota {dimensions = array<i32: 0>} : vector<16xi32>
          %rev3A_750 = arith.subi %rev3A_748, %rev3A_749 : vector<16xi32>
          %rev3A_751 = tpu.dynamic_gather %masked_sort3A_683[%rev3A_750] in [0] : vector<16xf32>, vector<16xi32> -> vector<16xf32>
          %rev3A_752 = arith.constant 15 : i32
          %rev3A_753 = vector.broadcast %rev3A_752 : i32 to vector<16xi32>
          %rev3A_754 = tpu.iota {dimensions = array<i32: 0>} : vector<16xi32>
          %rev3A_755 = arith.subi %rev3A_753, %rev3A_754 : vector<16xi32>
          %rev3A_756 = tpu.dynamic_gather %masked_sort3A_684[%rev3A_755] in [0] : vector<16xi32>, vector<16xi32> -> vector<16xi32>
          %ge3A_757 = arith.cmpf oge, %masked_sort3A_675, %rev3A_751 : vector<16xf32>
          %select_n3A_758 = arith.select %ge3A_757, %masked_sort3A_675, %rev3A_751 : vector<16xi1>, vector<16xf32>
          %select_n3A_759 = arith.select %ge3A_757, %masked_sort3A_676, %rev3A_756 : vector<16xi1>, vector<16xi32>
          %select_n3A_760 = arith.select %ge3A_757, %rev3A_751, %masked_sort3A_675 : vector<16xi1>, vector<16xf32>
          %select_n3A_761 = arith.select %ge3A_757, %rev3A_756, %masked_sort3A_676 : vector<16xi1>, vector<16xi32>
          %masked_sort3A_762 = arith.constant dense<true> : vector<16xi1>
          %masked_sort3A_763, %masked_sort3A_764, %masked_sort3A_765 = tpu.sort %select_n3A_758, %select_n3A_759 masked %masked_sort3A_762 {descending = true} : (vector<16xf32>, vector<16xi32>, vector<16xi1>) -> (vector<16xi1>, vector<16xf32>, vector<16xi32>)
          %masked_sort3A_766 = arith.constant dense<true> : vector<16xi1>
          %masked_sort3A_767, %masked_sort3A_768, %masked_sort3A_769 = tpu.sort %select_n3A_760, %select_n3A_761 masked %masked_sort3A_766 {descending = true} : (vector<16xf32>, vector<16xi32>, vector<16xi1>) -> (vector<16xi1>, vector<16xf32>, vector<16xi32>)
          %rev3A_770 = arith.constant 15 : i32
          %rev3A_771 = vector.broadcast %rev3A_770 : i32 to vector<16xi32>
          %rev3A_772 = tpu.iota {dimensions = array<i32: 0>} : vector<16xi32>
          %rev3A_773 = arith.subi %rev3A_771, %rev3A_772 : vector<16xi32>
          %rev3A_774 = tpu.dynamic_gather %masked_sort3A_699[%rev3A_773] in [0] : vector<16xf32>, vector<16xi32> -> vector<16xf32>
          %rev3A_775 = arith.constant 15 : i32
          %rev3A_776 = vector.broadcast %rev3A_775 : i32 to vector<16xi32>
          %rev3A_777 = tpu.iota {dimensions = array<i32: 0>} : vector<16xi32>
          %rev3A_778 = arith.subi %rev3A_776, %rev3A_777 : vector<16xi32>
          %rev3A_779 = tpu.dynamic_gather %masked_sort3A_700[%rev3A_778] in [0] : vector<16xi32>, vector<16xi32> -> vector<16xi32>
          %ge3A_780 = arith.cmpf oge, %masked_sort3A_691, %rev3A_774 : vector<16xf32>
          %select_n3A_781 = arith.select %ge3A_780, %masked_sort3A_691, %rev3A_774 : vector<16xi1>, vector<16xf32>
          %select_n3A_782 = arith.select %ge3A_780, %masked_sort3A_692, %rev3A_779 : vector<16xi1>, vector<16xi32>
          %select_n3A_783 = arith.select %ge3A_780, %rev3A_774, %masked_sort3A_691 : vector<16xi1>, vector<16xf32>
          %select_n3A_784 = arith.select %ge3A_780, %rev3A_779, %masked_sort3A_692 : vector<16xi1>, vector<16xi32>
          %masked_sort3A_785 = arith.constant dense<true> : vector<16xi1>
          %masked_sort3A_786, %masked_sort3A_787, %masked_sort3A_788 = tpu.sort %select_n3A_781, %select_n3A_782 masked %masked_sort3A_785 {descending = true} : (vector<16xf32>, vector<16xi32>, vector<16xi1>) -> (vector<16xi1>, vector<16xf32>, vector<16xi32>)
          %masked_sort3A_789 = arith.constant dense<true> : vector<16xi1>
          %masked_sort3A_790, %masked_sort3A_791, %masked_sort3A_792 = tpu.sort %select_n3A_783, %select_n3A_784 masked %masked_sort3A_789 {descending = true} : (vector<16xf32>, vector<16xi32>, vector<16xi1>) -> (vector<16xi1>, vector<16xf32>, vector<16xi32>)
          %rev3A_793 = arith.constant 15 : i32
          %rev3A_794 = vector.broadcast %rev3A_793 : i32 to vector<16xi32>
          %rev3A_795 = tpu.iota {dimensions = array<i32: 0>} : vector<16xi32>
          %rev3A_796 = arith.subi %rev3A_794, %rev3A_795 : vector<16xi32>
          %rev3A_797 = tpu.dynamic_gather %masked_sort3A_745[%rev3A_796] in [0] : vector<16xf32>, vector<16xi32> -> vector<16xf32>
          %rev3A_798 = arith.constant 15 : i32
          %rev3A_799 = vector.broadcast %rev3A_798 : i32 to vector<16xi32>
          %rev3A_800 = tpu.iota {dimensions = array<i32: 0>} : vector<16xi32>
          %rev3A_801 = arith.subi %rev3A_799, %rev3A_800 : vector<16xi32>
          %rev3A_802 = tpu.dynamic_gather %masked_sort3A_746[%rev3A_801] in [0] : vector<16xi32>, vector<16xi32> -> vector<16xi32>
          %rev3A_803 = arith.constant 15 : i32
          %rev3A_804 = vector.broadcast %rev3A_803 : i32 to vector<16xi32>
          %rev3A_805 = tpu.iota {dimensions = array<i32: 0>} : vector<16xi32>
          %rev3A_806 = arith.subi %rev3A_804, %rev3A_805 : vector<16xi32>
          %rev3A_807 = tpu.dynamic_gather %masked_sort3A_741[%rev3A_806] in [0] : vector<16xf32>, vector<16xi32> -> vector<16xf32>
          %rev3A_808 = arith.constant 15 : i32
          %rev3A_809 = vector.broadcast %rev3A_808 : i32 to vector<16xi32>
          %rev3A_810 = tpu.iota {dimensions = array<i32: 0>} : vector<16xi32>
          %rev3A_811 = arith.subi %rev3A_809, %rev3A_810 : vector<16xi32>
          %rev3A_812 = tpu.dynamic_gather %masked_sort3A_742[%rev3A_811] in [0] : vector<16xi32>, vector<16xi32> -> vector<16xi32>
          %ge3A_813 = arith.cmpf oge, %masked_sort3A_718, %rev3A_797 : vector<16xf32>
          %select_n3A_814 = arith.select %ge3A_813, %masked_sort3A_718, %rev3A_797 : vector<16xi1>, vector<16xf32>
          %select_n3A_815 = arith.select %ge3A_813, %masked_sort3A_719, %rev3A_802 : vector<16xi1>, vector<16xi32>
          %ge3A_816 = arith.cmpf oge, %masked_sort3A_722, %rev3A_807 : vector<16xf32>
          %select_n3A_817 = arith.select %ge3A_816, %masked_sort3A_722, %rev3A_807 : vector<16xi1>, vector<16xf32>
          %select_n3A_818 = arith.select %ge3A_816, %masked_sort3A_723, %rev3A_812 : vector<16xi1>, vector<16xi32>
          %ge3A_819 = arith.cmpf oge, %select_n3A_814, %select_n3A_817 : vector<16xf32>
          %select_n3A_820 = arith.select %ge3A_819, %select_n3A_814, %select_n3A_817 : vector<16xi1>, vector<16xf32>
          %select_n3A_821 = arith.select %ge3A_819, %select_n3A_815, %select_n3A_818 : vector<16xi1>, vector<16xi32>
          %select_n3A_822 = arith.select %ge3A_819, %select_n3A_817, %select_n3A_814 : vector<16xi1>, vector<16xf32>
          %select_n3A_823 = arith.select %ge3A_819, %select_n3A_818, %select_n3A_815 : vector<16xi1>, vector<16xi32>
          %masked_sort3A_824 = arith.constant dense<true> : vector<16xi1>
          %masked_sort3A_825, %masked_sort3A_826, %masked_sort3A_827 = tpu.sort %select_n3A_820, %select_n3A_821 masked %masked_sort3A_824 {descending = true} : (vector<16xf32>, vector<16xi32>, vector<16xi1>) -> (vector<16xi1>, vector<16xf32>, vector<16xi32>)
          %masked_sort3A_828 = arith.constant dense<true> : vector<16xi1>
          %masked_sort3A_829, %masked_sort3A_830, %masked_sort3A_831 = tpu.sort %select_n3A_822, %select_n3A_823 masked %masked_sort3A_828 {descending = true} : (vector<16xf32>, vector<16xi32>, vector<16xi1>) -> (vector<16xi1>, vector<16xf32>, vector<16xi32>)
          %rev3A_832 = arith.constant 15 : i32
          %rev3A_833 = vector.broadcast %rev3A_832 : i32 to vector<16xi32>
          %rev3A_834 = tpu.iota {dimensions = array<i32: 0>} : vector<16xi32>
          %rev3A_835 = arith.subi %rev3A_833, %rev3A_834 : vector<16xi32>
          %rev3A_836 = tpu.dynamic_gather %masked_sort3A_791[%rev3A_835] in [0] : vector<16xf32>, vector<16xi32> -> vector<16xf32>
          %rev3A_837 = arith.constant 15 : i32
          %rev3A_838 = vector.broadcast %rev3A_837 : i32 to vector<16xi32>
          %rev3A_839 = tpu.iota {dimensions = array<i32: 0>} : vector<16xi32>
          %rev3A_840 = arith.subi %rev3A_838, %rev3A_839 : vector<16xi32>
          %rev3A_841 = tpu.dynamic_gather %masked_sort3A_792[%rev3A_840] in [0] : vector<16xi32>, vector<16xi32> -> vector<16xi32>
          %rev3A_842 = arith.constant 15 : i32
          %rev3A_843 = vector.broadcast %rev3A_842 : i32 to vector<16xi32>
          %rev3A_844 = tpu.iota {dimensions = array<i32: 0>} : vector<16xi32>
          %rev3A_845 = arith.subi %rev3A_843, %rev3A_844 : vector<16xi32>
          %rev3A_846 = tpu.dynamic_gather %masked_sort3A_787[%rev3A_845] in [0] : vector<16xf32>, vector<16xi32> -> vector<16xf32>
          %rev3A_847 = arith.constant 15 : i32
          %rev3A_848 = vector.broadcast %rev3A_847 : i32 to vector<16xi32>
          %rev3A_849 = tpu.iota {dimensions = array<i32: 0>} : vector<16xi32>
          %rev3A_850 = arith.subi %rev3A_848, %rev3A_849 : vector<16xi32>
          %rev3A_851 = tpu.dynamic_gather %masked_sort3A_788[%rev3A_850] in [0] : vector<16xi32>, vector<16xi32> -> vector<16xi32>
          %ge3A_852 = arith.cmpf oge, %masked_sort3A_764, %rev3A_836 : vector<16xf32>
          %select_n3A_853 = arith.select %ge3A_852, %masked_sort3A_764, %rev3A_836 : vector<16xi1>, vector<16xf32>
          %select_n3A_854 = arith.select %ge3A_852, %masked_sort3A_765, %rev3A_841 : vector<16xi1>, vector<16xi32>
          %ge3A_855 = arith.cmpf oge, %masked_sort3A_768, %rev3A_846 : vector<16xf32>
          %select_n3A_856 = arith.select %ge3A_855, %masked_sort3A_768, %rev3A_846 : vector<16xi1>, vector<16xf32>
          %select_n3A_857 = arith.select %ge3A_855, %masked_sort3A_769, %rev3A_851 : vector<16xi1>, vector<16xi32>
          %ge3A_858 = arith.cmpf oge, %select_n3A_853, %select_n3A_856 : vector<16xf32>
          %select_n3A_859 = arith.select %ge3A_858, %select_n3A_853, %select_n3A_856 : vector<16xi1>, vector<16xf32>
          %select_n3A_860 = arith.select %ge3A_858, %select_n3A_854, %select_n3A_857 : vector<16xi1>, vector<16xi32>
          %select_n3A_861 = arith.select %ge3A_858, %select_n3A_856, %select_n3A_853 : vector<16xi1>, vector<16xf32>
          %select_n3A_862 = arith.select %ge3A_858, %select_n3A_857, %select_n3A_854 : vector<16xi1>, vector<16xi32>
          %masked_sort3A_863 = arith.constant dense<true> : vector<16xi1>
          %masked_sort3A_864, %masked_sort3A_865, %masked_sort3A_866 = tpu.sort %select_n3A_859, %select_n3A_860 masked %masked_sort3A_863 {descending = true} : (vector<16xf32>, vector<16xi32>, vector<16xi1>) -> (vector<16xi1>, vector<16xf32>, vector<16xi32>)
          %masked_sort3A_867 = arith.constant dense<true> : vector<16xi1>
          %masked_sort3A_868, %masked_sort3A_869, %masked_sort3A_870 = tpu.sort %select_n3A_861, %select_n3A_862 masked %masked_sort3A_867 {descending = true} : (vector<16xf32>, vector<16xi32>, vector<16xi1>) -> (vector<16xi1>, vector<16xf32>, vector<16xi32>)
          %rev3A_871 = arith.constant 15 : i32
          %rev3A_872 = vector.broadcast %rev3A_871 : i32 to vector<16xi32>
          %rev3A_873 = tpu.iota {dimensions = array<i32: 0>} : vector<16xi32>
          %rev3A_874 = arith.subi %rev3A_872, %rev3A_873 : vector<16xi32>
          %rev3A_875 = tpu.dynamic_gather %masked_sort3A_869[%rev3A_874] in [0] : vector<16xf32>, vector<16xi32> -> vector<16xf32>
          %rev3A_876 = arith.constant 15 : i32
          %rev3A_877 = vector.broadcast %rev3A_876 : i32 to vector<16xi32>
          %rev3A_878 = tpu.iota {dimensions = array<i32: 0>} : vector<16xi32>
          %rev3A_879 = arith.subi %rev3A_877, %rev3A_878 : vector<16xi32>
          %rev3A_880 = tpu.dynamic_gather %masked_sort3A_870[%rev3A_879] in [0] : vector<16xi32>, vector<16xi32> -> vector<16xi32>
          %rev3A_881 = arith.constant 15 : i32
          %rev3A_882 = vector.broadcast %rev3A_881 : i32 to vector<16xi32>
          %rev3A_883 = tpu.iota {dimensions = array<i32: 0>} : vector<16xi32>
          %rev3A_884 = arith.subi %rev3A_882, %rev3A_883 : vector<16xi32>
          %rev3A_885 = tpu.dynamic_gather %masked_sort3A_865[%rev3A_884] in [0] : vector<16xf32>, vector<16xi32> -> vector<16xf32>
          %rev3A_886 = arith.constant 15 : i32
          %rev3A_887 = vector.broadcast %rev3A_886 : i32 to vector<16xi32>
          %rev3A_888 = tpu.iota {dimensions = array<i32: 0>} : vector<16xi32>
          %rev3A_889 = arith.subi %rev3A_887, %rev3A_888 : vector<16xi32>
          %rev3A_890 = tpu.dynamic_gather %masked_sort3A_866[%rev3A_889] in [0] : vector<16xi32>, vector<16xi32> -> vector<16xi32>
          %ge3A_891 = arith.cmpf oge, %masked_sort3A_826, %rev3A_875 : vector<16xf32>
          %select_n3A_892 = arith.select %ge3A_891, %masked_sort3A_826, %rev3A_875 : vector<16xi1>, vector<16xf32>
          %select_n3A_893 = arith.select %ge3A_891, %masked_sort3A_827, %rev3A_880 : vector<16xi1>, vector<16xi32>
          %ge3A_894 = arith.cmpf oge, %masked_sort3A_830, %rev3A_885 : vector<16xf32>
          %select_n3A_895 = arith.select %ge3A_894, %masked_sort3A_830, %rev3A_885 : vector<16xi1>, vector<16xf32>
          %select_n3A_896 = arith.select %ge3A_894, %masked_sort3A_831, %rev3A_890 : vector<16xi1>, vector<16xi32>
          %ge3A_897 = arith.cmpf oge, %select_n3A_892, %select_n3A_895 : vector<16xf32>
          %select_n3A_898 = arith.select %ge3A_897, %select_n3A_892, %select_n3A_895 : vector<16xi1>, vector<16xf32>
          %select_n3A_899 = arith.select %ge3A_897, %select_n3A_893, %select_n3A_896 : vector<16xi1>, vector<16xi32>
          %select_n3A_900 = arith.select %ge3A_897, %select_n3A_895, %select_n3A_892 : vector<16xi1>, vector<16xf32>
          %select_n3A_901 = arith.select %ge3A_897, %select_n3A_896, %select_n3A_893 : vector<16xi1>, vector<16xi32>
          %masked_sort3A_902 = arith.constant dense<true> : vector<16xi1>
          %masked_sort3A_903, %masked_sort3A_904, %masked_sort3A_905 = tpu.sort %select_n3A_898, %select_n3A_899 masked %masked_sort3A_902 {descending = true} : (vector<16xf32>, vector<16xi32>, vector<16xi1>) -> (vector<16xi1>, vector<16xf32>, vector<16xi32>)
          %masked_sort3A_906 = arith.constant dense<true> : vector<16xi1>
          %masked_sort3A_907, %masked_sort3A_908, %masked_sort3A_909 = tpu.sort %select_n3A_900, %select_n3A_901 masked %masked_sort3A_906 {descending = true} : (vector<16xf32>, vector<16xi32>, vector<16xi1>) -> (vector<16xi1>, vector<16xf32>, vector<16xi32>)
          %get3A_910 = arith.constant 0 : index
          %get3A_911 = tpu.vector_load %arg10[%get3A_910] {strides = array<i32>} : memref<32xf32, #tpu.memory_space<vmem>>, vector<16xf32>,
          %get3A_912 = arith.constant 0 : index
          %get3A_913 = tpu.vector_load %arg11[%get3A_912] {strides = array<i32>} : memref<32xi32, #tpu.memory_space<vmem>>, vector<16xi32>,
          %get3A_914 = arith.constant 16 : index
          %get3A_915 = tpu.vector_load %arg10[%get3A_914] {strides = array<i32>} : memref<32xf32, #tpu.memory_space<vmem>>, vector<16xf32>,
          %get3A_916 = arith.constant 16 : index
          %get3A_917 = tpu.vector_load %arg11[%get3A_916] {strides = array<i32>} : memref<32xi32, #tpu.memory_space<vmem>>, vector<16xi32>,
          %rev3A_918 = arith.constant 15 : i32
          %rev3A_919 = vector.broadcast %rev3A_918 : i32 to vector<16xi32>
          %rev3A_920 = tpu.iota {dimensions = array<i32: 0>} : vector<16xi32>
          %rev3A_921 = arith.subi %rev3A_919, %rev3A_920 : vector<16xi32>
          %rev3A_922 = tpu.dynamic_gather %masked_sort3A_908[%rev3A_921] in [0] : vector<16xf32>, vector<16xi32> -> vector<16xf32>
          %rev3A_923 = arith.constant 15 : i32
          %rev3A_924 = vector.broadcast %rev3A_923 : i32 to vector<16xi32>
          %rev3A_925 = tpu.iota {dimensions = array<i32: 0>} : vector<16xi32>
          %rev3A_926 = arith.subi %rev3A_924, %rev3A_925 : vector<16xi32>
          %rev3A_927 = tpu.dynamic_gather %masked_sort3A_909[%rev3A_926] in [0] : vector<16xi32>, vector<16xi32> -> vector<16xi32>
          %rev3A_928 = arith.constant 15 : i32
          %rev3A_929 = vector.broadcast %rev3A_928 : i32 to vector<16xi32>
          %rev3A_930 = tpu.iota {dimensions = array<i32: 0>} : vector<16xi32>
          %rev3A_931 = arith.subi %rev3A_929, %rev3A_930 : vector<16xi32>
          %rev3A_932 = tpu.dynamic_gather %masked_sort3A_904[%rev3A_931] in [0] : vector<16xf32>, vector<16xi32> -> vector<16xf32>
          %rev3A_933 = arith.constant 15 : i32
          %rev3A_934 = vector.broadcast %rev3A_933 : i32 to vector<16xi32>
          %rev3A_935 = tpu.iota {dimensions = array<i32: 0>} : vector<16xi32>
          %rev3A_936 = arith.subi %rev3A_934, %rev3A_935 : vector<16xi32>
          %rev3A_937 = tpu.dynamic_gather %masked_sort3A_905[%rev3A_936] in [0] : vector<16xi32>, vector<16xi32> -> vector<16xi32>
          %ge3A_938 = arith.cmpf oge, %get3A_911, %rev3A_922 : vector<16xf32>
          %select_n3A_939 = arith.select %ge3A_938, %get3A_911, %rev3A_922 : vector<16xi1>, vector<16xf32>
          %select_n3A_940 = arith.select %ge3A_938, %get3A_913, %rev3A_927 : vector<16xi1>, vector<16xi32>
          %ge3A_941 = arith.cmpf oge, %get3A_915, %rev3A_932 : vector<16xf32>
          %select_n3A_942 = arith.select %ge3A_941, %get3A_915, %rev3A_932 : vector<16xi1>, vector<16xf32>
          %select_n3A_943 = arith.select %ge3A_941, %get3A_917, %rev3A_937 : vector<16xi1>, vector<16xi32>
          %ge3A_944 = arith.cmpf oge, %select_n3A_939, %select_n3A_942 : vector<16xf32>
          %select_n3A_945 = arith.select %ge3A_944, %select_n3A_939, %select_n3A_942 : vector<16xi1>, vector<16xf32>
          %select_n3A_946 = arith.select %ge3A_944, %select_n3A_940, %select_n3A_943 : vector<16xi1>, vector<16xi32>
          %select_n3A_947 = arith.select %ge3A_944, %select_n3A_942, %select_n3A_939 : vector<16xi1>, vector<16xf32>
          %select_n3A_948 = arith.select %ge3A_944, %select_n3A_943, %select_n3A_940 : vector<16xi1>, vector<16xi32>
          %masked_sort3A_949 = arith.constant dense<true> : vector<16xi1>
          %masked_sort3A_950, %masked_sort3A_951, %masked_sort3A_952 = tpu.sort %select_n3A_945, %select_n3A_946 masked %masked_sort3A_949 {descending = true} : (vector<16xf32>, vector<16xi32>, vector<16xi1>) -> (vector<16xi1>, vector<16xf32>, vector<16xi32>)
          %masked_sort3A_953 = arith.constant dense<true> : vector<16xi1>
          %masked_sort3A_954, %masked_sort3A_955, %masked_sort3A_956 = tpu.sort %select_n3A_947, %select_n3A_948 masked %masked_sort3A_953 {descending = true} : (vector<16xf32>, vector<16xi32>, vector<16xi1>) -> (vector<16xi1>, vector<16xf32>, vector<16xi32>)
          %swap3A_957 = arith.constant 0 : index
          %swap3A_958 = tpu.vector_load %arg10[%swap3A_957] {strides = array<i32>} : memref<32xf32, #tpu.memory_space<vmem>>, vector<16xf32>,
          tpu.vector_store %arg10[%swap3A_957], %masked_sort3A_951 {strides = array<i32>} : memref<32xf32, #tpu.memory_space<vmem>>, vector<16xf32>,
          %swap3A_959 = arith.constant 0 : index
          %swap3A_960 = tpu.vector_load %arg11[%swap3A_959] {strides = array<i32>} : memref<32xi32, #tpu.memory_space<vmem>>, vector<16xi32>,
          tpu.vector_store %arg11[%swap3A_959], %masked_sort3A_952 {strides = array<i32>} : memref<32xi32, #tpu.memory_space<vmem>>, vector<16xi32>,
          %swap3A_961 = arith.constant 16 : index
          %swap3A_962 = tpu.vector_load %arg10[%swap3A_961] {strides = array<i32>} : memref<32xf32, #tpu.memory_space<vmem>>, vector<16xf32>,
          tpu.vector_store %arg10[%swap3A_961], %masked_sort3A_955 {strides = array<i32>} : memref<32xf32, #tpu.memory_space<vmem>>, vector<16xf32>,
          %swap3A_963 = arith.constant 16 : index
          %swap3A_964 = tpu.vector_load %arg11[%swap3A_963] {strides = array<i32>} : memref<32xi32, #tpu.memory_space<vmem>>, vector<16xi32>,
          tpu.vector_store %arg11[%swap3A_963], %masked_sort3A_956 {strides = array<i32>} : memref<32xi32, #tpu.memory_space<vmem>>, vector<16xi32>,
          %swap3A_965 = arith.constant 0 : index
          %swap3A_966 = tpu.vector_load %arg8[%swap3A_965] {strides = array<i32>} : memref<128xf32, #tpu.memory_space<vmem>>, vector<16xf32>,
          tpu.vector_store %arg8[%swap3A_965], %broadcast_in_dim3A_1 {strides = array<i32>} : memref<128xf32, #tpu.memory_space<vmem>>, vector<16xf32>,
          %swap3A_967 = arith.constant 16 : index
          %swap3A_968 = tpu.vector_load %arg8[%swap3A_967] {strides = array<i32>} : memref<128xf32, #tpu.memory_space<vmem>>, vector<16xf32>,
          tpu.vector_store %arg8[%swap3A_967], %broadcast_in_dim3A_1 {strides = array<i32>} : memref<128xf32, #tpu.memory_space<vmem>>, vector<16xf32>,
          %swap3A_969 = arith.constant 32 : index
          %swap3A_970 = tpu.vector_load %arg8[%swap3A_969] {strides = array<i32>} : memref<128xf32, #tpu.memory_space<vmem>>, vector<16xf32>,
          tpu.vector_store %arg8[%swap3A_969], %broadcast_in_dim3A_1 {strides = array<i32>} : memref<128xf32, #tpu.memory_space<vmem>>, vector<16xf32>,
          %swap3A_971 = arith.constant 48 : index
          %swap3A_972 = tpu.vector_load %arg8[%swap3A_971] {strides = array<i32>} : memref<128xf32, #tpu.memory_space<vmem>>, vector<16xf32>,
          tpu.vector_store %arg8[%swap3A_971], %broadcast_in_dim3A_1 {strides = array<i32>} : memref<128xf32, #tpu.memory_space<vmem>>, vector<16xf32>,
          %swap3A_973 = arith.constant 64 : index
          %swap3A_974 = tpu.vector_load %arg8[%swap3A_973] {strides = array<i32>} : memref<128xf32, #tpu.memory_space<vmem>>, vector<16xf32>,
          tpu.vector_store %arg8[%swap3A_973], %broadcast_in_dim3A_1 {strides = array<i32>} : memref<128xf32, #tpu.memory_space<vmem>>, vector<16xf32>,
          %swap3A_975 = arith.constant 80 : index
          %swap3A_976 = tpu.vector_load %arg8[%swap3A_975] {strides = array<i32>} : memref<128xf32, #tpu.memory_space<vmem>>, vector<16xf32>,
          tpu.vector_store %arg8[%swap3A_975], %broadcast_in_dim3A_1 {strides = array<i32>} : memref<128xf32, #tpu.memory_space<vmem>>, vector<16xf32>,
          %swap3A_977 = arith.constant 96 : index
          %swap3A_978 = tpu.vector_load %arg8[%swap3A_977] {strides = array<i32>} : memref<128xf32, #tpu.memory_space<vmem>>, vector<16xf32>,
          tpu.vector_store %arg8[%swap3A_977], %broadcast_in_dim3A_1 {strides = array<i32>} : memref<128xf32, #tpu.memory_space<vmem>>, vector<16xf32>,
          %swap3A_979 = arith.constant 112 : index
          %swap3A_980 = tpu.vector_load %arg8[%swap3A_979] {strides = array<i32>} : memref<128xf32, #tpu.memory_space<vmem>>, vector<16xf32>,
          tpu.vector_store %arg8[%swap3A_979], %broadcast_in_dim3A_1 {strides = array<i32>} : memref<128xf32, #tpu.memory_space<vmem>>, vector<16xf32>,
          %reduce_min3A_981 = arith.constant true
          %reduce_min3A_982 = vector.broadcast %reduce_min3A_981 : i1 to vector<16xi1>
          %reduce_min3A_983 = tpu.scan <min>, %masked_sort3A_955 masked %reduce_min3A_982 : vector<16xf32>, vector<16xi1> -> vector<16xf32>
          %reduce_min3A_984 = vector.extract %reduce_min3A_983[15] : f32 from vector<16xf32>
          %cond3A_985 = arith.constant 0 : i32
          scf.yield %reduce_min3A_984, %cond3A_985 : f32, i32
        } else {
          scf.yield %while3A_613, %add3A_630 : f32, i32
        }
        scf.yield %cond3A_636#0, %cond3A_636#1 : f32, i32
      }
      %get3A = arith.constant 0 : index
      %get3A_266 = tpu.vector_load %arg8[%get3A] {strides = array<i32>} : memref<128xf32, #tpu.memory_space<vmem>>, vector<16xf32>,
      %get3A_267 = arith.constant 0 : index
      %get3A_268 = tpu.vector_load %arg9[%get3A_267] {strides = array<i32>} : memref<128xi32, #tpu.memory_space<vmem>>, vector<16xi32>,
      %masked_sort3A = arith.constant dense<true> : vector<16xi1>
      %masked_sort3A_269, %masked_sort3A_270, %masked_sort3A_271 = tpu.sort %get3A_266, %get3A_268 masked %masked_sort3A {descending = true} : (vector<16xf32>, vector<16xi32>, vector<16xi1>) -> (vector<16xi1>, vector<16xf32>, vector<16xi32>)
      %get3A_272 = arith.constant 16 : index
      %get3A_273 = tpu.vector_load %arg8[%get3A_272] {strides = array<i32>} : memref<128xf32, #tpu.memory_space<vmem>>, vector<16xf32>,
      %get3A_274 = arith.constant 16 : index
      %get3A_275 = tpu.vector_load %arg9[%get3A_274] {strides = array<i32>} : memref<128xi32, #tpu.memory_space<vmem>>, vector<16xi32>,
      %masked_sort3A_276 = arith.constant dense<true> : vector<16xi1>
      %masked_sort3A_277, %masked_sort3A_278, %masked_sort3A_279 = tpu.sort %get3A_273, %get3A_275 masked %masked_sort3A_276 {descending = true} : (vector<16xf32>, vector<16xi32>, vector<16xi1>) -> (vector<16xi1>, vector<16xf32>, vector<16xi32>)
      %get3A_280 = arith.constant 32 : index
      %get3A_281 = tpu.vector_load %arg8[%get3A_280] {strides = array<i32>} : memref<128xf32, #tpu.memory_space<vmem>>, vector<16xf32>,
      %get3A_282 = arith.constant 32 : index
      %get3A_283 = tpu.vector_load %arg9[%get3A_282] {strides = array<i32>} : memref<128xi32, #tpu.memory_space<vmem>>, vector<16xi32>,
      %masked_sort3A_284 = arith.constant dense<true> : vector<16xi1>
      %masked_sort3A_285, %masked_sort3A_286, %masked_sort3A_287 = tpu.sort %get3A_281, %get3A_283 masked %masked_sort3A_284 {descending = true} : (vector<16xf32>, vector<16xi32>, vector<16xi1>) -> (vector<16xi1>, vector<16xf32>, vector<16xi32>)
      %get3A_288 = arith.constant 48 : index
      %get3A_289 = tpu.vector_load %arg8[%get3A_288] {strides = array<i32>} : memref<128xf32, #tpu.memory_space<vmem>>, vector<16xf32>,
      %get3A_290 = arith.constant 48 : index
      %get3A_291 = tpu.vector_load %arg9[%get3A_290] {strides = array<i32>} : memref<128xi32, #tpu.memory_space<vmem>>, vector<16xi32>,
      %masked_sort3A_292 = arith.constant dense<true> : vector<16xi1>
      %masked_sort3A_293, %masked_sort3A_294, %masked_sort3A_295 = tpu.sort %get3A_289, %get3A_291 masked %masked_sort3A_292 {descending = true} : (vector<16xf32>, vector<16xi32>, vector<16xi1>) -> (vector<16xi1>, vector<16xf32>, vector<16xi32>)
      %get3A_296 = arith.constant 64 : index
      %get3A_297 = tpu.vector_load %arg8[%get3A_296] {strides = array<i32>} : memref<128xf32, #tpu.memory_space<vmem>>, vector<16xf32>,
      %get3A_298 = arith.constant 64 : index
      %get3A_299 = tpu.vector_load %arg9[%get3A_298] {strides = array<i32>} : memref<128xi32, #tpu.memory_space<vmem>>, vector<16xi32>,
      %masked_sort3A_300 = arith.constant dense<true> : vector<16xi1>
      %masked_sort3A_301, %masked_sort3A_302, %masked_sort3A_303 = tpu.sort %get3A_297, %get3A_299 masked %masked_sort3A_300 {descending = true} : (vector<16xf32>, vector<16xi32>, vector<16xi1>) -> (vector<16xi1>, vector<16xf32>, vector<16xi32>)
      %get3A_304 = arith.constant 80 : index
      %get3A_305 = tpu.vector_load %arg8[%get3A_304] {strides = array<i32>} : memref<128xf32, #tpu.memory_space<vmem>>, vector<16xf32>,
      %get3A_306 = arith.constant 80 : index
      %get3A_307 = tpu.vector_load %arg9[%get3A_306] {strides = array<i32>} : memref<128xi32, #tpu.memory_space<vmem>>, vector<16xi32>,
      %masked_sort3A_308 = arith.constant dense<true> : vector<16xi1>
      %masked_sort3A_309, %masked_sort3A_310, %masked_sort3A_311 = tpu.sort %get3A_305, %get3A_307 masked %masked_sort3A_308 {descending = true} : (vector<16xf32>, vector<16xi32>, vector<16xi1>) -> (vector<16xi1>, vector<16xf32>, vector<16xi32>)
      %get3A_312 = arith.constant 96 : index
      %get3A_313 = tpu.vector_load %arg8[%get3A_312] {strides = array<i32>} : memref<128xf32, #tpu.memory_space<vmem>>, vector<16xf32>,
      %get3A_314 = arith.constant 96 : index
      %get3A_315 = tpu.vector_load %arg9[%get3A_314] {strides = array<i32>} : memref<128xi32, #tpu.memory_space<vmem>>, vector<16xi32>,
      %masked_sort3A_316 = arith.constant dense<true> : vector<16xi1>
      %masked_sort3A_317, %masked_sort3A_318, %masked_sort3A_319 = tpu.sort %get3A_313, %get3A_315 masked %masked_sort3A_316 {descending = true} : (vector<16xf32>, vector<16xi32>, vector<16xi1>) -> (vector<16xi1>, vector<16xf32>, vector<16xi32>)
      %get3A_320 = arith.constant 112 : index
      %get3A_321 = tpu.vector_load %arg8[%get3A_320] {strides = array<i32>} : memref<128xf32, #tpu.memory_space<vmem>>, vector<16xf32>,
      %get3A_322 = arith.constant 112 : index
      %get3A_323 = tpu.vector_load %arg9[%get3A_322] {strides = array<i32>} : memref<128xi32, #tpu.memory_space<vmem>>, vector<16xi32>,
      %masked_sort3A_324 = arith.constant dense<true> : vector<16xi1>
      %masked_sort3A_325, %masked_sort3A_326, %masked_sort3A_327 = tpu.sort %get3A_321, %get3A_323 masked %masked_sort3A_324 {descending = true} : (vector<16xf32>, vector<16xi32>, vector<16xi1>) -> (vector<16xi1>, vector<16xf32>, vector<16xi32>)
      %rev3A = arith.constant 15 : i32
      %rev3A_328 = vector.broadcast %rev3A : i32 to vector<16xi32>
      %rev3A_329 = tpu.iota {dimensions = array<i32: 0>} : vector<16xi32>
      %rev3A_330 = arith.subi %rev3A_328, %rev3A_329 : vector<16xi32>
      %rev3A_331 = tpu.dynamic_gather %masked_sort3A_278[%rev3A_330] in [0] : vector<16xf32>, vector<16xi32> -> vector<16xf32>
      %rev3A_332 = arith.constant 15 : i32
      %rev3A_333 = vector.broadcast %rev3A_332 : i32 to vector<16xi32>
      %rev3A_334 = tpu.iota {dimensions = array<i32: 0>} : vector<16xi32>
      %rev3A_335 = arith.subi %rev3A_333, %rev3A_334 : vector<16xi32>
      %rev3A_336 = tpu.dynamic_gather %masked_sort3A_279[%rev3A_335] in [0] : vector<16xi32>, vector<16xi32> -> vector<16xi32>
      %ge3A = arith.cmpf oge, %masked_sort3A_270, %rev3A_331 : vector<16xf32>
      %select_n3A = arith.select %ge3A, %masked_sort3A_270, %rev3A_331 : vector<16xi1>, vector<16xf32>
      %select_n3A_337 = arith.select %ge3A, %masked_sort3A_271, %rev3A_336 : vector<16xi1>, vector<16xi32>
      %select_n3A_338 = arith.select %ge3A, %rev3A_331, %masked_sort3A_270 : vector<16xi1>, vector<16xf32>
      %select_n3A_339 = arith.select %ge3A, %rev3A_336, %masked_sort3A_271 : vector<16xi1>, vector<16xi32>
      %masked_sort3A_340 = arith.constant dense<true> : vector<16xi1>
      %masked_sort3A_341, %masked_sort3A_342, %masked_sort3A_343 = tpu.sort %select_n3A, %select_n3A_337 masked %masked_sort3A_340 {descending = true} : (vector<16xf32>, vector<16xi32>, vector<16xi1>) -> (vector<16xi1>, vector<16xf32>, vector<16xi32>)
      %masked_sort3A_344 = arith.constant dense<true> : vector<16xi1>
      %masked_sort3A_345, %masked_sort3A_346, %masked_sort3A_347 = tpu.sort %select_n3A_338, %select_n3A_339 masked %masked_sort3A_344 {descending = true} : (vector<16xf32>, vector<16xi32>, vector<16xi1>) -> (vector<16xi1>, vector<16xf32>, vector<16xi32>)
      %rev3A_348 = arith.constant 15 : i32
      %rev3A_349 = vector.broadcast %rev3A_348 : i32 to vector<16xi32>
      %rev3A_350 = tpu.iota {dimensions = array<i32: 0>} : vector<16xi32>
      %rev3A_351 = arith.subi %rev3A_349, %rev3A_350 : vector<16xi32>
      %rev3A_352 = tpu.dynamic_gather %masked_sort3A_294[%rev3A_351] in [0] : vector<16xf32>, vector<16xi32> -> vector<16xf32>
      %rev3A_353 = arith.constant 15 : i32
      %rev3A_354 = vector.broadcast %rev3A_353 : i32 to vector<16xi32>
      %rev3A_355 = tpu.iota {dimensions = array<i32: 0>} : vector<16xi32>
      %rev3A_356 = arith.subi %rev3A_354, %rev3A_355 : vector<16xi32>
      %rev3A_357 = tpu.dynamic_gather %masked_sort3A_295[%rev3A_356] in [0] : vector<16xi32>, vector<16xi32> -> vector<16xi32>
      %ge3A_358 = arith.cmpf oge, %masked_sort3A_286, %rev3A_352 : vector<16xf32>
      %select_n3A_359 = arith.select %ge3A_358, %masked_sort3A_286, %rev3A_352 : vector<16xi1>, vector<16xf32>
      %select_n3A_360 = arith.select %ge3A_358, %masked_sort3A_287, %rev3A_357 : vector<16xi1>, vector<16xi32>
      %select_n3A_361 = arith.select %ge3A_358, %rev3A_352, %masked_sort3A_286 : vector<16xi1>, vector<16xf32>
      %select_n3A_362 = arith.select %ge3A_358, %rev3A_357, %masked_sort3A_287 : vector<16xi1>, vector<16xi32>
      %masked_sort3A_363 = arith.constant dense<true> : vector<16xi1>
      %masked_sort3A_364, %masked_sort3A_365, %masked_sort3A_366 = tpu.sort %select_n3A_359, %select_n3A_360 masked %masked_sort3A_363 {descending = true} : (vector<16xf32>, vector<16xi32>, vector<16xi1>) -> (vector<16xi1>, vector<16xf32>, vector<16xi32>)
      %masked_sort3A_367 = arith.constant dense<true> : vector<16xi1>
      %masked_sort3A_368, %masked_sort3A_369, %masked_sort3A_370 = tpu.sort %select_n3A_361, %select_n3A_362 masked %masked_sort3A_367 {descending = true} : (vector<16xf32>, vector<16xi32>, vector<16xi1>) -> (vector<16xi1>, vector<16xf32>, vector<16xi32>)
      %rev3A_371 = arith.constant 15 : i32
      %rev3A_372 = vector.broadcast %rev3A_371 : i32 to vector<16xi32>
      %rev3A_373 = tpu.iota {dimensions = array<i32: 0>} : vector<16xi32>
      %rev3A_374 = arith.subi %rev3A_372, %rev3A_373 : vector<16xi32>
      %rev3A_375 = tpu.dynamic_gather %masked_sort3A_310[%rev3A_374] in [0] : vector<16xf32>, vector<16xi32> -> vector<16xf32>
      %rev3A_376 = arith.constant 15 : i32
      %rev3A_377 = vector.broadcast %rev3A_376 : i32 to vector<16xi32>
      %rev3A_378 = tpu.iota {dimensions = array<i32: 0>} : vector<16xi32>
      %rev3A_379 = arith.subi %rev3A_377, %rev3A_378 : vector<16xi32>
      %rev3A_380 = tpu.dynamic_gather %masked_sort3A_311[%rev3A_379] in [0] : vector<16xi32>, vector<16xi32> -> vector<16xi32>
      %ge3A_381 = arith.cmpf oge, %masked_sort3A_302, %rev3A_375 : vector<16xf32>
      %select_n3A_382 = arith.select %ge3A_381, %masked_sort3A_302, %rev3A_375 : vector<16xi1>, vector<16xf32>
      %select_n3A_383 = arith.select %ge3A_381, %masked_sort3A_303, %rev3A_380 : vector<16xi1>, vector<16xi32>
      %select_n3A_384 = arith.select %ge3A_381, %rev3A_375, %masked_sort3A_302 : vector<16xi1>, vector<16xf32>
      %select_n3A_385 = arith.select %ge3A_381, %rev3A_380, %masked_sort3A_303 : vector<16xi1>, vector<16xi32>
      %masked_sort3A_386 = arith.constant dense<true> : vector<16xi1>
      %masked_sort3A_387, %masked_sort3A_388, %masked_sort3A_389 = tpu.sort %select_n3A_382, %select_n3A_383 masked %masked_sort3A_386 {descending = true} : (vector<16xf32>, vector<16xi32>, vector<16xi1>) -> (vector<16xi1>, vector<16xf32>, vector<16xi32>)
      %masked_sort3A_390 = arith.constant dense<true> : vector<16xi1>
      %masked_sort3A_391, %masked_sort3A_392, %masked_sort3A_393 = tpu.sort %select_n3A_384, %select_n3A_385 masked %masked_sort3A_390 {descending = true} : (vector<16xf32>, vector<16xi32>, vector<16xi1>) -> (vector<16xi1>, vector<16xf32>, vector<16xi32>)
      %rev3A_394 = arith.constant 15 : i32
      %rev3A_395 = vector.broadcast %rev3A_394 : i32 to vector<16xi32>
      %rev3A_396 = tpu.iota {dimensions = array<i32: 0>} : vector<16xi32>
      %rev3A_397 = arith.subi %rev3A_395, %rev3A_396 : vector<16xi32>
      %rev3A_398 = tpu.dynamic_gather %masked_sort3A_326[%rev3A_397] in [0] : vector<16xf32>, vector<16xi32> -> vector<16xf32>
      %rev3A_399 = arith.constant 15 : i32
      %rev3A_400 = vector.broadcast %rev3A_399 : i32 to vector<16xi32>
      %rev3A_401 = tpu.iota {dimensions = array<i32: 0>} : vector<16xi32>
      %rev3A_402 = arith.subi %rev3A_400, %rev3A_401 : vector<16xi32>
      %rev3A_403 = tpu.dynamic_gather %masked_sort3A_327[%rev3A_402] in [0] : vector<16xi32>, vector<16xi32> -> vector<16xi32>
      %ge3A_404 = arith.cmpf oge, %masked_sort3A_318, %rev3A_398 : vector<16xf32>
      %select_n3A_405 = arith.select %ge3A_404, %masked_sort3A_318, %rev3A_398 : vector<16xi1>, vector<16xf32>
      %select_n3A_406 = arith.select %ge3A_404, %masked_sort3A_319, %rev3A_403 : vector<16xi1>, vector<16xi32>
      %select_n3A_407 = arith.select %ge3A_404, %rev3A_398, %masked_sort3A_318 : vector<16xi1>, vector<16xf32>
      %select_n3A_408 = arith.select %ge3A_404, %rev3A_403, %masked_sort3A_319 : vector<16xi1>, vector<16xi32>
      %masked_sort3A_409 = arith.constant dense<true> : vector<16xi1>
      %masked_sort3A_410, %masked_sort3A_411, %masked_sort3A_412 = tpu.sort %select_n3A_405, %select_n3A_406 masked %masked_sort3A_409 {descending = true} : (vector<16xf32>, vector<16xi32>, vector<16xi1>) -> (vector<16xi1>, vector<16xf32>, vector<16xi32>)
      %masked_sort3A_413 = arith.constant dense<true> : vector<16xi1>
      %masked_sort3A_414, %masked_sort3A_415, %masked_sort3A_416 = tpu.sort %select_n3A_407, %select_n3A_408 masked %masked_sort3A_413 {descending = true} : (vector<16xf32>, vector<16xi32>, vector<16xi1>) -> (vector<16xi1>, vector<16xf32>, vector<16xi32>)
      %rev3A_417 = arith.constant 15 : i32
      %rev3A_418 = vector.broadcast %rev3A_417 : i32 to vector<16xi32>
      %rev3A_419 = tpu.iota {dimensions = array<i32: 0>} : vector<16xi32>
      %rev3A_420 = arith.subi %rev3A_418, %rev3A_419 : vector<16xi32>
      %rev3A_421 = tpu.dynamic_gather %masked_sort3A_369[%rev3A_420] in [0] : vector<16xf32>, vector<16xi32> -> vector<16xf32>
      %rev3A_422 = arith.constant 15 : i32
      %rev3A_423 = vector.broadcast %rev3A_422 : i32 to vector<16xi32>
      %rev3A_424 = tpu.iota {dimensions = array<i32: 0>} : vector<16xi32>
      %rev3A_425 = arith.subi %rev3A_423, %rev3A_424 : vector<16xi32>
      %rev3A_426 = tpu.dynamic_gather %masked_sort3A_370[%rev3A_425] in [0] : vector<16xi32>, vector<16xi32> -> vector<16xi32>
      %rev3A_427 = arith.constant 15 : i32
      %rev3A_428 = vector.broadcast %rev3A_427 : i32 to vector<16xi32>
      %rev3A_429 = tpu.iota {dimensions = array<i32: 0>} : vector<16xi32>
      %rev3A_430 = arith.subi %rev3A_428, %rev3A_429 : vector<16xi32>
      %rev3A_431 = tpu.dynamic_gather %masked_sort3A_365[%rev3A_430] in [0] : vector<16xf32>, vector<16xi32> -> vector<16xf32>
      %rev3A_432 = arith.constant 15 : i32
      %rev3A_433 = vector.broadcast %rev3A_432 : i32 to vector<16xi32>
      %rev3A_434 = tpu.iota {dimensions = array<i32: 0>} : vector<16xi32>
      %rev3A_435 = arith.subi %rev3A_433, %rev3A_434 : vector<16xi32>
      %rev3A_436 = tpu.dynamic_gather %masked_sort3A_366[%rev3A_435] in [0] : vector<16xi32>, vector<16xi32> -> vector<16xi32>
      %ge3A_437 = arith.cmpf oge, %masked_sort3A_342, %rev3A_421 : vector<16xf32>
      %select_n3A_438 = arith.select %ge3A_437, %masked_sort3A_342, %rev3A_421 : vector<16xi1>, vector<16xf32>
      %select_n3A_439 = arith.select %ge3A_437, %masked_sort3A_343, %rev3A_426 : vector<16xi1>, vector<16xi32>
      %ge3A_440 = arith.cmpf oge, %masked_sort3A_346, %rev3A_431 : vector<16xf32>
      %select_n3A_441 = arith.select %ge3A_440, %masked_sort3A_346, %rev3A_431 : vector<16xi1>, vector<16xf32>
      %select_n3A_442 = arith.select %ge3A_440, %masked_sort3A_347, %rev3A_436 : vector<16xi1>, vector<16xi32>
      %ge3A_443 = arith.cmpf oge, %select_n3A_438, %select_n3A_441 : vector<16xf32>
      %select_n3A_444 = arith.select %ge3A_443, %select_n3A_438, %select_n3A_441 : vector<16xi1>, vector<16xf32>
      %select_n3A_445 = arith.select %ge3A_443, %select_n3A_439, %select_n3A_442 : vector<16xi1>, vector<16xi32>
      %select_n3A_446 = arith.select %ge3A_443, %select_n3A_441, %select_n3A_438 : vector<16xi1>, vector<16xf32>
      %select_n3A_447 = arith.select %ge3A_443, %select_n3A_442, %select_n3A_439 : vector<16xi1>, vector<16xi32>
      %masked_sort3A_448 = arith.constant dense<true> : vector<16xi1>
      %masked_sort3A_449, %masked_sort3A_450, %masked_sort3A_451 = tpu.sort %select_n3A_444, %select_n3A_445 masked %masked_sort3A_448 {descending = true} : (vector<16xf32>, vector<16xi32>, vector<16xi1>) -> (vector<16xi1>, vector<16xf32>, vector<16xi32>)
      %masked_sort3A_452 = arith.constant dense<true> : vector<16xi1>
      %masked_sort3A_453, %masked_sort3A_454, %masked_sort3A_455 = tpu.sort %select_n3A_446, %select_n3A_447 masked %masked_sort3A_452 {descending = true} : (vector<16xf32>, vector<16xi32>, vector<16xi1>) -> (vector<16xi1>, vector<16xf32>, vector<16xi32>)
      %rev3A_456 = arith.constant 15 : i32
      %rev3A_457 = vector.broadcast %rev3A_456 : i32 to vector<16xi32>
      %rev3A_458 = tpu.iota {dimensions = array<i32: 0>} : vector<16xi32>
      %rev3A_459 = arith.subi %rev3A_457, %rev3A_458 : vector<16xi32>
      %rev3A_460 = tpu.dynamic_gather %masked_sort3A_415[%rev3A_459] in [0] : vector<16xf32>, vector<16xi32> -> vector<16xf32>
      %rev3A_461 = arith.constant 15 : i32
      %rev3A_462 = vector.broadcast %rev3A_461 : i32 to vector<16xi32>
      %rev3A_463 = tpu.iota {dimensions = array<i32: 0>} : vector<16xi32>
      %rev3A_464 = arith.subi %rev3A_462, %rev3A_463 : vector<16xi32>
      %rev3A_465 = tpu.dynamic_gather %masked_sort3A_416[%rev3A_464] in [0] : vector<16xi32>, vector<16xi32> -> vector<16xi32>
      %rev3A_466 = arith.constant 15 : i32
      %rev3A_467 = vector.broadcast %rev3A_466 : i32 to vector<16xi32>
      %rev3A_468 = tpu.iota {dimensions = array<i32: 0>} : vector<16xi32>
      %rev3A_469 = arith.subi %rev3A_467, %rev3A_468 : vector<16xi32>
      %rev3A_470 = tpu.dynamic_gather %masked_sort3A_411[%rev3A_469] in [0] : vector<16xf32>, vector<16xi32> -> vector<16xf32>
      %rev3A_471 = arith.constant 15 : i32
      %rev3A_472 = vector.broadcast %rev3A_471 : i32 to vector<16xi32>
      %rev3A_473 = tpu.iota {dimensions = array<i32: 0>} : vector<16xi32>
      %rev3A_474 = arith.subi %rev3A_472, %rev3A_473 : vector<16xi32>
      %rev3A_475 = tpu.dynamic_gather %masked_sort3A_412[%rev3A_474] in [0] : vector<16xi32>, vector<16xi32> -> vector<16xi32>
      %ge3A_476 = arith.cmpf oge, %masked_sort3A_388, %rev3A_460 : vector<16xf32>
      %select_n3A_477 = arith.select %ge3A_476, %masked_sort3A_388, %rev3A_460 : vector<16xi1>, vector<16xf32>
      %select_n3A_478 = arith.select %ge3A_476, %masked_sort3A_389, %rev3A_465 : vector<16xi1>, vector<16xi32>
      %ge3A_479 = arith.cmpf oge, %masked_sort3A_392, %rev3A_470 : vector<16xf32>
      %select_n3A_480 = arith.select %ge3A_479, %masked_sort3A_392, %rev3A_470 : vector<16xi1>, vector<16xf32>
      %select_n3A_481 = arith.select %ge3A_479, %masked_sort3A_393, %rev3A_475 : vector<16xi1>, vector<16xi32>
      %ge3A_482 = arith.cmpf oge, %select_n3A_477, %select_n3A_480 : vector<16xf32>
      %select_n3A_483 = arith.select %ge3A_482, %select_n3A_477, %select_n3A_480 : vector<16xi1>, vector<16xf32>
      %select_n3A_484 = arith.select %ge3A_482, %select_n3A_478, %select_n3A_481 : vector<16xi1>, vector<16xi32>
      %select_n3A_485 = arith.select %ge3A_482, %select_n3A_480, %select_n3A_477 : vector<16xi1>, vector<16xf32>
      %select_n3A_486 = arith.select %ge3A_482, %select_n3A_481, %select_n3A_478 : vector<16xi1>, vector<16xi32>
      %masked_sort3A_487 = arith.constant dense<true> : vector<16xi1>
      %masked_sort3A_488, %masked_sort3A_489, %masked_sort3A_490 = tpu.sort %select_n3A_483, %select_n3A_484 masked %masked_sort3A_487 {descending = true} : (vector<16xf32>, vector<16xi32>, vector<16xi1>) -> (vector<16xi1>, vector<16xf32>, vector<16xi32>)
      %masked_sort3A_491 = arith.constant dense<true> : vector<16xi1>
      %masked_sort3A_492, %masked_sort3A_493, %masked_sort3A_494 = tpu.sort %select_n3A_485, %select_n3A_486 masked %masked_sort3A_491 {descending = true} : (vector<16xf32>, vector<16xi32>, vector<16xi1>) -> (vector<16xi1>, vector<16xf32>, vector<16xi32>)
      %rev3A_495 = arith.constant 15 : i32
      %rev3A_496 = vector.broadcast %rev3A_495 : i32 to vector<16xi32>
      %rev3A_497 = tpu.iota {dimensions = array<i32: 0>} : vector<16xi32>
      %rev3A_498 = arith.subi %rev3A_496, %rev3A_497 : vector<16xi32>
      %rev3A_499 = tpu.dynamic_gather %masked_sort3A_493[%rev3A_498] in [0] : vector<16xf32>, vector<16xi32> -> vector<16xf32>
      %rev3A_500 = arith.constant 15 : i32
      %rev3A_501 = vector.broadcast %rev3A_500 : i32 to vector<16xi32>
      %rev3A_502 = tpu.iota {dimensions = array<i32: 0>} : vector<16xi32>
      %rev3A_503 = arith.subi %rev3A_501, %rev3A_502 : vector<16xi32>
      %rev3A_504 = tpu.dynamic_gather %masked_sort3A_494[%rev3A_503] in [0] : vector<16xi32>, vector<16xi32> -> vector<16xi32>
      %rev3A_505 = arith.constant 15 : i32
      %rev3A_506 = vector.broadcast %rev3A_505 : i32 to vector<16xi32>
      %rev3A_507 = tpu.iota {dimensions = array<i32: 0>} : vector<16xi32>
      %rev3A_508 = arith.subi %rev3A_506, %rev3A_507 : vector<16xi32>
      %rev3A_509 = tpu.dynamic_gather %masked_sort3A_489[%rev3A_508] in [0] : vector<16xf32>, vector<16xi32> -> vector<16xf32>
      %rev3A_510 = arith.constant 15 : i32
      %rev3A_511 = vector.broadcast %rev3A_510 : i32 to vector<16xi32>
      %rev3A_512 = tpu.iota {dimensions = array<i32: 0>} : vector<16xi32>
      %rev3A_513 = arith.subi %rev3A_511, %rev3A_512 : vector<16xi32>
      %rev3A_514 = tpu.dynamic_gather %masked_sort3A_490[%rev3A_513] in [0] : vector<16xi32>, vector<16xi32> -> vector<16xi32>
      %ge3A_515 = arith.cmpf oge, %masked_sort3A_450, %rev3A_499 : vector<16xf32>
      %select_n3A_516 = arith.select %ge3A_515, %masked_sort3A_450, %rev3A_499 : vector<16xi1>, vector<16xf32>
      %select_n3A_517 = arith.select %ge3A_515, %masked_sort3A_451, %rev3A_504 : vector<16xi1>, vector<16xi32>
      %ge3A_518 = arith.cmpf oge, %masked_sort3A_454, %rev3A_509 : vector<16xf32>
      %select_n3A_519 = arith.select %ge3A_518, %masked_sort3A_454, %rev3A_509 : vector<16xi1>, vector<16xf32>
      %select_n3A_520 = arith.select %ge3A_518, %masked_sort3A_455, %rev3A_514 : vector<16xi1>, vector<16xi32>
      %ge3A_521 = arith.cmpf oge, %select_n3A_516, %select_n3A_519 : vector<16xf32>
      %select_n3A_522 = arith.select %ge3A_521, %select_n3A_516, %select_n3A_519 : vector<16xi1>, vector<16xf32>
      %select_n3A_523 = arith.select %ge3A_521, %select_n3A_517, %select_n3A_520 : vector<16xi1>, vector<16xi32>
      %select_n3A_524 = arith.select %ge3A_521, %select_n3A_519, %select_n3A_516 : vector<16xi1>, vector<16xf32>
      %select_n3A_525 = arith.select %ge3A_521, %select_n3A_520, %select_n3A_517 : vector<16xi1>, vector<16xi32>
      %masked_sort3A_526 = arith.constant dense<true> : vector<16xi1>
      %masked_sort3A_527, %masked_sort3A_528, %masked_sort3A_529 = tpu.sort %select_n3A_522, %select_n3A_523 masked %masked_sort3A_526 {descending = true} : (vector<16xf32>, vector<16xi32>, vector<16xi1>) -> (vector<16xi1>, vector<16xf32>, vector<16xi32>)
      %masked_sort3A_530 = arith.constant dense<true> : vector<16xi1>
      %masked_sort3A_531, %masked_sort3A_532, %masked_sort3A_533 = tpu.sort %select_n3A_524, %select_n3A_525 masked %masked_sort3A_530 {descending = true} : (vector<16xf32>, vector<16xi32>, vector<16xi1>) -> (vector<16xi1>, vector<16xf32>, vector<16xi32>)
      %get3A_534 = arith.constant 0 : index
      %get3A_535 = tpu.vector_load %arg10[%get3A_534] {strides = array<i32>} : memref<32xf32, #tpu.memory_space<vmem>>, vector<16xf32>,
      %get3A_536 = arith.constant 0 : index
      %get3A_537 = tpu.vector_load %arg11[%get3A_536] {strides = array<i32>} : memref<32xi32, #tpu.memory_space<vmem>>, vector<16xi32>,
      %get3A_538 = arith.constant 16 : index
      %get3A_539 = tpu.vector_load %arg10[%get3A_538] {strides = array<i32>} : memref<32xf32, #tpu.memory_space<vmem>>, vector<16xf32>,
      %get3A_540 = arith.constant 16 : index
      %get3A_541 = tpu.vector_load %arg11[%get3A_540] {strides = array<i32>} : memref<32xi32, #tpu.memory_space<vmem>>, vector<16xi32>,
      %rev3A_542 = arith.constant 15 : i32
      %rev3A_543 = vector.broadcast %rev3A_542 : i32 to vector<16xi32>
      %rev3A_544 = tpu.iota {dimensions = array<i32: 0>} : vector<16xi32>
      %rev3A_545 = arith.subi %rev3A_543, %rev3A_544 : vector<16xi32>
      %rev3A_546 = tpu.dynamic_gather %masked_sort3A_532[%rev3A_545] in [0] : vector<16xf32>, vector<16xi32> -> vector<16xf32>
      %rev3A_547 = arith.constant 15 : i32
      %rev3A_548 = vector.broadcast %rev3A_547 : i32 to vector<16xi32>
      %rev3A_549 = tpu.iota {dimensions = array<i32: 0>} : vector<16xi32>
      %rev3A_550 = arith.subi %rev3A_548, %rev3A_549 : vector<16xi32>
      %rev3A_551 = tpu.dynamic_gather %masked_sort3A_533[%rev3A_550] in [0] : vector<16xi32>, vector<16xi32> -> vector<16xi32>
      %rev3A_552 = arith.constant 15 : i32
      %rev3A_553 = vector.broadcast %rev3A_552 : i32 to vector<16xi32>
      %rev3A_554 = tpu.iota {dimensions = array<i32: 0>} : vector<16xi32>
      %rev3A_555 = arith.subi %rev3A_553, %rev3A_554 : vector<16xi32>
      %rev3A_556 = tpu.dynamic_gather %masked_sort3A_528[%rev3A_555] in [0] : vector<16xf32>, vector<16xi32> -> vector<16xf32>
      %rev3A_557 = arith.constant 15 : i32
      %rev3A_558 = vector.broadcast %rev3A_557 : i32 to vector<16xi32>
      %rev3A_559 = tpu.iota {dimensions = array<i32: 0>} : vector<16xi32>
      %rev3A_560 = arith.subi %rev3A_558, %rev3A_559 : vector<16xi32>
      %rev3A_561 = tpu.dynamic_gather %masked_sort3A_529[%rev3A_560] in [0] : vector<16xi32>, vector<16xi32> -> vector<16xi32>
      %ge3A_562 = arith.cmpf oge, %get3A_535, %rev3A_546 : vector<16xf32>
      %select_n3A_563 = arith.select %ge3A_562, %get3A_535, %rev3A_546 : vector<16xi1>, vector<16xf32>
      %select_n3A_564 = arith.select %ge3A_562, %get3A_537, %rev3A_551 : vector<16xi1>, vector<16xi32>
      %ge3A_565 = arith.cmpf oge, %get3A_539, %rev3A_556 : vector<16xf32>
      %select_n3A_566 = arith.select %ge3A_565, %get3A_539, %rev3A_556 : vector<16xi1>, vector<16xf32>
      %select_n3A_567 = arith.select %ge3A_565, %get3A_541, %rev3A_561 : vector<16xi1>, vector<16xi32>
      %ge3A_568 = arith.cmpf oge, %select_n3A_563, %select_n3A_566 : vector<16xf32>
      %select_n3A_569 = arith.select %ge3A_568, %select_n3A_563, %select_n3A_566 : vector<16xi1>, vector<16xf32>
      %select_n3A_570 = arith.select %ge3A_568, %select_n3A_564, %select_n3A_567 : vector<16xi1>, vector<16xi32>
      %select_n3A_571 = arith.select %ge3A_568, %select_n3A_566, %select_n3A_563 : vector<16xi1>, vector<16xf32>
      %select_n3A_572 = arith.select %ge3A_568, %select_n3A_567, %select_n3A_564 : vector<16xi1>, vector<16xi32>
      %masked_sort3A_573 = arith.constant dense<true> : vector<16xi1>
      %masked_sort3A_574, %masked_sort3A_575, %masked_sort3A_576 = tpu.sort %select_n3A_569, %select_n3A_570 masked %masked_sort3A_573 {descending = true} : (vector<16xf32>, vector<16xi32>, vector<16xi1>) -> (vector<16xi1>, vector<16xf32>, vector<16xi32>)
      %masked_sort3A_577 = arith.constant dense<true> : vector<16xi1>
      %masked_sort3A_578, %masked_sort3A_579, %masked_sort3A_580 = tpu.sort %select_n3A_571, %select_n3A_572 masked %masked_sort3A_577 {descending = true} : (vector<16xf32>, vector<16xi32>, vector<16xi1>) -> (vector<16xi1>, vector<16xf32>, vector<16xi32>)
      %swap3A_581 = arith.constant 0 : index
      %swap3A_582 = tpu.vector_load %arg10[%swap3A_581] {strides = array<i32>} : memref<32xf32, #tpu.memory_space<vmem>>, vector<16xf32>,
      tpu.vector_store %arg10[%swap3A_581], %masked_sort3A_575 {strides = array<i32>} : memref<32xf32, #tpu.memory_space<vmem>>, vector<16xf32>,
      %swap3A_583 = arith.constant 0 : index
      %swap3A_584 = tpu.vector_load %arg11[%swap3A_583] {strides = array<i32>} : memref<32xi32, #tpu.memory_space<vmem>>, vector<16xi32>,
      tpu.vector_store %arg11[%swap3A_583], %masked_sort3A_576 {strides = array<i32>} : memref<32xi32, #tpu.memory_space<vmem>>, vector<16xi32>,
      %swap3A_585 = arith.constant 16 : index
      %swap3A_586 = tpu.vector_load %arg10[%swap3A_585] {strides = array<i32>} : memref<32xf32, #tpu.memory_space<vmem>>, vector<16xf32>,
      tpu.vector_store %arg10[%swap3A_585], %masked_sort3A_579 {strides = array<i32>} : memref<32xf32, #tpu.memory_space<vmem>>, vector<16xf32>,
      %swap3A_587 = arith.constant 16 : index
      %swap3A_588 = tpu.vector_load %arg11[%swap3A_587] {strides = array<i32>} : memref<32xi32, #tpu.memory_space<vmem>>, vector<16xi32>,
      tpu.vector_store %arg11[%swap3A_587], %masked_sort3A_580 {strides = array<i32>} : memref<32xi32, #tpu.memory_space<vmem>>, vector<16xi32>,
      %swap3A_589 = arith.constant 0 : index
      %swap3A_590 = tpu.vector_load %arg8[%swap3A_589] {strides = array<i32>} : memref<128xf32, #tpu.memory_space<vmem>>, vector<16xf32>,
      tpu.vector_store %arg8[%swap3A_589], %broadcast_in_dim3A_1 {strides = array<i32>} : memref<128xf32, #tpu.memory_space<vmem>>, vector<16xf32>,
      %swap3A_591 = arith.constant 16 : index
      %swap3A_592 = tpu.vector_load %arg8[%swap3A_591] {strides = array<i32>} : memref<128xf32, #tpu.memory_space<vmem>>, vector<16xf32>,
      tpu.vector_store %arg8[%swap3A_591], %broadcast_in_dim3A_1 {strides = array<i32>} : memref<128xf32, #tpu.memory_space<vmem>>, vector<16xf32>,
      %swap3A_593 = arith.constant 32 : index
      %swap3A_594 = tpu.vector_load %arg8[%swap3A_593] {strides = array<i32>} : memref<128xf32, #tpu.memory_space<vmem>>, vector<16xf32>,
      tpu.vector_store %arg8[%swap3A_593], %broadcast_in_dim3A_1 {strides = array<i32>} : memref<128xf32, #tpu.memory_space<vmem>>, vector<16xf32>,
      %swap3A_595 = arith.constant 48 : index
      %swap3A_596 = tpu.vector_load %arg8[%swap3A_595] {strides = array<i32>} : memref<128xf32, #tpu.memory_space<vmem>>, vector<16xf32>,
      tpu.vector_store %arg8[%swap3A_595], %broadcast_in_dim3A_1 {strides = array<i32>} : memref<128xf32, #tpu.memory_space<vmem>>, vector<16xf32>,
      %swap3A_597 = arith.constant 64 : index
      %swap3A_598 = tpu.vector_load %arg8[%swap3A_597] {strides = array<i32>} : memref<128xf32, #tpu.memory_space<vmem>>, vector<16xf32>,
      tpu.vector_store %arg8[%swap3A_597], %broadcast_in_dim3A_1 {strides = array<i32>} : memref<128xf32, #tpu.memory_space<vmem>>, vector<16xf32>,
      %swap3A_599 = arith.constant 80 : index
      %swap3A_600 = tpu.vector_load %arg8[%swap3A_599] {strides = array<i32>} : memref<128xf32, #tpu.memory_space<vmem>>, vector<16xf32>,
      tpu.vector_store %arg8[%swap3A_599], %broadcast_in_dim3A_1 {strides = array<i32>} : memref<128xf32, #tpu.memory_space<vmem>>, vector<16xf32>,
      %swap3A_601 = arith.constant 96 : index
      %swap3A_602 = tpu.vector_load %arg8[%swap3A_601] {strides = array<i32>} : memref<128xf32, #tpu.memory_space<vmem>>, vector<16xf32>,
      tpu.vector_store %arg8[%swap3A_601], %broadcast_in_dim3A_1 {strides = array<i32>} : memref<128xf32, #tpu.memory_space<vmem>>, vector<16xf32>,
      %swap3A_603 = arith.constant 112 : index
      %swap3A_604 = tpu.vector_load %arg8[%swap3A_603] {strides = array<i32>} : memref<128xf32, #tpu.memory_space<vmem>>, vector<16xf32>,
      tpu.vector_store %arg8[%swap3A_603], %broadcast_in_dim3A_1 {strides = array<i32>} : memref<128xf32, #tpu.memory_space<vmem>>, vector<16xf32>,
      %reduce_min3A = arith.constant true
      %reduce_min3A_605 = vector.broadcast %reduce_min3A : i1 to vector<16xi1>
      %reduce_min3A_606 = tpu.scan <min>, %masked_sort3A_579 masked %reduce_min3A_605 : vector<16xf32>, vector<16xi1> -> vector<16xf32>
      %reduce_min3A_607 = vector.extract %reduce_min3A_606[15] : f32 from vector<16xf32>
      %mul3A_608 = arith.constant 32 : i32
      %mul3A_609 = arith.muli %add3A, %mul3A_608 : i32
      "tpu.region"() ({
        %run_scoped3A = tpu.sem_alloc : memref<!tpu.dma_semaphore, #tpu.memory_space<semaphore_mem>>
        %dma_start3A_612 = tpu.memref_slice %arg4[%mul3A_609] : memref<1024xf32, #tpu.memory_space<hbm>> -> memref<32xf32, #tpu.memory_space<hbm>>
        %dma_start3A_613 = tpu.memref_slice %arg4[%mul3A_609] : memref<1024xf32, #tpu.memory_space<hbm>> -> memref<32xf32, #tpu.memory_space<hbm>>
        tpu.enqueue_dma source(%arg10 : memref<32xf32, #tpu.memory_space<vmem>>) target(%dma_start3A_613 : memref<32xf32, #tpu.memory_space<hbm>>) target_semaphore(%run_scoped3A : memref<!tpu.dma_semaphore, #tpu.memory_space<semaphore_mem>>)
        %dma_wait3A_614 = tpu.memref_slice %arg4[%mul3A_609] : memref<1024xf32, #tpu.memory_space<hbm>> -> memref<32xf32, #tpu.memory_space<hbm>>
        %dma_wait3A_615 = tpu.memref_slice %arg4[%mul3A_609] : memref<1024xf32, #tpu.memory_space<hbm>> -> memref<32xf32, #tpu.memory_space<hbm>>
        tpu.wait_dma2 semaphore(%run_scoped3A : memref<!tpu.dma_semaphore, #tpu.memory_space<semaphore_mem>>) src(%arg10 : memref<32xf32, #tpu.memory_space<vmem>>) dst(%dma_wait3A_615 : memref<32xf32, #tpu.memory_space<hbm>>)
        tpu.yield
      }) : () -> ()
      %mul3A_610 = arith.constant 32 : i32
      %mul3A_611 = arith.muli %add3A, %mul3A_610 : i32
      "tpu.region"() ({
        %run_scoped3A = tpu.sem_alloc : memref<!tpu.dma_semaphore, #tpu.memory_space<semaphore_mem>>
        %dma_start3A_612 = tpu.memref_slice %arg5[%mul3A_611] : memref<1024xi32, #tpu.memory_space<hbm>> -> memref<32xi32, #tpu.memory_space<hbm>>
        %dma_start3A_613 = tpu.memref_slice %arg5[%mul3A_611] : memref<1024xi32, #tpu.memory_space<hbm>> -> memref<32xi32, #tpu.memory_space<hbm>>
        tpu.enqueue_dma source(%arg11 : memref<32xi32, #tpu.memory_space<vmem>>) target(%dma_start3A_613 : memref<32xi32, #tpu.memory_space<hbm>>) target_semaphore(%run_scoped3A : memref<!tpu.dma_semaphore, #tpu.memory_space<semaphore_mem>>)
        %dma_wait3A_614 = tpu.memref_slice %arg5[%mul3A_611] : memref<1024xi32, #tpu.memory_space<hbm>> -> memref<32xi32, #tpu.memory_space<hbm>>
        %dma_wait3A_615 = tpu.memref_slice %arg5[%mul3A_611] : memref<1024xi32, #tpu.memory_space<hbm>> -> memref<32xi32, #tpu.memory_space<hbm>>
        tpu.wait_dma2 semaphore(%run_scoped3A : memref<!tpu.dma_semaphore, #tpu.memory_space<semaphore_mem>>) src(%arg11 : memref<32xi32, #tpu.memory_space<vmem>>) dst(%dma_wait3A_615 : memref<32xi32, #tpu.memory_space<hbm>>)
        tpu.yield
      }) : () -> ()
    } else {
    }
    %ne3A = arith.constant 0 : i32
    %ne3A_29 = arith.cmpi ne, %arg0, %ne3A : i32
    %convert_element_type3A_30 = arith.extui %ne3A_29 : i1 to i32
    %cond3A_31 = arith.constant 0 : i32
    %cond3A_32 = arith.cmpi ne, %convert_element_type3A_30, %cond3A_31 : i32
    scf.if %cond3A_32 {
      %eq3A_33 = arith.constant 15 : i32
      %eq3A_34 = arith.cmpi eq, %arg1, %eq3A_33 : i32
      %jit3A = arith.constant 226 : i32
      %jit3A_35 = arith.constant 248 : i32
      %select_n3A = arith.select %eq3A_34, %jit3A, %jit3A_35 : i32
      %mul3A_36 = arith.constant 31 : i32
      %mul3A_37 = arith.muli %arg1, %mul3A_36 : i32
      %add3A_38 = arith.constant 288 : i32
      %add3A_39 = arith.addi %add3A_38, %mul3A_37 : i32
      %mul3A_40 = arith.constant 3968 : i32
      %mul3A_41 = arith.muli %arg1, %mul3A_40 : i32
      %add3A_42 = arith.constant 36864 : i32
      %add3A_43 = arith.addi %add3A_42, %mul3A_41 : i32
      %mul3A_44 = arith.constant 128 : i32
      %mul3A_45 = arith.muli %add3A_39, %mul3A_44 : i32
      "tpu.region"() ({
        %run_scoped3A = tpu.sem_alloc : memref<!tpu.dma_semaphore, #tpu.memory_space<semaphore_mem>>
        %dma_start3A_775 = arith.constant 0 : i32
        %dma_start3A_776 = tpu.memref_slice %arg6[%dma_start3A_775] : memref<3968xi32, #tpu.memory_space<vmem>> -> memref<3968xi32, #tpu.memory_space<vmem>>
        %dma_start3A_777 = tpu.memref_slice %arg3[%mul3A_45] : memref<100352xi32, #tpu.memory_space<hbm>> -> memref<3968xi32, #tpu.memory_space<hbm>>
        %dma_start3A_778 = arith.constant 0 : i32
        %dma_start3A_779 = tpu.memref_slice %arg6[%dma_start3A_778] : memref<3968xi32, #tpu.memory_space<vmem>> -> memref<3968xi32, #tpu.memory_space<vmem>>
        %dma_start3A_780 = tpu.memref_slice %arg3[%mul3A_45] : memref<100352xi32, #tpu.memory_space<hbm>> -> memref<3968xi32, #tpu.memory_space<hbm>>
        tpu.enqueue_dma source(%dma_start3A_780 : memref<3968xi32, #tpu.memory_space<hbm>>) target(%dma_start3A_779 : memref<3968xi32, #tpu.memory_space<vmem>>) target_semaphore(%run_scoped3A : memref<!tpu.dma_semaphore, #tpu.memory_space<semaphore_mem>>)
        %dma_wait3A_781 = arith.constant 0 : i32
        %dma_wait3A_782 = tpu.memref_slice %arg6[%dma_wait3A_781] : memref<3968xi32, #tpu.memory_space<vmem>> -> memref<3968xi32, #tpu.memory_space<vmem>>
        %dma_wait3A_783 = tpu.memref_slice %arg3[%mul3A_45] : memref<100352xi32, #tpu.memory_space<hbm>> -> memref<3968xi32, #tpu.memory_space<hbm>>
        %dma_wait3A_784 = arith.constant 0 : i32
        %dma_wait3A_785 = tpu.memref_slice %arg6[%dma_wait3A_784] : memref<3968xi32, #tpu.memory_space<vmem>> -> memref<3968xi32, #tpu.memory_space<vmem>>
        %dma_wait3A_786 = tpu.memref_slice %arg3[%mul3A_45] : memref<100352xi32, #tpu.memory_space<hbm>> -> memref<3968xi32, #tpu.memory_space<hbm>>
        tpu.wait_dma2 semaphore(%run_scoped3A : memref<!tpu.dma_semaphore, #tpu.memory_space<semaphore_mem>>) src(%dma_wait3A_786 : memref<3968xi32, #tpu.memory_space<hbm>>) dst(%dma_wait3A_785 : memref<3968xi32, #tpu.memory_space<vmem>>)
        tpu.yield
      }) : () -> ()
      %dma_start3A = arith.constant 0 : i32
      %dma_start3A_46 = tpu.memref_slice %arg7[%dma_start3A] : memref<3968xf32, #tpu.memory_space<vmem>> -> memref<128xf32, #tpu.memory_space<vmem>>
      %dma_start3A_47 = arith.constant 0 : i32
      %dma_start3A_48 = tpu.memref_slice %arg6[%dma_start3A_47] : memref<3968xi32, #tpu.memory_space<vmem>> -> memref<128xi32, #tpu.memory_space<vmem>>
      %dma_start3A_49 = arith.constant 0 : i32
      %dma_start3A_50 = tpu.memref_slice %arg2[%dma_start3A_49] : memref<12800000xf32, #tpu.memory_space<hbm>> -> memref<12800000xf32, #tpu.memory_space<hbm>>
      tpu.enqueue_indirect_dma source(%dma_start3A_50 : memref<12800000xf32, #tpu.memory_space<hbm>>) target(%dma_start3A_46 : memref<128xf32, #tpu.memory_space<vmem>>) offsets(%dma_start3A_48 : memref<128xi32, #tpu.memory_space<vmem>>) semaphore(%arg12 : memref<!tpu.dma_semaphore, #tpu.memory_space<semaphore_mem>>)
      %dma_start3A_51 = arith.constant 128 : i32
      %dma_start3A_52 = tpu.memref_slice %arg7[%dma_start3A_51] : memref<3968xf32, #tpu.memory_space<vmem>> -> memref<128xf32, #tpu.memory_space<vmem>>
      %dma_start3A_53 = arith.constant 128 : i32
      %dma_start3A_54 = tpu.memref_slice %arg6[%dma_start3A_53] : memref<3968xi32, #tpu.memory_space<vmem>> -> memref<128xi32, #tpu.memory_space<vmem>>
      %dma_start3A_55 = arith.constant 0 : i32
      %dma_start3A_56 = tpu.memref_slice %arg2[%dma_start3A_55] : memref<12800000xf32, #tpu.memory_space<hbm>> -> memref<12800000xf32, #tpu.memory_space<hbm>>
      tpu.enqueue_indirect_dma source(%dma_start3A_56 : memref<12800000xf32, #tpu.memory_space<hbm>>) target(%dma_start3A_52 : memref<128xf32, #tpu.memory_space<vmem>>) offsets(%dma_start3A_54 : memref<128xi32, #tpu.memory_space<vmem>>) semaphore(%arg12 : memref<!tpu.dma_semaphore, #tpu.memory_space<semaphore_mem>>)
      %dma_start3A_57 = arith.constant 256 : i32
      %dma_start3A_58 = tpu.memref_slice %arg7[%dma_start3A_57] : memref<3968xf32, #tpu.memory_space<vmem>> -> memref<128xf32, #tpu.memory_space<vmem>>
      %dma_start3A_59 = arith.constant 256 : i32
      %dma_start3A_60 = tpu.memref_slice %arg6[%dma_start3A_59] : memref<3968xi32, #tpu.memory_space<vmem>> -> memref<128xi32, #tpu.memory_space<vmem>>
      %dma_start3A_61 = arith.constant 0 : i32
      %dma_start3A_62 = tpu.memref_slice %arg2[%dma_start3A_61] : memref<12800000xf32, #tpu.memory_space<hbm>> -> memref<12800000xf32, #tpu.memory_space<hbm>>
      tpu.enqueue_indirect_dma source(%dma_start3A_62 : memref<12800000xf32, #tpu.memory_space<hbm>>) target(%dma_start3A_58 : memref<128xf32, #tpu.memory_space<vmem>>) offsets(%dma_start3A_60 : memref<128xi32, #tpu.memory_space<vmem>>) semaphore(%arg12 : memref<!tpu.dma_semaphore, #tpu.memory_space<semaphore_mem>>)
      %dma_start3A_63 = arith.constant 384 : i32
      %dma_start3A_64 = tpu.memref_slice %arg7[%dma_start3A_63] : memref<3968xf32, #tpu.memory_space<vmem>> -> memref<128xf32, #tpu.memory_space<vmem>>
      %dma_start3A_65 = arith.constant 384 : i32
      %dma_start3A_66 = tpu.memref_slice %arg6[%dma_start3A_65] : memref<3968xi32, #tpu.memory_space<vmem>> -> memref<128xi32, #tpu.memory_space<vmem>>
      %dma_start3A_67 = arith.constant 0 : i32
      %dma_start3A_68 = tpu.memref_slice %arg2[%dma_start3A_67] : memref<12800000xf32, #tpu.memory_space<hbm>> -> memref<12800000xf32, #tpu.memory_space<hbm>>
      tpu.enqueue_indirect_dma source(%dma_start3A_68 : memref<12800000xf32, #tpu.memory_space<hbm>>) target(%dma_start3A_64 : memref<128xf32, #tpu.memory_space<vmem>>) offsets(%dma_start3A_66 : memref<128xi32, #tpu.memory_space<vmem>>) semaphore(%arg12 : memref<!tpu.dma_semaphore, #tpu.memory_space<semaphore_mem>>)
      %dma_start3A_69 = arith.constant 512 : i32
      %dma_start3A_70 = tpu.memref_slice %arg7[%dma_start3A_69] : memref<3968xf32, #tpu.memory_space<vmem>> -> memref<128xf32, #tpu.memory_space<vmem>>
      %dma_start3A_71 = arith.constant 512 : i32
      %dma_start3A_72 = tpu.memref_slice %arg6[%dma_start3A_71] : memref<3968xi32, #tpu.memory_space<vmem>> -> memref<128xi32, #tpu.memory_space<vmem>>
      %dma_start3A_73 = arith.constant 0 : i32
      %dma_start3A_74 = tpu.memref_slice %arg2[%dma_start3A_73] : memref<12800000xf32, #tpu.memory_space<hbm>> -> memref<12800000xf32, #tpu.memory_space<hbm>>
      tpu.enqueue_indirect_dma source(%dma_start3A_74 : memref<12800000xf32, #tpu.memory_space<hbm>>) target(%dma_start3A_70 : memref<128xf32, #tpu.memory_space<vmem>>) offsets(%dma_start3A_72 : memref<128xi32, #tpu.memory_space<vmem>>) semaphore(%arg12 : memref<!tpu.dma_semaphore, #tpu.memory_space<semaphore_mem>>)
      %dma_start3A_75 = arith.constant 640 : i32
      %dma_start3A_76 = tpu.memref_slice %arg7[%dma_start3A_75] : memref<3968xf32, #tpu.memory_space<vmem>> -> memref<128xf32, #tpu.memory_space<vmem>>
      %dma_start3A_77 = arith.constant 640 : i32
      %dma_start3A_78 = tpu.memref_slice %arg6[%dma_start3A_77] : memref<3968xi32, #tpu.memory_space<vmem>> -> memref<128xi32, #tpu.memory_space<vmem>>
      %dma_start3A_79 = arith.constant 0 : i32
      %dma_start3A_80 = tpu.memref_slice %arg2[%dma_start3A_79] : memref<12800000xf32, #tpu.memory_space<hbm>> -> memref<12800000xf32, #tpu.memory_space<hbm>>
      tpu.enqueue_indirect_dma source(%dma_start3A_80 : memref<12800000xf32, #tpu.memory_space<hbm>>) target(%dma_start3A_76 : memref<128xf32, #tpu.memory_space<vmem>>) offsets(%dma_start3A_78 : memref<128xi32, #tpu.memory_space<vmem>>) semaphore(%arg12 : memref<!tpu.dma_semaphore, #tpu.memory_space<semaphore_mem>>)
      %dma_start3A_81 = arith.constant 768 : i32
      %dma_start3A_82 = tpu.memref_slice %arg7[%dma_start3A_81] : memref<3968xf32, #tpu.memory_space<vmem>> -> memref<128xf32, #tpu.memory_space<vmem>>
      %dma_start3A_83 = arith.constant 768 : i32
      %dma_start3A_84 = tpu.memref_slice %arg6[%dma_start3A_83] : memref<3968xi32, #tpu.memory_space<vmem>> -> memref<128xi32, #tpu.memory_space<vmem>>
      %dma_start3A_85 = arith.constant 0 : i32
      %dma_start3A_86 = tpu.memref_slice %arg2[%dma_start3A_85] : memref<12800000xf32, #tpu.memory_space<hbm>> -> memref<12800000xf32, #tpu.memory_space<hbm>>
      tpu.enqueue_indirect_dma source(%dma_start3A_86 : memref<12800000xf32, #tpu.memory_space<hbm>>) target(%dma_start3A_82 : memref<128xf32, #tpu.memory_space<vmem>>) offsets(%dma_start3A_84 : memref<128xi32, #tpu.memory_space<vmem>>) semaphore(%arg12 : memref<!tpu.dma_semaphore, #tpu.memory_space<semaphore_mem>>)
      %dma_start3A_87 = arith.constant 896 : i32
      %dma_start3A_88 = tpu.memref_slice %arg7[%dma_start3A_87] : memref<3968xf32, #tpu.memory_space<vmem>> -> memref<128xf32, #tpu.memory_space<vmem>>
      %dma_start3A_89 = arith.constant 896 : i32
      %dma_start3A_90 = tpu.memref_slice %arg6[%dma_start3A_89] : memref<3968xi32, #tpu.memory_space<vmem>> -> memref<128xi32, #tpu.memory_space<vmem>>
      %dma_start3A_91 = arith.constant 0 : i32
      %dma_start3A_92 = tpu.memref_slice %arg2[%dma_start3A_91] : memref<12800000xf32, #tpu.memory_space<hbm>> -> memref<12800000xf32, #tpu.memory_space<hbm>>
      tpu.enqueue_indirect_dma source(%dma_start3A_92 : memref<12800000xf32, #tpu.memory_space<hbm>>) target(%dma_start3A_88 : memref<128xf32, #tpu.memory_space<vmem>>) offsets(%dma_start3A_90 : memref<128xi32, #tpu.memory_space<vmem>>) semaphore(%arg12 : memref<!tpu.dma_semaphore, #tpu.memory_space<semaphore_mem>>)
      %dma_start3A_93 = arith.constant 1024 : i32
      %dma_start3A_94 = tpu.memref_slice %arg7[%dma_start3A_93] : memref<3968xf32, #tpu.memory_space<vmem>> -> memref<128xf32, #tpu.memory_space<vmem>>
      %dma_start3A_95 = arith.constant 1024 : i32
      %dma_start3A_96 = tpu.memref_slice %arg6[%dma_start3A_95] : memref<3968xi32, #tpu.memory_space<vmem>> -> memref<128xi32, #tpu.memory_space<vmem>>
      %dma_start3A_97 = arith.constant 0 : i32
      %dma_start3A_98 = tpu.memref_slice %arg2[%dma_start3A_97] : memref<12800000xf32, #tpu.memory_space<hbm>> -> memref<12800000xf32, #tpu.memory_space<hbm>>
      tpu.enqueue_indirect_dma source(%dma_start3A_98 : memref<12800000xf32, #tpu.memory_space<hbm>>) target(%dma_start3A_94 : memref<128xf32, #tpu.memory_space<vmem>>) offsets(%dma_start3A_96 : memref<128xi32, #tpu.memory_space<vmem>>) semaphore(%arg12 : memref<!tpu.dma_semaphore, #tpu.memory_space<semaphore_mem>>)
      %dma_start3A_99 = arith.constant 1152 : i32
      %dma_start3A_100 = tpu.memref_slice %arg7[%dma_start3A_99] : memref<3968xf32, #tpu.memory_space<vmem>> -> memref<128xf32, #tpu.memory_space<vmem>>
      %dma_start3A_101 = arith.constant 1152 : i32
      %dma_start3A_102 = tpu.memref_slice %arg6[%dma_start3A_101] : memref<3968xi32, #tpu.memory_space<vmem>> -> memref<128xi32, #tpu.memory_space<vmem>>
      %dma_start3A_103 = arith.constant 0 : i32
      %dma_start3A_104 = tpu.memref_slice %arg2[%dma_start3A_103] : memref<12800000xf32, #tpu.memory_space<hbm>> -> memref<12800000xf32, #tpu.memory_space<hbm>>
      tpu.enqueue_indirect_dma source(%dma_start3A_104 : memref<12800000xf32, #tpu.memory_space<hbm>>) target(%dma_start3A_100 : memref<128xf32, #tpu.memory_space<vmem>>) offsets(%dma_start3A_102 : memref<128xi32, #tpu.memory_space<vmem>>) semaphore(%arg12 : memref<!tpu.dma_semaphore, #tpu.memory_space<semaphore_mem>>)
      %dma_start3A_105 = arith.constant 1280 : i32
      %dma_start3A_106 = tpu.memref_slice %arg7[%dma_start3A_105] : memref<3968xf32, #tpu.memory_space<vmem>> -> memref<128xf32, #tpu.memory_space<vmem>>
      %dma_start3A_107 = arith.constant 1280 : i32
      %dma_start3A_108 = tpu.memref_slice %arg6[%dma_start3A_107] : memref<3968xi32, #tpu.memory_space<vmem>> -> memref<128xi32, #tpu.memory_space<vmem>>
      %dma_start3A_109 = arith.constant 0 : i32
      %dma_start3A_110 = tpu.memref_slice %arg2[%dma_start3A_109] : memref<12800000xf32, #tpu.memory_space<hbm>> -> memref<12800000xf32, #tpu.memory_space<hbm>>
      tpu.enqueue_indirect_dma source(%dma_start3A_110 : memref<12800000xf32, #tpu.memory_space<hbm>>) target(%dma_start3A_106 : memref<128xf32, #tpu.memory_space<vmem>>) offsets(%dma_start3A_108 : memref<128xi32, #tpu.memory_space<vmem>>) semaphore(%arg12 : memref<!tpu.dma_semaphore, #tpu.memory_space<semaphore_mem>>)
      %dma_start3A_111 = arith.constant 1408 : i32
      %dma_start3A_112 = tpu.memref_slice %arg7[%dma_start3A_111] : memref<3968xf32, #tpu.memory_space<vmem>> -> memref<128xf32, #tpu.memory_space<vmem>>
      %dma_start3A_113 = arith.constant 1408 : i32
      %dma_start3A_114 = tpu.memref_slice %arg6[%dma_start3A_113] : memref<3968xi32, #tpu.memory_space<vmem>> -> memref<128xi32, #tpu.memory_space<vmem>>
      %dma_start3A_115 = arith.constant 0 : i32
      %dma_start3A_116 = tpu.memref_slice %arg2[%dma_start3A_115] : memref<12800000xf32, #tpu.memory_space<hbm>> -> memref<12800000xf32, #tpu.memory_space<hbm>>
      tpu.enqueue_indirect_dma source(%dma_start3A_116 : memref<12800000xf32, #tpu.memory_space<hbm>>) target(%dma_start3A_112 : memref<128xf32, #tpu.memory_space<vmem>>) offsets(%dma_start3A_114 : memref<128xi32, #tpu.memory_space<vmem>>) semaphore(%arg12 : memref<!tpu.dma_semaphore, #tpu.memory_space<semaphore_mem>>)
      %dma_start3A_117 = arith.constant 1536 : i32
      %dma_start3A_118 = tpu.memref_slice %arg7[%dma_start3A_117] : memref<3968xf32, #tpu.memory_space<vmem>> -> memref<128xf32, #tpu.memory_space<vmem>>
      %dma_start3A_119 = arith.constant 1536 : i32
      %dma_start3A_120 = tpu.memref_slice %arg6[%dma_start3A_119] : memref<3968xi32, #tpu.memory_space<vmem>> -> memref<128xi32, #tpu.memory_space<vmem>>
      %dma_start3A_121 = arith.constant 0 : i32
      %dma_start3A_122 = tpu.memref_slice %arg2[%dma_start3A_121] : memref<12800000xf32, #tpu.memory_space<hbm>> -> memref<12800000xf32, #tpu.memory_space<hbm>>
      tpu.enqueue_indirect_dma source(%dma_start3A_122 : memref<12800000xf32, #tpu.memory_space<hbm>>) target(%dma_start3A_118 : memref<128xf32, #tpu.memory_space<vmem>>) offsets(%dma_start3A_120 : memref<128xi32, #tpu.memory_space<vmem>>) semaphore(%arg12 : memref<!tpu.dma_semaphore, #tpu.memory_space<semaphore_mem>>)
      %dma_start3A_123 = arith.constant 1664 : i32
      %dma_start3A_124 = tpu.memref_slice %arg7[%dma_start3A_123] : memref<3968xf32, #tpu.memory_space<vmem>> -> memref<128xf32, #tpu.memory_space<vmem>>
      %dma_start3A_125 = arith.constant 1664 : i32
      %dma_start3A_126 = tpu.memref_slice %arg6[%dma_start3A_125] : memref<3968xi32, #tpu.memory_space<vmem>> -> memref<128xi32, #tpu.memory_space<vmem>>
      %dma_start3A_127 = arith.constant 0 : i32
      %dma_start3A_128 = tpu.memref_slice %arg2[%dma_start3A_127] : memref<12800000xf32, #tpu.memory_space<hbm>> -> memref<12800000xf32, #tpu.memory_space<hbm>>
      tpu.enqueue_indirect_dma source(%dma_start3A_128 : memref<12800000xf32, #tpu.memory_space<hbm>>) target(%dma_start3A_124 : memref<128xf32, #tpu.memory_space<vmem>>) offsets(%dma_start3A_126 : memref<128xi32, #tpu.memory_space<vmem>>) semaphore(%arg12 : memref<!tpu.dma_semaphore, #tpu.memory_space<semaphore_mem>>)
      %dma_start3A_129 = arith.constant 1792 : i32
      %dma_start3A_130 = tpu.memref_slice %arg7[%dma_start3A_129] : memref<3968xf32, #tpu.memory_space<vmem>> -> memref<128xf32, #tpu.memory_space<vmem>>
      %dma_start3A_131 = arith.constant 1792 : i32
      %dma_start3A_132 = tpu.memref_slice %arg6[%dma_start3A_131] : memref<3968xi32, #tpu.memory_space<vmem>> -> memref<128xi32, #tpu.memory_space<vmem>>
      %dma_start3A_133 = arith.constant 0 : i32
      %dma_start3A_134 = tpu.memref_slice %arg2[%dma_start3A_133] : memref<12800000xf32, #tpu.memory_space<hbm>> -> memref<12800000xf32, #tpu.memory_space<hbm>>
      tpu.enqueue_indirect_dma source(%dma_start3A_134 : memref<12800000xf32, #tpu.memory_space<hbm>>) target(%dma_start3A_130 : memref<128xf32, #tpu.memory_space<vmem>>) offsets(%dma_start3A_132 : memref<128xi32, #tpu.memory_space<vmem>>) semaphore(%arg12 : memref<!tpu.dma_semaphore, #tpu.memory_space<semaphore_mem>>)
      %dma_start3A_135 = arith.constant 1920 : i32
      %dma_start3A_136 = tpu.memref_slice %arg7[%dma_start3A_135] : memref<3968xf32, #tpu.memory_space<vmem>> -> memref<128xf32, #tpu.memory_space<vmem>>
      %dma_start3A_137 = arith.constant 1920 : i32
      %dma_start3A_138 = tpu.memref_slice %arg6[%dma_start3A_137] : memref<3968xi32, #tpu.memory_space<vmem>> -> memref<128xi32, #tpu.memory_space<vmem>>
      %dma_start3A_139 = arith.constant 0 : i32
      %dma_start3A_140 = tpu.memref_slice %arg2[%dma_start3A_139] : memref<12800000xf32, #tpu.memory_space<hbm>> -> memref<12800000xf32, #tpu.memory_space<hbm>>
      tpu.enqueue_indirect_dma source(%dma_start3A_140 : memref<12800000xf32, #tpu.memory_space<hbm>>) target(%dma_start3A_136 : memref<128xf32, #tpu.memory_space<vmem>>) offsets(%dma_start3A_138 : memref<128xi32, #tpu.memory_space<vmem>>) semaphore(%arg12 : memref<!tpu.dma_semaphore, #tpu.memory_space<semaphore_mem>>)
      %dma_start3A_141 = arith.constant 2048 : i32
      %dma_start3A_142 = tpu.memref_slice %arg7[%dma_start3A_141] : memref<3968xf32, #tpu.memory_space<vmem>> -> memref<128xf32, #tpu.memory_space<vmem>>
      %dma_start3A_143 = arith.constant 2048 : i32
      %dma_start3A_144 = tpu.memref_slice %arg6[%dma_start3A_143] : memref<3968xi32, #tpu.memory_space<vmem>> -> memref<128xi32, #tpu.memory_space<vmem>>
      %dma_start3A_145 = arith.constant 0 : i32
      %dma_start3A_146 = tpu.memref_slice %arg2[%dma_start3A_145] : memref<12800000xf32, #tpu.memory_space<hbm>> -> memref<12800000xf32, #tpu.memory_space<hbm>>
      tpu.enqueue_indirect_dma source(%dma_start3A_146 : memref<12800000xf32, #tpu.memory_space<hbm>>) target(%dma_start3A_142 : memref<128xf32, #tpu.memory_space<vmem>>) offsets(%dma_start3A_144 : memref<128xi32, #tpu.memory_space<vmem>>) semaphore(%arg12 : memref<!tpu.dma_semaphore, #tpu.memory_space<semaphore_mem>>)
      %dma_start3A_147 = arith.constant 2176 : i32
      %dma_start3A_148 = tpu.memref_slice %arg7[%dma_start3A_147] : memref<3968xf32, #tpu.memory_space<vmem>> -> memref<128xf32, #tpu.memory_space<vmem>>
      %dma_start3A_149 = arith.constant 2176 : i32
      %dma_start3A_150 = tpu.memref_slice %arg6[%dma_start3A_149] : memref<3968xi32, #tpu.memory_space<vmem>> -> memref<128xi32, #tpu.memory_space<vmem>>
      %dma_start3A_151 = arith.constant 0 : i32
      %dma_start3A_152 = tpu.memref_slice %arg2[%dma_start3A_151] : memref<12800000xf32, #tpu.memory_space<hbm>> -> memref<12800000xf32, #tpu.memory_space<hbm>>
      tpu.enqueue_indirect_dma source(%dma_start3A_152 : memref<12800000xf32, #tpu.memory_space<hbm>>) target(%dma_start3A_148 : memref<128xf32, #tpu.memory_space<vmem>>) offsets(%dma_start3A_150 : memref<128xi32, #tpu.memory_space<vmem>>) semaphore(%arg12 : memref<!tpu.dma_semaphore, #tpu.memory_space<semaphore_mem>>)
      %dma_start3A_153 = arith.constant 2304 : i32
      %dma_start3A_154 = tpu.memref_slice %arg7[%dma_start3A_153] : memref<3968xf32, #tpu.memory_space<vmem>> -> memref<128xf32, #tpu.memory_space<vmem>>
      %dma_start3A_155 = arith.constant 2304 : i32
      %dma_start3A_156 = tpu.memref_slice %arg6[%dma_start3A_155] : memref<3968xi32, #tpu.memory_space<vmem>> -> memref<128xi32, #tpu.memory_space<vmem>>
      %dma_start3A_157 = arith.constant 0 : i32
      %dma_start3A_158 = tpu.memref_slice %arg2[%dma_start3A_157] : memref<12800000xf32, #tpu.memory_space<hbm>> -> memref<12800000xf32, #tpu.memory_space<hbm>>
      tpu.enqueue_indirect_dma source(%dma_start3A_158 : memref<12800000xf32, #tpu.memory_space<hbm>>) target(%dma_start3A_154 : memref<128xf32, #tpu.memory_space<vmem>>) offsets(%dma_start3A_156 : memref<128xi32, #tpu.memory_space<vmem>>) semaphore(%arg12 : memref<!tpu.dma_semaphore, #tpu.memory_space<semaphore_mem>>)
      %dma_start3A_159 = arith.constant 2432 : i32
      %dma_start3A_160 = tpu.memref_slice %arg7[%dma_start3A_159] : memref<3968xf32, #tpu.memory_space<vmem>> -> memref<128xf32, #tpu.memory_space<vmem>>
      %dma_start3A_161 = arith.constant 2432 : i32
      %dma_start3A_162 = tpu.memref_slice %arg6[%dma_start3A_161] : memref<3968xi32, #tpu.memory_space<vmem>> -> memref<128xi32, #tpu.memory_space<vmem>>
      %dma_start3A_163 = arith.constant 0 : i32
      %dma_start3A_164 = tpu.memref_slice %arg2[%dma_start3A_163] : memref<12800000xf32, #tpu.memory_space<hbm>> -> memref<12800000xf32, #tpu.memory_space<hbm>>
      tpu.enqueue_indirect_dma source(%dma_start3A_164 : memref<12800000xf32, #tpu.memory_space<hbm>>) target(%dma_start3A_160 : memref<128xf32, #tpu.memory_space<vmem>>) offsets(%dma_start3A_162 : memref<128xi32, #tpu.memory_space<vmem>>) semaphore(%arg12 : memref<!tpu.dma_semaphore, #tpu.memory_space<semaphore_mem>>)
      %dma_start3A_165 = arith.constant 2560 : i32
      %dma_start3A_166 = tpu.memref_slice %arg7[%dma_start3A_165] : memref<3968xf32, #tpu.memory_space<vmem>> -> memref<128xf32, #tpu.memory_space<vmem>>
      %dma_start3A_167 = arith.constant 2560 : i32
      %dma_start3A_168 = tpu.memref_slice %arg6[%dma_start3A_167] : memref<3968xi32, #tpu.memory_space<vmem>> -> memref<128xi32, #tpu.memory_space<vmem>>
      %dma_start3A_169 = arith.constant 0 : i32
      %dma_start3A_170 = tpu.memref_slice %arg2[%dma_start3A_169] : memref<12800000xf32, #tpu.memory_space<hbm>> -> memref<12800000xf32, #tpu.memory_space<hbm>>
      tpu.enqueue_indirect_dma source(%dma_start3A_170 : memref<12800000xf32, #tpu.memory_space<hbm>>) target(%dma_start3A_166 : memref<128xf32, #tpu.memory_space<vmem>>) offsets(%dma_start3A_168 : memref<128xi32, #tpu.memory_space<vmem>>) semaphore(%arg12 : memref<!tpu.dma_semaphore, #tpu.memory_space<semaphore_mem>>)
      %dma_start3A_171 = arith.constant 2688 : i32
      %dma_start3A_172 = tpu.memref_slice %arg7[%dma_start3A_171] : memref<3968xf32, #tpu.memory_space<vmem>> -> memref<128xf32, #tpu.memory_space<vmem>>
      %dma_start3A_173 = arith.constant 2688 : i32
      %dma_start3A_174 = tpu.memref_slice %arg6[%dma_start3A_173] : memref<3968xi32, #tpu.memory_space<vmem>> -> memref<128xi32, #tpu.memory_space<vmem>>
      %dma_start3A_175 = arith.constant 0 : i32
      %dma_start3A_176 = tpu.memref_slice %arg2[%dma_start3A_175] : memref<12800000xf32, #tpu.memory_space<hbm>> -> memref<12800000xf32, #tpu.memory_space<hbm>>
      tpu.enqueue_indirect_dma source(%dma_start3A_176 : memref<12800000xf32, #tpu.memory_space<hbm>>) target(%dma_start3A_172 : memref<128xf32, #tpu.memory_space<vmem>>) offsets(%dma_start3A_174 : memref<128xi32, #tpu.memory_space<vmem>>) semaphore(%arg12 : memref<!tpu.dma_semaphore, #tpu.memory_space<semaphore_mem>>)
      %dma_start3A_177 = arith.constant 2816 : i32
      %dma_start3A_178 = tpu.memref_slice %arg7[%dma_start3A_177] : memref<3968xf32, #tpu.memory_space<vmem>> -> memref<128xf32, #tpu.memory_space<vmem>>
      %dma_start3A_179 = arith.constant 2816 : i32
      %dma_start3A_180 = tpu.memref_slice %arg6[%dma_start3A_179] : memref<3968xi32, #tpu.memory_space<vmem>> -> memref<128xi32, #tpu.memory_space<vmem>>
      %dma_start3A_181 = arith.constant 0 : i32
      %dma_start3A_182 = tpu.memref_slice %arg2[%dma_start3A_181] : memref<12800000xf32, #tpu.memory_space<hbm>> -> memref<12800000xf32, #tpu.memory_space<hbm>>
      tpu.enqueue_indirect_dma source(%dma_start3A_182 : memref<12800000xf32, #tpu.memory_space<hbm>>) target(%dma_start3A_178 : memref<128xf32, #tpu.memory_space<vmem>>) offsets(%dma_start3A_180 : memref<128xi32, #tpu.memory_space<vmem>>) semaphore(%arg12 : memref<!tpu.dma_semaphore, #tpu.memory_space<semaphore_mem>>)
      %dma_start3A_183 = arith.constant 2944 : i32
      %dma_start3A_184 = tpu.memref_slice %arg7[%dma_start3A_183] : memref<3968xf32, #tpu.memory_space<vmem>> -> memref<128xf32, #tpu.memory_space<vmem>>
      %dma_start3A_185 = arith.constant 2944 : i32
      %dma_start3A_186 = tpu.memref_slice %arg6[%dma_start3A_185] : memref<3968xi32, #tpu.memory_space<vmem>> -> memref<128xi32, #tpu.memory_space<vmem>>
      %dma_start3A_187 = arith.constant 0 : i32
      %dma_start3A_188 = tpu.memref_slice %arg2[%dma_start3A_187] : memref<12800000xf32, #tpu.memory_space<hbm>> -> memref<12800000xf32, #tpu.memory_space<hbm>>
      tpu.enqueue_indirect_dma source(%dma_start3A_188 : memref<12800000xf32, #tpu.memory_space<hbm>>) target(%dma_start3A_184 : memref<128xf32, #tpu.memory_space<vmem>>) offsets(%dma_start3A_186 : memref<128xi32, #tpu.memory_space<vmem>>) semaphore(%arg12 : memref<!tpu.dma_semaphore, #tpu.memory_space<semaphore_mem>>)
      %dma_start3A_189 = arith.constant 3072 : i32
      %dma_start3A_190 = tpu.memref_slice %arg7[%dma_start3A_189] : memref<3968xf32, #tpu.memory_space<vmem>> -> memref<128xf32, #tpu.memory_space<vmem>>
      %dma_start3A_191 = arith.constant 3072 : i32
      %dma_start3A_192 = tpu.memref_slice %arg6[%dma_start3A_191] : memref<3968xi32, #tpu.memory_space<vmem>> -> memref<128xi32, #tpu.memory_space<vmem>>
      %dma_start3A_193 = arith.constant 0 : i32
      %dma_start3A_194 = tpu.memref_slice %arg2[%dma_start3A_193] : memref<12800000xf32, #tpu.memory_space<hbm>> -> memref<12800000xf32, #tpu.memory_space<hbm>>
      tpu.enqueue_indirect_dma source(%dma_start3A_194 : memref<12800000xf32, #tpu.memory_space<hbm>>) target(%dma_start3A_190 : memref<128xf32, #tpu.memory_space<vmem>>) offsets(%dma_start3A_192 : memref<128xi32, #tpu.memory_space<vmem>>) semaphore(%arg12 : memref<!tpu.dma_semaphore, #tpu.memory_space<semaphore_mem>>)
      %dma_start3A_195 = arith.constant 3200 : i32
      %dma_start3A_196 = tpu.memref_slice %arg7[%dma_start3A_195] : memref<3968xf32, #tpu.memory_space<vmem>> -> memref<128xf32, #tpu.memory_space<vmem>>
      %dma_start3A_197 = arith.constant 3200 : i32
      %dma_start3A_198 = tpu.memref_slice %arg6[%dma_start3A_197] : memref<3968xi32, #tpu.memory_space<vmem>> -> memref<128xi32, #tpu.memory_space<vmem>>
      %dma_start3A_199 = arith.constant 0 : i32
      %dma_start3A_200 = tpu.memref_slice %arg2[%dma_start3A_199] : memref<12800000xf32, #tpu.memory_space<hbm>> -> memref<12800000xf32, #tpu.memory_space<hbm>>
      tpu.enqueue_indirect_dma source(%dma_start3A_200 : memref<12800000xf32, #tpu.memory_space<hbm>>) target(%dma_start3A_196 : memref<128xf32, #tpu.memory_space<vmem>>) offsets(%dma_start3A_198 : memref<128xi32, #tpu.memory_space<vmem>>) semaphore(%arg12 : memref<!tpu.dma_semaphore, #tpu.memory_space<semaphore_mem>>)
      %dma_start3A_201 = arith.constant 3328 : i32
      %dma_start3A_202 = tpu.memref_slice %arg7[%dma_start3A_201] : memref<3968xf32, #tpu.memory_space<vmem>> -> memref<128xf32, #tpu.memory_space<vmem>>
      %dma_start3A_203 = arith.constant 3328 : i32
      %dma_start3A_204 = tpu.memref_slice %arg6[%dma_start3A_203] : memref<3968xi32, #tpu.memory_space<vmem>> -> memref<128xi32, #tpu.memory_space<vmem>>
      %dma_start3A_205 = arith.constant 0 : i32
      %dma_start3A_206 = tpu.memref_slice %arg2[%dma_start3A_205] : memref<12800000xf32, #tpu.memory_space<hbm>> -> memref<12800000xf32, #tpu.memory_space<hbm>>
      tpu.enqueue_indirect_dma source(%dma_start3A_206 : memref<12800000xf32, #tpu.memory_space<hbm>>) target(%dma_start3A_202 : memref<128xf32, #tpu.memory_space<vmem>>) offsets(%dma_start3A_204 : memref<128xi32, #tpu.memory_space<vmem>>) semaphore(%arg12 : memref<!tpu.dma_semaphore, #tpu.memory_space<semaphore_mem>>)
      %dma_start3A_207 = arith.constant 3456 : i32
      %dma_start3A_208 = tpu.memref_slice %arg7[%dma_start3A_207] : memref<3968xf32, #tpu.memory_space<vmem>> -> memref<128xf32, #tpu.memory_space<vmem>>
      %dma_start3A_209 = arith.constant 3456 : i32
      %dma_start3A_210 = tpu.memref_slice %arg6[%dma_start3A_209] : memref<3968xi32, #tpu.memory_space<vmem>> -> memref<128xi32, #tpu.memory_space<vmem>>
      %dma_start3A_211 = arith.constant 0 : i32
      %dma_start3A_212 = tpu.memref_slice %arg2[%dma_start3A_211] : memref<12800000xf32, #tpu.memory_space<hbm>> -> memref<12800000xf32, #tpu.memory_space<hbm>>
      tpu.enqueue_indirect_dma source(%dma_start3A_212 : memref<12800000xf32, #tpu.memory_space<hbm>>) target(%dma_start3A_208 : memref<128xf32, #tpu.memory_space<vmem>>) offsets(%dma_start3A_210 : memref<128xi32, #tpu.memory_space<vmem>>) semaphore(%arg12 : memref<!tpu.dma_semaphore, #tpu.memory_space<semaphore_mem>>)
      %dma_start3A_213 = arith.constant 3584 : i32
      %dma_start3A_214 = tpu.memref_slice %arg7[%dma_start3A_213] : memref<3968xf32, #tpu.memory_space<vmem>> -> memref<128xf32, #tpu.memory_space<vmem>>
      %dma_start3A_215 = arith.constant 3584 : i32
      %dma_start3A_216 = tpu.memref_slice %arg6[%dma_start3A_215] : memref<3968xi32, #tpu.memory_space<vmem>> -> memref<128xi32, #tpu.memory_space<vmem>>
      %dma_start3A_217 = arith.constant 0 : i32
      %dma_start3A_218 = tpu.memref_slice %arg2[%dma_start3A_217] : memref<12800000xf32, #tpu.memory_space<hbm>> -> memref<12800000xf32, #tpu.memory_space<hbm>>
      tpu.enqueue_indirect_dma source(%dma_start3A_218 : memref<12800000xf32, #tpu.memory_space<hbm>>) target(%dma_start3A_214 : memref<128xf32, #tpu.memory_space<vmem>>) offsets(%dma_start3A_216 : memref<128xi32, #tpu.memory_space<vmem>>) semaphore(%arg12 : memref<!tpu.dma_semaphore, #tpu.memory_space<semaphore_mem>>)
      %dma_start3A_219 = arith.constant 3712 : i32
      %dma_start3A_220 = tpu.memref_slice %arg7[%dma_start3A_219] : memref<3968xf32, #tpu.memory_space<vmem>> -> memref<128xf32, #tpu.memory_space<vmem>>
      %dma_start3A_221 = arith.constant 3712 : i32
      %dma_start3A_222 = tpu.memref_slice %arg6[%dma_start3A_221] : memref<3968xi32, #tpu.memory_space<vmem>> -> memref<128xi32, #tpu.memory_space<vmem>>
      %dma_start3A_223 = arith.constant 0 : i32
      %dma_start3A_224 = tpu.memref_slice %arg2[%dma_start3A_223] : memref<12800000xf32, #tpu.memory_space<hbm>> -> memref<12800000xf32, #tpu.memory_space<hbm>>
      tpu.enqueue_indirect_dma source(%dma_start3A_224 : memref<12800000xf32, #tpu.memory_space<hbm>>) target(%dma_start3A_220 : memref<128xf32, #tpu.memory_space<vmem>>) offsets(%dma_start3A_222 : memref<128xi32, #tpu.memory_space<vmem>>) semaphore(%arg12 : memref<!tpu.dma_semaphore, #tpu.memory_space<semaphore_mem>>)
      %dma_start3A_225 = arith.constant 3840 : i32
      %dma_start3A_226 = tpu.memref_slice %arg7[%dma_start3A_225] : memref<3968xf32, #tpu.memory_space<vmem>> -> memref<128xf32, #tpu.memory_space<vmem>>
      %dma_start3A_227 = arith.constant 3840 : i32
      %dma_start3A_228 = tpu.memref_slice %arg6[%dma_start3A_227] : memref<3968xi32, #tpu.memory_space<vmem>> -> memref<128xi32, #tpu.memory_space<vmem>>
      %dma_start3A_229 = arith.constant 0 : i32
      %dma_start3A_230 = tpu.memref_slice %arg2[%dma_start3A_229] : memref<12800000xf32, #tpu.memory_space<hbm>> -> memref<12800000xf32, #tpu.memory_space<hbm>>
      tpu.enqueue_indirect_dma source(%dma_start3A_230 : memref<12800000xf32, #tpu.memory_space<hbm>>) target(%dma_start3A_226 : memref<128xf32, #tpu.memory_space<vmem>>) offsets(%dma_start3A_228 : memref<128xi32, #tpu.memory_space<vmem>>) semaphore(%arg12 : memref<!tpu.dma_semaphore, #tpu.memory_space<semaphore_mem>>)
      %dma_wait3A = arith.constant 0 : i32
      %dma_wait3A_231 = tpu.memref_slice %arg7[%dma_wait3A] : memref<3968xf32, #tpu.memory_space<vmem>> -> memref<128xf32, #tpu.memory_space<vmem>>
      %dma_wait3A_232 = arith.constant 0 : i32
      %dma_wait3A_233 = tpu.memref_slice %arg6[%dma_wait3A_232] : memref<3968xi32, #tpu.memory_space<vmem>> -> memref<128xi32, #tpu.memory_space<vmem>>
      %dma_wait3A_234 = arith.constant 0 : i32
      %dma_wait3A_235 = tpu.memref_slice %arg2[%dma_wait3A_234] : memref<12800000xf32, #tpu.memory_space<hbm>> -> memref<12800000xf32, #tpu.memory_space<hbm>>
      tpu.wait_indirect_dma semaphore(%arg12 : memref<!tpu.dma_semaphore, #tpu.memory_space<semaphore_mem>>) src(%dma_wait3A_235 : memref<12800000xf32, #tpu.memory_space<hbm>>) dst(%dma_wait3A_231 : memref<128xf32, #tpu.memory_space<vmem>>)
      %dma_wait3A_236 = arith.constant 128 : i32
      %dma_wait3A_237 = tpu.memref_slice %arg7[%dma_wait3A_236] : memref<3968xf32, #tpu.memory_space<vmem>> -> memref<128xf32, #tpu.memory_space<vmem>>
      %dma_wait3A_238 = arith.constant 128 : i32
      %dma_wait3A_239 = tpu.memref_slice %arg6[%dma_wait3A_238] : memref<3968xi32, #tpu.memory_space<vmem>> -> memref<128xi32, #tpu.memory_space<vmem>>
      %dma_wait3A_240 = arith.constant 0 : i32
      %dma_wait3A_241 = tpu.memref_slice %arg2[%dma_wait3A_240] : memref<12800000xf32, #tpu.memory_space<hbm>> -> memref<12800000xf32, #tpu.memory_space<hbm>>
      tpu.wait_indirect_dma semaphore(%arg12 : memref<!tpu.dma_semaphore, #tpu.memory_space<semaphore_mem>>) src(%dma_wait3A_241 : memref<12800000xf32, #tpu.memory_space<hbm>>) dst(%dma_wait3A_237 : memref<128xf32, #tpu.memory_space<vmem>>)
      %dma_wait3A_242 = arith.constant 256 : i32
      %dma_wait3A_243 = tpu.memref_slice %arg7[%dma_wait3A_242] : memref<3968xf32, #tpu.memory_space<vmem>> -> memref<128xf32, #tpu.memory_space<vmem>>
      %dma_wait3A_244 = arith.constant 256 : i32
      %dma_wait3A_245 = tpu.memref_slice %arg6[%dma_wait3A_244] : memref<3968xi32, #tpu.memory_space<vmem>> -> memref<128xi32, #tpu.memory_space<vmem>>
      %dma_wait3A_246 = arith.constant 0 : i32
      %dma_wait3A_247 = tpu.memref_slice %arg2[%dma_wait3A_246] : memref<12800000xf32, #tpu.memory_space<hbm>> -> memref<12800000xf32, #tpu.memory_space<hbm>>
      tpu.wait_indirect_dma semaphore(%arg12 : memref<!tpu.dma_semaphore, #tpu.memory_space<semaphore_mem>>) src(%dma_wait3A_247 : memref<12800000xf32, #tpu.memory_space<hbm>>) dst(%dma_wait3A_243 : memref<128xf32, #tpu.memory_space<vmem>>)
      %dma_wait3A_248 = arith.constant 384 : i32
      %dma_wait3A_249 = tpu.memref_slice %arg7[%dma_wait3A_248] : memref<3968xf32, #tpu.memory_space<vmem>> -> memref<128xf32, #tpu.memory_space<vmem>>
      %dma_wait3A_250 = arith.constant 384 : i32
      %dma_wait3A_251 = tpu.memref_slice %arg6[%dma_wait3A_250] : memref<3968xi32, #tpu.memory_space<vmem>> -> memref<128xi32, #tpu.memory_space<vmem>>
      %dma_wait3A_252 = arith.constant 0 : i32
      %dma_wait3A_253 = tpu.memref_slice %arg2[%dma_wait3A_252] : memref<12800000xf32, #tpu.memory_space<hbm>> -> memref<12800000xf32, #tpu.memory_space<hbm>>
      tpu.wait_indirect_dma semaphore(%arg12 : memref<!tpu.dma_semaphore, #tpu.memory_space<semaphore_mem>>) src(%dma_wait3A_253 : memref<12800000xf32, #tpu.memory_space<hbm>>) dst(%dma_wait3A_249 : memref<128xf32, #tpu.memory_space<vmem>>)
      %dma_wait3A_254 = arith.constant 512 : i32
      %dma_wait3A_255 = tpu.memref_slice %arg7[%dma_wait3A_254] : memref<3968xf32, #tpu.memory_space<vmem>> -> memref<128xf32, #tpu.memory_space<vmem>>
      %dma_wait3A_256 = arith.constant 512 : i32
      %dma_wait3A_257 = tpu.memref_slice %arg6[%dma_wait3A_256] : memref<3968xi32, #tpu.memory_space<vmem>> -> memref<128xi32, #tpu.memory_space<vmem>>
      %dma_wait3A_258 = arith.constant 0 : i32
      %dma_wait3A_259 = tpu.memref_slice %arg2[%dma_wait3A_258] : memref<12800000xf32, #tpu.memory_space<hbm>> -> memref<12800000xf32, #tpu.memory_space<hbm>>
      tpu.wait_indirect_dma semaphore(%arg12 : memref<!tpu.dma_semaphore, #tpu.memory_space<semaphore_mem>>) src(%dma_wait3A_259 : memref<12800000xf32, #tpu.memory_space<hbm>>) dst(%dma_wait3A_255 : memref<128xf32, #tpu.memory_space<vmem>>)
      %dma_wait3A_260 = arith.constant 640 : i32
      %dma_wait3A_261 = tpu.memref_slice %arg7[%dma_wait3A_260] : memref<3968xf32, #tpu.memory_space<vmem>> -> memref<128xf32, #tpu.memory_space<vmem>>
      %dma_wait3A_262 = arith.constant 640 : i32
      %dma_wait3A_263 = tpu.memref_slice %arg6[%dma_wait3A_262] : memref<3968xi32, #tpu.memory_space<vmem>> -> memref<128xi32, #tpu.memory_space<vmem>>
      %dma_wait3A_264 = arith.constant 0 : i32
      %dma_wait3A_265 = tpu.memref_slice %arg2[%dma_wait3A_264] : memref<12800000xf32, #tpu.memory_space<hbm>> -> memref<12800000xf32, #tpu.memory_space<hbm>>
      tpu.wait_indirect_dma semaphore(%arg12 : memref<!tpu.dma_semaphore, #tpu.memory_space<semaphore_mem>>) src(%dma_wait3A_265 : memref<12800000xf32, #tpu.memory_space<hbm>>) dst(%dma_wait3A_261 : memref<128xf32, #tpu.memory_space<vmem>>)
      %dma_wait3A_266 = arith.constant 768 : i32
      %dma_wait3A_267 = tpu.memref_slice %arg7[%dma_wait3A_266] : memref<3968xf32, #tpu.memory_space<vmem>> -> memref<128xf32, #tpu.memory_space<vmem>>
      %dma_wait3A_268 = arith.constant 768 : i32
      %dma_wait3A_269 = tpu.memref_slice %arg6[%dma_wait3A_268] : memref<3968xi32, #tpu.memory_space<vmem>> -> memref<128xi32, #tpu.memory_space<vmem>>
      %dma_wait3A_270 = arith.constant 0 : i32
      %dma_wait3A_271 = tpu.memref_slice %arg2[%dma_wait3A_270] : memref<12800000xf32, #tpu.memory_space<hbm>> -> memref<12800000xf32, #tpu.memory_space<hbm>>
      tpu.wait_indirect_dma semaphore(%arg12 : memref<!tpu.dma_semaphore, #tpu.memory_space<semaphore_mem>>) src(%dma_wait3A_271 : memref<12800000xf32, #tpu.memory_space<hbm>>) dst(%dma_wait3A_267 : memref<128xf32, #tpu.memory_space<vmem>>)
      %dma_wait3A_272 = arith.constant 896 : i32
      %dma_wait3A_273 = tpu.memref_slice %arg7[%dma_wait3A_272] : memref<3968xf32, #tpu.memory_space<vmem>> -> memref<128xf32, #tpu.memory_space<vmem>>
      %dma_wait3A_274 = arith.constant 896 : i32
      %dma_wait3A_275 = tpu.memref_slice %arg6[%dma_wait3A_274] : memref<3968xi32, #tpu.memory_space<vmem>> -> memref<128xi32, #tpu.memory_space<vmem>>
      %dma_wait3A_276 = arith.constant 0 : i32
      %dma_wait3A_277 = tpu.memref_slice %arg2[%dma_wait3A_276] : memref<12800000xf32, #tpu.memory_space<hbm>> -> memref<12800000xf32, #tpu.memory_space<hbm>>
      tpu.wait_indirect_dma semaphore(%arg12 : memref<!tpu.dma_semaphore, #tpu.memory_space<semaphore_mem>>) src(%dma_wait3A_277 : memref<12800000xf32, #tpu.memory_space<hbm>>) dst(%dma_wait3A_273 : memref<128xf32, #tpu.memory_space<vmem>>)
      %dma_wait3A_278 = arith.constant 1024 : i32
      %dma_wait3A_279 = tpu.memref_slice %arg7[%dma_wait3A_278] : memref<3968xf32, #tpu.memory_space<vmem>> -> memref<128xf32, #tpu.memory_space<vmem>>
      %dma_wait3A_280 = arith.constant 1024 : i32
      %dma_wait3A_281 = tpu.memref_slice %arg6[%dma_wait3A_280] : memref<3968xi32, #tpu.memory_space<vmem>> -> memref<128xi32, #tpu.memory_space<vmem>>
      %dma_wait3A_282 = arith.constant 0 : i32
      %dma_wait3A_283 = tpu.memref_slice %arg2[%dma_wait3A_282] : memref<12800000xf32, #tpu.memory_space<hbm>> -> memref<12800000xf32, #tpu.memory_space<hbm>>
      tpu.wait_indirect_dma semaphore(%arg12 : memref<!tpu.dma_semaphore, #tpu.memory_space<semaphore_mem>>) src(%dma_wait3A_283 : memref<12800000xf32, #tpu.memory_space<hbm>>) dst(%dma_wait3A_279 : memref<128xf32, #tpu.memory_space<vmem>>)
      %dma_wait3A_284 = arith.constant 1152 : i32
      %dma_wait3A_285 = tpu.memref_slice %arg7[%dma_wait3A_284] : memref<3968xf32, #tpu.memory_space<vmem>> -> memref<128xf32, #tpu.memory_space<vmem>>
      %dma_wait3A_286 = arith.constant 1152 : i32
      %dma_wait3A_287 = tpu.memref_slice %arg6[%dma_wait3A_286] : memref<3968xi32, #tpu.memory_space<vmem>> -> memref<128xi32, #tpu.memory_space<vmem>>
      %dma_wait3A_288 = arith.constant 0 : i32
      %dma_wait3A_289 = tpu.memref_slice %arg2[%dma_wait3A_288] : memref<12800000xf32, #tpu.memory_space<hbm>> -> memref<12800000xf32, #tpu.memory_space<hbm>>
      tpu.wait_indirect_dma semaphore(%arg12 : memref<!tpu.dma_semaphore, #tpu.memory_space<semaphore_mem>>) src(%dma_wait3A_289 : memref<12800000xf32, #tpu.memory_space<hbm>>) dst(%dma_wait3A_285 : memref<128xf32, #tpu.memory_space<vmem>>)
      %dma_wait3A_290 = arith.constant 1280 : i32
      %dma_wait3A_291 = tpu.memref_slice %arg7[%dma_wait3A_290] : memref<3968xf32, #tpu.memory_space<vmem>> -> memref<128xf32, #tpu.memory_space<vmem>>
      %dma_wait3A_292 = arith.constant 1280 : i32
      %dma_wait3A_293 = tpu.memref_slice %arg6[%dma_wait3A_292] : memref<3968xi32, #tpu.memory_space<vmem>> -> memref<128xi32, #tpu.memory_space<vmem>>
      %dma_wait3A_294 = arith.constant 0 : i32
      %dma_wait3A_295 = tpu.memref_slice %arg2[%dma_wait3A_294] : memref<12800000xf32, #tpu.memory_space<hbm>> -> memref<12800000xf32, #tpu.memory_space<hbm>>
      tpu.wait_indirect_dma semaphore(%arg12 : memref<!tpu.dma_semaphore, #tpu.memory_space<semaphore_mem>>) src(%dma_wait3A_295 : memref<12800000xf32, #tpu.memory_space<hbm>>) dst(%dma_wait3A_291 : memref<128xf32, #tpu.memory_space<vmem>>)
      %dma_wait3A_296 = arith.constant 1408 : i32
      %dma_wait3A_297 = tpu.memref_slice %arg7[%dma_wait3A_296] : memref<3968xf32, #tpu.memory_space<vmem>> -> memref<128xf32, #tpu.memory_space<vmem>>
      %dma_wait3A_298 = arith.constant 1408 : i32
      %dma_wait3A_299 = tpu.memref_slice %arg6[%dma_wait3A_298] : memref<3968xi32, #tpu.memory_space<vmem>> -> memref<128xi32, #tpu.memory_space<vmem>>
      %dma_wait3A_300 = arith.constant 0 : i32
      %dma_wait3A_301 = tpu.memref_slice %arg2[%dma_wait3A_300] : memref<12800000xf32, #tpu.memory_space<hbm>> -> memref<12800000xf32, #tpu.memory_space<hbm>>
      tpu.wait_indirect_dma semaphore(%arg12 : memref<!tpu.dma_semaphore, #tpu.memory_space<semaphore_mem>>) src(%dma_wait3A_301 : memref<12800000xf32, #tpu.memory_space<hbm>>) dst(%dma_wait3A_297 : memref<128xf32, #tpu.memory_space<vmem>>)
      %dma_wait3A_302 = arith.constant 1536 : i32
      %dma_wait3A_303 = tpu.memref_slice %arg7[%dma_wait3A_302] : memref<3968xf32, #tpu.memory_space<vmem>> -> memref<128xf32, #tpu.memory_space<vmem>>
      %dma_wait3A_304 = arith.constant 1536 : i32
      %dma_wait3A_305 = tpu.memref_slice %arg6[%dma_wait3A_304] : memref<3968xi32, #tpu.memory_space<vmem>> -> memref<128xi32, #tpu.memory_space<vmem>>
      %dma_wait3A_306 = arith.constant 0 : i32
      %dma_wait3A_307 = tpu.memref_slice %arg2[%dma_wait3A_306] : memref<12800000xf32, #tpu.memory_space<hbm>> -> memref<12800000xf32, #tpu.memory_space<hbm>>
      tpu.wait_indirect_dma semaphore(%arg12 : memref<!tpu.dma_semaphore, #tpu.memory_space<semaphore_mem>>) src(%dma_wait3A_307 : memref<12800000xf32, #tpu.memory_space<hbm>>) dst(%dma_wait3A_303 : memref<128xf32, #tpu.memory_space<vmem>>)
      %dma_wait3A_308 = arith.constant 1664 : i32
      %dma_wait3A_309 = tpu.memref_slice %arg7[%dma_wait3A_308] : memref<3968xf32, #tpu.memory_space<vmem>> -> memref<128xf32, #tpu.memory_space<vmem>>
      %dma_wait3A_310 = arith.constant 1664 : i32
      %dma_wait3A_311 = tpu.memref_slice %arg6[%dma_wait3A_310] : memref<3968xi32, #tpu.memory_space<vmem>> -> memref<128xi32, #tpu.memory_space<vmem>>
      %dma_wait3A_312 = arith.constant 0 : i32
      %dma_wait3A_313 = tpu.memref_slice %arg2[%dma_wait3A_312] : memref<12800000xf32, #tpu.memory_space<hbm>> -> memref<12800000xf32, #tpu.memory_space<hbm>>
      tpu.wait_indirect_dma semaphore(%arg12 : memref<!tpu.dma_semaphore, #tpu.memory_space<semaphore_mem>>) src(%dma_wait3A_313 : memref<12800000xf32, #tpu.memory_space<hbm>>) dst(%dma_wait3A_309 : memref<128xf32, #tpu.memory_space<vmem>>)
      %dma_wait3A_314 = arith.constant 1792 : i32
      %dma_wait3A_315 = tpu.memref_slice %arg7[%dma_wait3A_314] : memref<3968xf32, #tpu.memory_space<vmem>> -> memref<128xf32, #tpu.memory_space<vmem>>
      %dma_wait3A_316 = arith.constant 1792 : i32
      %dma_wait3A_317 = tpu.memref_slice %arg6[%dma_wait3A_316] : memref<3968xi32, #tpu.memory_space<vmem>> -> memref<128xi32, #tpu.memory_space<vmem>>
      %dma_wait3A_318 = arith.constant 0 : i32
      %dma_wait3A_319 = tpu.memref_slice %arg2[%dma_wait3A_318] : memref<12800000xf32, #tpu.memory_space<hbm>> -> memref<12800000xf32, #tpu.memory_space<hbm>>
      tpu.wait_indirect_dma semaphore(%arg12 : memref<!tpu.dma_semaphore, #tpu.memory_space<semaphore_mem>>) src(%dma_wait3A_319 : memref<12800000xf32, #tpu.memory_space<hbm>>) dst(%dma_wait3A_315 : memref<128xf32, #tpu.memory_space<vmem>>)
      %dma_wait3A_320 = arith.constant 1920 : i32
      %dma_wait3A_321 = tpu.memref_slice %arg7[%dma_wait3A_320] : memref<3968xf32, #tpu.memory_space<vmem>> -> memref<128xf32, #tpu.memory_space<vmem>>
      %dma_wait3A_322 = arith.constant 1920 : i32
      %dma_wait3A_323 = tpu.memref_slice %arg6[%dma_wait3A_322] : memref<3968xi32, #tpu.memory_space<vmem>> -> memref<128xi32, #tpu.memory_space<vmem>>
      %dma_wait3A_324 = arith.constant 0 : i32
      %dma_wait3A_325 = tpu.memref_slice %arg2[%dma_wait3A_324] : memref<12800000xf32, #tpu.memory_space<hbm>> -> memref<12800000xf32, #tpu.memory_space<hbm>>
      tpu.wait_indirect_dma semaphore(%arg12 : memref<!tpu.dma_semaphore, #tpu.memory_space<semaphore_mem>>) src(%dma_wait3A_325 : memref<12800000xf32, #tpu.memory_space<hbm>>) dst(%dma_wait3A_321 : memref<128xf32, #tpu.memory_space<vmem>>)
      %dma_wait3A_326 = arith.constant 2048 : i32
      %dma_wait3A_327 = tpu.memref_slice %arg7[%dma_wait3A_326] : memref<3968xf32, #tpu.memory_space<vmem>> -> memref<128xf32, #tpu.memory_space<vmem>>
      %dma_wait3A_328 = arith.constant 2048 : i32
      %dma_wait3A_329 = tpu.memref_slice %arg6[%dma_wait3A_328] : memref<3968xi32, #tpu.memory_space<vmem>> -> memref<128xi32, #tpu.memory_space<vmem>>
      %dma_wait3A_330 = arith.constant 0 : i32
      %dma_wait3A_331 = tpu.memref_slice %arg2[%dma_wait3A_330] : memref<12800000xf32, #tpu.memory_space<hbm>> -> memref<12800000xf32, #tpu.memory_space<hbm>>
      tpu.wait_indirect_dma semaphore(%arg12 : memref<!tpu.dma_semaphore, #tpu.memory_space<semaphore_mem>>) src(%dma_wait3A_331 : memref<12800000xf32, #tpu.memory_space<hbm>>) dst(%dma_wait3A_327 : memref<128xf32, #tpu.memory_space<vmem>>)
      %dma_wait3A_332 = arith.constant 2176 : i32
      %dma_wait3A_333 = tpu.memref_slice %arg7[%dma_wait3A_332] : memref<3968xf32, #tpu.memory_space<vmem>> -> memref<128xf32, #tpu.memory_space<vmem>>
      %dma_wait3A_334 = arith.constant 2176 : i32
      %dma_wait3A_335 = tpu.memref_slice %arg6[%dma_wait3A_334] : memref<3968xi32, #tpu.memory_space<vmem>> -> memref<128xi32, #tpu.memory_space<vmem>>
      %dma_wait3A_336 = arith.constant 0 : i32
      %dma_wait3A_337 = tpu.memref_slice %arg2[%dma_wait3A_336] : memref<12800000xf32, #tpu.memory_space<hbm>> -> memref<12800000xf32, #tpu.memory_space<hbm>>
      tpu.wait_indirect_dma semaphore(%arg12 : memref<!tpu.dma_semaphore, #tpu.memory_space<semaphore_mem>>) src(%dma_wait3A_337 : memref<12800000xf32, #tpu.memory_space<hbm>>) dst(%dma_wait3A_333 : memref<128xf32, #tpu.memory_space<vmem>>)
      %dma_wait3A_338 = arith.constant 2304 : i32
      %dma_wait3A_339 = tpu.memref_slice %arg7[%dma_wait3A_338] : memref<3968xf32, #tpu.memory_space<vmem>> -> memref<128xf32, #tpu.memory_space<vmem>>
      %dma_wait3A_340 = arith.constant 2304 : i32
      %dma_wait3A_341 = tpu.memref_slice %arg6[%dma_wait3A_340] : memref<3968xi32, #tpu.memory_space<vmem>> -> memref<128xi32, #tpu.memory_space<vmem>>
      %dma_wait3A_342 = arith.constant 0 : i32
      %dma_wait3A_343 = tpu.memref_slice %arg2[%dma_wait3A_342] : memref<12800000xf32, #tpu.memory_space<hbm>> -> memref<12800000xf32, #tpu.memory_space<hbm>>
      tpu.wait_indirect_dma semaphore(%arg12 : memref<!tpu.dma_semaphore, #tpu.memory_space<semaphore_mem>>) src(%dma_wait3A_343 : memref<12800000xf32, #tpu.memory_space<hbm>>) dst(%dma_wait3A_339 : memref<128xf32, #tpu.memory_space<vmem>>)
      %dma_wait3A_344 = arith.constant 2432 : i32
      %dma_wait3A_345 = tpu.memref_slice %arg7[%dma_wait3A_344] : memref<3968xf32, #tpu.memory_space<vmem>> -> memref<128xf32, #tpu.memory_space<vmem>>
      %dma_wait3A_346 = arith.constant 2432 : i32
      %dma_wait3A_347 = tpu.memref_slice %arg6[%dma_wait3A_346] : memref<3968xi32, #tpu.memory_space<vmem>> -> memref<128xi32, #tpu.memory_space<vmem>>
      %dma_wait3A_348 = arith.constant 0 : i32
      %dma_wait3A_349 = tpu.memref_slice %arg2[%dma_wait3A_348] : memref<12800000xf32, #tpu.memory_space<hbm>> -> memref<12800000xf32, #tpu.memory_space<hbm>>
      tpu.wait_indirect_dma semaphore(%arg12 : memref<!tpu.dma_semaphore, #tpu.memory_space<semaphore_mem>>) src(%dma_wait3A_349 : memref<12800000xf32, #tpu.memory_space<hbm>>) dst(%dma_wait3A_345 : memref<128xf32, #tpu.memory_space<vmem>>)
      %dma_wait3A_350 = arith.constant 2560 : i32
      %dma_wait3A_351 = tpu.memref_slice %arg7[%dma_wait3A_350] : memref<3968xf32, #tpu.memory_space<vmem>> -> memref<128xf32, #tpu.memory_space<vmem>>
      %dma_wait3A_352 = arith.constant 2560 : i32
      %dma_wait3A_353 = tpu.memref_slice %arg6[%dma_wait3A_352] : memref<3968xi32, #tpu.memory_space<vmem>> -> memref<128xi32, #tpu.memory_space<vmem>>
      %dma_wait3A_354 = arith.constant 0 : i32
      %dma_wait3A_355 = tpu.memref_slice %arg2[%dma_wait3A_354] : memref<12800000xf32, #tpu.memory_space<hbm>> -> memref<12800000xf32, #tpu.memory_space<hbm>>
      tpu.wait_indirect_dma semaphore(%arg12 : memref<!tpu.dma_semaphore, #tpu.memory_space<semaphore_mem>>) src(%dma_wait3A_355 : memref<12800000xf32, #tpu.memory_space<hbm>>) dst(%dma_wait3A_351 : memref<128xf32, #tpu.memory_space<vmem>>)
      %dma_wait3A_356 = arith.constant 2688 : i32
      %dma_wait3A_357 = tpu.memref_slice %arg7[%dma_wait3A_356] : memref<3968xf32, #tpu.memory_space<vmem>> -> memref<128xf32, #tpu.memory_space<vmem>>
      %dma_wait3A_358 = arith.constant 2688 : i32
      %dma_wait3A_359 = tpu.memref_slice %arg6[%dma_wait3A_358] : memref<3968xi32, #tpu.memory_space<vmem>> -> memref<128xi32, #tpu.memory_space<vmem>>
      %dma_wait3A_360 = arith.constant 0 : i32
      %dma_wait3A_361 = tpu.memref_slice %arg2[%dma_wait3A_360] : memref<12800000xf32, #tpu.memory_space<hbm>> -> memref<12800000xf32, #tpu.memory_space<hbm>>
      tpu.wait_indirect_dma semaphore(%arg12 : memref<!tpu.dma_semaphore, #tpu.memory_space<semaphore_mem>>) src(%dma_wait3A_361 : memref<12800000xf32, #tpu.memory_space<hbm>>) dst(%dma_wait3A_357 : memref<128xf32, #tpu.memory_space<vmem>>)
      %dma_wait3A_362 = arith.constant 2816 : i32
      %dma_wait3A_363 = tpu.memref_slice %arg7[%dma_wait3A_362] : memref<3968xf32, #tpu.memory_space<vmem>> -> memref<128xf32, #tpu.memory_space<vmem>>
      %dma_wait3A_364 = arith.constant 2816 : i32
      %dma_wait3A_365 = tpu.memref_slice %arg6[%dma_wait3A_364] : memref<3968xi32, #tpu.memory_space<vmem>> -> memref<128xi32, #tpu.memory_space<vmem>>
      %dma_wait3A_366 = arith.constant 0 : i32
      %dma_wait3A_367 = tpu.memref_slice %arg2[%dma_wait3A_366] : memref<12800000xf32, #tpu.memory_space<hbm>> -> memref<12800000xf32, #tpu.memory_space<hbm>>
      tpu.wait_indirect_dma semaphore(%arg12 : memref<!tpu.dma_semaphore, #tpu.memory_space<semaphore_mem>>) src(%dma_wait3A_367 : memref<12800000xf32, #tpu.memory_space<hbm>>) dst(%dma_wait3A_363 : memref<128xf32, #tpu.memory_space<vmem>>)
      %dma_wait3A_368 = arith.constant 2944 : i32
      %dma_wait3A_369 = tpu.memref_slice %arg7[%dma_wait3A_368] : memref<3968xf32, #tpu.memory_space<vmem>> -> memref<128xf32, #tpu.memory_space<vmem>>
      %dma_wait3A_370 = arith.constant 2944 : i32
      %dma_wait3A_371 = tpu.memref_slice %arg6[%dma_wait3A_370] : memref<3968xi32, #tpu.memory_space<vmem>> -> memref<128xi32, #tpu.memory_space<vmem>>
      %dma_wait3A_372 = arith.constant 0 : i32
      %dma_wait3A_373 = tpu.memref_slice %arg2[%dma_wait3A_372] : memref<12800000xf32, #tpu.memory_space<hbm>> -> memref<12800000xf32, #tpu.memory_space<hbm>>
      tpu.wait_indirect_dma semaphore(%arg12 : memref<!tpu.dma_semaphore, #tpu.memory_space<semaphore_mem>>) src(%dma_wait3A_373 : memref<12800000xf32, #tpu.memory_space<hbm>>) dst(%dma_wait3A_369 : memref<128xf32, #tpu.memory_space<vmem>>)
      %dma_wait3A_374 = arith.constant 3072 : i32
      %dma_wait3A_375 = tpu.memref_slice %arg7[%dma_wait3A_374] : memref<3968xf32, #tpu.memory_space<vmem>> -> memref<128xf32, #tpu.memory_space<vmem>>
      %dma_wait3A_376 = arith.constant 3072 : i32
      %dma_wait3A_377 = tpu.memref_slice %arg6[%dma_wait3A_376] : memref<3968xi32, #tpu.memory_space<vmem>> -> memref<128xi32, #tpu.memory_space<vmem>>
      %dma_wait3A_378 = arith.constant 0 : i32
      %dma_wait3A_379 = tpu.memref_slice %arg2[%dma_wait3A_378] : memref<12800000xf32, #tpu.memory_space<hbm>> -> memref<12800000xf32, #tpu.memory_space<hbm>>
      tpu.wait_indirect_dma semaphore(%arg12 : memref<!tpu.dma_semaphore, #tpu.memory_space<semaphore_mem>>) src(%dma_wait3A_379 : memref<12800000xf32, #tpu.memory_space<hbm>>) dst(%dma_wait3A_375 : memref<128xf32, #tpu.memory_space<vmem>>)
      %dma_wait3A_380 = arith.constant 3200 : i32
      %dma_wait3A_381 = tpu.memref_slice %arg7[%dma_wait3A_380] : memref<3968xf32, #tpu.memory_space<vmem>> -> memref<128xf32, #tpu.memory_space<vmem>>
      %dma_wait3A_382 = arith.constant 3200 : i32
      %dma_wait3A_383 = tpu.memref_slice %arg6[%dma_wait3A_382] : memref<3968xi32, #tpu.memory_space<vmem>> -> memref<128xi32, #tpu.memory_space<vmem>>
      %dma_wait3A_384 = arith.constant 0 : i32
      %dma_wait3A_385 = tpu.memref_slice %arg2[%dma_wait3A_384] : memref<12800000xf32, #tpu.memory_space<hbm>> -> memref<12800000xf32, #tpu.memory_space<hbm>>
      tpu.wait_indirect_dma semaphore(%arg12 : memref<!tpu.dma_semaphore, #tpu.memory_space<semaphore_mem>>) src(%dma_wait3A_385 : memref<12800000xf32, #tpu.memory_space<hbm>>) dst(%dma_wait3A_381 : memref<128xf32, #tpu.memory_space<vmem>>)
      %dma_wait3A_386 = arith.constant 3328 : i32
      %dma_wait3A_387 = tpu.memref_slice %arg7[%dma_wait3A_386] : memref<3968xf32, #tpu.memory_space<vmem>> -> memref<128xf32, #tpu.memory_space<vmem>>
      %dma_wait3A_388 = arith.constant 3328 : i32
      %dma_wait3A_389 = tpu.memref_slice %arg6[%dma_wait3A_388] : memref<3968xi32, #tpu.memory_space<vmem>> -> memref<128xi32, #tpu.memory_space<vmem>>
      %dma_wait3A_390 = arith.constant 0 : i32
      %dma_wait3A_391 = tpu.memref_slice %arg2[%dma_wait3A_390] : memref<12800000xf32, #tpu.memory_space<hbm>> -> memref<12800000xf32, #tpu.memory_space<hbm>>
      tpu.wait_indirect_dma semaphore(%arg12 : memref<!tpu.dma_semaphore, #tpu.memory_space<semaphore_mem>>) src(%dma_wait3A_391 : memref<12800000xf32, #tpu.memory_space<hbm>>) dst(%dma_wait3A_387 : memref<128xf32, #tpu.memory_space<vmem>>)
      %dma_wait3A_392 = arith.constant 3456 : i32
      %dma_wait3A_393 = tpu.memref_slice %arg7[%dma_wait3A_392] : memref<3968xf32, #tpu.memory_space<vmem>> -> memref<128xf32, #tpu.memory_space<vmem>>
      %dma_wait3A_394 = arith.constant 3456 : i32
      %dma_wait3A_395 = tpu.memref_slice %arg6[%dma_wait3A_394] : memref<3968xi32, #tpu.memory_space<vmem>> -> memref<128xi32, #tpu.memory_space<vmem>>
      %dma_wait3A_396 = arith.constant 0 : i32
      %dma_wait3A_397 = tpu.memref_slice %arg2[%dma_wait3A_396] : memref<12800000xf32, #tpu.memory_space<hbm>> -> memref<12800000xf32, #tpu.memory_space<hbm>>
      tpu.wait_indirect_dma semaphore(%arg12 : memref<!tpu.dma_semaphore, #tpu.memory_space<semaphore_mem>>) src(%dma_wait3A_397 : memref<12800000xf32, #tpu.memory_space<hbm>>) dst(%dma_wait3A_393 : memref<128xf32, #tpu.memory_space<vmem>>)
      %dma_wait3A_398 = arith.constant 3584 : i32
      %dma_wait3A_399 = tpu.memref_slice %arg7[%dma_wait3A_398] : memref<3968xf32, #tpu.memory_space<vmem>> -> memref<128xf32, #tpu.memory_space<vmem>>
      %dma_wait3A_400 = arith.constant 3584 : i32
      %dma_wait3A_401 = tpu.memref_slice %arg6[%dma_wait3A_400] : memref<3968xi32, #tpu.memory_space<vmem>> -> memref<128xi32, #tpu.memory_space<vmem>>
      %dma_wait3A_402 = arith.constant 0 : i32
      %dma_wait3A_403 = tpu.memref_slice %arg2[%dma_wait3A_402] : memref<12800000xf32, #tpu.memory_space<hbm>> -> memref<12800000xf32, #tpu.memory_space<hbm>>
      tpu.wait_indirect_dma semaphore(%arg12 : memref<!tpu.dma_semaphore, #tpu.memory_space<semaphore_mem>>) src(%dma_wait3A_403 : memref<12800000xf32, #tpu.memory_space<hbm>>) dst(%dma_wait3A_399 : memref<128xf32, #tpu.memory_space<vmem>>)
      %dma_wait3A_404 = arith.constant 3712 : i32
      %dma_wait3A_405 = tpu.memref_slice %arg7[%dma_wait3A_404] : memref<3968xf32, #tpu.memory_space<vmem>> -> memref<128xf32, #tpu.memory_space<vmem>>
      %dma_wait3A_406 = arith.constant 3712 : i32
      %dma_wait3A_407 = tpu.memref_slice %arg6[%dma_wait3A_406] : memref<3968xi32, #tpu.memory_space<vmem>> -> memref<128xi32, #tpu.memory_space<vmem>>
      %dma_wait3A_408 = arith.constant 0 : i32
      %dma_wait3A_409 = tpu.memref_slice %arg2[%dma_wait3A_408] : memref<12800000xf32, #tpu.memory_space<hbm>> -> memref<12800000xf32, #tpu.memory_space<hbm>>
      tpu.wait_indirect_dma semaphore(%arg12 : memref<!tpu.dma_semaphore, #tpu.memory_space<semaphore_mem>>) src(%dma_wait3A_409 : memref<12800000xf32, #tpu.memory_space<hbm>>) dst(%dma_wait3A_405 : memref<128xf32, #tpu.memory_space<vmem>>)
      %dma_wait3A_410 = arith.constant 3840 : i32
      %dma_wait3A_411 = tpu.memref_slice %arg7[%dma_wait3A_410] : memref<3968xf32, #tpu.memory_space<vmem>> -> memref<128xf32, #tpu.memory_space<vmem>>
      %dma_wait3A_412 = arith.constant 3840 : i32
      %dma_wait3A_413 = tpu.memref_slice %arg6[%dma_wait3A_412] : memref<3968xi32, #tpu.memory_space<vmem>> -> memref<128xi32, #tpu.memory_space<vmem>>
      %dma_wait3A_414 = arith.constant 0 : i32
      %dma_wait3A_415 = tpu.memref_slice %arg2[%dma_wait3A_414] : memref<12800000xf32, #tpu.memory_space<hbm>> -> memref<12800000xf32, #tpu.memory_space<hbm>>
      tpu.wait_indirect_dma semaphore(%arg12 : memref<!tpu.dma_semaphore, #tpu.memory_space<semaphore_mem>>) src(%dma_wait3A_415 : memref<12800000xf32, #tpu.memory_space<hbm>>) dst(%dma_wait3A_411 : memref<128xf32, #tpu.memory_space<vmem>>)
      %while3A = arith.constant 0 : i32
      %while3A_416 = arith.constant 0xFF800000 : f32
      %while3A_417 = arith.constant 0 : i32
      %while3A_418 = arith.subi %select_n3A, %while3A : i32
      %while3A_419 = arith.addi %while3A, %while3A_418 : i32
      %while3A_420 = arith.constant 1 : i32
      %while3A_421 = arith.divsi %while3A_418, %while3A_420 : i32
      %while3A_422 = arith.muli %while3A_421, %while3A_420 : i32
      %while3A_423 = arith.addi %while3A, %while3A_422 : i32
      %while3A_424 = arith.constant 1 : i32
      %while3A_425:2 = scf.for %while3A_775 = %while3A to %while3A_423 step %while3A_424 iter_args(%while3A_776 = %while3A_416, %while3A_777 = %while3A_417) -> (f32, i32)  : i32 {
        %mul3A_778 = arith.constant 16 : i32
        %mul3A_779 = arith.muli %while3A_775, %mul3A_778 : i32
        %add3A_780 = vector.broadcast %mul3A_779 : i32 to vector<16xi32>
        %add3A_781 = arith.addi %add3A_780, %iota3A : vector<16xi32>
        %mul3A_782 = arith.constant 16 : i32
        %mul3A_783 = arith.muli %while3A_775, %mul3A_782 : i32
        %get3A_784 = arith.index_cast %mul3A_783 : i32 to index
        %get3A_785 = tpu.vector_load %arg7[%get3A_784] {strides = array<i32>} : memref<3968xf32, #tpu.memory_space<vmem>>, vector<16xf32>,
        %gt3A = vector.broadcast %while3A_776 : f32 to vector<16xf32>
        %gt3A_786 = arith.cmpf ogt, %get3A_785, %gt3A : vector<16xf32>
        %add3A_787 = vector.broadcast %add3A_43 : i32 to vector<16xi32>
        %add3A_788 = arith.addi %add3A_787, %add3A_781 : vector<16xi32>
        %swap3A_789 = arith.index_cast %while3A_777 : i32 to index
        %swap3A_790 = tpu.vector_load %arg8[%swap3A_789] masked %gt3A_786 {strides = array<i32>} : memref<128xf32, #tpu.memory_space<vmem>>, vector<16xf32>, vector<16xi1>
        tpu.vector_store %arg8[%swap3A_789], %get3A_785 masked %gt3A_786 {strides = array<i32>} : memref<128xf32, #tpu.memory_space<vmem>>, vector<16xf32>, vector<16xi1>
        %swap3A_791 = arith.index_cast %while3A_777 : i32 to index
        %swap3A_792 = tpu.vector_load %arg9[%swap3A_791] masked %gt3A_786 {strides = array<i32>} : memref<128xi32, #tpu.memory_space<vmem>>, vector<16xi32>, vector<16xi1>
        tpu.vector_store %arg9[%swap3A_791], %add3A_788 masked %gt3A_786 {strides = array<i32>} : memref<128xi32, #tpu.memory_space<vmem>>, vector<16xi32>, vector<16xi1>
        %all_reduce_population_count3A = tpu.all_reduce %gt3A_786 {dim = 0 : i64, kind = #tpu.reduction_kind<sum>} : vector<16xi1> -> vector<16xi32>
        %slice3A = vector.extract_strided_slice %all_reduce_population_count3A {offsets = [0], sizes = [1], strides = [1]} : vector<16xi32> to vector<1xi32>
        %squeeze3A = vector.extract %slice3A[0] : i32 from vector<1xi32>
        %add3A_793 = arith.addi %while3A_777, %squeeze3A : i32
        %gt3A_794 = arith.constant 112 : i32
        %gt3A_795 = arith.cmpi sgt, %add3A_793, %gt3A_794 : i32
        %convert_element_type3A_796 = arith.extui %gt3A_795 : i1 to i32
        %cond3A_797 = arith.constant 0 : i32
        %cond3A_798 = arith.cmpi ne, %convert_element_type3A_796, %cond3A_797 : i32
        %cond3A_799:2 = scf.if %cond3A_798 -> (f32, i32) {
          %get3A_800 = arith.constant 0 : index
          %get3A_801 = tpu.vector_load %arg8[%get3A_800] {strides = array<i32>} : memref<128xf32, #tpu.memory_space<vmem>>, vector<16xf32>,
          %get3A_802 = arith.constant 0 : index
          %get3A_803 = tpu.vector_load %arg9[%get3A_802] {strides = array<i32>} : memref<128xi32, #tpu.memory_space<vmem>>, vector<16xi32>,
          %masked_sort3A_804 = arith.constant dense<true> : vector<16xi1>
          %masked_sort3A_805, %masked_sort3A_806, %masked_sort3A_807 = tpu.sort %get3A_801, %get3A_803 masked %masked_sort3A_804 {descending = true} : (vector<16xf32>, vector<16xi32>, vector<16xi1>) -> (vector<16xi1>, vector<16xf32>, vector<16xi32>)
          %get3A_808 = arith.constant 16 : index
          %get3A_809 = tpu.vector_load %arg8[%get3A_808] {strides = array<i32>} : memref<128xf32, #tpu.memory_space<vmem>>, vector<16xf32>,
          %get3A_810 = arith.constant 16 : index
          %get3A_811 = tpu.vector_load %arg9[%get3A_810] {strides = array<i32>} : memref<128xi32, #tpu.memory_space<vmem>>, vector<16xi32>,
          %masked_sort3A_812 = arith.constant dense<true> : vector<16xi1>
          %masked_sort3A_813, %masked_sort3A_814, %masked_sort3A_815 = tpu.sort %get3A_809, %get3A_811 masked %masked_sort3A_812 {descending = true} : (vector<16xf32>, vector<16xi32>, vector<16xi1>) -> (vector<16xi1>, vector<16xf32>, vector<16xi32>)
          %get3A_816 = arith.constant 32 : index
          %get3A_817 = tpu.vector_load %arg8[%get3A_816] {strides = array<i32>} : memref<128xf32, #tpu.memory_space<vmem>>, vector<16xf32>,
          %get3A_818 = arith.constant 32 : index
          %get3A_819 = tpu.vector_load %arg9[%get3A_818] {strides = array<i32>} : memref<128xi32, #tpu.memory_space<vmem>>, vector<16xi32>,
          %masked_sort3A_820 = arith.constant dense<true> : vector<16xi1>
          %masked_sort3A_821, %masked_sort3A_822, %masked_sort3A_823 = tpu.sort %get3A_817, %get3A_819 masked %masked_sort3A_820 {descending = true} : (vector<16xf32>, vector<16xi32>, vector<16xi1>) -> (vector<16xi1>, vector<16xf32>, vector<16xi32>)
          %get3A_824 = arith.constant 48 : index
          %get3A_825 = tpu.vector_load %arg8[%get3A_824] {strides = array<i32>} : memref<128xf32, #tpu.memory_space<vmem>>, vector<16xf32>,
          %get3A_826 = arith.constant 48 : index
          %get3A_827 = tpu.vector_load %arg9[%get3A_826] {strides = array<i32>} : memref<128xi32, #tpu.memory_space<vmem>>, vector<16xi32>,
          %masked_sort3A_828 = arith.constant dense<true> : vector<16xi1>
          %masked_sort3A_829, %masked_sort3A_830, %masked_sort3A_831 = tpu.sort %get3A_825, %get3A_827 masked %masked_sort3A_828 {descending = true} : (vector<16xf32>, vector<16xi32>, vector<16xi1>) -> (vector<16xi1>, vector<16xf32>, vector<16xi32>)
          %get3A_832 = arith.constant 64 : index
          %get3A_833 = tpu.vector_load %arg8[%get3A_832] {strides = array<i32>} : memref<128xf32, #tpu.memory_space<vmem>>, vector<16xf32>,
          %get3A_834 = arith.constant 64 : index
          %get3A_835 = tpu.vector_load %arg9[%get3A_834] {strides = array<i32>} : memref<128xi32, #tpu.memory_space<vmem>>, vector<16xi32>,
          %masked_sort3A_836 = arith.constant dense<true> : vector<16xi1>
          %masked_sort3A_837, %masked_sort3A_838, %masked_sort3A_839 = tpu.sort %get3A_833, %get3A_835 masked %masked_sort3A_836 {descending = true} : (vector<16xf32>, vector<16xi32>, vector<16xi1>) -> (vector<16xi1>, vector<16xf32>, vector<16xi32>)
          %get3A_840 = arith.constant 80 : index
          %get3A_841 = tpu.vector_load %arg8[%get3A_840] {strides = array<i32>} : memref<128xf32, #tpu.memory_space<vmem>>, vector<16xf32>,
          %get3A_842 = arith.constant 80 : index
          %get3A_843 = tpu.vector_load %arg9[%get3A_842] {strides = array<i32>} : memref<128xi32, #tpu.memory_space<vmem>>, vector<16xi32>,
          %masked_sort3A_844 = arith.constant dense<true> : vector<16xi1>
          %masked_sort3A_845, %masked_sort3A_846, %masked_sort3A_847 = tpu.sort %get3A_841, %get3A_843 masked %masked_sort3A_844 {descending = true} : (vector<16xf32>, vector<16xi32>, vector<16xi1>) -> (vector<16xi1>, vector<16xf32>, vector<16xi32>)
          %get3A_848 = arith.constant 96 : index
          %get3A_849 = tpu.vector_load %arg8[%get3A_848] {strides = array<i32>} : memref<128xf32, #tpu.memory_space<vmem>>, vector<16xf32>,
          %get3A_850 = arith.constant 96 : index
          %get3A_851 = tpu.vector_load %arg9[%get3A_850] {strides = array<i32>} : memref<128xi32, #tpu.memory_space<vmem>>, vector<16xi32>,
          %masked_sort3A_852 = arith.constant dense<true> : vector<16xi1>
          %masked_sort3A_853, %masked_sort3A_854, %masked_sort3A_855 = tpu.sort %get3A_849, %get3A_851 masked %masked_sort3A_852 {descending = true} : (vector<16xf32>, vector<16xi32>, vector<16xi1>) -> (vector<16xi1>, vector<16xf32>, vector<16xi32>)
          %get3A_856 = arith.constant 112 : index
          %get3A_857 = tpu.vector_load %arg8[%get3A_856] {strides = array<i32>} : memref<128xf32, #tpu.memory_space<vmem>>, vector<16xf32>,
          %get3A_858 = arith.constant 112 : index
          %get3A_859 = tpu.vector_load %arg9[%get3A_858] {strides = array<i32>} : memref<128xi32, #tpu.memory_space<vmem>>, vector<16xi32>,
          %masked_sort3A_860 = arith.constant dense<true> : vector<16xi1>
          %masked_sort3A_861, %masked_sort3A_862, %masked_sort3A_863 = tpu.sort %get3A_857, %get3A_859 masked %masked_sort3A_860 {descending = true} : (vector<16xf32>, vector<16xi32>, vector<16xi1>) -> (vector<16xi1>, vector<16xf32>, vector<16xi32>)
          %rev3A_864 = arith.constant 15 : i32
          %rev3A_865 = vector.broadcast %rev3A_864 : i32 to vector<16xi32>
          %rev3A_866 = tpu.iota {dimensions = array<i32: 0>} : vector<16xi32>
          %rev3A_867 = arith.subi %rev3A_865, %rev3A_866 : vector<16xi32>
          %rev3A_868 = tpu.dynamic_gather %masked_sort3A_814[%rev3A_867] in [0] : vector<16xf32>, vector<16xi32> -> vector<16xf32>
          %rev3A_869 = arith.constant 15 : i32
          %rev3A_870 = vector.broadcast %rev3A_869 : i32 to vector<16xi32>
          %rev3A_871 = tpu.iota {dimensions = array<i32: 0>} : vector<16xi32>
          %rev3A_872 = arith.subi %rev3A_870, %rev3A_871 : vector<16xi32>
          %rev3A_873 = tpu.dynamic_gather %masked_sort3A_815[%rev3A_872] in [0] : vector<16xi32>, vector<16xi32> -> vector<16xi32>
          %ge3A_874 = arith.cmpf oge, %masked_sort3A_806, %rev3A_868 : vector<16xf32>
          %select_n3A_875 = arith.select %ge3A_874, %masked_sort3A_806, %rev3A_868 : vector<16xi1>, vector<16xf32>
          %select_n3A_876 = arith.select %ge3A_874, %masked_sort3A_807, %rev3A_873 : vector<16xi1>, vector<16xi32>
          %select_n3A_877 = arith.select %ge3A_874, %rev3A_868, %masked_sort3A_806 : vector<16xi1>, vector<16xf32>
          %select_n3A_878 = arith.select %ge3A_874, %rev3A_873, %masked_sort3A_807 : vector<16xi1>, vector<16xi32>
          %masked_sort3A_879 = arith.constant dense<true> : vector<16xi1>
          %masked_sort3A_880, %masked_sort3A_881, %masked_sort3A_882 = tpu.sort %select_n3A_875, %select_n3A_876 masked %masked_sort3A_879 {descending = true} : (vector<16xf32>, vector<16xi32>, vector<16xi1>) -> (vector<16xi1>, vector<16xf32>, vector<16xi32>)
          %masked_sort3A_883 = arith.constant dense<true> : vector<16xi1>
          %masked_sort3A_884, %masked_sort3A_885, %masked_sort3A_886 = tpu.sort %select_n3A_877, %select_n3A_878 masked %masked_sort3A_883 {descending = true} : (vector<16xf32>, vector<16xi32>, vector<16xi1>) -> (vector<16xi1>, vector<16xf32>, vector<16xi32>)
          %rev3A_887 = arith.constant 15 : i32
          %rev3A_888 = vector.broadcast %rev3A_887 : i32 to vector<16xi32>
          %rev3A_889 = tpu.iota {dimensions = array<i32: 0>} : vector<16xi32>
          %rev3A_890 = arith.subi %rev3A_888, %rev3A_889 : vector<16xi32>
          %rev3A_891 = tpu.dynamic_gather %masked_sort3A_830[%rev3A_890] in [0] : vector<16xf32>, vector<16xi32> -> vector<16xf32>
          %rev3A_892 = arith.constant 15 : i32
          %rev3A_893 = vector.broadcast %rev3A_892 : i32 to vector<16xi32>
          %rev3A_894 = tpu.iota {dimensions = array<i32: 0>} : vector<16xi32>
          %rev3A_895 = arith.subi %rev3A_893, %rev3A_894 : vector<16xi32>
          %rev3A_896 = tpu.dynamic_gather %masked_sort3A_831[%rev3A_895] in [0] : vector<16xi32>, vector<16xi32> -> vector<16xi32>
          %ge3A_897 = arith.cmpf oge, %masked_sort3A_822, %rev3A_891 : vector<16xf32>
          %select_n3A_898 = arith.select %ge3A_897, %masked_sort3A_822, %rev3A_891 : vector<16xi1>, vector<16xf32>
          %select_n3A_899 = arith.select %ge3A_897, %masked_sort3A_823, %rev3A_896 : vector<16xi1>, vector<16xi32>
          %select_n3A_900 = arith.select %ge3A_897, %rev3A_891, %masked_sort3A_822 : vector<16xi1>, vector<16xf32>
          %select_n3A_901 = arith.select %ge3A_897, %rev3A_896, %masked_sort3A_823 : vector<16xi1>, vector<16xi32>
          %masked_sort3A_902 = arith.constant dense<true> : vector<16xi1>
          %masked_sort3A_903, %masked_sort3A_904, %masked_sort3A_905 = tpu.sort %select_n3A_898, %select_n3A_899 masked %masked_sort3A_902 {descending = true} : (vector<16xf32>, vector<16xi32>, vector<16xi1>) -> (vector<16xi1>, vector<16xf32>, vector<16xi32>)
          %masked_sort3A_906 = arith.constant dense<true> : vector<16xi1>
          %masked_sort3A_907, %masked_sort3A_908, %masked_sort3A_909 = tpu.sort %select_n3A_900, %select_n3A_901 masked %masked_sort3A_906 {descending = true} : (vector<16xf32>, vector<16xi32>, vector<16xi1>) -> (vector<16xi1>, vector<16xf32>, vector<16xi32>)
          %rev3A_910 = arith.constant 15 : i32
          %rev3A_911 = vector.broadcast %rev3A_910 : i32 to vector<16xi32>
          %rev3A_912 = tpu.iota {dimensions = array<i32: 0>} : vector<16xi32>
          %rev3A_913 = arith.subi %rev3A_911, %rev3A_912 : vector<16xi32>
          %rev3A_914 = tpu.dynamic_gather %masked_sort3A_846[%rev3A_913] in [0] : vector<16xf32>, vector<16xi32> -> vector<16xf32>
          %rev3A_915 = arith.constant 15 : i32
          %rev3A_916 = vector.broadcast %rev3A_915 : i32 to vector<16xi32>
          %rev3A_917 = tpu.iota {dimensions = array<i32: 0>} : vector<16xi32>
          %rev3A_918 = arith.subi %rev3A_916, %rev3A_917 : vector<16xi32>
          %rev3A_919 = tpu.dynamic_gather %masked_sort3A_847[%rev3A_918] in [0] : vector<16xi32>, vector<16xi32> -> vector<16xi32>
          %ge3A_920 = arith.cmpf oge, %masked_sort3A_838, %rev3A_914 : vector<16xf32>
          %select_n3A_921 = arith.select %ge3A_920, %masked_sort3A_838, %rev3A_914 : vector<16xi1>, vector<16xf32>
          %select_n3A_922 = arith.select %ge3A_920, %masked_sort3A_839, %rev3A_919 : vector<16xi1>, vector<16xi32>
          %select_n3A_923 = arith.select %ge3A_920, %rev3A_914, %masked_sort3A_838 : vector<16xi1>, vector<16xf32>
          %select_n3A_924 = arith.select %ge3A_920, %rev3A_919, %masked_sort3A_839 : vector<16xi1>, vector<16xi32>
          %masked_sort3A_925 = arith.constant dense<true> : vector<16xi1>
          %masked_sort3A_926, %masked_sort3A_927, %masked_sort3A_928 = tpu.sort %select_n3A_921, %select_n3A_922 masked %masked_sort3A_925 {descending = true} : (vector<16xf32>, vector<16xi32>, vector<16xi1>) -> (vector<16xi1>, vector<16xf32>, vector<16xi32>)
          %masked_sort3A_929 = arith.constant dense<true> : vector<16xi1>
          %masked_sort3A_930, %masked_sort3A_931, %masked_sort3A_932 = tpu.sort %select_n3A_923, %select_n3A_924 masked %masked_sort3A_929 {descending = true} : (vector<16xf32>, vector<16xi32>, vector<16xi1>) -> (vector<16xi1>, vector<16xf32>, vector<16xi32>)
          %rev3A_933 = arith.constant 15 : i32
          %rev3A_934 = vector.broadcast %rev3A_933 : i32 to vector<16xi32>
          %rev3A_935 = tpu.iota {dimensions = array<i32: 0>} : vector<16xi32>
          %rev3A_936 = arith.subi %rev3A_934, %rev3A_935 : vector<16xi32>
          %rev3A_937 = tpu.dynamic_gather %masked_sort3A_862[%rev3A_936] in [0] : vector<16xf32>, vector<16xi32> -> vector<16xf32>
          %rev3A_938 = arith.constant 15 : i32
          %rev3A_939 = vector.broadcast %rev3A_938 : i32 to vector<16xi32>
          %rev3A_940 = tpu.iota {dimensions = array<i32: 0>} : vector<16xi32>
          %rev3A_941 = arith.subi %rev3A_939, %rev3A_940 : vector<16xi32>
          %rev3A_942 = tpu.dynamic_gather %masked_sort3A_863[%rev3A_941] in [0] : vector<16xi32>, vector<16xi32> -> vector<16xi32>
          %ge3A_943 = arith.cmpf oge, %masked_sort3A_854, %rev3A_937 : vector<16xf32>
          %select_n3A_944 = arith.select %ge3A_943, %masked_sort3A_854, %rev3A_937 : vector<16xi1>, vector<16xf32>
          %select_n3A_945 = arith.select %ge3A_943, %masked_sort3A_855, %rev3A_942 : vector<16xi1>, vector<16xi32>
          %select_n3A_946 = arith.select %ge3A_943, %rev3A_937, %masked_sort3A_854 : vector<16xi1>, vector<16xf32>
          %select_n3A_947 = arith.select %ge3A_943, %rev3A_942, %masked_sort3A_855 : vector<16xi1>, vector<16xi32>
          %masked_sort3A_948 = arith.constant dense<true> : vector<16xi1>
          %masked_sort3A_949, %masked_sort3A_950, %masked_sort3A_951 = tpu.sort %select_n3A_944, %select_n3A_945 masked %masked_sort3A_948 {descending = true} : (vector<16xf32>, vector<16xi32>, vector<16xi1>) -> (vector<16xi1>, vector<16xf32>, vector<16xi32>)
          %masked_sort3A_952 = arith.constant dense<true> : vector<16xi1>
          %masked_sort3A_953, %masked_sort3A_954, %masked_sort3A_955 = tpu.sort %select_n3A_946, %select_n3A_947 masked %masked_sort3A_952 {descending = true} : (vector<16xf32>, vector<16xi32>, vector<16xi1>) -> (vector<16xi1>, vector<16xf32>, vector<16xi32>)
          %rev3A_956 = arith.constant 15 : i32
          %rev3A_957 = vector.broadcast %rev3A_956 : i32 to vector<16xi32>
          %rev3A_958 = tpu.iota {dimensions = array<i32: 0>} : vector<16xi32>
          %rev3A_959 = arith.subi %rev3A_957, %rev3A_958 : vector<16xi32>
          %rev3A_960 = tpu.dynamic_gather %masked_sort3A_908[%rev3A_959] in [0] : vector<16xf32>, vector<16xi32> -> vector<16xf32>
          %rev3A_961 = arith.constant 15 : i32
          %rev3A_962 = vector.broadcast %rev3A_961 : i32 to vector<16xi32>
          %rev3A_963 = tpu.iota {dimensions = array<i32: 0>} : vector<16xi32>
          %rev3A_964 = arith.subi %rev3A_962, %rev3A_963 : vector<16xi32>
          %rev3A_965 = tpu.dynamic_gather %masked_sort3A_909[%rev3A_964] in [0] : vector<16xi32>, vector<16xi32> -> vector<16xi32>
          %rev3A_966 = arith.constant 15 : i32
          %rev3A_967 = vector.broadcast %rev3A_966 : i32 to vector<16xi32>
          %rev3A_968 = tpu.iota {dimensions = array<i32: 0>} : vector<16xi32>
          %rev3A_969 = arith.subi %rev3A_967, %rev3A_968 : vector<16xi32>
          %rev3A_970 = tpu.dynamic_gather %masked_sort3A_904[%rev3A_969] in [0] : vector<16xf32>, vector<16xi32> -> vector<16xf32>
          %rev3A_971 = arith.constant 15 : i32
          %rev3A_972 = vector.broadcast %rev3A_971 : i32 to vector<16xi32>
          %rev3A_973 = tpu.iota {dimensions = array<i32: 0>} : vector<16xi32>
          %rev3A_974 = arith.subi %rev3A_972, %rev3A_973 : vector<16xi32>
          %rev3A_975 = tpu.dynamic_gather %masked_sort3A_905[%rev3A_974] in [0] : vector<16xi32>, vector<16xi32> -> vector<16xi32>
          %ge3A_976 = arith.cmpf oge, %masked_sort3A_881, %rev3A_960 : vector<16xf32>
          %select_n3A_977 = arith.select %ge3A_976, %masked_sort3A_881, %rev3A_960 : vector<16xi1>, vector<16xf32>
          %select_n3A_978 = arith.select %ge3A_976, %masked_sort3A_882, %rev3A_965 : vector<16xi1>, vector<16xi32>
          %ge3A_979 = arith.cmpf oge, %masked_sort3A_885, %rev3A_970 : vector<16xf32>
          %select_n3A_980 = arith.select %ge3A_979, %masked_sort3A_885, %rev3A_970 : vector<16xi1>, vector<16xf32>
          %select_n3A_981 = arith.select %ge3A_979, %masked_sort3A_886, %rev3A_975 : vector<16xi1>, vector<16xi32>
          %ge3A_982 = arith.cmpf oge, %select_n3A_977, %select_n3A_980 : vector<16xf32>
          %select_n3A_983 = arith.select %ge3A_982, %select_n3A_977, %select_n3A_980 : vector<16xi1>, vector<16xf32>
          %select_n3A_984 = arith.select %ge3A_982, %select_n3A_978, %select_n3A_981 : vector<16xi1>, vector<16xi32>
          %select_n3A_985 = arith.select %ge3A_982, %select_n3A_980, %select_n3A_977 : vector<16xi1>, vector<16xf32>
          %select_n3A_986 = arith.select %ge3A_982, %select_n3A_981, %select_n3A_978 : vector<16xi1>, vector<16xi32>
          %masked_sort3A_987 = arith.constant dense<true> : vector<16xi1>
          %masked_sort3A_988, %masked_sort3A_989, %masked_sort3A_990 = tpu.sort %select_n3A_983, %select_n3A_984 masked %masked_sort3A_987 {descending = true} : (vector<16xf32>, vector<16xi32>, vector<16xi1>) -> (vector<16xi1>, vector<16xf32>, vector<16xi32>)
          %masked_sort3A_991 = arith.constant dense<true> : vector<16xi1>
          %masked_sort3A_992, %masked_sort3A_993, %masked_sort3A_994 = tpu.sort %select_n3A_985, %select_n3A_986 masked %masked_sort3A_991 {descending = true} : (vector<16xf32>, vector<16xi32>, vector<16xi1>) -> (vector<16xi1>, vector<16xf32>, vector<16xi32>)
          %rev3A_995 = arith.constant 15 : i32
          %rev3A_996 = vector.broadcast %rev3A_995 : i32 to vector<16xi32>
          %rev3A_997 = tpu.iota {dimensions = array<i32: 0>} : vector<16xi32>
          %rev3A_998 = arith.subi %rev3A_996, %rev3A_997 : vector<16xi32>
          %rev3A_999 = tpu.dynamic_gather %masked_sort3A_954[%rev3A_998] in [0] : vector<16xf32>, vector<16xi32> -> vector<16xf32>
          %rev3A_1000 = arith.constant 15 : i32
          %rev3A_1001 = vector.broadcast %rev3A_1000 : i32 to vector<16xi32>
          %rev3A_1002 = tpu.iota {dimensions = array<i32: 0>} : vector<16xi32>
          %rev3A_1003 = arith.subi %rev3A_1001, %rev3A_1002 : vector<16xi32>
          %rev3A_1004 = tpu.dynamic_gather %masked_sort3A_955[%rev3A_1003] in [0] : vector<16xi32>, vector<16xi32> -> vector<16xi32>
          %rev3A_1005 = arith.constant 15 : i32
          %rev3A_1006 = vector.broadcast %rev3A_1005 : i32 to vector<16xi32>
          %rev3A_1007 = tpu.iota {dimensions = array<i32: 0>} : vector<16xi32>
          %rev3A_1008 = arith.subi %rev3A_1006, %rev3A_1007 : vector<16xi32>
          %rev3A_1009 = tpu.dynamic_gather %masked_sort3A_950[%rev3A_1008] in [0] : vector<16xf32>, vector<16xi32> -> vector<16xf32>
          %rev3A_1010 = arith.constant 15 : i32
          %rev3A_1011 = vector.broadcast %rev3A_1010 : i32 to vector<16xi32>
          %rev3A_1012 = tpu.iota {dimensions = array<i32: 0>} : vector<16xi32>
          %rev3A_1013 = arith.subi %rev3A_1011, %rev3A_1012 : vector<16xi32>
          %rev3A_1014 = tpu.dynamic_gather %masked_sort3A_951[%rev3A_1013] in [0] : vector<16xi32>, vector<16xi32> -> vector<16xi32>
          %ge3A_1015 = arith.cmpf oge, %masked_sort3A_927, %rev3A_999 : vector<16xf32>
          %select_n3A_1016 = arith.select %ge3A_1015, %masked_sort3A_927, %rev3A_999 : vector<16xi1>, vector<16xf32>
          %select_n3A_1017 = arith.select %ge3A_1015, %masked_sort3A_928, %rev3A_1004 : vector<16xi1>, vector<16xi32>
          %ge3A_1018 = arith.cmpf oge, %masked_sort3A_931, %rev3A_1009 : vector<16xf32>
          %select_n3A_1019 = arith.select %ge3A_1018, %masked_sort3A_931, %rev3A_1009 : vector<16xi1>, vector<16xf32>
          %select_n3A_1020 = arith.select %ge3A_1018, %masked_sort3A_932, %rev3A_1014 : vector<16xi1>, vector<16xi32>
          %ge3A_1021 = arith.cmpf oge, %select_n3A_1016, %select_n3A_1019 : vector<16xf32>
          %select_n3A_1022 = arith.select %ge3A_1021, %select_n3A_1016, %select_n3A_1019 : vector<16xi1>, vector<16xf32>
          %select_n3A_1023 = arith.select %ge3A_1021, %select_n3A_1017, %select_n3A_1020 : vector<16xi1>, vector<16xi32>
          %select_n3A_1024 = arith.select %ge3A_1021, %select_n3A_1019, %select_n3A_1016 : vector<16xi1>, vector<16xf32>
          %select_n3A_1025 = arith.select %ge3A_1021, %select_n3A_1020, %select_n3A_1017 : vector<16xi1>, vector<16xi32>
          %masked_sort3A_1026 = arith.constant dense<true> : vector<16xi1>
          %masked_sort3A_1027, %masked_sort3A_1028, %masked_sort3A_1029 = tpu.sort %select_n3A_1022, %select_n3A_1023 masked %masked_sort3A_1026 {descending = true} : (vector<16xf32>, vector<16xi32>, vector<16xi1>) -> (vector<16xi1>, vector<16xf32>, vector<16xi32>)
          %masked_sort3A_1030 = arith.constant dense<true> : vector<16xi1>
          %masked_sort3A_1031, %masked_sort3A_1032, %masked_sort3A_1033 = tpu.sort %select_n3A_1024, %select_n3A_1025 masked %masked_sort3A_1030 {descending = true} : (vector<16xf32>, vector<16xi32>, vector<16xi1>) -> (vector<16xi1>, vector<16xf32>, vector<16xi32>)
          %rev3A_1034 = arith.constant 15 : i32
          %rev3A_1035 = vector.broadcast %rev3A_1034 : i32 to vector<16xi32>
          %rev3A_1036 = tpu.iota {dimensions = array<i32: 0>} : vector<16xi32>
          %rev3A_1037 = arith.subi %rev3A_1035, %rev3A_1036 : vector<16xi32>
          %rev3A_1038 = tpu.dynamic_gather %masked_sort3A_1032[%rev3A_1037] in [0] : vector<16xf32>, vector<16xi32> -> vector<16xf32>
          %rev3A_1039 = arith.constant 15 : i32
          %rev3A_1040 = vector.broadcast %rev3A_1039 : i32 to vector<16xi32>
          %rev3A_1041 = tpu.iota {dimensions = array<i32: 0>} : vector<16xi32>
          %rev3A_1042 = arith.subi %rev3A_1040, %rev3A_1041 : vector<16xi32>
          %rev3A_1043 = tpu.dynamic_gather %masked_sort3A_1033[%rev3A_1042] in [0] : vector<16xi32>, vector<16xi32> -> vector<16xi32>
          %rev3A_1044 = arith.constant 15 : i32
          %rev3A_1045 = vector.broadcast %rev3A_1044 : i32 to vector<16xi32>
          %rev3A_1046 = tpu.iota {dimensions = array<i32: 0>} : vector<16xi32>
          %rev3A_1047 = arith.subi %rev3A_1045, %rev3A_1046 : vector<16xi32>
          %rev3A_1048 = tpu.dynamic_gather %masked_sort3A_1028[%rev3A_1047] in [0] : vector<16xf32>, vector<16xi32> -> vector<16xf32>
          %rev3A_1049 = arith.constant 15 : i32
          %rev3A_1050 = vector.broadcast %rev3A_1049 : i32 to vector<16xi32>
          %rev3A_1051 = tpu.iota {dimensions = array<i32: 0>} : vector<16xi32>
          %rev3A_1052 = arith.subi %rev3A_1050, %rev3A_1051 : vector<16xi32>
          %rev3A_1053 = tpu.dynamic_gather %masked_sort3A_1029[%rev3A_1052] in [0] : vector<16xi32>, vector<16xi32> -> vector<16xi32>
          %ge3A_1054 = arith.cmpf oge, %masked_sort3A_989, %rev3A_1038 : vector<16xf32>
          %select_n3A_1055 = arith.select %ge3A_1054, %masked_sort3A_989, %rev3A_1038 : vector<16xi1>, vector<16xf32>
          %select_n3A_1056 = arith.select %ge3A_1054, %masked_sort3A_990, %rev3A_1043 : vector<16xi1>, vector<16xi32>
          %ge3A_1057 = arith.cmpf oge, %masked_sort3A_993, %rev3A_1048 : vector<16xf32>
          %select_n3A_1058 = arith.select %ge3A_1057, %masked_sort3A_993, %rev3A_1048 : vector<16xi1>, vector<16xf32>
          %select_n3A_1059 = arith.select %ge3A_1057, %masked_sort3A_994, %rev3A_1053 : vector<16xi1>, vector<16xi32>
          %ge3A_1060 = arith.cmpf oge, %select_n3A_1055, %select_n3A_1058 : vector<16xf32>
          %select_n3A_1061 = arith.select %ge3A_1060, %select_n3A_1055, %select_n3A_1058 : vector<16xi1>, vector<16xf32>
          %select_n3A_1062 = arith.select %ge3A_1060, %select_n3A_1056, %select_n3A_1059 : vector<16xi1>, vector<16xi32>
          %select_n3A_1063 = arith.select %ge3A_1060, %select_n3A_1058, %select_n3A_1055 : vector<16xi1>, vector<16xf32>
          %select_n3A_1064 = arith.select %ge3A_1060, %select_n3A_1059, %select_n3A_1056 : vector<16xi1>, vector<16xi32>
          %masked_sort3A_1065 = arith.constant dense<true> : vector<16xi1>
          %masked_sort3A_1066, %masked_sort3A_1067, %masked_sort3A_1068 = tpu.sort %select_n3A_1061, %select_n3A_1062 masked %masked_sort3A_1065 {descending = true} : (vector<16xf32>, vector<16xi32>, vector<16xi1>) -> (vector<16xi1>, vector<16xf32>, vector<16xi32>)
          %masked_sort3A_1069 = arith.constant dense<true> : vector<16xi1>
          %masked_sort3A_1070, %masked_sort3A_1071, %masked_sort3A_1072 = tpu.sort %select_n3A_1063, %select_n3A_1064 masked %masked_sort3A_1069 {descending = true} : (vector<16xf32>, vector<16xi32>, vector<16xi1>) -> (vector<16xi1>, vector<16xf32>, vector<16xi32>)
          %get3A_1073 = arith.constant 0 : index
          %get3A_1074 = tpu.vector_load %arg10[%get3A_1073] {strides = array<i32>} : memref<32xf32, #tpu.memory_space<vmem>>, vector<16xf32>,
          %get3A_1075 = arith.constant 0 : index
          %get3A_1076 = tpu.vector_load %arg11[%get3A_1075] {strides = array<i32>} : memref<32xi32, #tpu.memory_space<vmem>>, vector<16xi32>,
          %get3A_1077 = arith.constant 16 : index
          %get3A_1078 = tpu.vector_load %arg10[%get3A_1077] {strides = array<i32>} : memref<32xf32, #tpu.memory_space<vmem>>, vector<16xf32>,
          %get3A_1079 = arith.constant 16 : index
          %get3A_1080 = tpu.vector_load %arg11[%get3A_1079] {strides = array<i32>} : memref<32xi32, #tpu.memory_space<vmem>>, vector<16xi32>,
          %rev3A_1081 = arith.constant 15 : i32
          %rev3A_1082 = vector.broadcast %rev3A_1081 : i32 to vector<16xi32>
          %rev3A_1083 = tpu.iota {dimensions = array<i32: 0>} : vector<16xi32>
          %rev3A_1084 = arith.subi %rev3A_1082, %rev3A_1083 : vector<16xi32>
          %rev3A_1085 = tpu.dynamic_gather %masked_sort3A_1071[%rev3A_1084] in [0] : vector<16xf32>, vector<16xi32> -> vector<16xf32>
          %rev3A_1086 = arith.constant 15 : i32
          %rev3A_1087 = vector.broadcast %rev3A_1086 : i32 to vector<16xi32>
          %rev3A_1088 = tpu.iota {dimensions = array<i32: 0>} : vector<16xi32>
          %rev3A_1089 = arith.subi %rev3A_1087, %rev3A_1088 : vector<16xi32>
          %rev3A_1090 = tpu.dynamic_gather %masked_sort3A_1072[%rev3A_1089] in [0] : vector<16xi32>, vector<16xi32> -> vector<16xi32>
          %rev3A_1091 = arith.constant 15 : i32
          %rev3A_1092 = vector.broadcast %rev3A_1091 : i32 to vector<16xi32>
          %rev3A_1093 = tpu.iota {dimensions = array<i32: 0>} : vector<16xi32>
          %rev3A_1094 = arith.subi %rev3A_1092, %rev3A_1093 : vector<16xi32>
          %rev3A_1095 = tpu.dynamic_gather %masked_sort3A_1067[%rev3A_1094] in [0] : vector<16xf32>, vector<16xi32> -> vector<16xf32>
          %rev3A_1096 = arith.constant 15 : i32
          %rev3A_1097 = vector.broadcast %rev3A_1096 : i32 to vector<16xi32>
          %rev3A_1098 = tpu.iota {dimensions = array<i32: 0>} : vector<16xi32>
          %rev3A_1099 = arith.subi %rev3A_1097, %rev3A_1098 : vector<16xi32>
          %rev3A_1100 = tpu.dynamic_gather %masked_sort3A_1068[%rev3A_1099] in [0] : vector<16xi32>, vector<16xi32> -> vector<16xi32>
          %ge3A_1101 = arith.cmpf oge, %get3A_1074, %rev3A_1085 : vector<16xf32>
          %select_n3A_1102 = arith.select %ge3A_1101, %get3A_1074, %rev3A_1085 : vector<16xi1>, vector<16xf32>
          %select_n3A_1103 = arith.select %ge3A_1101, %get3A_1076, %rev3A_1090 : vector<16xi1>, vector<16xi32>
          %ge3A_1104 = arith.cmpf oge, %get3A_1078, %rev3A_1095 : vector<16xf32>
          %select_n3A_1105 = arith.select %ge3A_1104, %get3A_1078, %rev3A_1095 : vector<16xi1>, vector<16xf32>
          %select_n3A_1106 = arith.select %ge3A_1104, %get3A_1080, %rev3A_1100 : vector<16xi1>, vector<16xi32>
          %ge3A_1107 = arith.cmpf oge, %select_n3A_1102, %select_n3A_1105 : vector<16xf32>
          %select_n3A_1108 = arith.select %ge3A_1107, %select_n3A_1102, %select_n3A_1105 : vector<16xi1>, vector<16xf32>
          %select_n3A_1109 = arith.select %ge3A_1107, %select_n3A_1103, %select_n3A_1106 : vector<16xi1>, vector<16xi32>
          %select_n3A_1110 = arith.select %ge3A_1107, %select_n3A_1105, %select_n3A_1102 : vector<16xi1>, vector<16xf32>
          %select_n3A_1111 = arith.select %ge3A_1107, %select_n3A_1106, %select_n3A_1103 : vector<16xi1>, vector<16xi32>
          %masked_sort3A_1112 = arith.constant dense<true> : vector<16xi1>
          %masked_sort3A_1113, %masked_sort3A_1114, %masked_sort3A_1115 = tpu.sort %select_n3A_1108, %select_n3A_1109 masked %masked_sort3A_1112 {descending = true} : (vector<16xf32>, vector<16xi32>, vector<16xi1>) -> (vector<16xi1>, vector<16xf32>, vector<16xi32>)
          %masked_sort3A_1116 = arith.constant dense<true> : vector<16xi1>
          %masked_sort3A_1117, %masked_sort3A_1118, %masked_sort3A_1119 = tpu.sort %select_n3A_1110, %select_n3A_1111 masked %masked_sort3A_1116 {descending = true} : (vector<16xf32>, vector<16xi32>, vector<16xi1>) -> (vector<16xi1>, vector<16xf32>, vector<16xi32>)
          %swap3A_1120 = arith.constant 0 : index
          %swap3A_1121 = tpu.vector_load %arg10[%swap3A_1120] {strides = array<i32>} : memref<32xf32, #tpu.memory_space<vmem>>, vector<16xf32>,
          tpu.vector_store %arg10[%swap3A_1120], %masked_sort3A_1114 {strides = array<i32>} : memref<32xf32, #tpu.memory_space<vmem>>, vector<16xf32>,
          %swap3A_1122 = arith.constant 0 : index
          %swap3A_1123 = tpu.vector_load %arg11[%swap3A_1122] {strides = array<i32>} : memref<32xi32, #tpu.memory_space<vmem>>, vector<16xi32>,
          tpu.vector_store %arg11[%swap3A_1122], %masked_sort3A_1115 {strides = array<i32>} : memref<32xi32, #tpu.memory_space<vmem>>, vector<16xi32>,
          %swap3A_1124 = arith.constant 16 : index
          %swap3A_1125 = tpu.vector_load %arg10[%swap3A_1124] {strides = array<i32>} : memref<32xf32, #tpu.memory_space<vmem>>, vector<16xf32>,
          tpu.vector_store %arg10[%swap3A_1124], %masked_sort3A_1118 {strides = array<i32>} : memref<32xf32, #tpu.memory_space<vmem>>, vector<16xf32>,
          %swap3A_1126 = arith.constant 16 : index
          %swap3A_1127 = tpu.vector_load %arg11[%swap3A_1126] {strides = array<i32>} : memref<32xi32, #tpu.memory_space<vmem>>, vector<16xi32>,
          tpu.vector_store %arg11[%swap3A_1126], %masked_sort3A_1119 {strides = array<i32>} : memref<32xi32, #tpu.memory_space<vmem>>, vector<16xi32>,
          %swap3A_1128 = arith.constant 0 : index
          %swap3A_1129 = tpu.vector_load %arg8[%swap3A_1128] {strides = array<i32>} : memref<128xf32, #tpu.memory_space<vmem>>, vector<16xf32>,
          tpu.vector_store %arg8[%swap3A_1128], %broadcast_in_dim3A_1 {strides = array<i32>} : memref<128xf32, #tpu.memory_space<vmem>>, vector<16xf32>,
          %swap3A_1130 = arith.constant 16 : index
          %swap3A_1131 = tpu.vector_load %arg8[%swap3A_1130] {strides = array<i32>} : memref<128xf32, #tpu.memory_space<vmem>>, vector<16xf32>,
          tpu.vector_store %arg8[%swap3A_1130], %broadcast_in_dim3A_1 {strides = array<i32>} : memref<128xf32, #tpu.memory_space<vmem>>, vector<16xf32>,
          %swap3A_1132 = arith.constant 32 : index
          %swap3A_1133 = tpu.vector_load %arg8[%swap3A_1132] {strides = array<i32>} : memref<128xf32, #tpu.memory_space<vmem>>, vector<16xf32>,
          tpu.vector_store %arg8[%swap3A_1132], %broadcast_in_dim3A_1 {strides = array<i32>} : memref<128xf32, #tpu.memory_space<vmem>>, vector<16xf32>,
          %swap3A_1134 = arith.constant 48 : index
          %swap3A_1135 = tpu.vector_load %arg8[%swap3A_1134] {strides = array<i32>} : memref<128xf32, #tpu.memory_space<vmem>>, vector<16xf32>,
          tpu.vector_store %arg8[%swap3A_1134], %broadcast_in_dim3A_1 {strides = array<i32>} : memref<128xf32, #tpu.memory_space<vmem>>, vector<16xf32>,
          %swap3A_1136 = arith.constant 64 : index
          %swap3A_1137 = tpu.vector_load %arg8[%swap3A_1136] {strides = array<i32>} : memref<128xf32, #tpu.memory_space<vmem>>, vector<16xf32>,
          tpu.vector_store %arg8[%swap3A_1136], %broadcast_in_dim3A_1 {strides = array<i32>} : memref<128xf32, #tpu.memory_space<vmem>>, vector<16xf32>,
          %swap3A_1138 = arith.constant 80 : index
          %swap3A_1139 = tpu.vector_load %arg8[%swap3A_1138] {strides = array<i32>} : memref<128xf32, #tpu.memory_space<vmem>>, vector<16xf32>,
          tpu.vector_store %arg8[%swap3A_1138], %broadcast_in_dim3A_1 {strides = array<i32>} : memref<128xf32, #tpu.memory_space<vmem>>, vector<16xf32>,
          %swap3A_1140 = arith.constant 96 : index
          %swap3A_1141 = tpu.vector_load %arg8[%swap3A_1140] {strides = array<i32>} : memref<128xf32, #tpu.memory_space<vmem>>, vector<16xf32>,
          tpu.vector_store %arg8[%swap3A_1140], %broadcast_in_dim3A_1 {strides = array<i32>} : memref<128xf32, #tpu.memory_space<vmem>>, vector<16xf32>,
          %swap3A_1142 = arith.constant 112 : index
          %swap3A_1143 = tpu.vector_load %arg8[%swap3A_1142] {strides = array<i32>} : memref<128xf32, #tpu.memory_space<vmem>>, vector<16xf32>,
          tpu.vector_store %arg8[%swap3A_1142], %broadcast_in_dim3A_1 {strides = array<i32>} : memref<128xf32, #tpu.memory_space<vmem>>, vector<16xf32>,
          %reduce_min3A_1144 = arith.constant true
          %reduce_min3A_1145 = vector.broadcast %reduce_min3A_1144 : i1 to vector<16xi1>
          %reduce_min3A_1146 = tpu.scan <min>, %masked_sort3A_1118 masked %reduce_min3A_1145 : vector<16xf32>, vector<16xi1> -> vector<16xf32>
          %reduce_min3A_1147 = vector.extract %reduce_min3A_1146[15] : f32 from vector<16xf32>
          %cond3A_1148 = arith.constant 0 : i32
          scf.yield %reduce_min3A_1147, %cond3A_1148 : f32, i32
        } else {
          scf.yield %while3A_776, %add3A_793 : f32, i32
        }
        scf.yield %cond3A_799#0, %cond3A_799#1 : f32, i32
      }
      %while3A_426 = arith.constant 1 : i32
      %while3A_427:2 = scf.for %while3A_775 = %while3A_423 to %while3A_419 step %while3A_426 iter_args(%while3A_776 = %while3A_425#0, %while3A_777 = %while3A_425#1) -> (f32, i32)  : i32 {
        %mul3A_778 = arith.constant 16 : i32
        %mul3A_779 = arith.muli %while3A_775, %mul3A_778 : i32
        %add3A_780 = vector.broadcast %mul3A_779 : i32 to vector<16xi32>
        %add3A_781 = arith.addi %add3A_780, %iota3A : vector<16xi32>
        %mul3A_782 = arith.constant 16 : i32
        %mul3A_783 = arith.muli %while3A_775, %mul3A_782 : i32
        %get3A_784 = arith.index_cast %mul3A_783 : i32 to index
        %get3A_785 = tpu.vector_load %arg7[%get3A_784] {strides = array<i32>} : memref<3968xf32, #tpu.memory_space<vmem>>, vector<16xf32>,
        %gt3A = vector.broadcast %while3A_776 : f32 to vector<16xf32>
        %gt3A_786 = arith.cmpf ogt, %get3A_785, %gt3A : vector<16xf32>
        %add3A_787 = vector.broadcast %add3A_43 : i32 to vector<16xi32>
        %add3A_788 = arith.addi %add3A_787, %add3A_781 : vector<16xi32>
        %swap3A_789 = arith.index_cast %while3A_777 : i32 to index
        %swap3A_790 = tpu.vector_load %arg8[%swap3A_789] masked %gt3A_786 {strides = array<i32>} : memref<128xf32, #tpu.memory_space<vmem>>, vector<16xf32>, vector<16xi1>
        tpu.vector_store %arg8[%swap3A_789], %get3A_785 masked %gt3A_786 {strides = array<i32>} : memref<128xf32, #tpu.memory_space<vmem>>, vector<16xf32>, vector<16xi1>
        %swap3A_791 = arith.index_cast %while3A_777 : i32 to index
        %swap3A_792 = tpu.vector_load %arg9[%swap3A_791] masked %gt3A_786 {strides = array<i32>} : memref<128xi32, #tpu.memory_space<vmem>>, vector<16xi32>, vector<16xi1>
        tpu.vector_store %arg9[%swap3A_791], %add3A_788 masked %gt3A_786 {strides = array<i32>} : memref<128xi32, #tpu.memory_space<vmem>>, vector<16xi32>, vector<16xi1>
        %all_reduce_population_count3A = tpu.all_reduce %gt3A_786 {dim = 0 : i64, kind = #tpu.reduction_kind<sum>} : vector<16xi1> -> vector<16xi32>
        %slice3A = vector.extract_strided_slice %all_reduce_population_count3A {offsets = [0], sizes = [1], strides = [1]} : vector<16xi32> to vector<1xi32>
        %squeeze3A = vector.extract %slice3A[0] : i32 from vector<1xi32>
        %add3A_793 = arith.addi %while3A_777, %squeeze3A : i32
        %gt3A_794 = arith.constant 112 : i32
        %gt3A_795 = arith.cmpi sgt, %add3A_793, %gt3A_794 : i32
        %convert_element_type3A_796 = arith.extui %gt3A_795 : i1 to i32
        %cond3A_797 = arith.constant 0 : i32
        %cond3A_798 = arith.cmpi ne, %convert_element_type3A_796, %cond3A_797 : i32
        %cond3A_799:2 = scf.if %cond3A_798 -> (f32, i32) {
          %get3A_800 = arith.constant 0 : index
          %get3A_801 = tpu.vector_load %arg8[%get3A_800] {strides = array<i32>} : memref<128xf32, #tpu.memory_space<vmem>>, vector<16xf32>,
          %get3A_802 = arith.constant 0 : index
          %get3A_803 = tpu.vector_load %arg9[%get3A_802] {strides = array<i32>} : memref<128xi32, #tpu.memory_space<vmem>>, vector<16xi32>,
          %masked_sort3A_804 = arith.constant dense<true> : vector<16xi1>
          %masked_sort3A_805, %masked_sort3A_806, %masked_sort3A_807 = tpu.sort %get3A_801, %get3A_803 masked %masked_sort3A_804 {descending = true} : (vector<16xf32>, vector<16xi32>, vector<16xi1>) -> (vector<16xi1>, vector<16xf32>, vector<16xi32>)
          %get3A_808 = arith.constant 16 : index
          %get3A_809 = tpu.vector_load %arg8[%get3A_808] {strides = array<i32>} : memref<128xf32, #tpu.memory_space<vmem>>, vector<16xf32>,
          %get3A_810 = arith.constant 16 : index
          %get3A_811 = tpu.vector_load %arg9[%get3A_810] {strides = array<i32>} : memref<128xi32, #tpu.memory_space<vmem>>, vector<16xi32>,
          %masked_sort3A_812 = arith.constant dense<true> : vector<16xi1>
          %masked_sort3A_813, %masked_sort3A_814, %masked_sort3A_815 = tpu.sort %get3A_809, %get3A_811 masked %masked_sort3A_812 {descending = true} : (vector<16xf32>, vector<16xi32>, vector<16xi1>) -> (vector<16xi1>, vector<16xf32>, vector<16xi32>)
          %get3A_816 = arith.constant 32 : index
          %get3A_817 = tpu.vector_load %arg8[%get3A_816] {strides = array<i32>} : memref<128xf32, #tpu.memory_space<vmem>>, vector<16xf32>,
          %get3A_818 = arith.constant 32 : index
          %get3A_819 = tpu.vector_load %arg9[%get3A_818] {strides = array<i32>} : memref<128xi32, #tpu.memory_space<vmem>>, vector<16xi32>,
          %masked_sort3A_820 = arith.constant dense<true> : vector<16xi1>
          %masked_sort3A_821, %masked_sort3A_822, %masked_sort3A_823 = tpu.sort %get3A_817, %get3A_819 masked %masked_sort3A_820 {descending = true} : (vector<16xf32>, vector<16xi32>, vector<16xi1>) -> (vector<16xi1>, vector<16xf32>, vector<16xi32>)
          %get3A_824 = arith.constant 48 : index
          %get3A_825 = tpu.vector_load %arg8[%get3A_824] {strides = array<i32>} : memref<128xf32, #tpu.memory_space<vmem>>, vector<16xf32>,
          %get3A_826 = arith.constant 48 : index
          %get3A_827 = tpu.vector_load %arg9[%get3A_826] {strides = array<i32>} : memref<128xi32, #tpu.memory_space<vmem>>, vector<16xi32>,
          %masked_sort3A_828 = arith.constant dense<true> : vector<16xi1>
          %masked_sort3A_829, %masked_sort3A_830, %masked_sort3A_831 = tpu.sort %get3A_825, %get3A_827 masked %masked_sort3A_828 {descending = true} : (vector<16xf32>, vector<16xi32>, vector<16xi1>) -> (vector<16xi1>, vector<16xf32>, vector<16xi32>)
          %get3A_832 = arith.constant 64 : index
          %get3A_833 = tpu.vector_load %arg8[%get3A_832] {strides = array<i32>} : memref<128xf32, #tpu.memory_space<vmem>>, vector<16xf32>,
          %get3A_834 = arith.constant 64 : index
          %get3A_835 = tpu.vector_load %arg9[%get3A_834] {strides = array<i32>} : memref<128xi32, #tpu.memory_space<vmem>>, vector<16xi32>,
          %masked_sort3A_836 = arith.constant dense<true> : vector<16xi1>
          %masked_sort3A_837, %masked_sort3A_838, %masked_sort3A_839 = tpu.sort %get3A_833, %get3A_835 masked %masked_sort3A_836 {descending = true} : (vector<16xf32>, vector<16xi32>, vector<16xi1>) -> (vector<16xi1>, vector<16xf32>, vector<16xi32>)
          %get3A_840 = arith.constant 80 : index
          %get3A_841 = tpu.vector_load %arg8[%get3A_840] {strides = array<i32>} : memref<128xf32, #tpu.memory_space<vmem>>, vector<16xf32>,
          %get3A_842 = arith.constant 80 : index
          %get3A_843 = tpu.vector_load %arg9[%get3A_842] {strides = array<i32>} : memref<128xi32, #tpu.memory_space<vmem>>, vector<16xi32>,
          %masked_sort3A_844 = arith.constant dense<true> : vector<16xi1>
          %masked_sort3A_845, %masked_sort3A_846, %masked_sort3A_847 = tpu.sort %get3A_841, %get3A_843 masked %masked_sort3A_844 {descending = true} : (vector<16xf32>, vector<16xi32>, vector<16xi1>) -> (vector<16xi1>, vector<16xf32>, vector<16xi32>)
          %get3A_848 = arith.constant 96 : index
          %get3A_849 = tpu.vector_load %arg8[%get3A_848] {strides = array<i32>} : memref<128xf32, #tpu.memory_space<vmem>>, vector<16xf32>,
          %get3A_850 = arith.constant 96 : index
          %get3A_851 = tpu.vector_load %arg9[%get3A_850] {strides = array<i32>} : memref<128xi32, #tpu.memory_space<vmem>>, vector<16xi32>,
          %masked_sort3A_852 = arith.constant dense<true> : vector<16xi1>
          %masked_sort3A_853, %masked_sort3A_854, %masked_sort3A_855 = tpu.sort %get3A_849, %get3A_851 masked %masked_sort3A_852 {descending = true} : (vector<16xf32>, vector<16xi32>, vector<16xi1>) -> (vector<16xi1>, vector<16xf32>, vector<16xi32>)
          %get3A_856 = arith.constant 112 : index
          %get3A_857 = tpu.vector_load %arg8[%get3A_856] {strides = array<i32>} : memref<128xf32, #tpu.memory_space<vmem>>, vector<16xf32>,
          %get3A_858 = arith.constant 112 : index
          %get3A_859 = tpu.vector_load %arg9[%get3A_858] {strides = array<i32>} : memref<128xi32, #tpu.memory_space<vmem>>, vector<16xi32>,
          %masked_sort3A_860 = arith.constant dense<true> : vector<16xi1>
          %masked_sort3A_861, %masked_sort3A_862, %masked_sort3A_863 = tpu.sort %get3A_857, %get3A_859 masked %masked_sort3A_860 {descending = true} : (vector<16xf32>, vector<16xi32>, vector<16xi1>) -> (vector<16xi1>, vector<16xf32>, vector<16xi32>)
          %rev3A_864 = arith.constant 15 : i32
          %rev3A_865 = vector.broadcast %rev3A_864 : i32 to vector<16xi32>
          %rev3A_866 = tpu.iota {dimensions = array<i32: 0>} : vector<16xi32>
          %rev3A_867 = arith.subi %rev3A_865, %rev3A_866 : vector<16xi32>
          %rev3A_868 = tpu.dynamic_gather %masked_sort3A_814[%rev3A_867] in [0] : vector<16xf32>, vector<16xi32> -> vector<16xf32>
          %rev3A_869 = arith.constant 15 : i32
          %rev3A_870 = vector.broadcast %rev3A_869 : i32 to vector<16xi32>
          %rev3A_871 = tpu.iota {dimensions = array<i32: 0>} : vector<16xi32>
          %rev3A_872 = arith.subi %rev3A_870, %rev3A_871 : vector<16xi32>
          %rev3A_873 = tpu.dynamic_gather %masked_sort3A_815[%rev3A_872] in [0] : vector<16xi32>, vector<16xi32> -> vector<16xi32>
          %ge3A_874 = arith.cmpf oge, %masked_sort3A_806, %rev3A_868 : vector<16xf32>
          %select_n3A_875 = arith.select %ge3A_874, %masked_sort3A_806, %rev3A_868 : vector<16xi1>, vector<16xf32>
          %select_n3A_876 = arith.select %ge3A_874, %masked_sort3A_807, %rev3A_873 : vector<16xi1>, vector<16xi32>
          %select_n3A_877 = arith.select %ge3A_874, %rev3A_868, %masked_sort3A_806 : vector<16xi1>, vector<16xf32>
          %select_n3A_878 = arith.select %ge3A_874, %rev3A_873, %masked_sort3A_807 : vector<16xi1>, vector<16xi32>
          %masked_sort3A_879 = arith.constant dense<true> : vector<16xi1>
          %masked_sort3A_880, %masked_sort3A_881, %masked_sort3A_882 = tpu.sort %select_n3A_875, %select_n3A_876 masked %masked_sort3A_879 {descending = true} : (vector<16xf32>, vector<16xi32>, vector<16xi1>) -> (vector<16xi1>, vector<16xf32>, vector<16xi32>)
          %masked_sort3A_883 = arith.constant dense<true> : vector<16xi1>
          %masked_sort3A_884, %masked_sort3A_885, %masked_sort3A_886 = tpu.sort %select_n3A_877, %select_n3A_878 masked %masked_sort3A_883 {descending = true} : (vector<16xf32>, vector<16xi32>, vector<16xi1>) -> (vector<16xi1>, vector<16xf32>, vector<16xi32>)
          %rev3A_887 = arith.constant 15 : i32
          %rev3A_888 = vector.broadcast %rev3A_887 : i32 to vector<16xi32>
          %rev3A_889 = tpu.iota {dimensions = array<i32: 0>} : vector<16xi32>
          %rev3A_890 = arith.subi %rev3A_888, %rev3A_889 : vector<16xi32>
          %rev3A_891 = tpu.dynamic_gather %masked_sort3A_830[%rev3A_890] in [0] : vector<16xf32>, vector<16xi32> -> vector<16xf32>
          %rev3A_892 = arith.constant 15 : i32
          %rev3A_893 = vector.broadcast %rev3A_892 : i32 to vector<16xi32>
          %rev3A_894 = tpu.iota {dimensions = array<i32: 0>} : vector<16xi32>
          %rev3A_895 = arith.subi %rev3A_893, %rev3A_894 : vector<16xi32>
          %rev3A_896 = tpu.dynamic_gather %masked_sort3A_831[%rev3A_895] in [0] : vector<16xi32>, vector<16xi32> -> vector<16xi32>
          %ge3A_897 = arith.cmpf oge, %masked_sort3A_822, %rev3A_891 : vector<16xf32>
          %select_n3A_898 = arith.select %ge3A_897, %masked_sort3A_822, %rev3A_891 : vector<16xi1>, vector<16xf32>
          %select_n3A_899 = arith.select %ge3A_897, %masked_sort3A_823, %rev3A_896 : vector<16xi1>, vector<16xi32>
          %select_n3A_900 = arith.select %ge3A_897, %rev3A_891, %masked_sort3A_822 : vector<16xi1>, vector<16xf32>
          %select_n3A_901 = arith.select %ge3A_897, %rev3A_896, %masked_sort3A_823 : vector<16xi1>, vector<16xi32>
          %masked_sort3A_902 = arith.constant dense<true> : vector<16xi1>
          %masked_sort3A_903, %masked_sort3A_904, %masked_sort3A_905 = tpu.sort %select_n3A_898, %select_n3A_899 masked %masked_sort3A_902 {descending = true} : (vector<16xf32>, vector<16xi32>, vector<16xi1>) -> (vector<16xi1>, vector<16xf32>, vector<16xi32>)
          %masked_sort3A_906 = arith.constant dense<true> : vector<16xi1>
          %masked_sort3A_907, %masked_sort3A_908, %masked_sort3A_909 = tpu.sort %select_n3A_900, %select_n3A_901 masked %masked_sort3A_906 {descending = true} : (vector<16xf32>, vector<16xi32>, vector<16xi1>) -> (vector<16xi1>, vector<16xf32>, vector<16xi32>)
          %rev3A_910 = arith.constant 15 : i32
          %rev3A_911 = vector.broadcast %rev3A_910 : i32 to vector<16xi32>
          %rev3A_912 = tpu.iota {dimensions = array<i32: 0>} : vector<16xi32>
          %rev3A_913 = arith.subi %rev3A_911, %rev3A_912 : vector<16xi32>
          %rev3A_914 = tpu.dynamic_gather %masked_sort3A_846[%rev3A_913] in [0] : vector<16xf32>, vector<16xi32> -> vector<16xf32>
          %rev3A_915 = arith.constant 15 : i32
          %rev3A_916 = vector.broadcast %rev3A_915 : i32 to vector<16xi32>
          %rev3A_917 = tpu.iota {dimensions = array<i32: 0>} : vector<16xi32>
          %rev3A_918 = arith.subi %rev3A_916, %rev3A_917 : vector<16xi32>
          %rev3A_919 = tpu.dynamic_gather %masked_sort3A_847[%rev3A_918] in [0] : vector<16xi32>, vector<16xi32> -> vector<16xi32>
          %ge3A_920 = arith.cmpf oge, %masked_sort3A_838, %rev3A_914 : vector<16xf32>
          %select_n3A_921 = arith.select %ge3A_920, %masked_sort3A_838, %rev3A_914 : vector<16xi1>, vector<16xf32>
          %select_n3A_922 = arith.select %ge3A_920, %masked_sort3A_839, %rev3A_919 : vector<16xi1>, vector<16xi32>
          %select_n3A_923 = arith.select %ge3A_920, %rev3A_914, %masked_sort3A_838 : vector<16xi1>, vector<16xf32>
          %select_n3A_924 = arith.select %ge3A_920, %rev3A_919, %masked_sort3A_839 : vector<16xi1>, vector<16xi32>
          %masked_sort3A_925 = arith.constant dense<true> : vector<16xi1>
          %masked_sort3A_926, %masked_sort3A_927, %masked_sort3A_928 = tpu.sort %select_n3A_921, %select_n3A_922 masked %masked_sort3A_925 {descending = true} : (vector<16xf32>, vector<16xi32>, vector<16xi1>) -> (vector<16xi1>, vector<16xf32>, vector<16xi32>)
          %masked_sort3A_929 = arith.constant dense<true> : vector<16xi1>
          %masked_sort3A_930, %masked_sort3A_931, %masked_sort3A_932 = tpu.sort %select_n3A_923, %select_n3A_924 masked %masked_sort3A_929 {descending = true} : (vector<16xf32>, vector<16xi32>, vector<16xi1>) -> (vector<16xi1>, vector<16xf32>, vector<16xi32>)
          %rev3A_933 = arith.constant 15 : i32
          %rev3A_934 = vector.broadcast %rev3A_933 : i32 to vector<16xi32>
          %rev3A_935 = tpu.iota {dimensions = array<i32: 0>} : vector<16xi32>
          %rev3A_936 = arith.subi %rev3A_934, %rev3A_935 : vector<16xi32>
          %rev3A_937 = tpu.dynamic_gather %masked_sort3A_862[%rev3A_936] in [0] : vector<16xf32>, vector<16xi32> -> vector<16xf32>
          %rev3A_938 = arith.constant 15 : i32
          %rev3A_939 = vector.broadcast %rev3A_938 : i32 to vector<16xi32>
          %rev3A_940 = tpu.iota {dimensions = array<i32: 0>} : vector<16xi32>
          %rev3A_941 = arith.subi %rev3A_939, %rev3A_940 : vector<16xi32>
          %rev3A_942 = tpu.dynamic_gather %masked_sort3A_863[%rev3A_941] in [0] : vector<16xi32>, vector<16xi32> -> vector<16xi32>
          %ge3A_943 = arith.cmpf oge, %masked_sort3A_854, %rev3A_937 : vector<16xf32>
          %select_n3A_944 = arith.select %ge3A_943, %masked_sort3A_854, %rev3A_937 : vector<16xi1>, vector<16xf32>
          %select_n3A_945 = arith.select %ge3A_943, %masked_sort3A_855, %rev3A_942 : vector<16xi1>, vector<16xi32>
          %select_n3A_946 = arith.select %ge3A_943, %rev3A_937, %masked_sort3A_854 : vector<16xi1>, vector<16xf32>
          %select_n3A_947 = arith.select %ge3A_943, %rev3A_942, %masked_sort3A_855 : vector<16xi1>, vector<16xi32>
          %masked_sort3A_948 = arith.constant dense<true> : vector<16xi1>
          %masked_sort3A_949, %masked_sort3A_950, %masked_sort3A_951 = tpu.sort %select_n3A_944, %select_n3A_945 masked %masked_sort3A_948 {descending = true} : (vector<16xf32>, vector<16xi32>, vector<16xi1>) -> (vector<16xi1>, vector<16xf32>, vector<16xi32>)
          %masked_sort3A_952 = arith.constant dense<true> : vector<16xi1>
          %masked_sort3A_953, %masked_sort3A_954, %masked_sort3A_955 = tpu.sort %select_n3A_946, %select_n3A_947 masked %masked_sort3A_952 {descending = true} : (vector<16xf32>, vector<16xi32>, vector<16xi1>) -> (vector<16xi1>, vector<16xf32>, vector<16xi32>)
          %rev3A_956 = arith.constant 15 : i32
          %rev3A_957 = vector.broadcast %rev3A_956 : i32 to vector<16xi32>
          %rev3A_958 = tpu.iota {dimensions = array<i32: 0>} : vector<16xi32>
          %rev3A_959 = arith.subi %rev3A_957, %rev3A_958 : vector<16xi32>
          %rev3A_960 = tpu.dynamic_gather %masked_sort3A_908[%rev3A_959] in [0] : vector<16xf32>, vector<16xi32> -> vector<16xf32>
          %rev3A_961 = arith.constant 15 : i32
          %rev3A_962 = vector.broadcast %rev3A_961 : i32 to vector<16xi32>
          %rev3A_963 = tpu.iota {dimensions = array<i32: 0>} : vector<16xi32>
          %rev3A_964 = arith.subi %rev3A_962, %rev3A_963 : vector<16xi32>
          %rev3A_965 = tpu.dynamic_gather %masked_sort3A_909[%rev3A_964] in [0] : vector<16xi32>, vector<16xi32> -> vector<16xi32>
          %rev3A_966 = arith.constant 15 : i32
          %rev3A_967 = vector.broadcast %rev3A_966 : i32 to vector<16xi32>
          %rev3A_968 = tpu.iota {dimensions = array<i32: 0>} : vector<16xi32>
          %rev3A_969 = arith.subi %rev3A_967, %rev3A_968 : vector<16xi32>
          %rev3A_970 = tpu.dynamic_gather %masked_sort3A_904[%rev3A_969] in [0] : vector<16xf32>, vector<16xi32> -> vector<16xf32>
          %rev3A_971 = arith.constant 15 : i32
          %rev3A_972 = vector.broadcast %rev3A_971 : i32 to vector<16xi32>
          %rev3A_973 = tpu.iota {dimensions = array<i32: 0>} : vector<16xi32>
          %rev3A_974 = arith.subi %rev3A_972, %rev3A_973 : vector<16xi32>
          %rev3A_975 = tpu.dynamic_gather %masked_sort3A_905[%rev3A_974] in [0] : vector<16xi32>, vector<16xi32> -> vector<16xi32>
          %ge3A_976 = arith.cmpf oge, %masked_sort3A_881, %rev3A_960 : vector<16xf32>
          %select_n3A_977 = arith.select %ge3A_976, %masked_sort3A_881, %rev3A_960 : vector<16xi1>, vector<16xf32>
          %select_n3A_978 = arith.select %ge3A_976, %masked_sort3A_882, %rev3A_965 : vector<16xi1>, vector<16xi32>
          %ge3A_979 = arith.cmpf oge, %masked_sort3A_885, %rev3A_970 : vector<16xf32>
          %select_n3A_980 = arith.select %ge3A_979, %masked_sort3A_885, %rev3A_970 : vector<16xi1>, vector<16xf32>
          %select_n3A_981 = arith.select %ge3A_979, %masked_sort3A_886, %rev3A_975 : vector<16xi1>, vector<16xi32>
          %ge3A_982 = arith.cmpf oge, %select_n3A_977, %select_n3A_980 : vector<16xf32>
          %select_n3A_983 = arith.select %ge3A_982, %select_n3A_977, %select_n3A_980 : vector<16xi1>, vector<16xf32>
          %select_n3A_984 = arith.select %ge3A_982, %select_n3A_978, %select_n3A_981 : vector<16xi1>, vector<16xi32>
          %select_n3A_985 = arith.select %ge3A_982, %select_n3A_980, %select_n3A_977 : vector<16xi1>, vector<16xf32>
          %select_n3A_986 = arith.select %ge3A_982, %select_n3A_981, %select_n3A_978 : vector<16xi1>, vector<16xi32>
          %masked_sort3A_987 = arith.constant dense<true> : vector<16xi1>
          %masked_sort3A_988, %masked_sort3A_989, %masked_sort3A_990 = tpu.sort %select_n3A_983, %select_n3A_984 masked %masked_sort3A_987 {descending = true} : (vector<16xf32>, vector<16xi32>, vector<16xi1>) -> (vector<16xi1>, vector<16xf32>, vector<16xi32>)
          %masked_sort3A_991 = arith.constant dense<true> : vector<16xi1>
          %masked_sort3A_992, %masked_sort3A_993, %masked_sort3A_994 = tpu.sort %select_n3A_985, %select_n3A_986 masked %masked_sort3A_991 {descending = true} : (vector<16xf32>, vector<16xi32>, vector<16xi1>) -> (vector<16xi1>, vector<16xf32>, vector<16xi32>)
          %rev3A_995 = arith.constant 15 : i32
          %rev3A_996 = vector.broadcast %rev3A_995 : i32 to vector<16xi32>
          %rev3A_997 = tpu.iota {dimensions = array<i32: 0>} : vector<16xi32>
          %rev3A_998 = arith.subi %rev3A_996, %rev3A_997 : vector<16xi32>
          %rev3A_999 = tpu.dynamic_gather %masked_sort3A_954[%rev3A_998] in [0] : vector<16xf32>, vector<16xi32> -> vector<16xf32>
          %rev3A_1000 = arith.constant 15 : i32
          %rev3A_1001 = vector.broadcast %rev3A_1000 : i32 to vector<16xi32>
          %rev3A_1002 = tpu.iota {dimensions = array<i32: 0>} : vector<16xi32>
          %rev3A_1003 = arith.subi %rev3A_1001, %rev3A_1002 : vector<16xi32>
          %rev3A_1004 = tpu.dynamic_gather %masked_sort3A_955[%rev3A_1003] in [0] : vector<16xi32>, vector<16xi32> -> vector<16xi32>
          %rev3A_1005 = arith.constant 15 : i32
          %rev3A_1006 = vector.broadcast %rev3A_1005 : i32 to vector<16xi32>
          %rev3A_1007 = tpu.iota {dimensions = array<i32: 0>} : vector<16xi32>
          %rev3A_1008 = arith.subi %rev3A_1006, %rev3A_1007 : vector<16xi32>
          %rev3A_1009 = tpu.dynamic_gather %masked_sort3A_950[%rev3A_1008] in [0] : vector<16xf32>, vector<16xi32> -> vector<16xf32>
          %rev3A_1010 = arith.constant 15 : i32
          %rev3A_1011 = vector.broadcast %rev3A_1010 : i32 to vector<16xi32>
          %rev3A_1012 = tpu.iota {dimensions = array<i32: 0>} : vector<16xi32>
          %rev3A_1013 = arith.subi %rev3A_1011, %rev3A_1012 : vector<16xi32>
          %rev3A_1014 = tpu.dynamic_gather %masked_sort3A_951[%rev3A_1013] in [0] : vector<16xi32>, vector<16xi32> -> vector<16xi32>
          %ge3A_1015 = arith.cmpf oge, %masked_sort3A_927, %rev3A_999 : vector<16xf32>
          %select_n3A_1016 = arith.select %ge3A_1015, %masked_sort3A_927, %rev3A_999 : vector<16xi1>, vector<16xf32>
          %select_n3A_1017 = arith.select %ge3A_1015, %masked_sort3A_928, %rev3A_1004 : vector<16xi1>, vector<16xi32>
          %ge3A_1018 = arith.cmpf oge, %masked_sort3A_931, %rev3A_1009 : vector<16xf32>
          %select_n3A_1019 = arith.select %ge3A_1018, %masked_sort3A_931, %rev3A_1009 : vector<16xi1>, vector<16xf32>
          %select_n3A_1020 = arith.select %ge3A_1018, %masked_sort3A_932, %rev3A_1014 : vector<16xi1>, vector<16xi32>
          %ge3A_1021 = arith.cmpf oge, %select_n3A_1016, %select_n3A_1019 : vector<16xf32>
          %select_n3A_1022 = arith.select %ge3A_1021, %select_n3A_1016, %select_n3A_1019 : vector<16xi1>, vector<16xf32>
          %select_n3A_1023 = arith.select %ge3A_1021, %select_n3A_1017, %select_n3A_1020 : vector<16xi1>, vector<16xi32>
          %select_n3A_1024 = arith.select %ge3A_1021, %select_n3A_1019, %select_n3A_1016 : vector<16xi1>, vector<16xf32>
          %select_n3A_1025 = arith.select %ge3A_1021, %select_n3A_1020, %select_n3A_1017 : vector<16xi1>, vector<16xi32>
          %masked_sort3A_1026 = arith.constant dense<true> : vector<16xi1>
          %masked_sort3A_1027, %masked_sort3A_1028, %masked_sort3A_1029 = tpu.sort %select_n3A_1022, %select_n3A_1023 masked %masked_sort3A_1026 {descending = true} : (vector<16xf32>, vector<16xi32>, vector<16xi1>) -> (vector<16xi1>, vector<16xf32>, vector<16xi32>)
          %masked_sort3A_1030 = arith.constant dense<true> : vector<16xi1>
          %masked_sort3A_1031, %masked_sort3A_1032, %masked_sort3A_1033 = tpu.sort %select_n3A_1024, %select_n3A_1025 masked %masked_sort3A_1030 {descending = true} : (vector<16xf32>, vector<16xi32>, vector<16xi1>) -> (vector<16xi1>, vector<16xf32>, vector<16xi32>)
          %rev3A_1034 = arith.constant 15 : i32
          %rev3A_1035 = vector.broadcast %rev3A_1034 : i32 to vector<16xi32>
          %rev3A_1036 = tpu.iota {dimensions = array<i32: 0>} : vector<16xi32>
          %rev3A_1037 = arith.subi %rev3A_1035, %rev3A_1036 : vector<16xi32>
          %rev3A_1038 = tpu.dynamic_gather %masked_sort3A_1032[%rev3A_1037] in [0] : vector<16xf32>, vector<16xi32> -> vector<16xf32>
          %rev3A_1039 = arith.constant 15 : i32
          %rev3A_1040 = vector.broadcast %rev3A_1039 : i32 to vector<16xi32>
          %rev3A_1041 = tpu.iota {dimensions = array<i32: 0>} : vector<16xi32>
          %rev3A_1042 = arith.subi %rev3A_1040, %rev3A_1041 : vector<16xi32>
          %rev3A_1043 = tpu.dynamic_gather %masked_sort3A_1033[%rev3A_1042] in [0] : vector<16xi32>, vector<16xi32> -> vector<16xi32>
          %rev3A_1044 = arith.constant 15 : i32
          %rev3A_1045 = vector.broadcast %rev3A_1044 : i32 to vector<16xi32>
          %rev3A_1046 = tpu.iota {dimensions = array<i32: 0>} : vector<16xi32>
          %rev3A_1047 = arith.subi %rev3A_1045, %rev3A_1046 : vector<16xi32>
          %rev3A_1048 = tpu.dynamic_gather %masked_sort3A_1028[%rev3A_1047] in [0] : vector<16xf32>, vector<16xi32> -> vector<16xf32>
          %rev3A_1049 = arith.constant 15 : i32
          %rev3A_1050 = vector.broadcast %rev3A_1049 : i32 to vector<16xi32>
          %rev3A_1051 = tpu.iota {dimensions = array<i32: 0>} : vector<16xi32>
          %rev3A_1052 = arith.subi %rev3A_1050, %rev3A_1051 : vector<16xi32>
          %rev3A_1053 = tpu.dynamic_gather %masked_sort3A_1029[%rev3A_1052] in [0] : vector<16xi32>, vector<16xi32> -> vector<16xi32>
          %ge3A_1054 = arith.cmpf oge, %masked_sort3A_989, %rev3A_1038 : vector<16xf32>
          %select_n3A_1055 = arith.select %ge3A_1054, %masked_sort3A_989, %rev3A_1038 : vector<16xi1>, vector<16xf32>
          %select_n3A_1056 = arith.select %ge3A_1054, %masked_sort3A_990, %rev3A_1043 : vector<16xi1>, vector<16xi32>
          %ge3A_1057 = arith.cmpf oge, %masked_sort3A_993, %rev3A_1048 : vector<16xf32>
          %select_n3A_1058 = arith.select %ge3A_1057, %masked_sort3A_993, %rev3A_1048 : vector<16xi1>, vector<16xf32>
          %select_n3A_1059 = arith.select %ge3A_1057, %masked_sort3A_994, %rev3A_1053 : vector<16xi1>, vector<16xi32>
          %ge3A_1060 = arith.cmpf oge, %select_n3A_1055, %select_n3A_1058 : vector<16xf32>
          %select_n3A_1061 = arith.select %ge3A_1060, %select_n3A_1055, %select_n3A_1058 : vector<16xi1>, vector<16xf32>
          %select_n3A_1062 = arith.select %ge3A_1060, %select_n3A_1056, %select_n3A_1059 : vector<16xi1>, vector<16xi32>
          %select_n3A_1063 = arith.select %ge3A_1060, %select_n3A_1058, %select_n3A_1055 : vector<16xi1>, vector<16xf32>
          %select_n3A_1064 = arith.select %ge3A_1060, %select_n3A_1059, %select_n3A_1056 : vector<16xi1>, vector<16xi32>
          %masked_sort3A_1065 = arith.constant dense<true> : vector<16xi1>
          %masked_sort3A_1066, %masked_sort3A_1067, %masked_sort3A_1068 = tpu.sort %select_n3A_1061, %select_n3A_1062 masked %masked_sort3A_1065 {descending = true} : (vector<16xf32>, vector<16xi32>, vector<16xi1>) -> (vector<16xi1>, vector<16xf32>, vector<16xi32>)
          %masked_sort3A_1069 = arith.constant dense<true> : vector<16xi1>
          %masked_sort3A_1070, %masked_sort3A_1071, %masked_sort3A_1072 = tpu.sort %select_n3A_1063, %select_n3A_1064 masked %masked_sort3A_1069 {descending = true} : (vector<16xf32>, vector<16xi32>, vector<16xi1>) -> (vector<16xi1>, vector<16xf32>, vector<16xi32>)
          %get3A_1073 = arith.constant 0 : index
          %get3A_1074 = tpu.vector_load %arg10[%get3A_1073] {strides = array<i32>} : memref<32xf32, #tpu.memory_space<vmem>>, vector<16xf32>,
          %get3A_1075 = arith.constant 0 : index
          %get3A_1076 = tpu.vector_load %arg11[%get3A_1075] {strides = array<i32>} : memref<32xi32, #tpu.memory_space<vmem>>, vector<16xi32>,
          %get3A_1077 = arith.constant 16 : index
          %get3A_1078 = tpu.vector_load %arg10[%get3A_1077] {strides = array<i32>} : memref<32xf32, #tpu.memory_space<vmem>>, vector<16xf32>,
          %get3A_1079 = arith.constant 16 : index
          %get3A_1080 = tpu.vector_load %arg11[%get3A_1079] {strides = array<i32>} : memref<32xi32, #tpu.memory_space<vmem>>, vector<16xi32>,
          %rev3A_1081 = arith.constant 15 : i32
          %rev3A_1082 = vector.broadcast %rev3A_1081 : i32 to vector<16xi32>
          %rev3A_1083 = tpu.iota {dimensions = array<i32: 0>} : vector<16xi32>
          %rev3A_1084 = arith.subi %rev3A_1082, %rev3A_1083 : vector<16xi32>
          %rev3A_1085 = tpu.dynamic_gather %masked_sort3A_1071[%rev3A_1084] in [0] : vector<16xf32>, vector<16xi32> -> vector<16xf32>
          %rev3A_1086 = arith.constant 15 : i32
          %rev3A_1087 = vector.broadcast %rev3A_1086 : i32 to vector<16xi32>
          %rev3A_1088 = tpu.iota {dimensions = array<i32: 0>} : vector<16xi32>
          %rev3A_1089 = arith.subi %rev3A_1087, %rev3A_1088 : vector<16xi32>
          %rev3A_1090 = tpu.dynamic_gather %masked_sort3A_1072[%rev3A_1089] in [0] : vector<16xi32>, vector<16xi32> -> vector<16xi32>
          %rev3A_1091 = arith.constant 15 : i32
          %rev3A_1092 = vector.broadcast %rev3A_1091 : i32 to vector<16xi32>
          %rev3A_1093 = tpu.iota {dimensions = array<i32: 0>} : vector<16xi32>
          %rev3A_1094 = arith.subi %rev3A_1092, %rev3A_1093 : vector<16xi32>
          %rev3A_1095 = tpu.dynamic_gather %masked_sort3A_1067[%rev3A_1094] in [0] : vector<16xf32>, vector<16xi32> -> vector<16xf32>
          %rev3A_1096 = arith.constant 15 : i32
          %rev3A_1097 = vector.broadcast %rev3A_1096 : i32 to vector<16xi32>
          %rev3A_1098 = tpu.iota {dimensions = array<i32: 0>} : vector<16xi32>
          %rev3A_1099 = arith.subi %rev3A_1097, %rev3A_1098 : vector<16xi32>
          %rev3A_1100 = tpu.dynamic_gather %masked_sort3A_1068[%rev3A_1099] in [0] : vector<16xi32>, vector<16xi32> -> vector<16xi32>
          %ge3A_1101 = arith.cmpf oge, %get3A_1074, %rev3A_1085 : vector<16xf32>
          %select_n3A_1102 = arith.select %ge3A_1101, %get3A_1074, %rev3A_1085 : vector<16xi1>, vector<16xf32>
          %select_n3A_1103 = arith.select %ge3A_1101, %get3A_1076, %rev3A_1090 : vector<16xi1>, vector<16xi32>
          %ge3A_1104 = arith.cmpf oge, %get3A_1078, %rev3A_1095 : vector<16xf32>
          %select_n3A_1105 = arith.select %ge3A_1104, %get3A_1078, %rev3A_1095 : vector<16xi1>, vector<16xf32>
          %select_n3A_1106 = arith.select %ge3A_1104, %get3A_1080, %rev3A_1100 : vector<16xi1>, vector<16xi32>
          %ge3A_1107 = arith.cmpf oge, %select_n3A_1102, %select_n3A_1105 : vector<16xf32>
          %select_n3A_1108 = arith.select %ge3A_1107, %select_n3A_1102, %select_n3A_1105 : vector<16xi1>, vector<16xf32>
          %select_n3A_1109 = arith.select %ge3A_1107, %select_n3A_1103, %select_n3A_1106 : vector<16xi1>, vector<16xi32>
          %select_n3A_1110 = arith.select %ge3A_1107, %select_n3A_1105, %select_n3A_1102 : vector<16xi1>, vector<16xf32>
          %select_n3A_1111 = arith.select %ge3A_1107, %select_n3A_1106, %select_n3A_1103 : vector<16xi1>, vector<16xi32>
          %masked_sort3A_1112 = arith.constant dense<true> : vector<16xi1>
          %masked_sort3A_1113, %masked_sort3A_1114, %masked_sort3A_1115 = tpu.sort %select_n3A_1108, %select_n3A_1109 masked %masked_sort3A_1112 {descending = true} : (vector<16xf32>, vector<16xi32>, vector<16xi1>) -> (vector<16xi1>, vector<16xf32>, vector<16xi32>)
          %masked_sort3A_1116 = arith.constant dense<true> : vector<16xi1>
          %masked_sort3A_1117, %masked_sort3A_1118, %masked_sort3A_1119 = tpu.sort %select_n3A_1110, %select_n3A_1111 masked %masked_sort3A_1116 {descending = true} : (vector<16xf32>, vector<16xi32>, vector<16xi1>) -> (vector<16xi1>, vector<16xf32>, vector<16xi32>)
          %swap3A_1120 = arith.constant 0 : index
          %swap3A_1121 = tpu.vector_load %arg10[%swap3A_1120] {strides = array<i32>} : memref<32xf32, #tpu.memory_space<vmem>>, vector<16xf32>,
          tpu.vector_store %arg10[%swap3A_1120], %masked_sort3A_1114 {strides = array<i32>} : memref<32xf32, #tpu.memory_space<vmem>>, vector<16xf32>,
          %swap3A_1122 = arith.constant 0 : index
          %swap3A_1123 = tpu.vector_load %arg11[%swap3A_1122] {strides = array<i32>} : memref<32xi32, #tpu.memory_space<vmem>>, vector<16xi32>,
          tpu.vector_store %arg11[%swap3A_1122], %masked_sort3A_1115 {strides = array<i32>} : memref<32xi32, #tpu.memory_space<vmem>>, vector<16xi32>,
          %swap3A_1124 = arith.constant 16 : index
          %swap3A_1125 = tpu.vector_load %arg10[%swap3A_1124] {strides = array<i32>} : memref<32xf32, #tpu.memory_space<vmem>>, vector<16xf32>,
          tpu.vector_store %arg10[%swap3A_1124], %masked_sort3A_1118 {strides = array<i32>} : memref<32xf32, #tpu.memory_space<vmem>>, vector<16xf32>,
          %swap3A_1126 = arith.constant 16 : index
          %swap3A_1127 = tpu.vector_load %arg11[%swap3A_1126] {strides = array<i32>} : memref<32xi32, #tpu.memory_space<vmem>>, vector<16xi32>,
          tpu.vector_store %arg11[%swap3A_1126], %masked_sort3A_1119 {strides = array<i32>} : memref<32xi32, #tpu.memory_space<vmem>>, vector<16xi32>,
          %swap3A_1128 = arith.constant 0 : index
          %swap3A_1129 = tpu.vector_load %arg8[%swap3A_1128] {strides = array<i32>} : memref<128xf32, #tpu.memory_space<vmem>>, vector<16xf32>,
          tpu.vector_store %arg8[%swap3A_1128], %broadcast_in_dim3A_1 {strides = array<i32>} : memref<128xf32, #tpu.memory_space<vmem>>, vector<16xf32>,
          %swap3A_1130 = arith.constant 16 : index
          %swap3A_1131 = tpu.vector_load %arg8[%swap3A_1130] {strides = array<i32>} : memref<128xf32, #tpu.memory_space<vmem>>, vector<16xf32>,
          tpu.vector_store %arg8[%swap3A_1130], %broadcast_in_dim3A_1 {strides = array<i32>} : memref<128xf32, #tpu.memory_space<vmem>>, vector<16xf32>,
          %swap3A_1132 = arith.constant 32 : index
          %swap3A_1133 = tpu.vector_load %arg8[%swap3A_1132] {strides = array<i32>} : memref<128xf32, #tpu.memory_space<vmem>>, vector<16xf32>,
          tpu.vector_store %arg8[%swap3A_1132], %broadcast_in_dim3A_1 {strides = array<i32>} : memref<128xf32, #tpu.memory_space<vmem>>, vector<16xf32>,
          %swap3A_1134 = arith.constant 48 : index
          %swap3A_1135 = tpu.vector_load %arg8[%swap3A_1134] {strides = array<i32>} : memref<128xf32, #tpu.memory_space<vmem>>, vector<16xf32>,
          tpu.vector_store %arg8[%swap3A_1134], %broadcast_in_dim3A_1 {strides = array<i32>} : memref<128xf32, #tpu.memory_space<vmem>>, vector<16xf32>,
          %swap3A_1136 = arith.constant 64 : index
          %swap3A_1137 = tpu.vector_load %arg8[%swap3A_1136] {strides = array<i32>} : memref<128xf32, #tpu.memory_space<vmem>>, vector<16xf32>,
          tpu.vector_store %arg8[%swap3A_1136], %broadcast_in_dim3A_1 {strides = array<i32>} : memref<128xf32, #tpu.memory_space<vmem>>, vector<16xf32>,
          %swap3A_1138 = arith.constant 80 : index
          %swap3A_1139 = tpu.vector_load %arg8[%swap3A_1138] {strides = array<i32>} : memref<128xf32, #tpu.memory_space<vmem>>, vector<16xf32>,
          tpu.vector_store %arg8[%swap3A_1138], %broadcast_in_dim3A_1 {strides = array<i32>} : memref<128xf32, #tpu.memory_space<vmem>>, vector<16xf32>,
          %swap3A_1140 = arith.constant 96 : index
          %swap3A_1141 = tpu.vector_load %arg8[%swap3A_1140] {strides = array<i32>} : memref<128xf32, #tpu.memory_space<vmem>>, vector<16xf32>,
          tpu.vector_store %arg8[%swap3A_1140], %broadcast_in_dim3A_1 {strides = array<i32>} : memref<128xf32, #tpu.memory_space<vmem>>, vector<16xf32>,
          %swap3A_1142 = arith.constant 112 : index
          %swap3A_1143 = tpu.vector_load %arg8[%swap3A_1142] {strides = array<i32>} : memref<128xf32, #tpu.memory_space<vmem>>, vector<16xf32>,
          tpu.vector_store %arg8[%swap3A_1142], %broadcast_in_dim3A_1 {strides = array<i32>} : memref<128xf32, #tpu.memory_space<vmem>>, vector<16xf32>,
          %reduce_min3A_1144 = arith.constant true
          %reduce_min3A_1145 = vector.broadcast %reduce_min3A_1144 : i1 to vector<16xi1>
          %reduce_min3A_1146 = tpu.scan <min>, %masked_sort3A_1118 masked %reduce_min3A_1145 : vector<16xf32>, vector<16xi1> -> vector<16xf32>
          %reduce_min3A_1147 = vector.extract %reduce_min3A_1146[15] : f32 from vector<16xf32>
          %cond3A_1148 = arith.constant 0 : i32
          scf.yield %reduce_min3A_1147, %cond3A_1148 : f32, i32
        } else {
          scf.yield %while3A_776, %add3A_793 : f32, i32
        }
        scf.yield %cond3A_799#0, %cond3A_799#1 : f32, i32
      }
      %get3A = arith.constant 0 : index
      %get3A_428 = tpu.vector_load %arg8[%get3A] {strides = array<i32>} : memref<128xf32, #tpu.memory_space<vmem>>, vector<16xf32>,
      %get3A_429 = arith.constant 0 : index
      %get3A_430 = tpu.vector_load %arg9[%get3A_429] {strides = array<i32>} : memref<128xi32, #tpu.memory_space<vmem>>, vector<16xi32>,
      %masked_sort3A = arith.constant dense<true> : vector<16xi1>
      %masked_sort3A_431, %masked_sort3A_432, %masked_sort3A_433 = tpu.sort %get3A_428, %get3A_430 masked %masked_sort3A {descending = true} : (vector<16xf32>, vector<16xi32>, vector<16xi1>) -> (vector<16xi1>, vector<16xf32>, vector<16xi32>)
      %get3A_434 = arith.constant 16 : index
      %get3A_435 = tpu.vector_load %arg8[%get3A_434] {strides = array<i32>} : memref<128xf32, #tpu.memory_space<vmem>>, vector<16xf32>,
      %get3A_436 = arith.constant 16 : index
      %get3A_437 = tpu.vector_load %arg9[%get3A_436] {strides = array<i32>} : memref<128xi32, #tpu.memory_space<vmem>>, vector<16xi32>,
      %masked_sort3A_438 = arith.constant dense<true> : vector<16xi1>
      %masked_sort3A_439, %masked_sort3A_440, %masked_sort3A_441 = tpu.sort %get3A_435, %get3A_437 masked %masked_sort3A_438 {descending = true} : (vector<16xf32>, vector<16xi32>, vector<16xi1>) -> (vector<16xi1>, vector<16xf32>, vector<16xi32>)
      %get3A_442 = arith.constant 32 : index
      %get3A_443 = tpu.vector_load %arg8[%get3A_442] {strides = array<i32>} : memref<128xf32, #tpu.memory_space<vmem>>, vector<16xf32>,
      %get3A_444 = arith.constant 32 : index
      %get3A_445 = tpu.vector_load %arg9[%get3A_444] {strides = array<i32>} : memref<128xi32, #tpu.memory_space<vmem>>, vector<16xi32>,
      %masked_sort3A_446 = arith.constant dense<true> : vector<16xi1>
      %masked_sort3A_447, %masked_sort3A_448, %masked_sort3A_449 = tpu.sort %get3A_443, %get3A_445 masked %masked_sort3A_446 {descending = true} : (vector<16xf32>, vector<16xi32>, vector<16xi1>) -> (vector<16xi1>, vector<16xf32>, vector<16xi32>)
      %get3A_450 = arith.constant 48 : index
      %get3A_451 = tpu.vector_load %arg8[%get3A_450] {strides = array<i32>} : memref<128xf32, #tpu.memory_space<vmem>>, vector<16xf32>,
      %get3A_452 = arith.constant 48 : index
      %get3A_453 = tpu.vector_load %arg9[%get3A_452] {strides = array<i32>} : memref<128xi32, #tpu.memory_space<vmem>>, vector<16xi32>,
      %masked_sort3A_454 = arith.constant dense<true> : vector<16xi1>
      %masked_sort3A_455, %masked_sort3A_456, %masked_sort3A_457 = tpu.sort %get3A_451, %get3A_453 masked %masked_sort3A_454 {descending = true} : (vector<16xf32>, vector<16xi32>, vector<16xi1>) -> (vector<16xi1>, vector<16xf32>, vector<16xi32>)
      %get3A_458 = arith.constant 64 : index
      %get3A_459 = tpu.vector_load %arg8[%get3A_458] {strides = array<i32>} : memref<128xf32, #tpu.memory_space<vmem>>, vector<16xf32>,
      %get3A_460 = arith.constant 64 : index
      %get3A_461 = tpu.vector_load %arg9[%get3A_460] {strides = array<i32>} : memref<128xi32, #tpu.memory_space<vmem>>, vector<16xi32>,
      %masked_sort3A_462 = arith.constant dense<true> : vector<16xi1>
      %masked_sort3A_463, %masked_sort3A_464, %masked_sort3A_465 = tpu.sort %get3A_459, %get3A_461 masked %masked_sort3A_462 {descending = true} : (vector<16xf32>, vector<16xi32>, vector<16xi1>) -> (vector<16xi1>, vector<16xf32>, vector<16xi32>)
      %get3A_466 = arith.constant 80 : index
      %get3A_467 = tpu.vector_load %arg8[%get3A_466] {strides = array<i32>} : memref<128xf32, #tpu.memory_space<vmem>>, vector<16xf32>,
      %get3A_468 = arith.constant 80 : index
      %get3A_469 = tpu.vector_load %arg9[%get3A_468] {strides = array<i32>} : memref<128xi32, #tpu.memory_space<vmem>>, vector<16xi32>,
      %masked_sort3A_470 = arith.constant dense<true> : vector<16xi1>
      %masked_sort3A_471, %masked_sort3A_472, %masked_sort3A_473 = tpu.sort %get3A_467, %get3A_469 masked %masked_sort3A_470 {descending = true} : (vector<16xf32>, vector<16xi32>, vector<16xi1>) -> (vector<16xi1>, vector<16xf32>, vector<16xi32>)
      %get3A_474 = arith.constant 96 : index
      %get3A_475 = tpu.vector_load %arg8[%get3A_474] {strides = array<i32>} : memref<128xf32, #tpu.memory_space<vmem>>, vector<16xf32>,
      %get3A_476 = arith.constant 96 : index
      %get3A_477 = tpu.vector_load %arg9[%get3A_476] {strides = array<i32>} : memref<128xi32, #tpu.memory_space<vmem>>, vector<16xi32>,
      %masked_sort3A_478 = arith.constant dense<true> : vector<16xi1>
      %masked_sort3A_479, %masked_sort3A_480, %masked_sort3A_481 = tpu.sort %get3A_475, %get3A_477 masked %masked_sort3A_478 {descending = true} : (vector<16xf32>, vector<16xi32>, vector<16xi1>) -> (vector<16xi1>, vector<16xf32>, vector<16xi32>)
      %get3A_482 = arith.constant 112 : index
      %get3A_483 = tpu.vector_load %arg8[%get3A_482] {strides = array<i32>} : memref<128xf32, #tpu.memory_space<vmem>>, vector<16xf32>,
      %get3A_484 = arith.constant 112 : index
      %get3A_485 = tpu.vector_load %arg9[%get3A_484] {strides = array<i32>} : memref<128xi32, #tpu.memory_space<vmem>>, vector<16xi32>,
      %masked_sort3A_486 = arith.constant dense<true> : vector<16xi1>
      %masked_sort3A_487, %masked_sort3A_488, %masked_sort3A_489 = tpu.sort %get3A_483, %get3A_485 masked %masked_sort3A_486 {descending = true} : (vector<16xf32>, vector<16xi32>, vector<16xi1>) -> (vector<16xi1>, vector<16xf32>, vector<16xi32>)
      %rev3A = arith.constant 15 : i32
      %rev3A_490 = vector.broadcast %rev3A : i32 to vector<16xi32>
      %rev3A_491 = tpu.iota {dimensions = array<i32: 0>} : vector<16xi32>
      %rev3A_492 = arith.subi %rev3A_490, %rev3A_491 : vector<16xi32>
      %rev3A_493 = tpu.dynamic_gather %masked_sort3A_440[%rev3A_492] in [0] : vector<16xf32>, vector<16xi32> -> vector<16xf32>
      %rev3A_494 = arith.constant 15 : i32
      %rev3A_495 = vector.broadcast %rev3A_494 : i32 to vector<16xi32>
      %rev3A_496 = tpu.iota {dimensions = array<i32: 0>} : vector<16xi32>
      %rev3A_497 = arith.subi %rev3A_495, %rev3A_496 : vector<16xi32>
      %rev3A_498 = tpu.dynamic_gather %masked_sort3A_441[%rev3A_497] in [0] : vector<16xi32>, vector<16xi32> -> vector<16xi32>
      %ge3A = arith.cmpf oge, %masked_sort3A_432, %rev3A_493 : vector<16xf32>
      %select_n3A_499 = arith.select %ge3A, %masked_sort3A_432, %rev3A_493 : vector<16xi1>, vector<16xf32>
      %select_n3A_500 = arith.select %ge3A, %masked_sort3A_433, %rev3A_498 : vector<16xi1>, vector<16xi32>
      %select_n3A_501 = arith.select %ge3A, %rev3A_493, %masked_sort3A_432 : vector<16xi1>, vector<16xf32>
      %select_n3A_502 = arith.select %ge3A, %rev3A_498, %masked_sort3A_433 : vector<16xi1>, vector<16xi32>
      %masked_sort3A_503 = arith.constant dense<true> : vector<16xi1>
      %masked_sort3A_504, %masked_sort3A_505, %masked_sort3A_506 = tpu.sort %select_n3A_499, %select_n3A_500 masked %masked_sort3A_503 {descending = true} : (vector<16xf32>, vector<16xi32>, vector<16xi1>) -> (vector<16xi1>, vector<16xf32>, vector<16xi32>)
      %masked_sort3A_507 = arith.constant dense<true> : vector<16xi1>
      %masked_sort3A_508, %masked_sort3A_509, %masked_sort3A_510 = tpu.sort %select_n3A_501, %select_n3A_502 masked %masked_sort3A_507 {descending = true} : (vector<16xf32>, vector<16xi32>, vector<16xi1>) -> (vector<16xi1>, vector<16xf32>, vector<16xi32>)
      %rev3A_511 = arith.constant 15 : i32
      %rev3A_512 = vector.broadcast %rev3A_511 : i32 to vector<16xi32>
      %rev3A_513 = tpu.iota {dimensions = array<i32: 0>} : vector<16xi32>
      %rev3A_514 = arith.subi %rev3A_512, %rev3A_513 : vector<16xi32>
      %rev3A_515 = tpu.dynamic_gather %masked_sort3A_456[%rev3A_514] in [0] : vector<16xf32>, vector<16xi32> -> vector<16xf32>
      %rev3A_516 = arith.constant 15 : i32
      %rev3A_517 = vector.broadcast %rev3A_516 : i32 to vector<16xi32>
      %rev3A_518 = tpu.iota {dimensions = array<i32: 0>} : vector<16xi32>
      %rev3A_519 = arith.subi %rev3A_517, %rev3A_518 : vector<16xi32>
      %rev3A_520 = tpu.dynamic_gather %masked_sort3A_457[%rev3A_519] in [0] : vector<16xi32>, vector<16xi32> -> vector<16xi32>
      %ge3A_521 = arith.cmpf oge, %masked_sort3A_448, %rev3A_515 : vector<16xf32>
      %select_n3A_522 = arith.select %ge3A_521, %masked_sort3A_448, %rev3A_515 : vector<16xi1>, vector<16xf32>
      %select_n3A_523 = arith.select %ge3A_521, %masked_sort3A_449, %rev3A_520 : vector<16xi1>, vector<16xi32>
      %select_n3A_524 = arith.select %ge3A_521, %rev3A_515, %masked_sort3A_448 : vector<16xi1>, vector<16xf32>
      %select_n3A_525 = arith.select %ge3A_521, %rev3A_520, %masked_sort3A_449 : vector<16xi1>, vector<16xi32>
      %masked_sort3A_526 = arith.constant dense<true> : vector<16xi1>
      %masked_sort3A_527, %masked_sort3A_528, %masked_sort3A_529 = tpu.sort %select_n3A_522, %select_n3A_523 masked %masked_sort3A_526 {descending = true} : (vector<16xf32>, vector<16xi32>, vector<16xi1>) -> (vector<16xi1>, vector<16xf32>, vector<16xi32>)
      %masked_sort3A_530 = arith.constant dense<true> : vector<16xi1>
      %masked_sort3A_531, %masked_sort3A_532, %masked_sort3A_533 = tpu.sort %select_n3A_524, %select_n3A_525 masked %masked_sort3A_530 {descending = true} : (vector<16xf32>, vector<16xi32>, vector<16xi1>) -> (vector<16xi1>, vector<16xf32>, vector<16xi32>)
      %rev3A_534 = arith.constant 15 : i32
      %rev3A_535 = vector.broadcast %rev3A_534 : i32 to vector<16xi32>
      %rev3A_536 = tpu.iota {dimensions = array<i32: 0>} : vector<16xi32>
      %rev3A_537 = arith.subi %rev3A_535, %rev3A_536 : vector<16xi32>
      %rev3A_538 = tpu.dynamic_gather %masked_sort3A_472[%rev3A_537] in [0] : vector<16xf32>, vector<16xi32> -> vector<16xf32>
      %rev3A_539 = arith.constant 15 : i32
      %rev3A_540 = vector.broadcast %rev3A_539 : i32 to vector<16xi32>
      %rev3A_541 = tpu.iota {dimensions = array<i32: 0>} : vector<16xi32>
      %rev3A_542 = arith.subi %rev3A_540, %rev3A_541 : vector<16xi32>
      %rev3A_543 = tpu.dynamic_gather %masked_sort3A_473[%rev3A_542] in [0] : vector<16xi32>, vector<16xi32> -> vector<16xi32>
      %ge3A_544 = arith.cmpf oge, %masked_sort3A_464, %rev3A_538 : vector<16xf32>
      %select_n3A_545 = arith.select %ge3A_544, %masked_sort3A_464, %rev3A_538 : vector<16xi1>, vector<16xf32>
      %select_n3A_546 = arith.select %ge3A_544, %masked_sort3A_465, %rev3A_543 : vector<16xi1>, vector<16xi32>
      %select_n3A_547 = arith.select %ge3A_544, %rev3A_538, %masked_sort3A_464 : vector<16xi1>, vector<16xf32>
      %select_n3A_548 = arith.select %ge3A_544, %rev3A_543, %masked_sort3A_465 : vector<16xi1>, vector<16xi32>
      %masked_sort3A_549 = arith.constant dense<true> : vector<16xi1>
      %masked_sort3A_550, %masked_sort3A_551, %masked_sort3A_552 = tpu.sort %select_n3A_545, %select_n3A_546 masked %masked_sort3A_549 {descending = true} : (vector<16xf32>, vector<16xi32>, vector<16xi1>) -> (vector<16xi1>, vector<16xf32>, vector<16xi32>)
      %masked_sort3A_553 = arith.constant dense<true> : vector<16xi1>
      %masked_sort3A_554, %masked_sort3A_555, %masked_sort3A_556 = tpu.sort %select_n3A_547, %select_n3A_548 masked %masked_sort3A_553 {descending = true} : (vector<16xf32>, vector<16xi32>, vector<16xi1>) -> (vector<16xi1>, vector<16xf32>, vector<16xi32>)
      %rev3A_557 = arith.constant 15 : i32
      %rev3A_558 = vector.broadcast %rev3A_557 : i32 to vector<16xi32>
      %rev3A_559 = tpu.iota {dimensions = array<i32: 0>} : vector<16xi32>
      %rev3A_560 = arith.subi %rev3A_558, %rev3A_559 : vector<16xi32>
      %rev3A_561 = tpu.dynamic_gather %masked_sort3A_488[%rev3A_560] in [0] : vector<16xf32>, vector<16xi32> -> vector<16xf32>
      %rev3A_562 = arith.constant 15 : i32
      %rev3A_563 = vector.broadcast %rev3A_562 : i32 to vector<16xi32>
      %rev3A_564 = tpu.iota {dimensions = array<i32: 0>} : vector<16xi32>
      %rev3A_565 = arith.subi %rev3A_563, %rev3A_564 : vector<16xi32>
      %rev3A_566 = tpu.dynamic_gather %masked_sort3A_489[%rev3A_565] in [0] : vector<16xi32>, vector<16xi32> -> vector<16xi32>
      %ge3A_567 = arith.cmpf oge, %masked_sort3A_480, %rev3A_561 : vector<16xf32>
      %select_n3A_568 = arith.select %ge3A_567, %masked_sort3A_480, %rev3A_561 : vector<16xi1>, vector<16xf32>
      %select_n3A_569 = arith.select %ge3A_567, %masked_sort3A_481, %rev3A_566 : vector<16xi1>, vector<16xi32>
      %select_n3A_570 = arith.select %ge3A_567, %rev3A_561, %masked_sort3A_480 : vector<16xi1>, vector<16xf32>
      %select_n3A_571 = arith.select %ge3A_567, %rev3A_566, %masked_sort3A_481 : vector<16xi1>, vector<16xi32>
      %masked_sort3A_572 = arith.constant dense<true> : vector<16xi1>
      %masked_sort3A_573, %masked_sort3A_574, %masked_sort3A_575 = tpu.sort %select_n3A_568, %select_n3A_569 masked %masked_sort3A_572 {descending = true} : (vector<16xf32>, vector<16xi32>, vector<16xi1>) -> (vector<16xi1>, vector<16xf32>, vector<16xi32>)
      %masked_sort3A_576 = arith.constant dense<true> : vector<16xi1>
      %masked_sort3A_577, %masked_sort3A_578, %masked_sort3A_579 = tpu.sort %select_n3A_570, %select_n3A_571 masked %masked_sort3A_576 {descending = true} : (vector<16xf32>, vector<16xi32>, vector<16xi1>) -> (vector<16xi1>, vector<16xf32>, vector<16xi32>)
      %rev3A_580 = arith.constant 15 : i32
      %rev3A_581 = vector.broadcast %rev3A_580 : i32 to vector<16xi32>
      %rev3A_582 = tpu.iota {dimensions = array<i32: 0>} : vector<16xi32>
      %rev3A_583 = arith.subi %rev3A_581, %rev3A_582 : vector<16xi32>
      %rev3A_584 = tpu.dynamic_gather %masked_sort3A_532[%rev3A_583] in [0] : vector<16xf32>, vector<16xi32> -> vector<16xf32>
      %rev3A_585 = arith.constant 15 : i32
      %rev3A_586 = vector.broadcast %rev3A_585 : i32 to vector<16xi32>
      %rev3A_587 = tpu.iota {dimensions = array<i32: 0>} : vector<16xi32>
      %rev3A_588 = arith.subi %rev3A_586, %rev3A_587 : vector<16xi32>
      %rev3A_589 = tpu.dynamic_gather %masked_sort3A_533[%rev3A_588] in [0] : vector<16xi32>, vector<16xi32> -> vector<16xi32>
      %rev3A_590 = arith.constant 15 : i32
      %rev3A_591 = vector.broadcast %rev3A_590 : i32 to vector<16xi32>
      %rev3A_592 = tpu.iota {dimensions = array<i32: 0>} : vector<16xi32>
      %rev3A_593 = arith.subi %rev3A_591, %rev3A_592 : vector<16xi32>
      %rev3A_594 = tpu.dynamic_gather %masked_sort3A_528[%rev3A_593] in [0] : vector<16xf32>, vector<16xi32> -> vector<16xf32>
      %rev3A_595 = arith.constant 15 : i32
      %rev3A_596 = vector.broadcast %rev3A_595 : i32 to vector<16xi32>
      %rev3A_597 = tpu.iota {dimensions = array<i32: 0>} : vector<16xi32>
      %rev3A_598 = arith.subi %rev3A_596, %rev3A_597 : vector<16xi32>
      %rev3A_599 = tpu.dynamic_gather %masked_sort3A_529[%rev3A_598] in [0] : vector<16xi32>, vector<16xi32> -> vector<16xi32>
      %ge3A_600 = arith.cmpf oge, %masked_sort3A_505, %rev3A_584 : vector<16xf32>
      %select_n3A_601 = arith.select %ge3A_600, %masked_sort3A_505, %rev3A_584 : vector<16xi1>, vector<16xf32>
      %select_n3A_602 = arith.select %ge3A_600, %masked_sort3A_506, %rev3A_589 : vector<16xi1>, vector<16xi32>
      %ge3A_603 = arith.cmpf oge, %masked_sort3A_509, %rev3A_594 : vector<16xf32>
      %select_n3A_604 = arith.select %ge3A_603, %masked_sort3A_509, %rev3A_594 : vector<16xi1>, vector<16xf32>
      %select_n3A_605 = arith.select %ge3A_603, %masked_sort3A_510, %rev3A_599 : vector<16xi1>, vector<16xi32>
      %ge3A_606 = arith.cmpf oge, %select_n3A_601, %select_n3A_604 : vector<16xf32>
      %select_n3A_607 = arith.select %ge3A_606, %select_n3A_601, %select_n3A_604 : vector<16xi1>, vector<16xf32>
      %select_n3A_608 = arith.select %ge3A_606, %select_n3A_602, %select_n3A_605 : vector<16xi1>, vector<16xi32>
      %select_n3A_609 = arith.select %ge3A_606, %select_n3A_604, %select_n3A_601 : vector<16xi1>, vector<16xf32>
      %select_n3A_610 = arith.select %ge3A_606, %select_n3A_605, %select_n3A_602 : vector<16xi1>, vector<16xi32>
      %masked_sort3A_611 = arith.constant dense<true> : vector<16xi1>
      %masked_sort3A_612, %masked_sort3A_613, %masked_sort3A_614 = tpu.sort %select_n3A_607, %select_n3A_608 masked %masked_sort3A_611 {descending = true} : (vector<16xf32>, vector<16xi32>, vector<16xi1>) -> (vector<16xi1>, vector<16xf32>, vector<16xi32>)
      %masked_sort3A_615 = arith.constant dense<true> : vector<16xi1>
      %masked_sort3A_616, %masked_sort3A_617, %masked_sort3A_618 = tpu.sort %select_n3A_609, %select_n3A_610 masked %masked_sort3A_615 {descending = true} : (vector<16xf32>, vector<16xi32>, vector<16xi1>) -> (vector<16xi1>, vector<16xf32>, vector<16xi32>)
      %rev3A_619 = arith.constant 15 : i32
      %rev3A_620 = vector.broadcast %rev3A_619 : i32 to vector<16xi32>
      %rev3A_621 = tpu.iota {dimensions = array<i32: 0>} : vector<16xi32>
      %rev3A_622 = arith.subi %rev3A_620, %rev3A_621 : vector<16xi32>
      %rev3A_623 = tpu.dynamic_gather %masked_sort3A_578[%rev3A_622] in [0] : vector<16xf32>, vector<16xi32> -> vector<16xf32>
      %rev3A_624 = arith.constant 15 : i32
      %rev3A_625 = vector.broadcast %rev3A_624 : i32 to vector<16xi32>
      %rev3A_626 = tpu.iota {dimensions = array<i32: 0>} : vector<16xi32>
      %rev3A_627 = arith.subi %rev3A_625, %rev3A_626 : vector<16xi32>
      %rev3A_628 = tpu.dynamic_gather %masked_sort3A_579[%rev3A_627] in [0] : vector<16xi32>, vector<16xi32> -> vector<16xi32>
      %rev3A_629 = arith.constant 15 : i32
      %rev3A_630 = vector.broadcast %rev3A_629 : i32 to vector<16xi32>
      %rev3A_631 = tpu.iota {dimensions = array<i32: 0>} : vector<16xi32>
      %rev3A_632 = arith.subi %rev3A_630, %rev3A_631 : vector<16xi32>
      %rev3A_633 = tpu.dynamic_gather %masked_sort3A_574[%rev3A_632] in [0] : vector<16xf32>, vector<16xi32> -> vector<16xf32>
      %rev3A_634 = arith.constant 15 : i32
      %rev3A_635 = vector.broadcast %rev3A_634 : i32 to vector<16xi32>
      %rev3A_636 = tpu.iota {dimensions = array<i32: 0>} : vector<16xi32>
      %rev3A_637 = arith.subi %rev3A_635, %rev3A_636 : vector<16xi32>
      %rev3A_638 = tpu.dynamic_gather %masked_sort3A_575[%rev3A_637] in [0] : vector<16xi32>, vector<16xi32> -> vector<16xi32>
      %ge3A_639 = arith.cmpf oge, %masked_sort3A_551, %rev3A_623 : vector<16xf32>
      %select_n3A_640 = arith.select %ge3A_639, %masked_sort3A_551, %rev3A_623 : vector<16xi1>, vector<16xf32>
      %select_n3A_641 = arith.select %ge3A_639, %masked_sort3A_552, %rev3A_628 : vector<16xi1>, vector<16xi32>
      %ge3A_642 = arith.cmpf oge, %masked_sort3A_555, %rev3A_633 : vector<16xf32>
      %select_n3A_643 = arith.select %ge3A_642, %masked_sort3A_555, %rev3A_633 : vector<16xi1>, vector<16xf32>
      %select_n3A_644 = arith.select %ge3A_642, %masked_sort3A_556, %rev3A_638 : vector<16xi1>, vector<16xi32>
      %ge3A_645 = arith.cmpf oge, %select_n3A_640, %select_n3A_643 : vector<16xf32>
      %select_n3A_646 = arith.select %ge3A_645, %select_n3A_640, %select_n3A_643 : vector<16xi1>, vector<16xf32>
      %select_n3A_647 = arith.select %ge3A_645, %select_n3A_641, %select_n3A_644 : vector<16xi1>, vector<16xi32>
      %select_n3A_648 = arith.select %ge3A_645, %select_n3A_643, %select_n3A_640 : vector<16xi1>, vector<16xf32>
      %select_n3A_649 = arith.select %ge3A_645, %select_n3A_644, %select_n3A_641 : vector<16xi1>, vector<16xi32>
      %masked_sort3A_650 = arith.constant dense<true> : vector<16xi1>
      %masked_sort3A_651, %masked_sort3A_652, %masked_sort3A_653 = tpu.sort %select_n3A_646, %select_n3A_647 masked %masked_sort3A_650 {descending = true} : (vector<16xf32>, vector<16xi32>, vector<16xi1>) -> (vector<16xi1>, vector<16xf32>, vector<16xi32>)
      %masked_sort3A_654 = arith.constant dense<true> : vector<16xi1>
      %masked_sort3A_655, %masked_sort3A_656, %masked_sort3A_657 = tpu.sort %select_n3A_648, %select_n3A_649 masked %masked_sort3A_654 {descending = true} : (vector<16xf32>, vector<16xi32>, vector<16xi1>) -> (vector<16xi1>, vector<16xf32>, vector<16xi32>)
      %rev3A_658 = arith.constant 15 : i32
      %rev3A_659 = vector.broadcast %rev3A_658 : i32 to vector<16xi32>
      %rev3A_660 = tpu.iota {dimensions = array<i32: 0>} : vector<16xi32>
      %rev3A_661 = arith.subi %rev3A_659, %rev3A_660 : vector<16xi32>
      %rev3A_662 = tpu.dynamic_gather %masked_sort3A_656[%rev3A_661] in [0] : vector<16xf32>, vector<16xi32> -> vector<16xf32>
      %rev3A_663 = arith.constant 15 : i32
      %rev3A_664 = vector.broadcast %rev3A_663 : i32 to vector<16xi32>
      %rev3A_665 = tpu.iota {dimensions = array<i32: 0>} : vector<16xi32>
      %rev3A_666 = arith.subi %rev3A_664, %rev3A_665 : vector<16xi32>
      %rev3A_667 = tpu.dynamic_gather %masked_sort3A_657[%rev3A_666] in [0] : vector<16xi32>, vector<16xi32> -> vector<16xi32>
      %rev3A_668 = arith.constant 15 : i32
      %rev3A_669 = vector.broadcast %rev3A_668 : i32 to vector<16xi32>
      %rev3A_670 = tpu.iota {dimensions = array<i32: 0>} : vector<16xi32>
      %rev3A_671 = arith.subi %rev3A_669, %rev3A_670 : vector<16xi32>
      %rev3A_672 = tpu.dynamic_gather %masked_sort3A_652[%rev3A_671] in [0] : vector<16xf32>, vector<16xi32> -> vector<16xf32>
      %rev3A_673 = arith.constant 15 : i32
      %rev3A_674 = vector.broadcast %rev3A_673 : i32 to vector<16xi32>
      %rev3A_675 = tpu.iota {dimensions = array<i32: 0>} : vector<16xi32>
      %rev3A_676 = arith.subi %rev3A_674, %rev3A_675 : vector<16xi32>
      %rev3A_677 = tpu.dynamic_gather %masked_sort3A_653[%rev3A_676] in [0] : vector<16xi32>, vector<16xi32> -> vector<16xi32>
      %ge3A_678 = arith.cmpf oge, %masked_sort3A_613, %rev3A_662 : vector<16xf32>
      %select_n3A_679 = arith.select %ge3A_678, %masked_sort3A_613, %rev3A_662 : vector<16xi1>, vector<16xf32>
      %select_n3A_680 = arith.select %ge3A_678, %masked_sort3A_614, %rev3A_667 : vector<16xi1>, vector<16xi32>
      %ge3A_681 = arith.cmpf oge, %masked_sort3A_617, %rev3A_672 : vector<16xf32>
      %select_n3A_682 = arith.select %ge3A_681, %masked_sort3A_617, %rev3A_672 : vector<16xi1>, vector<16xf32>
      %select_n3A_683 = arith.select %ge3A_681, %masked_sort3A_618, %rev3A_677 : vector<16xi1>, vector<16xi32>
      %ge3A_684 = arith.cmpf oge, %select_n3A_679, %select_n3A_682 : vector<16xf32>
      %select_n3A_685 = arith.select %ge3A_684, %select_n3A_679, %select_n3A_682 : vector<16xi1>, vector<16xf32>
      %select_n3A_686 = arith.select %ge3A_684, %select_n3A_680, %select_n3A_683 : vector<16xi1>, vector<16xi32>
      %select_n3A_687 = arith.select %ge3A_684, %select_n3A_682, %select_n3A_679 : vector<16xi1>, vector<16xf32>
      %select_n3A_688 = arith.select %ge3A_684, %select_n3A_683, %select_n3A_680 : vector<16xi1>, vector<16xi32>
      %masked_sort3A_689 = arith.constant dense<true> : vector<16xi1>
      %masked_sort3A_690, %masked_sort3A_691, %masked_sort3A_692 = tpu.sort %select_n3A_685, %select_n3A_686 masked %masked_sort3A_689 {descending = true} : (vector<16xf32>, vector<16xi32>, vector<16xi1>) -> (vector<16xi1>, vector<16xf32>, vector<16xi32>)
      %masked_sort3A_693 = arith.constant dense<true> : vector<16xi1>
      %masked_sort3A_694, %masked_sort3A_695, %masked_sort3A_696 = tpu.sort %select_n3A_687, %select_n3A_688 masked %masked_sort3A_693 {descending = true} : (vector<16xf32>, vector<16xi32>, vector<16xi1>) -> (vector<16xi1>, vector<16xf32>, vector<16xi32>)
      %get3A_697 = arith.constant 0 : index
      %get3A_698 = tpu.vector_load %arg10[%get3A_697] {strides = array<i32>} : memref<32xf32, #tpu.memory_space<vmem>>, vector<16xf32>,
      %get3A_699 = arith.constant 0 : index
      %get3A_700 = tpu.vector_load %arg11[%get3A_699] {strides = array<i32>} : memref<32xi32, #tpu.memory_space<vmem>>, vector<16xi32>,
      %get3A_701 = arith.constant 16 : index
      %get3A_702 = tpu.vector_load %arg10[%get3A_701] {strides = array<i32>} : memref<32xf32, #tpu.memory_space<vmem>>, vector<16xf32>,
      %get3A_703 = arith.constant 16 : index
      %get3A_704 = tpu.vector_load %arg11[%get3A_703] {strides = array<i32>} : memref<32xi32, #tpu.memory_space<vmem>>, vector<16xi32>,
      %rev3A_705 = arith.constant 15 : i32
      %rev3A_706 = vector.broadcast %rev3A_705 : i32 to vector<16xi32>
      %rev3A_707 = tpu.iota {dimensions = array<i32: 0>} : vector<16xi32>
      %rev3A_708 = arith.subi %rev3A_706, %rev3A_707 : vector<16xi32>
      %rev3A_709 = tpu.dynamic_gather %masked_sort3A_695[%rev3A_708] in [0] : vector<16xf32>, vector<16xi32> -> vector<16xf32>
      %rev3A_710 = arith.constant 15 : i32
      %rev3A_711 = vector.broadcast %rev3A_710 : i32 to vector<16xi32>
      %rev3A_712 = tpu.iota {dimensions = array<i32: 0>} : vector<16xi32>
      %rev3A_713 = arith.subi %rev3A_711, %rev3A_712 : vector<16xi32>
      %rev3A_714 = tpu.dynamic_gather %masked_sort3A_696[%rev3A_713] in [0] : vector<16xi32>, vector<16xi32> -> vector<16xi32>
      %rev3A_715 = arith.constant 15 : i32
      %rev3A_716 = vector.broadcast %rev3A_715 : i32 to vector<16xi32>
      %rev3A_717 = tpu.iota {dimensions = array<i32: 0>} : vector<16xi32>
      %rev3A_718 = arith.subi %rev3A_716, %rev3A_717 : vector<16xi32>
      %rev3A_719 = tpu.dynamic_gather %masked_sort3A_691[%rev3A_718] in [0] : vector<16xf32>, vector<16xi32> -> vector<16xf32>
      %rev3A_720 = arith.constant 15 : i32
      %rev3A_721 = vector.broadcast %rev3A_720 : i32 to vector<16xi32>
      %rev3A_722 = tpu.iota {dimensions = array<i32: 0>} : vector<16xi32>
      %rev3A_723 = arith.subi %rev3A_721, %rev3A_722 : vector<16xi32>
      %rev3A_724 = tpu.dynamic_gather %masked_sort3A_692[%rev3A_723] in [0] : vector<16xi32>, vector<16xi32> -> vector<16xi32>
      %ge3A_725 = arith.cmpf oge, %get3A_698, %rev3A_709 : vector<16xf32>
      %select_n3A_726 = arith.select %ge3A_725, %get3A_698, %rev3A_709 : vector<16xi1>, vector<16xf32>
      %select_n3A_727 = arith.select %ge3A_725, %get3A_700, %rev3A_714 : vector<16xi1>, vector<16xi32>
      %ge3A_728 = arith.cmpf oge, %get3A_702, %rev3A_719 : vector<16xf32>
      %select_n3A_729 = arith.select %ge3A_728, %get3A_702, %rev3A_719 : vector<16xi1>, vector<16xf32>
      %select_n3A_730 = arith.select %ge3A_728, %get3A_704, %rev3A_724 : vector<16xi1>, vector<16xi32>
      %ge3A_731 = arith.cmpf oge, %select_n3A_726, %select_n3A_729 : vector<16xf32>
      %select_n3A_732 = arith.select %ge3A_731, %select_n3A_726, %select_n3A_729 : vector<16xi1>, vector<16xf32>
      %select_n3A_733 = arith.select %ge3A_731, %select_n3A_727, %select_n3A_730 : vector<16xi1>, vector<16xi32>
      %select_n3A_734 = arith.select %ge3A_731, %select_n3A_729, %select_n3A_726 : vector<16xi1>, vector<16xf32>
      %select_n3A_735 = arith.select %ge3A_731, %select_n3A_730, %select_n3A_727 : vector<16xi1>, vector<16xi32>
      %masked_sort3A_736 = arith.constant dense<true> : vector<16xi1>
      %masked_sort3A_737, %masked_sort3A_738, %masked_sort3A_739 = tpu.sort %select_n3A_732, %select_n3A_733 masked %masked_sort3A_736 {descending = true} : (vector<16xf32>, vector<16xi32>, vector<16xi1>) -> (vector<16xi1>, vector<16xf32>, vector<16xi32>)
      %masked_sort3A_740 = arith.constant dense<true> : vector<16xi1>
      %masked_sort3A_741, %masked_sort3A_742, %masked_sort3A_743 = tpu.sort %select_n3A_734, %select_n3A_735 masked %masked_sort3A_740 {descending = true} : (vector<16xf32>, vector<16xi32>, vector<16xi1>) -> (vector<16xi1>, vector<16xf32>, vector<16xi32>)
      %swap3A_744 = arith.constant 0 : index
      %swap3A_745 = tpu.vector_load %arg10[%swap3A_744] {strides = array<i32>} : memref<32xf32, #tpu.memory_space<vmem>>, vector<16xf32>,
      tpu.vector_store %arg10[%swap3A_744], %masked_sort3A_738 {strides = array<i32>} : memref<32xf32, #tpu.memory_space<vmem>>, vector<16xf32>,
      %swap3A_746 = arith.constant 0 : index
      %swap3A_747 = tpu.vector_load %arg11[%swap3A_746] {strides = array<i32>} : memref<32xi32, #tpu.memory_space<vmem>>, vector<16xi32>,
      tpu.vector_store %arg11[%swap3A_746], %masked_sort3A_739 {strides = array<i32>} : memref<32xi32, #tpu.memory_space<vmem>>, vector<16xi32>,
      %swap3A_748 = arith.constant 16 : index
      %swap3A_749 = tpu.vector_load %arg10[%swap3A_748] {strides = array<i32>} : memref<32xf32, #tpu.memory_space<vmem>>, vector<16xf32>,
      tpu.vector_store %arg10[%swap3A_748], %masked_sort3A_742 {strides = array<i32>} : memref<32xf32, #tpu.memory_space<vmem>>, vector<16xf32>,
      %swap3A_750 = arith.constant 16 : index
      %swap3A_751 = tpu.vector_load %arg11[%swap3A_750] {strides = array<i32>} : memref<32xi32, #tpu.memory_space<vmem>>, vector<16xi32>,
      tpu.vector_store %arg11[%swap3A_750], %masked_sort3A_743 {strides = array<i32>} : memref<32xi32, #tpu.memory_space<vmem>>, vector<16xi32>,
      %swap3A_752 = arith.constant 0 : index
      %swap3A_753 = tpu.vector_load %arg8[%swap3A_752] {strides = array<i32>} : memref<128xf32, #tpu.memory_space<vmem>>, vector<16xf32>,
      tpu.vector_store %arg8[%swap3A_752], %broadcast_in_dim3A_1 {strides = array<i32>} : memref<128xf32, #tpu.memory_space<vmem>>, vector<16xf32>,
      %swap3A_754 = arith.constant 16 : index
      %swap3A_755 = tpu.vector_load %arg8[%swap3A_754] {strides = array<i32>} : memref<128xf32, #tpu.memory_space<vmem>>, vector<16xf32>,
      tpu.vector_store %arg8[%swap3A_754], %broadcast_in_dim3A_1 {strides = array<i32>} : memref<128xf32, #tpu.memory_space<vmem>>, vector<16xf32>,
      %swap3A_756 = arith.constant 32 : index
      %swap3A_757 = tpu.vector_load %arg8[%swap3A_756] {strides = array<i32>} : memref<128xf32, #tpu.memory_space<vmem>>, vector<16xf32>,
      tpu.vector_store %arg8[%swap3A_756], %broadcast_in_dim3A_1 {strides = array<i32>} : memref<128xf32, #tpu.memory_space<vmem>>, vector<16xf32>,
      %swap3A_758 = arith.constant 48 : index
      %swap3A_759 = tpu.vector_load %arg8[%swap3A_758] {strides = array<i32>} : memref<128xf32, #tpu.memory_space<vmem>>, vector<16xf32>,
      tpu.vector_store %arg8[%swap3A_758], %broadcast_in_dim3A_1 {strides = array<i32>} : memref<128xf32, #tpu.memory_space<vmem>>, vector<16xf32>,
      %swap3A_760 = arith.constant 64 : index
      %swap3A_761 = tpu.vector_load %arg8[%swap3A_760] {strides = array<i32>} : memref<128xf32, #tpu.memory_space<vmem>>, vector<16xf32>,
      tpu.vector_store %arg8[%swap3A_760], %broadcast_in_dim3A_1 {strides = array<i32>} : memref<128xf32, #tpu.memory_space<vmem>>, vector<16xf32>,
      %swap3A_762 = arith.constant 80 : index
      %swap3A_763 = tpu.vector_load %arg8[%swap3A_762] {strides = array<i32>} : memref<128xf32, #tpu.memory_space<vmem>>, vector<16xf32>,
      tpu.vector_store %arg8[%swap3A_762], %broadcast_in_dim3A_1 {strides = array<i32>} : memref<128xf32, #tpu.memory_space<vmem>>, vector<16xf32>,
      %swap3A_764 = arith.constant 96 : index
      %swap3A_765 = tpu.vector_load %arg8[%swap3A_764] {strides = array<i32>} : memref<128xf32, #tpu.memory_space<vmem>>, vector<16xf32>,
      tpu.vector_store %arg8[%swap3A_764], %broadcast_in_dim3A_1 {strides = array<i32>} : memref<128xf32, #tpu.memory_space<vmem>>, vector<16xf32>,
      %swap3A_766 = arith.constant 112 : index
      %swap3A_767 = tpu.vector_load %arg8[%swap3A_766] {strides = array<i32>} : memref<128xf32, #tpu.memory_space<vmem>>, vector<16xf32>,
      tpu.vector_store %arg8[%swap3A_766], %broadcast_in_dim3A_1 {strides = array<i32>} : memref<128xf32, #tpu.memory_space<vmem>>, vector<16xf32>,
      %reduce_min3A = arith.constant true
      %reduce_min3A_768 = vector.broadcast %reduce_min3A : i1 to vector<16xi1>
      %reduce_min3A_769 = tpu.scan <min>, %masked_sort3A_742 masked %reduce_min3A_768 : vector<16xf32>, vector<16xi1> -> vector<16xf32>
      %reduce_min3A_770 = vector.extract %reduce_min3A_769[15] : f32 from vector<16xf32>
      %mul3A_771 = arith.constant 32 : i32
      %mul3A_772 = arith.muli %add3A, %mul3A_771 : i32
      "tpu.region"() ({
        %run_scoped3A = tpu.sem_alloc : memref<!tpu.dma_semaphore, #tpu.memory_space<semaphore_mem>>
        %dma_start3A_775 = tpu.memref_slice %arg4[%mul3A_772] : memref<1024xf32, #tpu.memory_space<hbm>> -> memref<32xf32, #tpu.memory_space<hbm>>
        %dma_start3A_776 = tpu.memref_slice %arg4[%mul3A_772] : memref<1024xf32, #tpu.memory_space<hbm>> -> memref<32xf32, #tpu.memory_space<hbm>>
        tpu.enqueue_dma source(%arg10 : memref<32xf32, #tpu.memory_space<vmem>>) target(%dma_start3A_776 : memref<32xf32, #tpu.memory_space<hbm>>) target_semaphore(%run_scoped3A : memref<!tpu.dma_semaphore, #tpu.memory_space<semaphore_mem>>)
        %dma_wait3A_777 = tpu.memref_slice %arg4[%mul3A_772] : memref<1024xf32, #tpu.memory_space<hbm>> -> memref<32xf32, #tpu.memory_space<hbm>>
        %dma_wait3A_778 = tpu.memref_slice %arg4[%mul3A_772] : memref<1024xf32, #tpu.memory_space<hbm>> -> memref<32xf32, #tpu.memory_space<hbm>>
        tpu.wait_dma2 semaphore(%run_scoped3A : memref<!tpu.dma_semaphore, #tpu.memory_space<semaphore_mem>>) src(%arg10 : memref<32xf32, #tpu.memory_space<vmem>>) dst(%dma_wait3A_778 : memref<32xf32, #tpu.memory_space<hbm>>)
        tpu.yield
      }) : () -> ()
      %mul3A_773 = arith.constant 32 : i32
      %mul3A_774 = arith.muli %add3A, %mul3A_773 : i32
      "tpu.region"() ({
        %run_scoped3A = tpu.sem_alloc : memref<!tpu.dma_semaphore, #tpu.memory_space<semaphore_mem>>
        %dma_start3A_775 = tpu.memref_slice %arg5[%mul3A_774] : memref<1024xi32, #tpu.memory_space<hbm>> -> memref<32xi32, #tpu.memory_space<hbm>>
        %dma_start3A_776 = tpu.memref_slice %arg5[%mul3A_774] : memref<1024xi32, #tpu.memory_space<hbm>> -> memref<32xi32, #tpu.memory_space<hbm>>
        tpu.enqueue_dma source(%arg11 : memref<32xi32, #tpu.memory_space<vmem>>) target(%dma_start3A_776 : memref<32xi32, #tpu.memory_space<hbm>>) target_semaphore(%run_scoped3A : memref<!tpu.dma_semaphore, #tpu.memory_space<semaphore_mem>>)
        %dma_wait3A_777 = tpu.memref_slice %arg5[%mul3A_774] : memref<1024xi32, #tpu.memory_space<hbm>> -> memref<32xi32, #tpu.memory_space<hbm>>
        %dma_wait3A_778 = tpu.memref_slice %arg5[%mul3A_774] : memref<1024xi32, #tpu.memory_space<hbm>> -> memref<32xi32, #tpu.memory_space<hbm>>
        tpu.wait_dma2 semaphore(%run_scoped3A : memref<!tpu.dma_semaphore, #tpu.memory_space<semaphore_mem>>) src(%arg11 : memref<32xi32, #tpu.memory_space<vmem>>) dst(%dma_wait3A_778 : memref<32xi32, #tpu.memory_space<hbm>>)
        tpu.yield
      }) : () -> ()
    } else {
    }
    return
  }
}

#map = affine_map<(d0, d1) -> (0)>
#map1 = affine_map<(d0, d1) -> (0, 0)>
module attributes {stable_mosaic.version = 14 : i64} {
  func.func @_k2_body(%arg0: i32, %arg1: i32, %arg2: memref<1024xf32, #tpu.memory_space<hbm>>, %arg3: memref<1024xi32, #tpu.memory_space<hbm>>, %arg4: memref<100000x128xf32, #tpu.memory_space<hbm>>, %arg5: memref<30x128xf32, #tpu.memory_space<hbm>>, %arg6: memref<1024xf32, #tpu.memory_space<vmem>>, %arg7: memref<1024xi32, #tpu.memory_space<vmem>>, %arg8: memref<32xi32, #tpu.memory_space<vmem>>, %arg9: memref<32x128xf32, #tpu.memory_space<vmem>>, %arg10: memref<!tpu.dma_semaphore, #tpu.memory_space<semaphore_mem>>) attributes {dimension_semantics = [#tpu.dimension_semantics<core_parallel>, #tpu.dimension_semantics<subcore_parallel>], iteration_bounds = array<i64: 2, 16>, scalar_prefetch = 0 : i64, scratch_operands = 5 : i64, tpu.core_type = #tpu.core_type<sc_vector_subcore>, window_params = [{transform_indices = #map}, {transform_indices = #map}, {transform_indices = #map1}, {transform_indices = #map1}]} {
    %mul3A = arith.constant 16 : i32
    %mul3A_0 = arith.muli %arg0, %mul3A : i32
    %add3A = arith.addi %mul3A_0, %arg1 : i32
    %eq3A = arith.constant 0 : i32
    %eq3A_1 = arith.cmpi eq, %add3A, %eq3A : i32
    %convert_element_type3A = arith.extui %eq3A_1 : i1 to i32
    %cond3A = arith.constant 0 : i32
    %cond3A_2 = arith.cmpi ne, %convert_element_type3A, %cond3A : i32
    scf.if %cond3A_2 {
      "tpu.region"() ({
        %run_scoped3A = tpu.sem_alloc : memref<!tpu.dma_semaphore, #tpu.memory_space<semaphore_mem>>
        tpu.enqueue_dma source(%arg2 : memref<1024xf32, #tpu.memory_space<hbm>>) target(%arg6 : memref<1024xf32, #tpu.memory_space<vmem>>) target_semaphore(%run_scoped3A : memref<!tpu.dma_semaphore, #tpu.memory_space<semaphore_mem>>)
        tpu.wait_dma2 semaphore(%run_scoped3A : memref<!tpu.dma_semaphore, #tpu.memory_space<semaphore_mem>>) src(%arg2 : memref<1024xf32, #tpu.memory_space<hbm>>) dst(%arg6 : memref<1024xf32, #tpu.memory_space<vmem>>)
        tpu.yield
      }) : () -> ()
      "tpu.region"() ({
        %run_scoped3A = tpu.sem_alloc : memref<!tpu.dma_semaphore, #tpu.memory_space<semaphore_mem>>
        tpu.enqueue_dma source(%arg3 : memref<1024xi32, #tpu.memory_space<hbm>>) target(%arg7 : memref<1024xi32, #tpu.memory_space<vmem>>) target_semaphore(%run_scoped3A : memref<!tpu.dma_semaphore, #tpu.memory_space<semaphore_mem>>)
        tpu.wait_dma2 semaphore(%run_scoped3A : memref<!tpu.dma_semaphore, #tpu.memory_space<semaphore_mem>>) src(%arg3 : memref<1024xi32, #tpu.memory_space<hbm>>) dst(%arg7 : memref<1024xi32, #tpu.memory_space<vmem>>)
        tpu.yield
      }) : () -> ()
      %get3A = arith.constant 0 : index
      %get3A_3 = tpu.vector_load %arg6[%get3A] {strides = array<i32>} : memref<1024xf32, #tpu.memory_space<vmem>>, vector<16xf32>,
      %get3A_4 = arith.constant 0 : index
      %get3A_5 = tpu.vector_load %arg7[%get3A_4] {strides = array<i32>} : memref<1024xi32, #tpu.memory_space<vmem>>, vector<16xi32>,
      %get3A_6 = arith.constant 16 : index
      %get3A_7 = tpu.vector_load %arg6[%get3A_6] {strides = array<i32>} : memref<1024xf32, #tpu.memory_space<vmem>>, vector<16xf32>,
      %get3A_8 = arith.constant 16 : index
      %get3A_9 = tpu.vector_load %arg7[%get3A_8] {strides = array<i32>} : memref<1024xi32, #tpu.memory_space<vmem>>, vector<16xi32>,
      %get3A_10 = arith.constant 32 : index
      %get3A_11 = tpu.vector_load %arg6[%get3A_10] {strides = array<i32>} : memref<1024xf32, #tpu.memory_space<vmem>>, vector<16xf32>,
      %get3A_12 = arith.constant 32 : index
      %get3A_13 = tpu.vector_load %arg7[%get3A_12] {strides = array<i32>} : memref<1024xi32, #tpu.memory_space<vmem>>, vector<16xi32>,
      %get3A_14 = arith.constant 48 : index
      %get3A_15 = tpu.vector_load %arg6[%get3A_14] {strides = array<i32>} : memref<1024xf32, #tpu.memory_space<vmem>>, vector<16xf32>,
      %get3A_16 = arith.constant 48 : index
      %get3A_17 = tpu.vector_load %arg7[%get3A_16] {strides = array<i32>} : memref<1024xi32, #tpu.memory_space<vmem>>, vector<16xi32>,
      %get3A_18 = arith.constant 64 : index
      %get3A_19 = tpu.vector_load %arg6[%get3A_18] {strides = array<i32>} : memref<1024xf32, #tpu.memory_space<vmem>>, vector<16xf32>,
      %get3A_20 = arith.constant 64 : index
      %get3A_21 = tpu.vector_load %arg7[%get3A_20] {strides = array<i32>} : memref<1024xi32, #tpu.memory_space<vmem>>, vector<16xi32>,
      %get3A_22 = arith.constant 80 : index
      %get3A_23 = tpu.vector_load %arg6[%get3A_22] {strides = array<i32>} : memref<1024xf32, #tpu.memory_space<vmem>>, vector<16xf32>,
      %get3A_24 = arith.constant 80 : index
      %get3A_25 = tpu.vector_load %arg7[%get3A_24] {strides = array<i32>} : memref<1024xi32, #tpu.memory_space<vmem>>, vector<16xi32>,
      %get3A_26 = arith.constant 96 : index
      %get3A_27 = tpu.vector_load %arg6[%get3A_26] {strides = array<i32>} : memref<1024xf32, #tpu.memory_space<vmem>>, vector<16xf32>,
      %get3A_28 = arith.constant 96 : index
      %get3A_29 = tpu.vector_load %arg7[%get3A_28] {strides = array<i32>} : memref<1024xi32, #tpu.memory_space<vmem>>, vector<16xi32>,
      %get3A_30 = arith.constant 112 : index
      %get3A_31 = tpu.vector_load %arg6[%get3A_30] {strides = array<i32>} : memref<1024xf32, #tpu.memory_space<vmem>>, vector<16xf32>,
      %get3A_32 = arith.constant 112 : index
      %get3A_33 = tpu.vector_load %arg7[%get3A_32] {strides = array<i32>} : memref<1024xi32, #tpu.memory_space<vmem>>, vector<16xi32>,
      %get3A_34 = arith.constant 128 : index
      %get3A_35 = tpu.vector_load %arg6[%get3A_34] {strides = array<i32>} : memref<1024xf32, #tpu.memory_space<vmem>>, vector<16xf32>,
      %get3A_36 = arith.constant 128 : index
      %get3A_37 = tpu.vector_load %arg7[%get3A_36] {strides = array<i32>} : memref<1024xi32, #tpu.memory_space<vmem>>, vector<16xi32>,
      %get3A_38 = arith.constant 144 : index
      %get3A_39 = tpu.vector_load %arg6[%get3A_38] {strides = array<i32>} : memref<1024xf32, #tpu.memory_space<vmem>>, vector<16xf32>,
      %get3A_40 = arith.constant 144 : index
      %get3A_41 = tpu.vector_load %arg7[%get3A_40] {strides = array<i32>} : memref<1024xi32, #tpu.memory_space<vmem>>, vector<16xi32>,
      %get3A_42 = arith.constant 160 : index
      %get3A_43 = tpu.vector_load %arg6[%get3A_42] {strides = array<i32>} : memref<1024xf32, #tpu.memory_space<vmem>>, vector<16xf32>,
      %get3A_44 = arith.constant 160 : index
      %get3A_45 = tpu.vector_load %arg7[%get3A_44] {strides = array<i32>} : memref<1024xi32, #tpu.memory_space<vmem>>, vector<16xi32>,
      %get3A_46 = arith.constant 176 : index
      %get3A_47 = tpu.vector_load %arg6[%get3A_46] {strides = array<i32>} : memref<1024xf32, #tpu.memory_space<vmem>>, vector<16xf32>,
      %get3A_48 = arith.constant 176 : index
      %get3A_49 = tpu.vector_load %arg7[%get3A_48] {strides = array<i32>} : memref<1024xi32, #tpu.memory_space<vmem>>, vector<16xi32>,
      %get3A_50 = arith.constant 192 : index
      %get3A_51 = tpu.vector_load %arg6[%get3A_50] {strides = array<i32>} : memref<1024xf32, #tpu.memory_space<vmem>>, vector<16xf32>,
      %get3A_52 = arith.constant 192 : index
      %get3A_53 = tpu.vector_load %arg7[%get3A_52] {strides = array<i32>} : memref<1024xi32, #tpu.memory_space<vmem>>, vector<16xi32>,
      %get3A_54 = arith.constant 208 : index
      %get3A_55 = tpu.vector_load %arg6[%get3A_54] {strides = array<i32>} : memref<1024xf32, #tpu.memory_space<vmem>>, vector<16xf32>,
      %get3A_56 = arith.constant 208 : index
      %get3A_57 = tpu.vector_load %arg7[%get3A_56] {strides = array<i32>} : memref<1024xi32, #tpu.memory_space<vmem>>, vector<16xi32>,
      %get3A_58 = arith.constant 224 : index
      %get3A_59 = tpu.vector_load %arg6[%get3A_58] {strides = array<i32>} : memref<1024xf32, #tpu.memory_space<vmem>>, vector<16xf32>,
      %get3A_60 = arith.constant 224 : index
      %get3A_61 = tpu.vector_load %arg7[%get3A_60] {strides = array<i32>} : memref<1024xi32, #tpu.memory_space<vmem>>, vector<16xi32>,
      %get3A_62 = arith.constant 240 : index
      %get3A_63 = tpu.vector_load %arg6[%get3A_62] {strides = array<i32>} : memref<1024xf32, #tpu.memory_space<vmem>>, vector<16xf32>,
      %get3A_64 = arith.constant 240 : index
      %get3A_65 = tpu.vector_load %arg7[%get3A_64] {strides = array<i32>} : memref<1024xi32, #tpu.memory_space<vmem>>, vector<16xi32>,
      %get3A_66 = arith.constant 256 : index
      %get3A_67 = tpu.vector_load %arg6[%get3A_66] {strides = array<i32>} : memref<1024xf32, #tpu.memory_space<vmem>>, vector<16xf32>,
      %get3A_68 = arith.constant 256 : index
      %get3A_69 = tpu.vector_load %arg7[%get3A_68] {strides = array<i32>} : memref<1024xi32, #tpu.memory_space<vmem>>, vector<16xi32>,
      %get3A_70 = arith.constant 272 : index
      %get3A_71 = tpu.vector_load %arg6[%get3A_70] {strides = array<i32>} : memref<1024xf32, #tpu.memory_space<vmem>>, vector<16xf32>,
      %get3A_72 = arith.constant 272 : index
      %get3A_73 = tpu.vector_load %arg7[%get3A_72] {strides = array<i32>} : memref<1024xi32, #tpu.memory_space<vmem>>, vector<16xi32>,
      %get3A_74 = arith.constant 288 : index
      %get3A_75 = tpu.vector_load %arg6[%get3A_74] {strides = array<i32>} : memref<1024xf32, #tpu.memory_space<vmem>>, vector<16xf32>,
      %get3A_76 = arith.constant 288 : index
      %get3A_77 = tpu.vector_load %arg7[%get3A_76] {strides = array<i32>} : memref<1024xi32, #tpu.memory_space<vmem>>, vector<16xi32>,
      %get3A_78 = arith.constant 304 : index
      %get3A_79 = tpu.vector_load %arg6[%get3A_78] {strides = array<i32>} : memref<1024xf32, #tpu.memory_space<vmem>>, vector<16xf32>,
      %get3A_80 = arith.constant 304 : index
      %get3A_81 = tpu.vector_load %arg7[%get3A_80] {strides = array<i32>} : memref<1024xi32, #tpu.memory_space<vmem>>, vector<16xi32>,
      %get3A_82 = arith.constant 320 : index
      %get3A_83 = tpu.vector_load %arg6[%get3A_82] {strides = array<i32>} : memref<1024xf32, #tpu.memory_space<vmem>>, vector<16xf32>,
      %get3A_84 = arith.constant 320 : index
      %get3A_85 = tpu.vector_load %arg7[%get3A_84] {strides = array<i32>} : memref<1024xi32, #tpu.memory_space<vmem>>, vector<16xi32>,
      %get3A_86 = arith.constant 336 : index
      %get3A_87 = tpu.vector_load %arg6[%get3A_86] {strides = array<i32>} : memref<1024xf32, #tpu.memory_space<vmem>>, vector<16xf32>,
      %get3A_88 = arith.constant 336 : index
      %get3A_89 = tpu.vector_load %arg7[%get3A_88] {strides = array<i32>} : memref<1024xi32, #tpu.memory_space<vmem>>, vector<16xi32>,
      %get3A_90 = arith.constant 352 : index
      %get3A_91 = tpu.vector_load %arg6[%get3A_90] {strides = array<i32>} : memref<1024xf32, #tpu.memory_space<vmem>>, vector<16xf32>,
      %get3A_92 = arith.constant 352 : index
      %get3A_93 = tpu.vector_load %arg7[%get3A_92] {strides = array<i32>} : memref<1024xi32, #tpu.memory_space<vmem>>, vector<16xi32>,
      %get3A_94 = arith.constant 368 : index
      %get3A_95 = tpu.vector_load %arg6[%get3A_94] {strides = array<i32>} : memref<1024xf32, #tpu.memory_space<vmem>>, vector<16xf32>,
      %get3A_96 = arith.constant 368 : index
      %get3A_97 = tpu.vector_load %arg7[%get3A_96] {strides = array<i32>} : memref<1024xi32, #tpu.memory_space<vmem>>, vector<16xi32>,
      %get3A_98 = arith.constant 384 : index
      %get3A_99 = tpu.vector_load %arg6[%get3A_98] {strides = array<i32>} : memref<1024xf32, #tpu.memory_space<vmem>>, vector<16xf32>,
      %get3A_100 = arith.constant 384 : index
      %get3A_101 = tpu.vector_load %arg7[%get3A_100] {strides = array<i32>} : memref<1024xi32, #tpu.memory_space<vmem>>, vector<16xi32>,
      %get3A_102 = arith.constant 400 : index
      %get3A_103 = tpu.vector_load %arg6[%get3A_102] {strides = array<i32>} : memref<1024xf32, #tpu.memory_space<vmem>>, vector<16xf32>,
      %get3A_104 = arith.constant 400 : index
      %get3A_105 = tpu.vector_load %arg7[%get3A_104] {strides = array<i32>} : memref<1024xi32, #tpu.memory_space<vmem>>, vector<16xi32>,
      %get3A_106 = arith.constant 416 : index
      %get3A_107 = tpu.vector_load %arg6[%get3A_106] {strides = array<i32>} : memref<1024xf32, #tpu.memory_space<vmem>>, vector<16xf32>,
      %get3A_108 = arith.constant 416 : index
      %get3A_109 = tpu.vector_load %arg7[%get3A_108] {strides = array<i32>} : memref<1024xi32, #tpu.memory_space<vmem>>, vector<16xi32>,
      %get3A_110 = arith.constant 432 : index
      %get3A_111 = tpu.vector_load %arg6[%get3A_110] {strides = array<i32>} : memref<1024xf32, #tpu.memory_space<vmem>>, vector<16xf32>,
      %get3A_112 = arith.constant 432 : index
      %get3A_113 = tpu.vector_load %arg7[%get3A_112] {strides = array<i32>} : memref<1024xi32, #tpu.memory_space<vmem>>, vector<16xi32>,
      %get3A_114 = arith.constant 448 : index
      %get3A_115 = tpu.vector_load %arg6[%get3A_114] {strides = array<i32>} : memref<1024xf32, #tpu.memory_space<vmem>>, vector<16xf32>,
      %get3A_116 = arith.constant 448 : index
      %get3A_117 = tpu.vector_load %arg7[%get3A_116] {strides = array<i32>} : memref<1024xi32, #tpu.memory_space<vmem>>, vector<16xi32>,
      %get3A_118 = arith.constant 464 : index
      %get3A_119 = tpu.vector_load %arg6[%get3A_118] {strides = array<i32>} : memref<1024xf32, #tpu.memory_space<vmem>>, vector<16xf32>,
      %get3A_120 = arith.constant 464 : index
      %get3A_121 = tpu.vector_load %arg7[%get3A_120] {strides = array<i32>} : memref<1024xi32, #tpu.memory_space<vmem>>, vector<16xi32>,
      %get3A_122 = arith.constant 480 : index
      %get3A_123 = tpu.vector_load %arg6[%get3A_122] {strides = array<i32>} : memref<1024xf32, #tpu.memory_space<vmem>>, vector<16xf32>,
      %get3A_124 = arith.constant 480 : index
      %get3A_125 = tpu.vector_load %arg7[%get3A_124] {strides = array<i32>} : memref<1024xi32, #tpu.memory_space<vmem>>, vector<16xi32>,
      %get3A_126 = arith.constant 496 : index
      %get3A_127 = tpu.vector_load %arg6[%get3A_126] {strides = array<i32>} : memref<1024xf32, #tpu.memory_space<vmem>>, vector<16xf32>,
      %get3A_128 = arith.constant 496 : index
      %get3A_129 = tpu.vector_load %arg7[%get3A_128] {strides = array<i32>} : memref<1024xi32, #tpu.memory_space<vmem>>, vector<16xi32>,
      %get3A_130 = arith.constant 512 : index
      %get3A_131 = tpu.vector_load %arg6[%get3A_130] {strides = array<i32>} : memref<1024xf32, #tpu.memory_space<vmem>>, vector<16xf32>,
      %get3A_132 = arith.constant 512 : index
      %get3A_133 = tpu.vector_load %arg7[%get3A_132] {strides = array<i32>} : memref<1024xi32, #tpu.memory_space<vmem>>, vector<16xi32>,
      %get3A_134 = arith.constant 528 : index
      %get3A_135 = tpu.vector_load %arg6[%get3A_134] {strides = array<i32>} : memref<1024xf32, #tpu.memory_space<vmem>>, vector<16xf32>,
      %get3A_136 = arith.constant 528 : index
      %get3A_137 = tpu.vector_load %arg7[%get3A_136] {strides = array<i32>} : memref<1024xi32, #tpu.memory_space<vmem>>, vector<16xi32>,
      %get3A_138 = arith.constant 544 : index
      %get3A_139 = tpu.vector_load %arg6[%get3A_138] {strides = array<i32>} : memref<1024xf32, #tpu.memory_space<vmem>>, vector<16xf32>,
      %get3A_140 = arith.constant 544 : index
      %get3A_141 = tpu.vector_load %arg7[%get3A_140] {strides = array<i32>} : memref<1024xi32, #tpu.memory_space<vmem>>, vector<16xi32>,
      %get3A_142 = arith.constant 560 : index
      %get3A_143 = tpu.vector_load %arg6[%get3A_142] {strides = array<i32>} : memref<1024xf32, #tpu.memory_space<vmem>>, vector<16xf32>,
      %get3A_144 = arith.constant 560 : index
      %get3A_145 = tpu.vector_load %arg7[%get3A_144] {strides = array<i32>} : memref<1024xi32, #tpu.memory_space<vmem>>, vector<16xi32>,
      %get3A_146 = arith.constant 576 : index
      %get3A_147 = tpu.vector_load %arg6[%get3A_146] {strides = array<i32>} : memref<1024xf32, #tpu.memory_space<vmem>>, vector<16xf32>,
      %get3A_148 = arith.constant 576 : index
      %get3A_149 = tpu.vector_load %arg7[%get3A_148] {strides = array<i32>} : memref<1024xi32, #tpu.memory_space<vmem>>, vector<16xi32>,
      %get3A_150 = arith.constant 592 : index
      %get3A_151 = tpu.vector_load %arg6[%get3A_150] {strides = array<i32>} : memref<1024xf32, #tpu.memory_space<vmem>>, vector<16xf32>,
      %get3A_152 = arith.constant 592 : index
      %get3A_153 = tpu.vector_load %arg7[%get3A_152] {strides = array<i32>} : memref<1024xi32, #tpu.memory_space<vmem>>, vector<16xi32>,
      %get3A_154 = arith.constant 608 : index
      %get3A_155 = tpu.vector_load %arg6[%get3A_154] {strides = array<i32>} : memref<1024xf32, #tpu.memory_space<vmem>>, vector<16xf32>,
      %get3A_156 = arith.constant 608 : index
      %get3A_157 = tpu.vector_load %arg7[%get3A_156] {strides = array<i32>} : memref<1024xi32, #tpu.memory_space<vmem>>, vector<16xi32>,
      %get3A_158 = arith.constant 624 : index
      %get3A_159 = tpu.vector_load %arg6[%get3A_158] {strides = array<i32>} : memref<1024xf32, #tpu.memory_space<vmem>>, vector<16xf32>,
      %get3A_160 = arith.constant 624 : index
      %get3A_161 = tpu.vector_load %arg7[%get3A_160] {strides = array<i32>} : memref<1024xi32, #tpu.memory_space<vmem>>, vector<16xi32>,
      %get3A_162 = arith.constant 640 : index
      %get3A_163 = tpu.vector_load %arg6[%get3A_162] {strides = array<i32>} : memref<1024xf32, #tpu.memory_space<vmem>>, vector<16xf32>,
      %get3A_164 = arith.constant 640 : index
      %get3A_165 = tpu.vector_load %arg7[%get3A_164] {strides = array<i32>} : memref<1024xi32, #tpu.memory_space<vmem>>, vector<16xi32>,
      %get3A_166 = arith.constant 656 : index
      %get3A_167 = tpu.vector_load %arg6[%get3A_166] {strides = array<i32>} : memref<1024xf32, #tpu.memory_space<vmem>>, vector<16xf32>,
      %get3A_168 = arith.constant 656 : index
      %get3A_169 = tpu.vector_load %arg7[%get3A_168] {strides = array<i32>} : memref<1024xi32, #tpu.memory_space<vmem>>, vector<16xi32>,
      %get3A_170 = arith.constant 672 : index
      %get3A_171 = tpu.vector_load %arg6[%get3A_170] {strides = array<i32>} : memref<1024xf32, #tpu.memory_space<vmem>>, vector<16xf32>,
      %get3A_172 = arith.constant 672 : index
      %get3A_173 = tpu.vector_load %arg7[%get3A_172] {strides = array<i32>} : memref<1024xi32, #tpu.memory_space<vmem>>, vector<16xi32>,
      %get3A_174 = arith.constant 688 : index
      %get3A_175 = tpu.vector_load %arg6[%get3A_174] {strides = array<i32>} : memref<1024xf32, #tpu.memory_space<vmem>>, vector<16xf32>,
      %get3A_176 = arith.constant 688 : index
      %get3A_177 = tpu.vector_load %arg7[%get3A_176] {strides = array<i32>} : memref<1024xi32, #tpu.memory_space<vmem>>, vector<16xi32>,
      %get3A_178 = arith.constant 704 : index
      %get3A_179 = tpu.vector_load %arg6[%get3A_178] {strides = array<i32>} : memref<1024xf32, #tpu.memory_space<vmem>>, vector<16xf32>,
      %get3A_180 = arith.constant 704 : index
      %get3A_181 = tpu.vector_load %arg7[%get3A_180] {strides = array<i32>} : memref<1024xi32, #tpu.memory_space<vmem>>, vector<16xi32>,
      %get3A_182 = arith.constant 720 : index
      %get3A_183 = tpu.vector_load %arg6[%get3A_182] {strides = array<i32>} : memref<1024xf32, #tpu.memory_space<vmem>>, vector<16xf32>,
      %get3A_184 = arith.constant 720 : index
      %get3A_185 = tpu.vector_load %arg7[%get3A_184] {strides = array<i32>} : memref<1024xi32, #tpu.memory_space<vmem>>, vector<16xi32>,
      %get3A_186 = arith.constant 736 : index
      %get3A_187 = tpu.vector_load %arg6[%get3A_186] {strides = array<i32>} : memref<1024xf32, #tpu.memory_space<vmem>>, vector<16xf32>,
      %get3A_188 = arith.constant 736 : index
      %get3A_189 = tpu.vector_load %arg7[%get3A_188] {strides = array<i32>} : memref<1024xi32, #tpu.memory_space<vmem>>, vector<16xi32>,
      %get3A_190 = arith.constant 752 : index
      %get3A_191 = tpu.vector_load %arg6[%get3A_190] {strides = array<i32>} : memref<1024xf32, #tpu.memory_space<vmem>>, vector<16xf32>,
      %get3A_192 = arith.constant 752 : index
      %get3A_193 = tpu.vector_load %arg7[%get3A_192] {strides = array<i32>} : memref<1024xi32, #tpu.memory_space<vmem>>, vector<16xi32>,
      %get3A_194 = arith.constant 768 : index
      %get3A_195 = tpu.vector_load %arg6[%get3A_194] {strides = array<i32>} : memref<1024xf32, #tpu.memory_space<vmem>>, vector<16xf32>,
      %get3A_196 = arith.constant 768 : index
      %get3A_197 = tpu.vector_load %arg7[%get3A_196] {strides = array<i32>} : memref<1024xi32, #tpu.memory_space<vmem>>, vector<16xi32>,
      %get3A_198 = arith.constant 784 : index
      %get3A_199 = tpu.vector_load %arg6[%get3A_198] {strides = array<i32>} : memref<1024xf32, #tpu.memory_space<vmem>>, vector<16xf32>,
      %get3A_200 = arith.constant 784 : index
      %get3A_201 = tpu.vector_load %arg7[%get3A_200] {strides = array<i32>} : memref<1024xi32, #tpu.memory_space<vmem>>, vector<16xi32>,
      %get3A_202 = arith.constant 800 : index
      %get3A_203 = tpu.vector_load %arg6[%get3A_202] {strides = array<i32>} : memref<1024xf32, #tpu.memory_space<vmem>>, vector<16xf32>,
      %get3A_204 = arith.constant 800 : index
      %get3A_205 = tpu.vector_load %arg7[%get3A_204] {strides = array<i32>} : memref<1024xi32, #tpu.memory_space<vmem>>, vector<16xi32>,
      %get3A_206 = arith.constant 816 : index
      %get3A_207 = tpu.vector_load %arg6[%get3A_206] {strides = array<i32>} : memref<1024xf32, #tpu.memory_space<vmem>>, vector<16xf32>,
      %get3A_208 = arith.constant 816 : index
      %get3A_209 = tpu.vector_load %arg7[%get3A_208] {strides = array<i32>} : memref<1024xi32, #tpu.memory_space<vmem>>, vector<16xi32>,
      %get3A_210 = arith.constant 832 : index
      %get3A_211 = tpu.vector_load %arg6[%get3A_210] {strides = array<i32>} : memref<1024xf32, #tpu.memory_space<vmem>>, vector<16xf32>,
      %get3A_212 = arith.constant 832 : index
      %get3A_213 = tpu.vector_load %arg7[%get3A_212] {strides = array<i32>} : memref<1024xi32, #tpu.memory_space<vmem>>, vector<16xi32>,
      %get3A_214 = arith.constant 848 : index
      %get3A_215 = tpu.vector_load %arg6[%get3A_214] {strides = array<i32>} : memref<1024xf32, #tpu.memory_space<vmem>>, vector<16xf32>,
      %get3A_216 = arith.constant 848 : index
      %get3A_217 = tpu.vector_load %arg7[%get3A_216] {strides = array<i32>} : memref<1024xi32, #tpu.memory_space<vmem>>, vector<16xi32>,
      %get3A_218 = arith.constant 864 : index
      %get3A_219 = tpu.vector_load %arg6[%get3A_218] {strides = array<i32>} : memref<1024xf32, #tpu.memory_space<vmem>>, vector<16xf32>,
      %get3A_220 = arith.constant 864 : index
      %get3A_221 = tpu.vector_load %arg7[%get3A_220] {strides = array<i32>} : memref<1024xi32, #tpu.memory_space<vmem>>, vector<16xi32>,
      %get3A_222 = arith.constant 880 : index
      %get3A_223 = tpu.vector_load %arg6[%get3A_222] {strides = array<i32>} : memref<1024xf32, #tpu.memory_space<vmem>>, vector<16xf32>,
      %get3A_224 = arith.constant 880 : index
      %get3A_225 = tpu.vector_load %arg7[%get3A_224] {strides = array<i32>} : memref<1024xi32, #tpu.memory_space<vmem>>, vector<16xi32>,
      %get3A_226 = arith.constant 896 : index
      %get3A_227 = tpu.vector_load %arg6[%get3A_226] {strides = array<i32>} : memref<1024xf32, #tpu.memory_space<vmem>>, vector<16xf32>,
      %get3A_228 = arith.constant 896 : index
      %get3A_229 = tpu.vector_load %arg7[%get3A_228] {strides = array<i32>} : memref<1024xi32, #tpu.memory_space<vmem>>, vector<16xi32>,
      %get3A_230 = arith.constant 912 : index
      %get3A_231 = tpu.vector_load %arg6[%get3A_230] {strides = array<i32>} : memref<1024xf32, #tpu.memory_space<vmem>>, vector<16xf32>,
      %get3A_232 = arith.constant 912 : index
      %get3A_233 = tpu.vector_load %arg7[%get3A_232] {strides = array<i32>} : memref<1024xi32, #tpu.memory_space<vmem>>, vector<16xi32>,
      %get3A_234 = arith.constant 928 : index
      %get3A_235 = tpu.vector_load %arg6[%get3A_234] {strides = array<i32>} : memref<1024xf32, #tpu.memory_space<vmem>>, vector<16xf32>,
      %get3A_236 = arith.constant 928 : index
      %get3A_237 = tpu.vector_load %arg7[%get3A_236] {strides = array<i32>} : memref<1024xi32, #tpu.memory_space<vmem>>, vector<16xi32>,
      %get3A_238 = arith.constant 944 : index
      %get3A_239 = tpu.vector_load %arg6[%get3A_238] {strides = array<i32>} : memref<1024xf32, #tpu.memory_space<vmem>>, vector<16xf32>,
      %get3A_240 = arith.constant 944 : index
      %get3A_241 = tpu.vector_load %arg7[%get3A_240] {strides = array<i32>} : memref<1024xi32, #tpu.memory_space<vmem>>, vector<16xi32>,
      %get3A_242 = arith.constant 960 : index
      %get3A_243 = tpu.vector_load %arg6[%get3A_242] {strides = array<i32>} : memref<1024xf32, #tpu.memory_space<vmem>>, vector<16xf32>,
      %get3A_244 = arith.constant 960 : index
      %get3A_245 = tpu.vector_load %arg7[%get3A_244] {strides = array<i32>} : memref<1024xi32, #tpu.memory_space<vmem>>, vector<16xi32>,
      %get3A_246 = arith.constant 976 : index
      %get3A_247 = tpu.vector_load %arg6[%get3A_246] {strides = array<i32>} : memref<1024xf32, #tpu.memory_space<vmem>>, vector<16xf32>,
      %get3A_248 = arith.constant 976 : index
      %get3A_249 = tpu.vector_load %arg7[%get3A_248] {strides = array<i32>} : memref<1024xi32, #tpu.memory_space<vmem>>, vector<16xi32>,
      %get3A_250 = arith.constant 992 : index
      %get3A_251 = tpu.vector_load %arg6[%get3A_250] {strides = array<i32>} : memref<1024xf32, #tpu.memory_space<vmem>>, vector<16xf32>,
      %get3A_252 = arith.constant 992 : index
      %get3A_253 = tpu.vector_load %arg7[%get3A_252] {strides = array<i32>} : memref<1024xi32, #tpu.memory_space<vmem>>, vector<16xi32>,
      %get3A_254 = arith.constant 1008 : index
      %get3A_255 = tpu.vector_load %arg6[%get3A_254] {strides = array<i32>} : memref<1024xf32, #tpu.memory_space<vmem>>, vector<16xf32>,
      %get3A_256 = arith.constant 1008 : index
      %get3A_257 = tpu.vector_load %arg7[%get3A_256] {strides = array<i32>} : memref<1024xi32, #tpu.memory_space<vmem>>, vector<16xi32>,
      %rev3A = arith.constant 15 : i32
      %rev3A_258 = vector.broadcast %rev3A : i32 to vector<16xi32>
      %rev3A_259 = tpu.iota {dimensions = array<i32: 0>} : vector<16xi32>
      %rev3A_260 = arith.subi %rev3A_258, %rev3A_259 : vector<16xi32>
      %rev3A_261 = tpu.dynamic_gather %get3A_15[%rev3A_260] in [0] : vector<16xf32>, vector<16xi32> -> vector<16xf32>
      %rev3A_262 = arith.constant 15 : i32
      %rev3A_263 = vector.broadcast %rev3A_262 : i32 to vector<16xi32>
      %rev3A_264 = tpu.iota {dimensions = array<i32: 0>} : vector<16xi32>
      %rev3A_265 = arith.subi %rev3A_263, %rev3A_264 : vector<16xi32>
      %rev3A_266 = tpu.dynamic_gather %get3A_17[%rev3A_265] in [0] : vector<16xi32>, vector<16xi32> -> vector<16xi32>
      %rev3A_267 = arith.constant 15 : i32
      %rev3A_268 = vector.broadcast %rev3A_267 : i32 to vector<16xi32>
      %rev3A_269 = tpu.iota {dimensions = array<i32: 0>} : vector<16xi32>
      %rev3A_270 = arith.subi %rev3A_268, %rev3A_269 : vector<16xi32>
      %rev3A_271 = tpu.dynamic_gather %get3A_11[%rev3A_270] in [0] : vector<16xf32>, vector<16xi32> -> vector<16xf32>
      %rev3A_272 = arith.constant 15 : i32
      %rev3A_273 = vector.broadcast %rev3A_272 : i32 to vector<16xi32>
      %rev3A_274 = tpu.iota {dimensions = array<i32: 0>} : vector<16xi32>
      %rev3A_275 = arith.subi %rev3A_273, %rev3A_274 : vector<16xi32>
      %rev3A_276 = tpu.dynamic_gather %get3A_13[%rev3A_275] in [0] : vector<16xi32>, vector<16xi32> -> vector<16xi32>
      %ge3A = arith.cmpf oge, %get3A_3, %rev3A_261 : vector<16xf32>
      %select_n3A = arith.select %ge3A, %get3A_3, %rev3A_261 : vector<16xi1>, vector<16xf32>
      %select_n3A_277 = arith.select %ge3A, %get3A_5, %rev3A_266 : vector<16xi1>, vector<16xi32>
      %ge3A_278 = arith.cmpf oge, %get3A_7, %rev3A_271 : vector<16xf32>
      %select_n3A_279 = arith.select %ge3A_278, %get3A_7, %rev3A_271 : vector<16xi1>, vector<16xf32>
      %select_n3A_280 = arith.select %ge3A_278, %get3A_9, %rev3A_276 : vector<16xi1>, vector<16xi32>
      %ge3A_281 = arith.cmpf oge, %select_n3A, %select_n3A_279 : vector<16xf32>
      %select_n3A_282 = arith.select %ge3A_281, %select_n3A, %select_n3A_279 : vector<16xi1>, vector<16xf32>
      %select_n3A_283 = arith.select %ge3A_281, %select_n3A_277, %select_n3A_280 : vector<16xi1>, vector<16xi32>
      %select_n3A_284 = arith.select %ge3A_281, %select_n3A_279, %select_n3A : vector<16xi1>, vector<16xf32>
      %select_n3A_285 = arith.select %ge3A_281, %select_n3A_280, %select_n3A_277 : vector<16xi1>, vector<16xi32>
      %masked_sort3A = arith.constant dense<true> : vector<16xi1>
      %masked_sort3A_286, %masked_sort3A_287, %masked_sort3A_288 = tpu.sort %select_n3A_282, %select_n3A_283 masked %masked_sort3A {descending = true} : (vector<16xf32>, vector<16xi32>, vector<16xi1>) -> (vector<16xi1>, vector<16xf32>, vector<16xi32>)
      %masked_sort3A_289 = arith.constant dense<true> : vector<16xi1>
      %masked_sort3A_290, %masked_sort3A_291, %masked_sort3A_292 = tpu.sort %select_n3A_284, %select_n3A_285 masked %masked_sort3A_289 {descending = true} : (vector<16xf32>, vector<16xi32>, vector<16xi1>) -> (vector<16xi1>, vector<16xf32>, vector<16xi32>)
      %rev3A_293 = arith.constant 15 : i32
      %rev3A_294 = vector.broadcast %rev3A_293 : i32 to vector<16xi32>
      %rev3A_295 = tpu.iota {dimensions = array<i32: 0>} : vector<16xi32>
      %rev3A_296 = arith.subi %rev3A_294, %rev3A_295 : vector<16xi32>
      %rev3A_297 = tpu.dynamic_gather %get3A_31[%rev3A_296] in [0] : vector<16xf32>, vector<16xi32> -> vector<16xf32>
      %rev3A_298 = arith.constant 15 : i32
      %rev3A_299 = vector.broadcast %rev3A_298 : i32 to vector<16xi32>
      %rev3A_300 = tpu.iota {dimensions = array<i32: 0>} : vector<16xi32>
      %rev3A_301 = arith.subi %rev3A_299, %rev3A_300 : vector<16xi32>
      %rev3A_302 = tpu.dynamic_gather %get3A_33[%rev3A_301] in [0] : vector<16xi32>, vector<16xi32> -> vector<16xi32>
      %rev3A_303 = arith.constant 15 : i32
      %rev3A_304 = vector.broadcast %rev3A_303 : i32 to vector<16xi32>
      %rev3A_305 = tpu.iota {dimensions = array<i32: 0>} : vector<16xi32>
      %rev3A_306 = arith.subi %rev3A_304, %rev3A_305 : vector<16xi32>
      %rev3A_307 = tpu.dynamic_gather %get3A_27[%rev3A_306] in [0] : vector<16xf32>, vector<16xi32> -> vector<16xf32>
      %rev3A_308 = arith.constant 15 : i32
      %rev3A_309 = vector.broadcast %rev3A_308 : i32 to vector<16xi32>
      %rev3A_310 = tpu.iota {dimensions = array<i32: 0>} : vector<16xi32>
      %rev3A_311 = arith.subi %rev3A_309, %rev3A_310 : vector<16xi32>
      %rev3A_312 = tpu.dynamic_gather %get3A_29[%rev3A_311] in [0] : vector<16xi32>, vector<16xi32> -> vector<16xi32>
      %ge3A_313 = arith.cmpf oge, %get3A_19, %rev3A_297 : vector<16xf32>
      %select_n3A_314 = arith.select %ge3A_313, %get3A_19, %rev3A_297 : vector<16xi1>, vector<16xf32>
      %select_n3A_315 = arith.select %ge3A_313, %get3A_21, %rev3A_302 : vector<16xi1>, vector<16xi32>
      %ge3A_316 = arith.cmpf oge, %get3A_23, %rev3A_307 : vector<16xf32>
      %select_n3A_317 = arith.select %ge3A_316, %get3A_23, %rev3A_307 : vector<16xi1>, vector<16xf32>
      %select_n3A_318 = arith.select %ge3A_316, %get3A_25, %rev3A_312 : vector<16xi1>, vector<16xi32>
      %ge3A_319 = arith.cmpf oge, %select_n3A_314, %select_n3A_317 : vector<16xf32>
      %select_n3A_320 = arith.select %ge3A_319, %select_n3A_314, %select_n3A_317 : vector<16xi1>, vector<16xf32>
      %select_n3A_321 = arith.select %ge3A_319, %select_n3A_315, %select_n3A_318 : vector<16xi1>, vector<16xi32>
      %select_n3A_322 = arith.select %ge3A_319, %select_n3A_317, %select_n3A_314 : vector<16xi1>, vector<16xf32>
      %select_n3A_323 = arith.select %ge3A_319, %select_n3A_318, %select_n3A_315 : vector<16xi1>, vector<16xi32>
      %masked_sort3A_324 = arith.constant dense<true> : vector<16xi1>
      %masked_sort3A_325, %masked_sort3A_326, %masked_sort3A_327 = tpu.sort %select_n3A_320, %select_n3A_321 masked %masked_sort3A_324 {descending = true} : (vector<16xf32>, vector<16xi32>, vector<16xi1>) -> (vector<16xi1>, vector<16xf32>, vector<16xi32>)
      %masked_sort3A_328 = arith.constant dense<true> : vector<16xi1>
      %masked_sort3A_329, %masked_sort3A_330, %masked_sort3A_331 = tpu.sort %select_n3A_322, %select_n3A_323 masked %masked_sort3A_328 {descending = true} : (vector<16xf32>, vector<16xi32>, vector<16xi1>) -> (vector<16xi1>, vector<16xf32>, vector<16xi32>)
      %rev3A_332 = arith.constant 15 : i32
      %rev3A_333 = vector.broadcast %rev3A_332 : i32 to vector<16xi32>
      %rev3A_334 = tpu.iota {dimensions = array<i32: 0>} : vector<16xi32>
      %rev3A_335 = arith.subi %rev3A_333, %rev3A_334 : vector<16xi32>
      %rev3A_336 = tpu.dynamic_gather %get3A_47[%rev3A_335] in [0] : vector<16xf32>, vector<16xi32> -> vector<16xf32>
      %rev3A_337 = arith.constant 15 : i32
      %rev3A_338 = vector.broadcast %rev3A_337 : i32 to vector<16xi32>
      %rev3A_339 = tpu.iota {dimensions = array<i32: 0>} : vector<16xi32>
      %rev3A_340 = arith.subi %rev3A_338, %rev3A_339 : vector<16xi32>
      %rev3A_341 = tpu.dynamic_gather %get3A_49[%rev3A_340] in [0] : vector<16xi32>, vector<16xi32> -> vector<16xi32>
      %rev3A_342 = arith.constant 15 : i32
      %rev3A_343 = vector.broadcast %rev3A_342 : i32 to vector<16xi32>
      %rev3A_344 = tpu.iota {dimensions = array<i32: 0>} : vector<16xi32>
      %rev3A_345 = arith.subi %rev3A_343, %rev3A_344 : vector<16xi32>
      %rev3A_346 = tpu.dynamic_gather %get3A_43[%rev3A_345] in [0] : vector<16xf32>, vector<16xi32> -> vector<16xf32>
      %rev3A_347 = arith.constant 15 : i32
      %rev3A_348 = vector.broadcast %rev3A_347 : i32 to vector<16xi32>
      %rev3A_349 = tpu.iota {dimensions = array<i32: 0>} : vector<16xi32>
      %rev3A_350 = arith.subi %rev3A_348, %rev3A_349 : vector<16xi32>
      %rev3A_351 = tpu.dynamic_gather %get3A_45[%rev3A_350] in [0] : vector<16xi32>, vector<16xi32> -> vector<16xi32>
      %ge3A_352 = arith.cmpf oge, %get3A_35, %rev3A_336 : vector<16xf32>
      %select_n3A_353 = arith.select %ge3A_352, %get3A_35, %rev3A_336 : vector<16xi1>, vector<16xf32>
      %select_n3A_354 = arith.select %ge3A_352, %get3A_37, %rev3A_341 : vector<16xi1>, vector<16xi32>
      %ge3A_355 = arith.cmpf oge, %get3A_39, %rev3A_346 : vector<16xf32>
      %select_n3A_356 = arith.select %ge3A_355, %get3A_39, %rev3A_346 : vector<16xi1>, vector<16xf32>
      %select_n3A_357 = arith.select %ge3A_355, %get3A_41, %rev3A_351 : vector<16xi1>, vector<16xi32>
      %ge3A_358 = arith.cmpf oge, %select_n3A_353, %select_n3A_356 : vector<16xf32>
      %select_n3A_359 = arith.select %ge3A_358, %select_n3A_353, %select_n3A_356 : vector<16xi1>, vector<16xf32>
      %select_n3A_360 = arith.select %ge3A_358, %select_n3A_354, %select_n3A_357 : vector<16xi1>, vector<16xi32>
      %select_n3A_361 = arith.select %ge3A_358, %select_n3A_356, %select_n3A_353 : vector<16xi1>, vector<16xf32>
      %select_n3A_362 = arith.select %ge3A_358, %select_n3A_357, %select_n3A_354 : vector<16xi1>, vector<16xi32>
      %masked_sort3A_363 = arith.constant dense<true> : vector<16xi1>
      %masked_sort3A_364, %masked_sort3A_365, %masked_sort3A_366 = tpu.sort %select_n3A_359, %select_n3A_360 masked %masked_sort3A_363 {descending = true} : (vector<16xf32>, vector<16xi32>, vector<16xi1>) -> (vector<16xi1>, vector<16xf32>, vector<16xi32>)
      %masked_sort3A_367 = arith.constant dense<true> : vector<16xi1>
      %masked_sort3A_368, %masked_sort3A_369, %masked_sort3A_370 = tpu.sort %select_n3A_361, %select_n3A_362 masked %masked_sort3A_367 {descending = true} : (vector<16xf32>, vector<16xi32>, vector<16xi1>) -> (vector<16xi1>, vector<16xf32>, vector<16xi32>)
      %rev3A_371 = arith.constant 15 : i32
      %rev3A_372 = vector.broadcast %rev3A_371 : i32 to vector<16xi32>
      %rev3A_373 = tpu.iota {dimensions = array<i32: 0>} : vector<16xi32>
      %rev3A_374 = arith.subi %rev3A_372, %rev3A_373 : vector<16xi32>
      %rev3A_375 = tpu.dynamic_gather %get3A_63[%rev3A_374] in [0] : vector<16xf32>, vector<16xi32> -> vector<16xf32>
      %rev3A_376 = arith.constant 15 : i32
      %rev3A_377 = vector.broadcast %rev3A_376 : i32 to vector<16xi32>
      %rev3A_378 = tpu.iota {dimensions = array<i32: 0>} : vector<16xi32>
      %rev3A_379 = arith.subi %rev3A_377, %rev3A_378 : vector<16xi32>
      %rev3A_380 = tpu.dynamic_gather %get3A_65[%rev3A_379] in [0] : vector<16xi32>, vector<16xi32> -> vector<16xi32>
      %rev3A_381 = arith.constant 15 : i32
      %rev3A_382 = vector.broadcast %rev3A_381 : i32 to vector<16xi32>
      %rev3A_383 = tpu.iota {dimensions = array<i32: 0>} : vector<16xi32>
      %rev3A_384 = arith.subi %rev3A_382, %rev3A_383 : vector<16xi32>
      %rev3A_385 = tpu.dynamic_gather %get3A_59[%rev3A_384] in [0] : vector<16xf32>, vector<16xi32> -> vector<16xf32>
      %rev3A_386 = arith.constant 15 : i32
      %rev3A_387 = vector.broadcast %rev3A_386 : i32 to vector<16xi32>
      %rev3A_388 = tpu.iota {dimensions = array<i32: 0>} : vector<16xi32>
      %rev3A_389 = arith.subi %rev3A_387, %rev3A_388 : vector<16xi32>
      %rev3A_390 = tpu.dynamic_gather %get3A_61[%rev3A_389] in [0] : vector<16xi32>, vector<16xi32> -> vector<16xi32>
      %ge3A_391 = arith.cmpf oge, %get3A_51, %rev3A_375 : vector<16xf32>
      %select_n3A_392 = arith.select %ge3A_391, %get3A_51, %rev3A_375 : vector<16xi1>, vector<16xf32>
      %select_n3A_393 = arith.select %ge3A_391, %get3A_53, %rev3A_380 : vector<16xi1>, vector<16xi32>
      %ge3A_394 = arith.cmpf oge, %get3A_55, %rev3A_385 : vector<16xf32>
      %select_n3A_395 = arith.select %ge3A_394, %get3A_55, %rev3A_385 : vector<16xi1>, vector<16xf32>
      %select_n3A_396 = arith.select %ge3A_394, %get3A_57, %rev3A_390 : vector<16xi1>, vector<16xi32>
      %ge3A_397 = arith.cmpf oge, %select_n3A_392, %select_n3A_395 : vector<16xf32>
      %select_n3A_398 = arith.select %ge3A_397, %select_n3A_392, %select_n3A_395 : vector<16xi1>, vector<16xf32>
      %select_n3A_399 = arith.select %ge3A_397, %select_n3A_393, %select_n3A_396 : vector<16xi1>, vector<16xi32>
      %select_n3A_400 = arith.select %ge3A_397, %select_n3A_395, %select_n3A_392 : vector<16xi1>, vector<16xf32>
      %select_n3A_401 = arith.select %ge3A_397, %select_n3A_396, %select_n3A_393 : vector<16xi1>, vector<16xi32>
      %masked_sort3A_402 = arith.constant dense<true> : vector<16xi1>
      %masked_sort3A_403, %masked_sort3A_404, %masked_sort3A_405 = tpu.sort %select_n3A_398, %select_n3A_399 masked %masked_sort3A_402 {descending = true} : (vector<16xf32>, vector<16xi32>, vector<16xi1>) -> (vector<16xi1>, vector<16xf32>, vector<16xi32>)
      %masked_sort3A_406 = arith.constant dense<true> : vector<16xi1>
      %masked_sort3A_407, %masked_sort3A_408, %masked_sort3A_409 = tpu.sort %select_n3A_400, %select_n3A_401 masked %masked_sort3A_406 {descending = true} : (vector<16xf32>, vector<16xi32>, vector<16xi1>) -> (vector<16xi1>, vector<16xf32>, vector<16xi32>)
      %rev3A_410 = arith.constant 15 : i32
      %rev3A_411 = vector.broadcast %rev3A_410 : i32 to vector<16xi32>
      %rev3A_412 = tpu.iota {dimensions = array<i32: 0>} : vector<16xi32>
      %rev3A_413 = arith.subi %rev3A_411, %rev3A_412 : vector<16xi32>
      %rev3A_414 = tpu.dynamic_gather %get3A_79[%rev3A_413] in [0] : vector<16xf32>, vector<16xi32> -> vector<16xf32>
      %rev3A_415 = arith.constant 15 : i32
      %rev3A_416 = vector.broadcast %rev3A_415 : i32 to vector<16xi32>
      %rev3A_417 = tpu.iota {dimensions = array<i32: 0>} : vector<16xi32>
      %rev3A_418 = arith.subi %rev3A_416, %rev3A_417 : vector<16xi32>
      %rev3A_419 = tpu.dynamic_gather %get3A_81[%rev3A_418] in [0] : vector<16xi32>, vector<16xi32> -> vector<16xi32>
      %rev3A_420 = arith.constant 15 : i32
      %rev3A_421 = vector.broadcast %rev3A_420 : i32 to vector<16xi32>
      %rev3A_422 = tpu.iota {dimensions = array<i32: 0>} : vector<16xi32>
      %rev3A_423 = arith.subi %rev3A_421, %rev3A_422 : vector<16xi32>
      %rev3A_424 = tpu.dynamic_gather %get3A_75[%rev3A_423] in [0] : vector<16xf32>, vector<16xi32> -> vector<16xf32>
      %rev3A_425 = arith.constant 15 : i32
      %rev3A_426 = vector.broadcast %rev3A_425 : i32 to vector<16xi32>
      %rev3A_427 = tpu.iota {dimensions = array<i32: 0>} : vector<16xi32>
      %rev3A_428 = arith.subi %rev3A_426, %rev3A_427 : vector<16xi32>
      %rev3A_429 = tpu.dynamic_gather %get3A_77[%rev3A_428] in [0] : vector<16xi32>, vector<16xi32> -> vector<16xi32>
      %ge3A_430 = arith.cmpf oge, %get3A_67, %rev3A_414 : vector<16xf32>
      %select_n3A_431 = arith.select %ge3A_430, %get3A_67, %rev3A_414 : vector<16xi1>, vector<16xf32>
      %select_n3A_432 = arith.select %ge3A_430, %get3A_69, %rev3A_419 : vector<16xi1>, vector<16xi32>
      %ge3A_433 = arith.cmpf oge, %get3A_71, %rev3A_424 : vector<16xf32>
      %select_n3A_434 = arith.select %ge3A_433, %get3A_71, %rev3A_424 : vector<16xi1>, vector<16xf32>
      %select_n3A_435 = arith.select %ge3A_433, %get3A_73, %rev3A_429 : vector<16xi1>, vector<16xi32>
      %ge3A_436 = arith.cmpf oge, %select_n3A_431, %select_n3A_434 : vector<16xf32>
      %select_n3A_437 = arith.select %ge3A_436, %select_n3A_431, %select_n3A_434 : vector<16xi1>, vector<16xf32>
      %select_n3A_438 = arith.select %ge3A_436, %select_n3A_432, %select_n3A_435 : vector<16xi1>, vector<16xi32>
      %select_n3A_439 = arith.select %ge3A_436, %select_n3A_434, %select_n3A_431 : vector<16xi1>, vector<16xf32>
      %select_n3A_440 = arith.select %ge3A_436, %select_n3A_435, %select_n3A_432 : vector<16xi1>, vector<16xi32>
      %masked_sort3A_441 = arith.constant dense<true> : vector<16xi1>
      %masked_sort3A_442, %masked_sort3A_443, %masked_sort3A_444 = tpu.sort %select_n3A_437, %select_n3A_438 masked %masked_sort3A_441 {descending = true} : (vector<16xf32>, vector<16xi32>, vector<16xi1>) -> (vector<16xi1>, vector<16xf32>, vector<16xi32>)
      %masked_sort3A_445 = arith.constant dense<true> : vector<16xi1>
      %masked_sort3A_446, %masked_sort3A_447, %masked_sort3A_448 = tpu.sort %select_n3A_439, %select_n3A_440 masked %masked_sort3A_445 {descending = true} : (vector<16xf32>, vector<16xi32>, vector<16xi1>) -> (vector<16xi1>, vector<16xf32>, vector<16xi32>)
      %rev3A_449 = arith.constant 15 : i32
      %rev3A_450 = vector.broadcast %rev3A_449 : i32 to vector<16xi32>
      %rev3A_451 = tpu.iota {dimensions = array<i32: 0>} : vector<16xi32>
      %rev3A_452 = arith.subi %rev3A_450, %rev3A_451 : vector<16xi32>
      %rev3A_453 = tpu.dynamic_gather %get3A_95[%rev3A_452] in [0] : vector<16xf32>, vector<16xi32> -> vector<16xf32>
      %rev3A_454 = arith.constant 15 : i32
      %rev3A_455 = vector.broadcast %rev3A_454 : i32 to vector<16xi32>
      %rev3A_456 = tpu.iota {dimensions = array<i32: 0>} : vector<16xi32>
      %rev3A_457 = arith.subi %rev3A_455, %rev3A_456 : vector<16xi32>
      %rev3A_458 = tpu.dynamic_gather %get3A_97[%rev3A_457] in [0] : vector<16xi32>, vector<16xi32> -> vector<16xi32>
      %rev3A_459 = arith.constant 15 : i32
      %rev3A_460 = vector.broadcast %rev3A_459 : i32 to vector<16xi32>
      %rev3A_461 = tpu.iota {dimensions = array<i32: 0>} : vector<16xi32>
      %rev3A_462 = arith.subi %rev3A_460, %rev3A_461 : vector<16xi32>
      %rev3A_463 = tpu.dynamic_gather %get3A_91[%rev3A_462] in [0] : vector<16xf32>, vector<16xi32> -> vector<16xf32>
      %rev3A_464 = arith.constant 15 : i32
      %rev3A_465 = vector.broadcast %rev3A_464 : i32 to vector<16xi32>
      %rev3A_466 = tpu.iota {dimensions = array<i32: 0>} : vector<16xi32>
      %rev3A_467 = arith.subi %rev3A_465, %rev3A_466 : vector<16xi32>
      %rev3A_468 = tpu.dynamic_gather %get3A_93[%rev3A_467] in [0] : vector<16xi32>, vector<16xi32> -> vector<16xi32>
      %ge3A_469 = arith.cmpf oge, %get3A_83, %rev3A_453 : vector<16xf32>
      %select_n3A_470 = arith.select %ge3A_469, %get3A_83, %rev3A_453 : vector<16xi1>, vector<16xf32>
      %select_n3A_471 = arith.select %ge3A_469, %get3A_85, %rev3A_458 : vector<16xi1>, vector<16xi32>
      %ge3A_472 = arith.cmpf oge, %get3A_87, %rev3A_463 : vector<16xf32>
      %select_n3A_473 = arith.select %ge3A_472, %get3A_87, %rev3A_463 : vector<16xi1>, vector<16xf32>
      %select_n3A_474 = arith.select %ge3A_472, %get3A_89, %rev3A_468 : vector<16xi1>, vector<16xi32>
      %ge3A_475 = arith.cmpf oge, %select_n3A_470, %select_n3A_473 : vector<16xf32>
      %select_n3A_476 = arith.select %ge3A_475, %select_n3A_470, %select_n3A_473 : vector<16xi1>, vector<16xf32>
      %select_n3A_477 = arith.select %ge3A_475, %select_n3A_471, %select_n3A_474 : vector<16xi1>, vector<16xi32>
      %select_n3A_478 = arith.select %ge3A_475, %select_n3A_473, %select_n3A_470 : vector<16xi1>, vector<16xf32>
      %select_n3A_479 = arith.select %ge3A_475, %select_n3A_474, %select_n3A_471 : vector<16xi1>, vector<16xi32>
      %masked_sort3A_480 = arith.constant dense<true> : vector<16xi1>
      %masked_sort3A_481, %masked_sort3A_482, %masked_sort3A_483 = tpu.sort %select_n3A_476, %select_n3A_477 masked %masked_sort3A_480 {descending = true} : (vector<16xf32>, vector<16xi32>, vector<16xi1>) -> (vector<16xi1>, vector<16xf32>, vector<16xi32>)
      %masked_sort3A_484 = arith.constant dense<true> : vector<16xi1>
      %masked_sort3A_485, %masked_sort3A_486, %masked_sort3A_487 = tpu.sort %select_n3A_478, %select_n3A_479 masked %masked_sort3A_484 {descending = true} : (vector<16xf32>, vector<16xi32>, vector<16xi1>) -> (vector<16xi1>, vector<16xf32>, vector<16xi32>)
      %rev3A_488 = arith.constant 15 : i32
      %rev3A_489 = vector.broadcast %rev3A_488 : i32 to vector<16xi32>
      %rev3A_490 = tpu.iota {dimensions = array<i32: 0>} : vector<16xi32>
      %rev3A_491 = arith.subi %rev3A_489, %rev3A_490 : vector<16xi32>
      %rev3A_492 = tpu.dynamic_gather %get3A_111[%rev3A_491] in [0] : vector<16xf32>, vector<16xi32> -> vector<16xf32>
      %rev3A_493 = arith.constant 15 : i32
      %rev3A_494 = vector.broadcast %rev3A_493 : i32 to vector<16xi32>
      %rev3A_495 = tpu.iota {dimensions = array<i32: 0>} : vector<16xi32>
      %rev3A_496 = arith.subi %rev3A_494, %rev3A_495 : vector<16xi32>
      %rev3A_497 = tpu.dynamic_gather %get3A_113[%rev3A_496] in [0] : vector<16xi32>, vector<16xi32> -> vector<16xi32>
      %rev3A_498 = arith.constant 15 : i32
      %rev3A_499 = vector.broadcast %rev3A_498 : i32 to vector<16xi32>
      %rev3A_500 = tpu.iota {dimensions = array<i32: 0>} : vector<16xi32>
      %rev3A_501 = arith.subi %rev3A_499, %rev3A_500 : vector<16xi32>
      %rev3A_502 = tpu.dynamic_gather %get3A_107[%rev3A_501] in [0] : vector<16xf32>, vector<16xi32> -> vector<16xf32>
      %rev3A_503 = arith.constant 15 : i32
      %rev3A_504 = vector.broadcast %rev3A_503 : i32 to vector<16xi32>
      %rev3A_505 = tpu.iota {dimensions = array<i32: 0>} : vector<16xi32>
      %rev3A_506 = arith.subi %rev3A_504, %rev3A_505 : vector<16xi32>
      %rev3A_507 = tpu.dynamic_gather %get3A_109[%rev3A_506] in [0] : vector<16xi32>, vector<16xi32> -> vector<16xi32>
      %ge3A_508 = arith.cmpf oge, %get3A_99, %rev3A_492 : vector<16xf32>
      %select_n3A_509 = arith.select %ge3A_508, %get3A_99, %rev3A_492 : vector<16xi1>, vector<16xf32>
      %select_n3A_510 = arith.select %ge3A_508, %get3A_101, %rev3A_497 : vector<16xi1>, vector<16xi32>
      %ge3A_511 = arith.cmpf oge, %get3A_103, %rev3A_502 : vector<16xf32>
      %select_n3A_512 = arith.select %ge3A_511, %get3A_103, %rev3A_502 : vector<16xi1>, vector<16xf32>
      %select_n3A_513 = arith.select %ge3A_511, %get3A_105, %rev3A_507 : vector<16xi1>, vector<16xi32>
      %ge3A_514 = arith.cmpf oge, %select_n3A_509, %select_n3A_512 : vector<16xf32>
      %select_n3A_515 = arith.select %ge3A_514, %select_n3A_509, %select_n3A_512 : vector<16xi1>, vector<16xf32>
      %select_n3A_516 = arith.select %ge3A_514, %select_n3A_510, %select_n3A_513 : vector<16xi1>, vector<16xi32>
      %select_n3A_517 = arith.select %ge3A_514, %select_n3A_512, %select_n3A_509 : vector<16xi1>, vector<16xf32>
      %select_n3A_518 = arith.select %ge3A_514, %select_n3A_513, %select_n3A_510 : vector<16xi1>, vector<16xi32>
      %masked_sort3A_519 = arith.constant dense<true> : vector<16xi1>
      %masked_sort3A_520, %masked_sort3A_521, %masked_sort3A_522 = tpu.sort %select_n3A_515, %select_n3A_516 masked %masked_sort3A_519 {descending = true} : (vector<16xf32>, vector<16xi32>, vector<16xi1>) -> (vector<16xi1>, vector<16xf32>, vector<16xi32>)
      %masked_sort3A_523 = arith.constant dense<true> : vector<16xi1>
      %masked_sort3A_524, %masked_sort3A_525, %masked_sort3A_526 = tpu.sort %select_n3A_517, %select_n3A_518 masked %masked_sort3A_523 {descending = true} : (vector<16xf32>, vector<16xi32>, vector<16xi1>) -> (vector<16xi1>, vector<16xf32>, vector<16xi32>)
      %rev3A_527 = arith.constant 15 : i32
      %rev3A_528 = vector.broadcast %rev3A_527 : i32 to vector<16xi32>
      %rev3A_529 = tpu.iota {dimensions = array<i32: 0>} : vector<16xi32>
      %rev3A_530 = arith.subi %rev3A_528, %rev3A_529 : vector<16xi32>
      %rev3A_531 = tpu.dynamic_gather %get3A_127[%rev3A_530] in [0] : vector<16xf32>, vector<16xi32> -> vector<16xf32>
      %rev3A_532 = arith.constant 15 : i32
      %rev3A_533 = vector.broadcast %rev3A_532 : i32 to vector<16xi32>
      %rev3A_534 = tpu.iota {dimensions = array<i32: 0>} : vector<16xi32>
      %rev3A_535 = arith.subi %rev3A_533, %rev3A_534 : vector<16xi32>
      %rev3A_536 = tpu.dynamic_gather %get3A_129[%rev3A_535] in [0] : vector<16xi32>, vector<16xi32> -> vector<16xi32>
      %rev3A_537 = arith.constant 15 : i32
      %rev3A_538 = vector.broadcast %rev3A_537 : i32 to vector<16xi32>
      %rev3A_539 = tpu.iota {dimensions = array<i32: 0>} : vector<16xi32>
      %rev3A_540 = arith.subi %rev3A_538, %rev3A_539 : vector<16xi32>
      %rev3A_541 = tpu.dynamic_gather %get3A_123[%rev3A_540] in [0] : vector<16xf32>, vector<16xi32> -> vector<16xf32>
      %rev3A_542 = arith.constant 15 : i32
      %rev3A_543 = vector.broadcast %rev3A_542 : i32 to vector<16xi32>
      %rev3A_544 = tpu.iota {dimensions = array<i32: 0>} : vector<16xi32>
      %rev3A_545 = arith.subi %rev3A_543, %rev3A_544 : vector<16xi32>
      %rev3A_546 = tpu.dynamic_gather %get3A_125[%rev3A_545] in [0] : vector<16xi32>, vector<16xi32> -> vector<16xi32>
      %ge3A_547 = arith.cmpf oge, %get3A_115, %rev3A_531 : vector<16xf32>
      %select_n3A_548 = arith.select %ge3A_547, %get3A_115, %rev3A_531 : vector<16xi1>, vector<16xf32>
      %select_n3A_549 = arith.select %ge3A_547, %get3A_117, %rev3A_536 : vector<16xi1>, vector<16xi32>
      %ge3A_550 = arith.cmpf oge, %get3A_119, %rev3A_541 : vector<16xf32>
      %select_n3A_551 = arith.select %ge3A_550, %get3A_119, %rev3A_541 : vector<16xi1>, vector<16xf32>
      %select_n3A_552 = arith.select %ge3A_550, %get3A_121, %rev3A_546 : vector<16xi1>, vector<16xi32>
      %ge3A_553 = arith.cmpf oge, %select_n3A_548, %select_n3A_551 : vector<16xf32>
      %select_n3A_554 = arith.select %ge3A_553, %select_n3A_548, %select_n3A_551 : vector<16xi1>, vector<16xf32>
      %select_n3A_555 = arith.select %ge3A_553, %select_n3A_549, %select_n3A_552 : vector<16xi1>, vector<16xi32>
      %select_n3A_556 = arith.select %ge3A_553, %select_n3A_551, %select_n3A_548 : vector<16xi1>, vector<16xf32>
      %select_n3A_557 = arith.select %ge3A_553, %select_n3A_552, %select_n3A_549 : vector<16xi1>, vector<16xi32>
      %masked_sort3A_558 = arith.constant dense<true> : vector<16xi1>
      %masked_sort3A_559, %masked_sort3A_560, %masked_sort3A_561 = tpu.sort %select_n3A_554, %select_n3A_555 masked %masked_sort3A_558 {descending = true} : (vector<16xf32>, vector<16xi32>, vector<16xi1>) -> (vector<16xi1>, vector<16xf32>, vector<16xi32>)
      %masked_sort3A_562 = arith.constant dense<true> : vector<16xi1>
      %masked_sort3A_563, %masked_sort3A_564, %masked_sort3A_565 = tpu.sort %select_n3A_556, %select_n3A_557 masked %masked_sort3A_562 {descending = true} : (vector<16xf32>, vector<16xi32>, vector<16xi1>) -> (vector<16xi1>, vector<16xf32>, vector<16xi32>)
      %rev3A_566 = arith.constant 15 : i32
      %rev3A_567 = vector.broadcast %rev3A_566 : i32 to vector<16xi32>
      %rev3A_568 = tpu.iota {dimensions = array<i32: 0>} : vector<16xi32>
      %rev3A_569 = arith.subi %rev3A_567, %rev3A_568 : vector<16xi32>
      %rev3A_570 = tpu.dynamic_gather %get3A_143[%rev3A_569] in [0] : vector<16xf32>, vector<16xi32> -> vector<16xf32>
      %rev3A_571 = arith.constant 15 : i32
      %rev3A_572 = vector.broadcast %rev3A_571 : i32 to vector<16xi32>
      %rev3A_573 = tpu.iota {dimensions = array<i32: 0>} : vector<16xi32>
      %rev3A_574 = arith.subi %rev3A_572, %rev3A_573 : vector<16xi32>
      %rev3A_575 = tpu.dynamic_gather %get3A_145[%rev3A_574] in [0] : vector<16xi32>, vector<16xi32> -> vector<16xi32>
      %rev3A_576 = arith.constant 15 : i32
      %rev3A_577 = vector.broadcast %rev3A_576 : i32 to vector<16xi32>
      %rev3A_578 = tpu.iota {dimensions = array<i32: 0>} : vector<16xi32>
      %rev3A_579 = arith.subi %rev3A_577, %rev3A_578 : vector<16xi32>
      %rev3A_580 = tpu.dynamic_gather %get3A_139[%rev3A_579] in [0] : vector<16xf32>, vector<16xi32> -> vector<16xf32>
      %rev3A_581 = arith.constant 15 : i32
      %rev3A_582 = vector.broadcast %rev3A_581 : i32 to vector<16xi32>
      %rev3A_583 = tpu.iota {dimensions = array<i32: 0>} : vector<16xi32>
      %rev3A_584 = arith.subi %rev3A_582, %rev3A_583 : vector<16xi32>
      %rev3A_585 = tpu.dynamic_gather %get3A_141[%rev3A_584] in [0] : vector<16xi32>, vector<16xi32> -> vector<16xi32>
      %ge3A_586 = arith.cmpf oge, %get3A_131, %rev3A_570 : vector<16xf32>
      %select_n3A_587 = arith.select %ge3A_586, %get3A_131, %rev3A_570 : vector<16xi1>, vector<16xf32>
      %select_n3A_588 = arith.select %ge3A_586, %get3A_133, %rev3A_575 : vector<16xi1>, vector<16xi32>
      %ge3A_589 = arith.cmpf oge, %get3A_135, %rev3A_580 : vector<16xf32>
      %select_n3A_590 = arith.select %ge3A_589, %get3A_135, %rev3A_580 : vector<16xi1>, vector<16xf32>
      %select_n3A_591 = arith.select %ge3A_589, %get3A_137, %rev3A_585 : vector<16xi1>, vector<16xi32>
      %ge3A_592 = arith.cmpf oge, %select_n3A_587, %select_n3A_590 : vector<16xf32>
      %select_n3A_593 = arith.select %ge3A_592, %select_n3A_587, %select_n3A_590 : vector<16xi1>, vector<16xf32>
      %select_n3A_594 = arith.select %ge3A_592, %select_n3A_588, %select_n3A_591 : vector<16xi1>, vector<16xi32>
      %select_n3A_595 = arith.select %ge3A_592, %select_n3A_590, %select_n3A_587 : vector<16xi1>, vector<16xf32>
      %select_n3A_596 = arith.select %ge3A_592, %select_n3A_591, %select_n3A_588 : vector<16xi1>, vector<16xi32>
      %masked_sort3A_597 = arith.constant dense<true> : vector<16xi1>
      %masked_sort3A_598, %masked_sort3A_599, %masked_sort3A_600 = tpu.sort %select_n3A_593, %select_n3A_594 masked %masked_sort3A_597 {descending = true} : (vector<16xf32>, vector<16xi32>, vector<16xi1>) -> (vector<16xi1>, vector<16xf32>, vector<16xi32>)
      %masked_sort3A_601 = arith.constant dense<true> : vector<16xi1>
      %masked_sort3A_602, %masked_sort3A_603, %masked_sort3A_604 = tpu.sort %select_n3A_595, %select_n3A_596 masked %masked_sort3A_601 {descending = true} : (vector<16xf32>, vector<16xi32>, vector<16xi1>) -> (vector<16xi1>, vector<16xf32>, vector<16xi32>)
      %rev3A_605 = arith.constant 15 : i32
      %rev3A_606 = vector.broadcast %rev3A_605 : i32 to vector<16xi32>
      %rev3A_607 = tpu.iota {dimensions = array<i32: 0>} : vector<16xi32>
      %rev3A_608 = arith.subi %rev3A_606, %rev3A_607 : vector<16xi32>
      %rev3A_609 = tpu.dynamic_gather %get3A_159[%rev3A_608] in [0] : vector<16xf32>, vector<16xi32> -> vector<16xf32>
      %rev3A_610 = arith.constant 15 : i32
      %rev3A_611 = vector.broadcast %rev3A_610 : i32 to vector<16xi32>
      %rev3A_612 = tpu.iota {dimensions = array<i32: 0>} : vector<16xi32>
      %rev3A_613 = arith.subi %rev3A_611, %rev3A_612 : vector<16xi32>
      %rev3A_614 = tpu.dynamic_gather %get3A_161[%rev3A_613] in [0] : vector<16xi32>, vector<16xi32> -> vector<16xi32>
      %rev3A_615 = arith.constant 15 : i32
      %rev3A_616 = vector.broadcast %rev3A_615 : i32 to vector<16xi32>
      %rev3A_617 = tpu.iota {dimensions = array<i32: 0>} : vector<16xi32>
      %rev3A_618 = arith.subi %rev3A_616, %rev3A_617 : vector<16xi32>
      %rev3A_619 = tpu.dynamic_gather %get3A_155[%rev3A_618] in [0] : vector<16xf32>, vector<16xi32> -> vector<16xf32>
      %rev3A_620 = arith.constant 15 : i32
      %rev3A_621 = vector.broadcast %rev3A_620 : i32 to vector<16xi32>
      %rev3A_622 = tpu.iota {dimensions = array<i32: 0>} : vector<16xi32>
      %rev3A_623 = arith.subi %rev3A_621, %rev3A_622 : vector<16xi32>
      %rev3A_624 = tpu.dynamic_gather %get3A_157[%rev3A_623] in [0] : vector<16xi32>, vector<16xi32> -> vector<16xi32>
      %ge3A_625 = arith.cmpf oge, %get3A_147, %rev3A_609 : vector<16xf32>
      %select_n3A_626 = arith.select %ge3A_625, %get3A_147, %rev3A_609 : vector<16xi1>, vector<16xf32>
      %select_n3A_627 = arith.select %ge3A_625, %get3A_149, %rev3A_614 : vector<16xi1>, vector<16xi32>
      %ge3A_628 = arith.cmpf oge, %get3A_151, %rev3A_619 : vector<16xf32>
      %select_n3A_629 = arith.select %ge3A_628, %get3A_151, %rev3A_619 : vector<16xi1>, vector<16xf32>
      %select_n3A_630 = arith.select %ge3A_628, %get3A_153, %rev3A_624 : vector<16xi1>, vector<16xi32>
      %ge3A_631 = arith.cmpf oge, %select_n3A_626, %select_n3A_629 : vector<16xf32>
      %select_n3A_632 = arith.select %ge3A_631, %select_n3A_626, %select_n3A_629 : vector<16xi1>, vector<16xf32>
      %select_n3A_633 = arith.select %ge3A_631, %select_n3A_627, %select_n3A_630 : vector<16xi1>, vector<16xi32>
      %select_n3A_634 = arith.select %ge3A_631, %select_n3A_629, %select_n3A_626 : vector<16xi1>, vector<16xf32>
      %select_n3A_635 = arith.select %ge3A_631, %select_n3A_630, %select_n3A_627 : vector<16xi1>, vector<16xi32>
      %masked_sort3A_636 = arith.constant dense<true> : vector<16xi1>
      %masked_sort3A_637, %masked_sort3A_638, %masked_sort3A_639 = tpu.sort %select_n3A_632, %select_n3A_633 masked %masked_sort3A_636 {descending = true} : (vector<16xf32>, vector<16xi32>, vector<16xi1>) -> (vector<16xi1>, vector<16xf32>, vector<16xi32>)
      %masked_sort3A_640 = arith.constant dense<true> : vector<16xi1>
      %masked_sort3A_641, %masked_sort3A_642, %masked_sort3A_643 = tpu.sort %select_n3A_634, %select_n3A_635 masked %masked_sort3A_640 {descending = true} : (vector<16xf32>, vector<16xi32>, vector<16xi1>) -> (vector<16xi1>, vector<16xf32>, vector<16xi32>)
      %rev3A_644 = arith.constant 15 : i32
      %rev3A_645 = vector.broadcast %rev3A_644 : i32 to vector<16xi32>
      %rev3A_646 = tpu.iota {dimensions = array<i32: 0>} : vector<16xi32>
      %rev3A_647 = arith.subi %rev3A_645, %rev3A_646 : vector<16xi32>
      %rev3A_648 = tpu.dynamic_gather %get3A_175[%rev3A_647] in [0] : vector<16xf32>, vector<16xi32> -> vector<16xf32>
      %rev3A_649 = arith.constant 15 : i32
      %rev3A_650 = vector.broadcast %rev3A_649 : i32 to vector<16xi32>
      %rev3A_651 = tpu.iota {dimensions = array<i32: 0>} : vector<16xi32>
      %rev3A_652 = arith.subi %rev3A_650, %rev3A_651 : vector<16xi32>
      %rev3A_653 = tpu.dynamic_gather %get3A_177[%rev3A_652] in [0] : vector<16xi32>, vector<16xi32> -> vector<16xi32>
      %rev3A_654 = arith.constant 15 : i32
      %rev3A_655 = vector.broadcast %rev3A_654 : i32 to vector<16xi32>
      %rev3A_656 = tpu.iota {dimensions = array<i32: 0>} : vector<16xi32>
      %rev3A_657 = arith.subi %rev3A_655, %rev3A_656 : vector<16xi32>
      %rev3A_658 = tpu.dynamic_gather %get3A_171[%rev3A_657] in [0] : vector<16xf32>, vector<16xi32> -> vector<16xf32>
      %rev3A_659 = arith.constant 15 : i32
      %rev3A_660 = vector.broadcast %rev3A_659 : i32 to vector<16xi32>
      %rev3A_661 = tpu.iota {dimensions = array<i32: 0>} : vector<16xi32>
      %rev3A_662 = arith.subi %rev3A_660, %rev3A_661 : vector<16xi32>
      %rev3A_663 = tpu.dynamic_gather %get3A_173[%rev3A_662] in [0] : vector<16xi32>, vector<16xi32> -> vector<16xi32>
      %ge3A_664 = arith.cmpf oge, %get3A_163, %rev3A_648 : vector<16xf32>
      %select_n3A_665 = arith.select %ge3A_664, %get3A_163, %rev3A_648 : vector<16xi1>, vector<16xf32>
      %select_n3A_666 = arith.select %ge3A_664, %get3A_165, %rev3A_653 : vector<16xi1>, vector<16xi32>
      %ge3A_667 = arith.cmpf oge, %get3A_167, %rev3A_658 : vector<16xf32>
      %select_n3A_668 = arith.select %ge3A_667, %get3A_167, %rev3A_658 : vector<16xi1>, vector<16xf32>
      %select_n3A_669 = arith.select %ge3A_667, %get3A_169, %rev3A_663 : vector<16xi1>, vector<16xi32>
      %ge3A_670 = arith.cmpf oge, %select_n3A_665, %select_n3A_668 : vector<16xf32>
      %select_n3A_671 = arith.select %ge3A_670, %select_n3A_665, %select_n3A_668 : vector<16xi1>, vector<16xf32>
      %select_n3A_672 = arith.select %ge3A_670, %select_n3A_666, %select_n3A_669 : vector<16xi1>, vector<16xi32>
      %select_n3A_673 = arith.select %ge3A_670, %select_n3A_668, %select_n3A_665 : vector<16xi1>, vector<16xf32>
      %select_n3A_674 = arith.select %ge3A_670, %select_n3A_669, %select_n3A_666 : vector<16xi1>, vector<16xi32>
      %masked_sort3A_675 = arith.constant dense<true> : vector<16xi1>
      %masked_sort3A_676, %masked_sort3A_677, %masked_sort3A_678 = tpu.sort %select_n3A_671, %select_n3A_672 masked %masked_sort3A_675 {descending = true} : (vector<16xf32>, vector<16xi32>, vector<16xi1>) -> (vector<16xi1>, vector<16xf32>, vector<16xi32>)
      %masked_sort3A_679 = arith.constant dense<true> : vector<16xi1>
      %masked_sort3A_680, %masked_sort3A_681, %masked_sort3A_682 = tpu.sort %select_n3A_673, %select_n3A_674 masked %masked_sort3A_679 {descending = true} : (vector<16xf32>, vector<16xi32>, vector<16xi1>) -> (vector<16xi1>, vector<16xf32>, vector<16xi32>)
      %rev3A_683 = arith.constant 15 : i32
      %rev3A_684 = vector.broadcast %rev3A_683 : i32 to vector<16xi32>
      %rev3A_685 = tpu.iota {dimensions = array<i32: 0>} : vector<16xi32>
      %rev3A_686 = arith.subi %rev3A_684, %rev3A_685 : vector<16xi32>
      %rev3A_687 = tpu.dynamic_gather %get3A_191[%rev3A_686] in [0] : vector<16xf32>, vector<16xi32> -> vector<16xf32>
      %rev3A_688 = arith.constant 15 : i32
      %rev3A_689 = vector.broadcast %rev3A_688 : i32 to vector<16xi32>
      %rev3A_690 = tpu.iota {dimensions = array<i32: 0>} : vector<16xi32>
      %rev3A_691 = arith.subi %rev3A_689, %rev3A_690 : vector<16xi32>
      %rev3A_692 = tpu.dynamic_gather %get3A_193[%rev3A_691] in [0] : vector<16xi32>, vector<16xi32> -> vector<16xi32>
      %rev3A_693 = arith.constant 15 : i32
      %rev3A_694 = vector.broadcast %rev3A_693 : i32 to vector<16xi32>
      %rev3A_695 = tpu.iota {dimensions = array<i32: 0>} : vector<16xi32>
      %rev3A_696 = arith.subi %rev3A_694, %rev3A_695 : vector<16xi32>
      %rev3A_697 = tpu.dynamic_gather %get3A_187[%rev3A_696] in [0] : vector<16xf32>, vector<16xi32> -> vector<16xf32>
      %rev3A_698 = arith.constant 15 : i32
      %rev3A_699 = vector.broadcast %rev3A_698 : i32 to vector<16xi32>
      %rev3A_700 = tpu.iota {dimensions = array<i32: 0>} : vector<16xi32>
      %rev3A_701 = arith.subi %rev3A_699, %rev3A_700 : vector<16xi32>
      %rev3A_702 = tpu.dynamic_gather %get3A_189[%rev3A_701] in [0] : vector<16xi32>, vector<16xi32> -> vector<16xi32>
      %ge3A_703 = arith.cmpf oge, %get3A_179, %rev3A_687 : vector<16xf32>
      %select_n3A_704 = arith.select %ge3A_703, %get3A_179, %rev3A_687 : vector<16xi1>, vector<16xf32>
      %select_n3A_705 = arith.select %ge3A_703, %get3A_181, %rev3A_692 : vector<16xi1>, vector<16xi32>
      %ge3A_706 = arith.cmpf oge, %get3A_183, %rev3A_697 : vector<16xf32>
      %select_n3A_707 = arith.select %ge3A_706, %get3A_183, %rev3A_697 : vector<16xi1>, vector<16xf32>
      %select_n3A_708 = arith.select %ge3A_706, %get3A_185, %rev3A_702 : vector<16xi1>, vector<16xi32>
      %ge3A_709 = arith.cmpf oge, %select_n3A_704, %select_n3A_707 : vector<16xf32>
      %select_n3A_710 = arith.select %ge3A_709, %select_n3A_704, %select_n3A_707 : vector<16xi1>, vector<16xf32>
      %select_n3A_711 = arith.select %ge3A_709, %select_n3A_705, %select_n3A_708 : vector<16xi1>, vector<16xi32>
      %select_n3A_712 = arith.select %ge3A_709, %select_n3A_707, %select_n3A_704 : vector<16xi1>, vector<16xf32>
      %select_n3A_713 = arith.select %ge3A_709, %select_n3A_708, %select_n3A_705 : vector<16xi1>, vector<16xi32>
      %masked_sort3A_714 = arith.constant dense<true> : vector<16xi1>
      %masked_sort3A_715, %masked_sort3A_716, %masked_sort3A_717 = tpu.sort %select_n3A_710, %select_n3A_711 masked %masked_sort3A_714 {descending = true} : (vector<16xf32>, vector<16xi32>, vector<16xi1>) -> (vector<16xi1>, vector<16xf32>, vector<16xi32>)
      %masked_sort3A_718 = arith.constant dense<true> : vector<16xi1>
      %masked_sort3A_719, %masked_sort3A_720, %masked_sort3A_721 = tpu.sort %select_n3A_712, %select_n3A_713 masked %masked_sort3A_718 {descending = true} : (vector<16xf32>, vector<16xi32>, vector<16xi1>) -> (vector<16xi1>, vector<16xf32>, vector<16xi32>)
      %rev3A_722 = arith.constant 15 : i32
      %rev3A_723 = vector.broadcast %rev3A_722 : i32 to vector<16xi32>
      %rev3A_724 = tpu.iota {dimensions = array<i32: 0>} : vector<16xi32>
      %rev3A_725 = arith.subi %rev3A_723, %rev3A_724 : vector<16xi32>
      %rev3A_726 = tpu.dynamic_gather %get3A_207[%rev3A_725] in [0] : vector<16xf32>, vector<16xi32> -> vector<16xf32>
      %rev3A_727 = arith.constant 15 : i32
      %rev3A_728 = vector.broadcast %rev3A_727 : i32 to vector<16xi32>
      %rev3A_729 = tpu.iota {dimensions = array<i32: 0>} : vector<16xi32>
      %rev3A_730 = arith.subi %rev3A_728, %rev3A_729 : vector<16xi32>
      %rev3A_731 = tpu.dynamic_gather %get3A_209[%rev3A_730] in [0] : vector<16xi32>, vector<16xi32> -> vector<16xi32>
      %rev3A_732 = arith.constant 15 : i32
      %rev3A_733 = vector.broadcast %rev3A_732 : i32 to vector<16xi32>
      %rev3A_734 = tpu.iota {dimensions = array<i32: 0>} : vector<16xi32>
      %rev3A_735 = arith.subi %rev3A_733, %rev3A_734 : vector<16xi32>
      %rev3A_736 = tpu.dynamic_gather %get3A_203[%rev3A_735] in [0] : vector<16xf32>, vector<16xi32> -> vector<16xf32>
      %rev3A_737 = arith.constant 15 : i32
      %rev3A_738 = vector.broadcast %rev3A_737 : i32 to vector<16xi32>
      %rev3A_739 = tpu.iota {dimensions = array<i32: 0>} : vector<16xi32>
      %rev3A_740 = arith.subi %rev3A_738, %rev3A_739 : vector<16xi32>
      %rev3A_741 = tpu.dynamic_gather %get3A_205[%rev3A_740] in [0] : vector<16xi32>, vector<16xi32> -> vector<16xi32>
      %ge3A_742 = arith.cmpf oge, %get3A_195, %rev3A_726 : vector<16xf32>
      %select_n3A_743 = arith.select %ge3A_742, %get3A_195, %rev3A_726 : vector<16xi1>, vector<16xf32>
      %select_n3A_744 = arith.select %ge3A_742, %get3A_197, %rev3A_731 : vector<16xi1>, vector<16xi32>
      %ge3A_745 = arith.cmpf oge, %get3A_199, %rev3A_736 : vector<16xf32>
      %select_n3A_746 = arith.select %ge3A_745, %get3A_199, %rev3A_736 : vector<16xi1>, vector<16xf32>
      %select_n3A_747 = arith.select %ge3A_745, %get3A_201, %rev3A_741 : vector<16xi1>, vector<16xi32>
      %ge3A_748 = arith.cmpf oge, %select_n3A_743, %select_n3A_746 : vector<16xf32>
      %select_n3A_749 = arith.select %ge3A_748, %select_n3A_743, %select_n3A_746 : vector<16xi1>, vector<16xf32>
      %select_n3A_750 = arith.select %ge3A_748, %select_n3A_744, %select_n3A_747 : vector<16xi1>, vector<16xi32>
      %select_n3A_751 = arith.select %ge3A_748, %select_n3A_746, %select_n3A_743 : vector<16xi1>, vector<16xf32>
      %select_n3A_752 = arith.select %ge3A_748, %select_n3A_747, %select_n3A_744 : vector<16xi1>, vector<16xi32>
      %masked_sort3A_753 = arith.constant dense<true> : vector<16xi1>
      %masked_sort3A_754, %masked_sort3A_755, %masked_sort3A_756 = tpu.sort %select_n3A_749, %select_n3A_750 masked %masked_sort3A_753 {descending = true} : (vector<16xf32>, vector<16xi32>, vector<16xi1>) -> (vector<16xi1>, vector<16xf32>, vector<16xi32>)
      %masked_sort3A_757 = arith.constant dense<true> : vector<16xi1>
      %masked_sort3A_758, %masked_sort3A_759, %masked_sort3A_760 = tpu.sort %select_n3A_751, %select_n3A_752 masked %masked_sort3A_757 {descending = true} : (vector<16xf32>, vector<16xi32>, vector<16xi1>) -> (vector<16xi1>, vector<16xf32>, vector<16xi32>)
      %rev3A_761 = arith.constant 15 : i32
      %rev3A_762 = vector.broadcast %rev3A_761 : i32 to vector<16xi32>
      %rev3A_763 = tpu.iota {dimensions = array<i32: 0>} : vector<16xi32>
      %rev3A_764 = arith.subi %rev3A_762, %rev3A_763 : vector<16xi32>
      %rev3A_765 = tpu.dynamic_gather %get3A_223[%rev3A_764] in [0] : vector<16xf32>, vector<16xi32> -> vector<16xf32>
      %rev3A_766 = arith.constant 15 : i32
      %rev3A_767 = vector.broadcast %rev3A_766 : i32 to vector<16xi32>
      %rev3A_768 = tpu.iota {dimensions = array<i32: 0>} : vector<16xi32>
      %rev3A_769 = arith.subi %rev3A_767, %rev3A_768 : vector<16xi32>
      %rev3A_770 = tpu.dynamic_gather %get3A_225[%rev3A_769] in [0] : vector<16xi32>, vector<16xi32> -> vector<16xi32>
      %rev3A_771 = arith.constant 15 : i32
      %rev3A_772 = vector.broadcast %rev3A_771 : i32 to vector<16xi32>
      %rev3A_773 = tpu.iota {dimensions = array<i32: 0>} : vector<16xi32>
      %rev3A_774 = arith.subi %rev3A_772, %rev3A_773 : vector<16xi32>
      %rev3A_775 = tpu.dynamic_gather %get3A_219[%rev3A_774] in [0] : vector<16xf32>, vector<16xi32> -> vector<16xf32>
      %rev3A_776 = arith.constant 15 : i32
      %rev3A_777 = vector.broadcast %rev3A_776 : i32 to vector<16xi32>
      %rev3A_778 = tpu.iota {dimensions = array<i32: 0>} : vector<16xi32>
      %rev3A_779 = arith.subi %rev3A_777, %rev3A_778 : vector<16xi32>
      %rev3A_780 = tpu.dynamic_gather %get3A_221[%rev3A_779] in [0] : vector<16xi32>, vector<16xi32> -> vector<16xi32>
      %ge3A_781 = arith.cmpf oge, %get3A_211, %rev3A_765 : vector<16xf32>
      %select_n3A_782 = arith.select %ge3A_781, %get3A_211, %rev3A_765 : vector<16xi1>, vector<16xf32>
      %select_n3A_783 = arith.select %ge3A_781, %get3A_213, %rev3A_770 : vector<16xi1>, vector<16xi32>
      %ge3A_784 = arith.cmpf oge, %get3A_215, %rev3A_775 : vector<16xf32>
      %select_n3A_785 = arith.select %ge3A_784, %get3A_215, %rev3A_775 : vector<16xi1>, vector<16xf32>
      %select_n3A_786 = arith.select %ge3A_784, %get3A_217, %rev3A_780 : vector<16xi1>, vector<16xi32>
      %ge3A_787 = arith.cmpf oge, %select_n3A_782, %select_n3A_785 : vector<16xf32>
      %select_n3A_788 = arith.select %ge3A_787, %select_n3A_782, %select_n3A_785 : vector<16xi1>, vector<16xf32>
      %select_n3A_789 = arith.select %ge3A_787, %select_n3A_783, %select_n3A_786 : vector<16xi1>, vector<16xi32>
      %select_n3A_790 = arith.select %ge3A_787, %select_n3A_785, %select_n3A_782 : vector<16xi1>, vector<16xf32>
      %select_n3A_791 = arith.select %ge3A_787, %select_n3A_786, %select_n3A_783 : vector<16xi1>, vector<16xi32>
      %masked_sort3A_792 = arith.constant dense<true> : vector<16xi1>
      %masked_sort3A_793, %masked_sort3A_794, %masked_sort3A_795 = tpu.sort %select_n3A_788, %select_n3A_789 masked %masked_sort3A_792 {descending = true} : (vector<16xf32>, vector<16xi32>, vector<16xi1>) -> (vector<16xi1>, vector<16xf32>, vector<16xi32>)
      %masked_sort3A_796 = arith.constant dense<true> : vector<16xi1>
      %masked_sort3A_797, %masked_sort3A_798, %masked_sort3A_799 = tpu.sort %select_n3A_790, %select_n3A_791 masked %masked_sort3A_796 {descending = true} : (vector<16xf32>, vector<16xi32>, vector<16xi1>) -> (vector<16xi1>, vector<16xf32>, vector<16xi32>)
      %rev3A_800 = arith.constant 15 : i32
      %rev3A_801 = vector.broadcast %rev3A_800 : i32 to vector<16xi32>
      %rev3A_802 = tpu.iota {dimensions = array<i32: 0>} : vector<16xi32>
      %rev3A_803 = arith.subi %rev3A_801, %rev3A_802 : vector<16xi32>
      %rev3A_804 = tpu.dynamic_gather %get3A_239[%rev3A_803] in [0] : vector<16xf32>, vector<16xi32> -> vector<16xf32>
      %rev3A_805 = arith.constant 15 : i32
      %rev3A_806 = vector.broadcast %rev3A_805 : i32 to vector<16xi32>
      %rev3A_807 = tpu.iota {dimensions = array<i32: 0>} : vector<16xi32>
      %rev3A_808 = arith.subi %rev3A_806, %rev3A_807 : vector<16xi32>
      %rev3A_809 = tpu.dynamic_gather %get3A_241[%rev3A_808] in [0] : vector<16xi32>, vector<16xi32> -> vector<16xi32>
      %rev3A_810 = arith.constant 15 : i32
      %rev3A_811 = vector.broadcast %rev3A_810 : i32 to vector<16xi32>
      %rev3A_812 = tpu.iota {dimensions = array<i32: 0>} : vector<16xi32>
      %rev3A_813 = arith.subi %rev3A_811, %rev3A_812 : vector<16xi32>
      %rev3A_814 = tpu.dynamic_gather %get3A_235[%rev3A_813] in [0] : vector<16xf32>, vector<16xi32> -> vector<16xf32>
      %rev3A_815 = arith.constant 15 : i32
      %rev3A_816 = vector.broadcast %rev3A_815 : i32 to vector<16xi32>
      %rev3A_817 = tpu.iota {dimensions = array<i32: 0>} : vector<16xi32>
      %rev3A_818 = arith.subi %rev3A_816, %rev3A_817 : vector<16xi32>
      %rev3A_819 = tpu.dynamic_gather %get3A_237[%rev3A_818] in [0] : vector<16xi32>, vector<16xi32> -> vector<16xi32>
      %ge3A_820 = arith.cmpf oge, %get3A_227, %rev3A_804 : vector<16xf32>
      %select_n3A_821 = arith.select %ge3A_820, %get3A_227, %rev3A_804 : vector<16xi1>, vector<16xf32>
      %select_n3A_822 = arith.select %ge3A_820, %get3A_229, %rev3A_809 : vector<16xi1>, vector<16xi32>
      %ge3A_823 = arith.cmpf oge, %get3A_231, %rev3A_814 : vector<16xf32>
      %select_n3A_824 = arith.select %ge3A_823, %get3A_231, %rev3A_814 : vector<16xi1>, vector<16xf32>
      %select_n3A_825 = arith.select %ge3A_823, %get3A_233, %rev3A_819 : vector<16xi1>, vector<16xi32>
      %ge3A_826 = arith.cmpf oge, %select_n3A_821, %select_n3A_824 : vector<16xf32>
      %select_n3A_827 = arith.select %ge3A_826, %select_n3A_821, %select_n3A_824 : vector<16xi1>, vector<16xf32>
      %select_n3A_828 = arith.select %ge3A_826, %select_n3A_822, %select_n3A_825 : vector<16xi1>, vector<16xi32>
      %select_n3A_829 = arith.select %ge3A_826, %select_n3A_824, %select_n3A_821 : vector<16xi1>, vector<16xf32>
      %select_n3A_830 = arith.select %ge3A_826, %select_n3A_825, %select_n3A_822 : vector<16xi1>, vector<16xi32>
      %masked_sort3A_831 = arith.constant dense<true> : vector<16xi1>
      %masked_sort3A_832, %masked_sort3A_833, %masked_sort3A_834 = tpu.sort %select_n3A_827, %select_n3A_828 masked %masked_sort3A_831 {descending = true} : (vector<16xf32>, vector<16xi32>, vector<16xi1>) -> (vector<16xi1>, vector<16xf32>, vector<16xi32>)
      %masked_sort3A_835 = arith.constant dense<true> : vector<16xi1>
      %masked_sort3A_836, %masked_sort3A_837, %masked_sort3A_838 = tpu.sort %select_n3A_829, %select_n3A_830 masked %masked_sort3A_835 {descending = true} : (vector<16xf32>, vector<16xi32>, vector<16xi1>) -> (vector<16xi1>, vector<16xf32>, vector<16xi32>)
      %rev3A_839 = arith.constant 15 : i32
      %rev3A_840 = vector.broadcast %rev3A_839 : i32 to vector<16xi32>
      %rev3A_841 = tpu.iota {dimensions = array<i32: 0>} : vector<16xi32>
      %rev3A_842 = arith.subi %rev3A_840, %rev3A_841 : vector<16xi32>
      %rev3A_843 = tpu.dynamic_gather %get3A_255[%rev3A_842] in [0] : vector<16xf32>, vector<16xi32> -> vector<16xf32>
      %rev3A_844 = arith.constant 15 : i32
      %rev3A_845 = vector.broadcast %rev3A_844 : i32 to vector<16xi32>
      %rev3A_846 = tpu.iota {dimensions = array<i32: 0>} : vector<16xi32>
      %rev3A_847 = arith.subi %rev3A_845, %rev3A_846 : vector<16xi32>
      %rev3A_848 = tpu.dynamic_gather %get3A_257[%rev3A_847] in [0] : vector<16xi32>, vector<16xi32> -> vector<16xi32>
      %rev3A_849 = arith.constant 15 : i32
      %rev3A_850 = vector.broadcast %rev3A_849 : i32 to vector<16xi32>
      %rev3A_851 = tpu.iota {dimensions = array<i32: 0>} : vector<16xi32>
      %rev3A_852 = arith.subi %rev3A_850, %rev3A_851 : vector<16xi32>
      %rev3A_853 = tpu.dynamic_gather %get3A_251[%rev3A_852] in [0] : vector<16xf32>, vector<16xi32> -> vector<16xf32>
      %rev3A_854 = arith.constant 15 : i32
      %rev3A_855 = vector.broadcast %rev3A_854 : i32 to vector<16xi32>
      %rev3A_856 = tpu.iota {dimensions = array<i32: 0>} : vector<16xi32>
      %rev3A_857 = arith.subi %rev3A_855, %rev3A_856 : vector<16xi32>
      %rev3A_858 = tpu.dynamic_gather %get3A_253[%rev3A_857] in [0] : vector<16xi32>, vector<16xi32> -> vector<16xi32>
      %ge3A_859 = arith.cmpf oge, %get3A_243, %rev3A_843 : vector<16xf32>
      %select_n3A_860 = arith.select %ge3A_859, %get3A_243, %rev3A_843 : vector<16xi1>, vector<16xf32>
      %select_n3A_861 = arith.select %ge3A_859, %get3A_245, %rev3A_848 : vector<16xi1>, vector<16xi32>
      %ge3A_862 = arith.cmpf oge, %get3A_247, %rev3A_853 : vector<16xf32>
      %select_n3A_863 = arith.select %ge3A_862, %get3A_247, %rev3A_853 : vector<16xi1>, vector<16xf32>
      %select_n3A_864 = arith.select %ge3A_862, %get3A_249, %rev3A_858 : vector<16xi1>, vector<16xi32>
      %ge3A_865 = arith.cmpf oge, %select_n3A_860, %select_n3A_863 : vector<16xf32>
      %select_n3A_866 = arith.select %ge3A_865, %select_n3A_860, %select_n3A_863 : vector<16xi1>, vector<16xf32>
      %select_n3A_867 = arith.select %ge3A_865, %select_n3A_861, %select_n3A_864 : vector<16xi1>, vector<16xi32>
      %select_n3A_868 = arith.select %ge3A_865, %select_n3A_863, %select_n3A_860 : vector<16xi1>, vector<16xf32>
      %select_n3A_869 = arith.select %ge3A_865, %select_n3A_864, %select_n3A_861 : vector<16xi1>, vector<16xi32>
      %masked_sort3A_870 = arith.constant dense<true> : vector<16xi1>
      %masked_sort3A_871, %masked_sort3A_872, %masked_sort3A_873 = tpu.sort %select_n3A_866, %select_n3A_867 masked %masked_sort3A_870 {descending = true} : (vector<16xf32>, vector<16xi32>, vector<16xi1>) -> (vector<16xi1>, vector<16xf32>, vector<16xi32>)
      %masked_sort3A_874 = arith.constant dense<true> : vector<16xi1>
      %masked_sort3A_875, %masked_sort3A_876, %masked_sort3A_877 = tpu.sort %select_n3A_868, %select_n3A_869 masked %masked_sort3A_874 {descending = true} : (vector<16xf32>, vector<16xi32>, vector<16xi1>) -> (vector<16xi1>, vector<16xf32>, vector<16xi32>)
      %rev3A_878 = arith.constant 15 : i32
      %rev3A_879 = vector.broadcast %rev3A_878 : i32 to vector<16xi32>
      %rev3A_880 = tpu.iota {dimensions = array<i32: 0>} : vector<16xi32>
      %rev3A_881 = arith.subi %rev3A_879, %rev3A_880 : vector<16xi32>
      %rev3A_882 = tpu.dynamic_gather %masked_sort3A_330[%rev3A_881] in [0] : vector<16xf32>, vector<16xi32> -> vector<16xf32>
      %rev3A_883 = arith.constant 15 : i32
      %rev3A_884 = vector.broadcast %rev3A_883 : i32 to vector<16xi32>
      %rev3A_885 = tpu.iota {dimensions = array<i32: 0>} : vector<16xi32>
      %rev3A_886 = arith.subi %rev3A_884, %rev3A_885 : vector<16xi32>
      %rev3A_887 = tpu.dynamic_gather %masked_sort3A_331[%rev3A_886] in [0] : vector<16xi32>, vector<16xi32> -> vector<16xi32>
      %rev3A_888 = arith.constant 15 : i32
      %rev3A_889 = vector.broadcast %rev3A_888 : i32 to vector<16xi32>
      %rev3A_890 = tpu.iota {dimensions = array<i32: 0>} : vector<16xi32>
      %rev3A_891 = arith.subi %rev3A_889, %rev3A_890 : vector<16xi32>
      %rev3A_892 = tpu.dynamic_gather %masked_sort3A_326[%rev3A_891] in [0] : vector<16xf32>, vector<16xi32> -> vector<16xf32>
      %rev3A_893 = arith.constant 15 : i32
      %rev3A_894 = vector.broadcast %rev3A_893 : i32 to vector<16xi32>
      %rev3A_895 = tpu.iota {dimensions = array<i32: 0>} : vector<16xi32>
      %rev3A_896 = arith.subi %rev3A_894, %rev3A_895 : vector<16xi32>
      %rev3A_897 = tpu.dynamic_gather %masked_sort3A_327[%rev3A_896] in [0] : vector<16xi32>, vector<16xi32> -> vector<16xi32>
      %ge3A_898 = arith.cmpf oge, %masked_sort3A_287, %rev3A_882 : vector<16xf32>
      %select_n3A_899 = arith.select %ge3A_898, %masked_sort3A_287, %rev3A_882 : vector<16xi1>, vector<16xf32>
      %select_n3A_900 = arith.select %ge3A_898, %masked_sort3A_288, %rev3A_887 : vector<16xi1>, vector<16xi32>
      %ge3A_901 = arith.cmpf oge, %masked_sort3A_291, %rev3A_892 : vector<16xf32>
      %select_n3A_902 = arith.select %ge3A_901, %masked_sort3A_291, %rev3A_892 : vector<16xi1>, vector<16xf32>
      %select_n3A_903 = arith.select %ge3A_901, %masked_sort3A_292, %rev3A_897 : vector<16xi1>, vector<16xi32>
      %ge3A_904 = arith.cmpf oge, %select_n3A_899, %select_n3A_902 : vector<16xf32>
      %select_n3A_905 = arith.select %ge3A_904, %select_n3A_899, %select_n3A_902 : vector<16xi1>, vector<16xf32>
      %select_n3A_906 = arith.select %ge3A_904, %select_n3A_900, %select_n3A_903 : vector<16xi1>, vector<16xi32>
      %select_n3A_907 = arith.select %ge3A_904, %select_n3A_902, %select_n3A_899 : vector<16xi1>, vector<16xf32>
      %select_n3A_908 = arith.select %ge3A_904, %select_n3A_903, %select_n3A_900 : vector<16xi1>, vector<16xi32>
      %masked_sort3A_909 = arith.constant dense<true> : vector<16xi1>
      %masked_sort3A_910, %masked_sort3A_911, %masked_sort3A_912 = tpu.sort %select_n3A_905, %select_n3A_906 masked %masked_sort3A_909 {descending = true} : (vector<16xf32>, vector<16xi32>, vector<16xi1>) -> (vector<16xi1>, vector<16xf32>, vector<16xi32>)
      %masked_sort3A_913 = arith.constant dense<true> : vector<16xi1>
      %masked_sort3A_914, %masked_sort3A_915, %masked_sort3A_916 = tpu.sort %select_n3A_907, %select_n3A_908 masked %masked_sort3A_913 {descending = true} : (vector<16xf32>, vector<16xi32>, vector<16xi1>) -> (vector<16xi1>, vector<16xf32>, vector<16xi32>)
      %rev3A_917 = arith.constant 15 : i32
      %rev3A_918 = vector.broadcast %rev3A_917 : i32 to vector<16xi32>
      %rev3A_919 = tpu.iota {dimensions = array<i32: 0>} : vector<16xi32>
      %rev3A_920 = arith.subi %rev3A_918, %rev3A_919 : vector<16xi32>
      %rev3A_921 = tpu.dynamic_gather %masked_sort3A_408[%rev3A_920] in [0] : vector<16xf32>, vector<16xi32> -> vector<16xf32>
      %rev3A_922 = arith.constant 15 : i32
      %rev3A_923 = vector.broadcast %rev3A_922 : i32 to vector<16xi32>
      %rev3A_924 = tpu.iota {dimensions = array<i32: 0>} : vector<16xi32>
      %rev3A_925 = arith.subi %rev3A_923, %rev3A_924 : vector<16xi32>
      %rev3A_926 = tpu.dynamic_gather %masked_sort3A_409[%rev3A_925] in [0] : vector<16xi32>, vector<16xi32> -> vector<16xi32>
      %rev3A_927 = arith.constant 15 : i32
      %rev3A_928 = vector.broadcast %rev3A_927 : i32 to vector<16xi32>
      %rev3A_929 = tpu.iota {dimensions = array<i32: 0>} : vector<16xi32>
      %rev3A_930 = arith.subi %rev3A_928, %rev3A_929 : vector<16xi32>
      %rev3A_931 = tpu.dynamic_gather %masked_sort3A_404[%rev3A_930] in [0] : vector<16xf32>, vector<16xi32> -> vector<16xf32>
      %rev3A_932 = arith.constant 15 : i32
      %rev3A_933 = vector.broadcast %rev3A_932 : i32 to vector<16xi32>
      %rev3A_934 = tpu.iota {dimensions = array<i32: 0>} : vector<16xi32>
      %rev3A_935 = arith.subi %rev3A_933, %rev3A_934 : vector<16xi32>
      %rev3A_936 = tpu.dynamic_gather %masked_sort3A_405[%rev3A_935] in [0] : vector<16xi32>, vector<16xi32> -> vector<16xi32>
      %ge3A_937 = arith.cmpf oge, %masked_sort3A_365, %rev3A_921 : vector<16xf32>
      %select_n3A_938 = arith.select %ge3A_937, %masked_sort3A_365, %rev3A_921 : vector<16xi1>, vector<16xf32>
      %select_n3A_939 = arith.select %ge3A_937, %masked_sort3A_366, %rev3A_926 : vector<16xi1>, vector<16xi32>
      %ge3A_940 = arith.cmpf oge, %masked_sort3A_369, %rev3A_931 : vector<16xf32>
      %select_n3A_941 = arith.select %ge3A_940, %masked_sort3A_369, %rev3A_931 : vector<16xi1>, vector<16xf32>
      %select_n3A_942 = arith.select %ge3A_940, %masked_sort3A_370, %rev3A_936 : vector<16xi1>, vector<16xi32>
      %ge3A_943 = arith.cmpf oge, %select_n3A_938, %select_n3A_941 : vector<16xf32>
      %select_n3A_944 = arith.select %ge3A_943, %select_n3A_938, %select_n3A_941 : vector<16xi1>, vector<16xf32>
      %select_n3A_945 = arith.select %ge3A_943, %select_n3A_939, %select_n3A_942 : vector<16xi1>, vector<16xi32>
      %select_n3A_946 = arith.select %ge3A_943, %select_n3A_941, %select_n3A_938 : vector<16xi1>, vector<16xf32>
      %select_n3A_947 = arith.select %ge3A_943, %select_n3A_942, %select_n3A_939 : vector<16xi1>, vector<16xi32>
      %masked_sort3A_948 = arith.constant dense<true> : vector<16xi1>
      %masked_sort3A_949, %masked_sort3A_950, %masked_sort3A_951 = tpu.sort %select_n3A_944, %select_n3A_945 masked %masked_sort3A_948 {descending = true} : (vector<16xf32>, vector<16xi32>, vector<16xi1>) -> (vector<16xi1>, vector<16xf32>, vector<16xi32>)
      %masked_sort3A_952 = arith.constant dense<true> : vector<16xi1>
      %masked_sort3A_953, %masked_sort3A_954, %masked_sort3A_955 = tpu.sort %select_n3A_946, %select_n3A_947 masked %masked_sort3A_952 {descending = true} : (vector<16xf32>, vector<16xi32>, vector<16xi1>) -> (vector<16xi1>, vector<16xf32>, vector<16xi32>)
      %rev3A_956 = arith.constant 15 : i32
      %rev3A_957 = vector.broadcast %rev3A_956 : i32 to vector<16xi32>
      %rev3A_958 = tpu.iota {dimensions = array<i32: 0>} : vector<16xi32>
      %rev3A_959 = arith.subi %rev3A_957, %rev3A_958 : vector<16xi32>
      %rev3A_960 = tpu.dynamic_gather %masked_sort3A_486[%rev3A_959] in [0] : vector<16xf32>, vector<16xi32> -> vector<16xf32>
      %rev3A_961 = arith.constant 15 : i32
      %rev3A_962 = vector.broadcast %rev3A_961 : i32 to vector<16xi32>
      %rev3A_963 = tpu.iota {dimensions = array<i32: 0>} : vector<16xi32>
      %rev3A_964 = arith.subi %rev3A_962, %rev3A_963 : vector<16xi32>
      %rev3A_965 = tpu.dynamic_gather %masked_sort3A_487[%rev3A_964] in [0] : vector<16xi32>, vector<16xi32> -> vector<16xi32>
      %rev3A_966 = arith.constant 15 : i32
      %rev3A_967 = vector.broadcast %rev3A_966 : i32 to vector<16xi32>
      %rev3A_968 = tpu.iota {dimensions = array<i32: 0>} : vector<16xi32>
      %rev3A_969 = arith.subi %rev3A_967, %rev3A_968 : vector<16xi32>
      %rev3A_970 = tpu.dynamic_gather %masked_sort3A_482[%rev3A_969] in [0] : vector<16xf32>, vector<16xi32> -> vector<16xf32>
      %rev3A_971 = arith.constant 15 : i32
      %rev3A_972 = vector.broadcast %rev3A_971 : i32 to vector<16xi32>
      %rev3A_973 = tpu.iota {dimensions = array<i32: 0>} : vector<16xi32>
      %rev3A_974 = arith.subi %rev3A_972, %rev3A_973 : vector<16xi32>
      %rev3A_975 = tpu.dynamic_gather %masked_sort3A_483[%rev3A_974] in [0] : vector<16xi32>, vector<16xi32> -> vector<16xi32>
      %ge3A_976 = arith.cmpf oge, %masked_sort3A_443, %rev3A_960 : vector<16xf32>
      %select_n3A_977 = arith.select %ge3A_976, %masked_sort3A_443, %rev3A_960 : vector<16xi1>, vector<16xf32>
      %select_n3A_978 = arith.select %ge3A_976, %masked_sort3A_444, %rev3A_965 : vector<16xi1>, vector<16xi32>
      %ge3A_979 = arith.cmpf oge, %masked_sort3A_447, %rev3A_970 : vector<16xf32>
      %select_n3A_980 = arith.select %ge3A_979, %masked_sort3A_447, %rev3A_970 : vector<16xi1>, vector<16xf32>
      %select_n3A_981 = arith.select %ge3A_979, %masked_sort3A_448, %rev3A_975 : vector<16xi1>, vector<16xi32>
      %ge3A_982 = arith.cmpf oge, %select_n3A_977, %select_n3A_980 : vector<16xf32>
      %select_n3A_983 = arith.select %ge3A_982, %select_n3A_977, %select_n3A_980 : vector<16xi1>, vector<16xf32>
      %select_n3A_984 = arith.select %ge3A_982, %select_n3A_978, %select_n3A_981 : vector<16xi1>, vector<16xi32>
      %select_n3A_985 = arith.select %ge3A_982, %select_n3A_980, %select_n3A_977 : vector<16xi1>, vector<16xf32>
      %select_n3A_986 = arith.select %ge3A_982, %select_n3A_981, %select_n3A_978 : vector<16xi1>, vector<16xi32>
      %masked_sort3A_987 = arith.constant dense<true> : vector<16xi1>
      %masked_sort3A_988, %masked_sort3A_989, %masked_sort3A_990 = tpu.sort %select_n3A_983, %select_n3A_984 masked %masked_sort3A_987 {descending = true} : (vector<16xf32>, vector<16xi32>, vector<16xi1>) -> (vector<16xi1>, vector<16xf32>, vector<16xi32>)
      %masked_sort3A_991 = arith.constant dense<true> : vector<16xi1>
      %masked_sort3A_992, %masked_sort3A_993, %masked_sort3A_994 = tpu.sort %select_n3A_985, %select_n3A_986 masked %masked_sort3A_991 {descending = true} : (vector<16xf32>, vector<16xi32>, vector<16xi1>) -> (vector<16xi1>, vector<16xf32>, vector<16xi32>)
      %rev3A_995 = arith.constant 15 : i32
      %rev3A_996 = vector.broadcast %rev3A_995 : i32 to vector<16xi32>
      %rev3A_997 = tpu.iota {dimensions = array<i32: 0>} : vector<16xi32>
      %rev3A_998 = arith.subi %rev3A_996, %rev3A_997 : vector<16xi32>
      %rev3A_999 = tpu.dynamic_gather %masked_sort3A_564[%rev3A_998] in [0] : vector<16xf32>, vector<16xi32> -> vector<16xf32>
      %rev3A_1000 = arith.constant 15 : i32
      %rev3A_1001 = vector.broadcast %rev3A_1000 : i32 to vector<16xi32>
      %rev3A_1002 = tpu.iota {dimensions = array<i32: 0>} : vector<16xi32>
      %rev3A_1003 = arith.subi %rev3A_1001, %rev3A_1002 : vector<16xi32>
      %rev3A_1004 = tpu.dynamic_gather %masked_sort3A_565[%rev3A_1003] in [0] : vector<16xi32>, vector<16xi32> -> vector<16xi32>
      %rev3A_1005 = arith.constant 15 : i32
      %rev3A_1006 = vector.broadcast %rev3A_1005 : i32 to vector<16xi32>
      %rev3A_1007 = tpu.iota {dimensions = array<i32: 0>} : vector<16xi32>
      %rev3A_1008 = arith.subi %rev3A_1006, %rev3A_1007 : vector<16xi32>
      %rev3A_1009 = tpu.dynamic_gather %masked_sort3A_560[%rev3A_1008] in [0] : vector<16xf32>, vector<16xi32> -> vector<16xf32>
      %rev3A_1010 = arith.constant 15 : i32
      %rev3A_1011 = vector.broadcast %rev3A_1010 : i32 to vector<16xi32>
      %rev3A_1012 = tpu.iota {dimensions = array<i32: 0>} : vector<16xi32>
      %rev3A_1013 = arith.subi %rev3A_1011, %rev3A_1012 : vector<16xi32>
      %rev3A_1014 = tpu.dynamic_gather %masked_sort3A_561[%rev3A_1013] in [0] : vector<16xi32>, vector<16xi32> -> vector<16xi32>
      %ge3A_1015 = arith.cmpf oge, %masked_sort3A_521, %rev3A_999 : vector<16xf32>
      %select_n3A_1016 = arith.select %ge3A_1015, %masked_sort3A_521, %rev3A_999 : vector<16xi1>, vector<16xf32>
      %select_n3A_1017 = arith.select %ge3A_1015, %masked_sort3A_522, %rev3A_1004 : vector<16xi1>, vector<16xi32>
      %ge3A_1018 = arith.cmpf oge, %masked_sort3A_525, %rev3A_1009 : vector<16xf32>
      %select_n3A_1019 = arith.select %ge3A_1018, %masked_sort3A_525, %rev3A_1009 : vector<16xi1>, vector<16xf32>
      %select_n3A_1020 = arith.select %ge3A_1018, %masked_sort3A_526, %rev3A_1014 : vector<16xi1>, vector<16xi32>
      %ge3A_1021 = arith.cmpf oge, %select_n3A_1016, %select_n3A_1019 : vector<16xf32>
      %select_n3A_1022 = arith.select %ge3A_1021, %select_n3A_1016, %select_n3A_1019 : vector<16xi1>, vector<16xf32>
      %select_n3A_1023 = arith.select %ge3A_1021, %select_n3A_1017, %select_n3A_1020 : vector<16xi1>, vector<16xi32>
      %select_n3A_1024 = arith.select %ge3A_1021, %select_n3A_1019, %select_n3A_1016 : vector<16xi1>, vector<16xf32>
      %select_n3A_1025 = arith.select %ge3A_1021, %select_n3A_1020, %select_n3A_1017 : vector<16xi1>, vector<16xi32>
      %masked_sort3A_1026 = arith.constant dense<true> : vector<16xi1>
      %masked_sort3A_1027, %masked_sort3A_1028, %masked_sort3A_1029 = tpu.sort %select_n3A_1022, %select_n3A_1023 masked %masked_sort3A_1026 {descending = true} : (vector<16xf32>, vector<16xi32>, vector<16xi1>) -> (vector<16xi1>, vector<16xf32>, vector<16xi32>)
      %masked_sort3A_1030 = arith.constant dense<true> : vector<16xi1>
      %masked_sort3A_1031, %masked_sort3A_1032, %masked_sort3A_1033 = tpu.sort %select_n3A_1024, %select_n3A_1025 masked %masked_sort3A_1030 {descending = true} : (vector<16xf32>, vector<16xi32>, vector<16xi1>) -> (vector<16xi1>, vector<16xf32>, vector<16xi32>)
      %rev3A_1034 = arith.constant 15 : i32
      %rev3A_1035 = vector.broadcast %rev3A_1034 : i32 to vector<16xi32>
      %rev3A_1036 = tpu.iota {dimensions = array<i32: 0>} : vector<16xi32>
      %rev3A_1037 = arith.subi %rev3A_1035, %rev3A_1036 : vector<16xi32>
      %rev3A_1038 = tpu.dynamic_gather %masked_sort3A_642[%rev3A_1037] in [0] : vector<16xf32>, vector<16xi32> -> vector<16xf32>
      %rev3A_1039 = arith.constant 15 : i32
      %rev3A_1040 = vector.broadcast %rev3A_1039 : i32 to vector<16xi32>
      %rev3A_1041 = tpu.iota {dimensions = array<i32: 0>} : vector<16xi32>
      %rev3A_1042 = arith.subi %rev3A_1040, %rev3A_1041 : vector<16xi32>
      %rev3A_1043 = tpu.dynamic_gather %masked_sort3A_643[%rev3A_1042] in [0] : vector<16xi32>, vector<16xi32> -> vector<16xi32>
      %rev3A_1044 = arith.constant 15 : i32
      %rev3A_1045 = vector.broadcast %rev3A_1044 : i32 to vector<16xi32>
      %rev3A_1046 = tpu.iota {dimensions = array<i32: 0>} : vector<16xi32>
      %rev3A_1047 = arith.subi %rev3A_1045, %rev3A_1046 : vector<16xi32>
      %rev3A_1048 = tpu.dynamic_gather %masked_sort3A_638[%rev3A_1047] in [0] : vector<16xf32>, vector<16xi32> -> vector<16xf32>
      %rev3A_1049 = arith.constant 15 : i32
      %rev3A_1050 = vector.broadcast %rev3A_1049 : i32 to vector<16xi32>
      %rev3A_1051 = tpu.iota {dimensions = array<i32: 0>} : vector<16xi32>
      %rev3A_1052 = arith.subi %rev3A_1050, %rev3A_1051 : vector<16xi32>
      %rev3A_1053 = tpu.dynamic_gather %masked_sort3A_639[%rev3A_1052] in [0] : vector<16xi32>, vector<16xi32> -> vector<16xi32>
      %ge3A_1054 = arith.cmpf oge, %masked_sort3A_599, %rev3A_1038 : vector<16xf32>
      %select_n3A_1055 = arith.select %ge3A_1054, %masked_sort3A_599, %rev3A_1038 : vector<16xi1>, vector<16xf32>
      %select_n3A_1056 = arith.select %ge3A_1054, %masked_sort3A_600, %rev3A_1043 : vector<16xi1>, vector<16xi32>
      %ge3A_1057 = arith.cmpf oge, %masked_sort3A_603, %rev3A_1048 : vector<16xf32>
      %select_n3A_1058 = arith.select %ge3A_1057, %masked_sort3A_603, %rev3A_1048 : vector<16xi1>, vector<16xf32>
      %select_n3A_1059 = arith.select %ge3A_1057, %masked_sort3A_604, %rev3A_1053 : vector<16xi1>, vector<16xi32>
      %ge3A_1060 = arith.cmpf oge, %select_n3A_1055, %select_n3A_1058 : vector<16xf32>
      %select_n3A_1061 = arith.select %ge3A_1060, %select_n3A_1055, %select_n3A_1058 : vector<16xi1>, vector<16xf32>
      %select_n3A_1062 = arith.select %ge3A_1060, %select_n3A_1056, %select_n3A_1059 : vector<16xi1>, vector<16xi32>
      %select_n3A_1063 = arith.select %ge3A_1060, %select_n3A_1058, %select_n3A_1055 : vector<16xi1>, vector<16xf32>
      %select_n3A_1064 = arith.select %ge3A_1060, %select_n3A_1059, %select_n3A_1056 : vector<16xi1>, vector<16xi32>
      %masked_sort3A_1065 = arith.constant dense<true> : vector<16xi1>
      %masked_sort3A_1066, %masked_sort3A_1067, %masked_sort3A_1068 = tpu.sort %select_n3A_1061, %select_n3A_1062 masked %masked_sort3A_1065 {descending = true} : (vector<16xf32>, vector<16xi32>, vector<16xi1>) -> (vector<16xi1>, vector<16xf32>, vector<16xi32>)
      %masked_sort3A_1069 = arith.constant dense<true> : vector<16xi1>
      %masked_sort3A_1070, %masked_sort3A_1071, %masked_sort3A_1072 = tpu.sort %select_n3A_1063, %select_n3A_1064 masked %masked_sort3A_1069 {descending = true} : (vector<16xf32>, vector<16xi32>, vector<16xi1>) -> (vector<16xi1>, vector<16xf32>, vector<16xi32>)
      %rev3A_1073 = arith.constant 15 : i32
      %rev3A_1074 = vector.broadcast %rev3A_1073 : i32 to vector<16xi32>
      %rev3A_1075 = tpu.iota {dimensions = array<i32: 0>} : vector<16xi32>
      %rev3A_1076 = arith.subi %rev3A_1074, %rev3A_1075 : vector<16xi32>
      %rev3A_1077 = tpu.dynamic_gather %masked_sort3A_720[%rev3A_1076] in [0] : vector<16xf32>, vector<16xi32> -> vector<16xf32>
      %rev3A_1078 = arith.constant 15 : i32
      %rev3A_1079 = vector.broadcast %rev3A_1078 : i32 to vector<16xi32>
      %rev3A_1080 = tpu.iota {dimensions = array<i32: 0>} : vector<16xi32>
      %rev3A_1081 = arith.subi %rev3A_1079, %rev3A_1080 : vector<16xi32>
      %rev3A_1082 = tpu.dynamic_gather %masked_sort3A_721[%rev3A_1081] in [0] : vector<16xi32>, vector<16xi32> -> vector<16xi32>
      %rev3A_1083 = arith.constant 15 : i32
      %rev3A_1084 = vector.broadcast %rev3A_1083 : i32 to vector<16xi32>
      %rev3A_1085 = tpu.iota {dimensions = array<i32: 0>} : vector<16xi32>
      %rev3A_1086 = arith.subi %rev3A_1084, %rev3A_1085 : vector<16xi32>
      %rev3A_1087 = tpu.dynamic_gather %masked_sort3A_716[%rev3A_1086] in [0] : vector<16xf32>, vector<16xi32> -> vector<16xf32>
      %rev3A_1088 = arith.constant 15 : i32
      %rev3A_1089 = vector.broadcast %rev3A_1088 : i32 to vector<16xi32>
      %rev3A_1090 = tpu.iota {dimensions = array<i32: 0>} : vector<16xi32>
      %rev3A_1091 = arith.subi %rev3A_1089, %rev3A_1090 : vector<16xi32>
      %rev3A_1092 = tpu.dynamic_gather %masked_sort3A_717[%rev3A_1091] in [0] : vector<16xi32>, vector<16xi32> -> vector<16xi32>
      %ge3A_1093 = arith.cmpf oge, %masked_sort3A_677, %rev3A_1077 : vector<16xf32>
      %select_n3A_1094 = arith.select %ge3A_1093, %masked_sort3A_677, %rev3A_1077 : vector<16xi1>, vector<16xf32>
      %select_n3A_1095 = arith.select %ge3A_1093, %masked_sort3A_678, %rev3A_1082 : vector<16xi1>, vector<16xi32>
      %ge3A_1096 = arith.cmpf oge, %masked_sort3A_681, %rev3A_1087 : vector<16xf32>
      %select_n3A_1097 = arith.select %ge3A_1096, %masked_sort3A_681, %rev3A_1087 : vector<16xi1>, vector<16xf32>
      %select_n3A_1098 = arith.select %ge3A_1096, %masked_sort3A_682, %rev3A_1092 : vector<16xi1>, vector<16xi32>
      %ge3A_1099 = arith.cmpf oge, %select_n3A_1094, %select_n3A_1097 : vector<16xf32>
      %select_n3A_1100 = arith.select %ge3A_1099, %select_n3A_1094, %select_n3A_1097 : vector<16xi1>, vector<16xf32>
      %select_n3A_1101 = arith.select %ge3A_1099, %select_n3A_1095, %select_n3A_1098 : vector<16xi1>, vector<16xi32>
      %select_n3A_1102 = arith.select %ge3A_1099, %select_n3A_1097, %select_n3A_1094 : vector<16xi1>, vector<16xf32>
      %select_n3A_1103 = arith.select %ge3A_1099, %select_n3A_1098, %select_n3A_1095 : vector<16xi1>, vector<16xi32>
      %masked_sort3A_1104 = arith.constant dense<true> : vector<16xi1>
      %masked_sort3A_1105, %masked_sort3A_1106, %masked_sort3A_1107 = tpu.sort %select_n3A_1100, %select_n3A_1101 masked %masked_sort3A_1104 {descending = true} : (vector<16xf32>, vector<16xi32>, vector<16xi1>) -> (vector<16xi1>, vector<16xf32>, vector<16xi32>)
      %masked_sort3A_1108 = arith.constant dense<true> : vector<16xi1>
      %masked_sort3A_1109, %masked_sort3A_1110, %masked_sort3A_1111 = tpu.sort %select_n3A_1102, %select_n3A_1103 masked %masked_sort3A_1108 {descending = true} : (vector<16xf32>, vector<16xi32>, vector<16xi1>) -> (vector<16xi1>, vector<16xf32>, vector<16xi32>)
      %rev3A_1112 = arith.constant 15 : i32
      %rev3A_1113 = vector.broadcast %rev3A_1112 : i32 to vector<16xi32>
      %rev3A_1114 = tpu.iota {dimensions = array<i32: 0>} : vector<16xi32>
      %rev3A_1115 = arith.subi %rev3A_1113, %rev3A_1114 : vector<16xi32>
      %rev3A_1116 = tpu.dynamic_gather %masked_sort3A_798[%rev3A_1115] in [0] : vector<16xf32>, vector<16xi32> -> vector<16xf32>
      %rev3A_1117 = arith.constant 15 : i32
      %rev3A_1118 = vector.broadcast %rev3A_1117 : i32 to vector<16xi32>
      %rev3A_1119 = tpu.iota {dimensions = array<i32: 0>} : vector<16xi32>
      %rev3A_1120 = arith.subi %rev3A_1118, %rev3A_1119 : vector<16xi32>
      %rev3A_1121 = tpu.dynamic_gather %masked_sort3A_799[%rev3A_1120] in [0] : vector<16xi32>, vector<16xi32> -> vector<16xi32>
      %rev3A_1122 = arith.constant 15 : i32
      %rev3A_1123 = vector.broadcast %rev3A_1122 : i32 to vector<16xi32>
      %rev3A_1124 = tpu.iota {dimensions = array<i32: 0>} : vector<16xi32>
      %rev3A_1125 = arith.subi %rev3A_1123, %rev3A_1124 : vector<16xi32>
      %rev3A_1126 = tpu.dynamic_gather %masked_sort3A_794[%rev3A_1125] in [0] : vector<16xf32>, vector<16xi32> -> vector<16xf32>
      %rev3A_1127 = arith.constant 15 : i32
      %rev3A_1128 = vector.broadcast %rev3A_1127 : i32 to vector<16xi32>
      %rev3A_1129 = tpu.iota {dimensions = array<i32: 0>} : vector<16xi32>
      %rev3A_1130 = arith.subi %rev3A_1128, %rev3A_1129 : vector<16xi32>
      %rev3A_1131 = tpu.dynamic_gather %masked_sort3A_795[%rev3A_1130] in [0] : vector<16xi32>, vector<16xi32> -> vector<16xi32>
      %ge3A_1132 = arith.cmpf oge, %masked_sort3A_755, %rev3A_1116 : vector<16xf32>
      %select_n3A_1133 = arith.select %ge3A_1132, %masked_sort3A_755, %rev3A_1116 : vector<16xi1>, vector<16xf32>
      %select_n3A_1134 = arith.select %ge3A_1132, %masked_sort3A_756, %rev3A_1121 : vector<16xi1>, vector<16xi32>
      %ge3A_1135 = arith.cmpf oge, %masked_sort3A_759, %rev3A_1126 : vector<16xf32>
      %select_n3A_1136 = arith.select %ge3A_1135, %masked_sort3A_759, %rev3A_1126 : vector<16xi1>, vector<16xf32>
      %select_n3A_1137 = arith.select %ge3A_1135, %masked_sort3A_760, %rev3A_1131 : vector<16xi1>, vector<16xi32>
      %ge3A_1138 = arith.cmpf oge, %select_n3A_1133, %select_n3A_1136 : vector<16xf32>
      %select_n3A_1139 = arith.select %ge3A_1138, %select_n3A_1133, %select_n3A_1136 : vector<16xi1>, vector<16xf32>
      %select_n3A_1140 = arith.select %ge3A_1138, %select_n3A_1134, %select_n3A_1137 : vector<16xi1>, vector<16xi32>
      %select_n3A_1141 = arith.select %ge3A_1138, %select_n3A_1136, %select_n3A_1133 : vector<16xi1>, vector<16xf32>
      %select_n3A_1142 = arith.select %ge3A_1138, %select_n3A_1137, %select_n3A_1134 : vector<16xi1>, vector<16xi32>
      %masked_sort3A_1143 = arith.constant dense<true> : vector<16xi1>
      %masked_sort3A_1144, %masked_sort3A_1145, %masked_sort3A_1146 = tpu.sort %select_n3A_1139, %select_n3A_1140 masked %masked_sort3A_1143 {descending = true} : (vector<16xf32>, vector<16xi32>, vector<16xi1>) -> (vector<16xi1>, vector<16xf32>, vector<16xi32>)
      %masked_sort3A_1147 = arith.constant dense<true> : vector<16xi1>
      %masked_sort3A_1148, %masked_sort3A_1149, %masked_sort3A_1150 = tpu.sort %select_n3A_1141, %select_n3A_1142 masked %masked_sort3A_1147 {descending = true} : (vector<16xf32>, vector<16xi32>, vector<16xi1>) -> (vector<16xi1>, vector<16xf32>, vector<16xi32>)
      %rev3A_1151 = arith.constant 15 : i32
      %rev3A_1152 = vector.broadcast %rev3A_1151 : i32 to vector<16xi32>
      %rev3A_1153 = tpu.iota {dimensions = array<i32: 0>} : vector<16xi32>
      %rev3A_1154 = arith.subi %rev3A_1152, %rev3A_1153 : vector<16xi32>
      %rev3A_1155 = tpu.dynamic_gather %masked_sort3A_876[%rev3A_1154] in [0] : vector<16xf32>, vector<16xi32> -> vector<16xf32>
      %rev3A_1156 = arith.constant 15 : i32
      %rev3A_1157 = vector.broadcast %rev3A_1156 : i32 to vector<16xi32>
      %rev3A_1158 = tpu.iota {dimensions = array<i32: 0>} : vector<16xi32>
      %rev3A_1159 = arith.subi %rev3A_1157, %rev3A_1158 : vector<16xi32>
      %rev3A_1160 = tpu.dynamic_gather %masked_sort3A_877[%rev3A_1159] in [0] : vector<16xi32>, vector<16xi32> -> vector<16xi32>
      %rev3A_1161 = arith.constant 15 : i32
      %rev3A_1162 = vector.broadcast %rev3A_1161 : i32 to vector<16xi32>
      %rev3A_1163 = tpu.iota {dimensions = array<i32: 0>} : vector<16xi32>
      %rev3A_1164 = arith.subi %rev3A_1162, %rev3A_1163 : vector<16xi32>
      %rev3A_1165 = tpu.dynamic_gather %masked_sort3A_872[%rev3A_1164] in [0] : vector<16xf32>, vector<16xi32> -> vector<16xf32>
      %rev3A_1166 = arith.constant 15 : i32
      %rev3A_1167 = vector.broadcast %rev3A_1166 : i32 to vector<16xi32>
      %rev3A_1168 = tpu.iota {dimensions = array<i32: 0>} : vector<16xi32>
      %rev3A_1169 = arith.subi %rev3A_1167, %rev3A_1168 : vector<16xi32>
      %rev3A_1170 = tpu.dynamic_gather %masked_sort3A_873[%rev3A_1169] in [0] : vector<16xi32>, vector<16xi32> -> vector<16xi32>
      %ge3A_1171 = arith.cmpf oge, %masked_sort3A_833, %rev3A_1155 : vector<16xf32>
      %select_n3A_1172 = arith.select %ge3A_1171, %masked_sort3A_833, %rev3A_1155 : vector<16xi1>, vector<16xf32>
      %select_n3A_1173 = arith.select %ge3A_1171, %masked_sort3A_834, %rev3A_1160 : vector<16xi1>, vector<16xi32>
      %ge3A_1174 = arith.cmpf oge, %masked_sort3A_837, %rev3A_1165 : vector<16xf32>
      %select_n3A_1175 = arith.select %ge3A_1174, %masked_sort3A_837, %rev3A_1165 : vector<16xi1>, vector<16xf32>
      %select_n3A_1176 = arith.select %ge3A_1174, %masked_sort3A_838, %rev3A_1170 : vector<16xi1>, vector<16xi32>
      %ge3A_1177 = arith.cmpf oge, %select_n3A_1172, %select_n3A_1175 : vector<16xf32>
      %select_n3A_1178 = arith.select %ge3A_1177, %select_n3A_1172, %select_n3A_1175 : vector<16xi1>, vector<16xf32>
      %select_n3A_1179 = arith.select %ge3A_1177, %select_n3A_1173, %select_n3A_1176 : vector<16xi1>, vector<16xi32>
      %select_n3A_1180 = arith.select %ge3A_1177, %select_n3A_1175, %select_n3A_1172 : vector<16xi1>, vector<16xf32>
      %select_n3A_1181 = arith.select %ge3A_1177, %select_n3A_1176, %select_n3A_1173 : vector<16xi1>, vector<16xi32>
      %masked_sort3A_1182 = arith.constant dense<true> : vector<16xi1>
      %masked_sort3A_1183, %masked_sort3A_1184, %masked_sort3A_1185 = tpu.sort %select_n3A_1178, %select_n3A_1179 masked %masked_sort3A_1182 {descending = true} : (vector<16xf32>, vector<16xi32>, vector<16xi1>) -> (vector<16xi1>, vector<16xf32>, vector<16xi32>)
      %masked_sort3A_1186 = arith.constant dense<true> : vector<16xi1>
      %masked_sort3A_1187, %masked_sort3A_1188, %masked_sort3A_1189 = tpu.sort %select_n3A_1180, %select_n3A_1181 masked %masked_sort3A_1186 {descending = true} : (vector<16xf32>, vector<16xi32>, vector<16xi1>) -> (vector<16xi1>, vector<16xf32>, vector<16xi32>)
      %rev3A_1190 = arith.constant 15 : i32
      %rev3A_1191 = vector.broadcast %rev3A_1190 : i32 to vector<16xi32>
      %rev3A_1192 = tpu.iota {dimensions = array<i32: 0>} : vector<16xi32>
      %rev3A_1193 = arith.subi %rev3A_1191, %rev3A_1192 : vector<16xi32>
      %rev3A_1194 = tpu.dynamic_gather %masked_sort3A_954[%rev3A_1193] in [0] : vector<16xf32>, vector<16xi32> -> vector<16xf32>
      %rev3A_1195 = arith.constant 15 : i32
      %rev3A_1196 = vector.broadcast %rev3A_1195 : i32 to vector<16xi32>
      %rev3A_1197 = tpu.iota {dimensions = array<i32: 0>} : vector<16xi32>
      %rev3A_1198 = arith.subi %rev3A_1196, %rev3A_1197 : vector<16xi32>
      %rev3A_1199 = tpu.dynamic_gather %masked_sort3A_955[%rev3A_1198] in [0] : vector<16xi32>, vector<16xi32> -> vector<16xi32>
      %rev3A_1200 = arith.constant 15 : i32
      %rev3A_1201 = vector.broadcast %rev3A_1200 : i32 to vector<16xi32>
      %rev3A_1202 = tpu.iota {dimensions = array<i32: 0>} : vector<16xi32>
      %rev3A_1203 = arith.subi %rev3A_1201, %rev3A_1202 : vector<16xi32>
      %rev3A_1204 = tpu.dynamic_gather %masked_sort3A_950[%rev3A_1203] in [0] : vector<16xf32>, vector<16xi32> -> vector<16xf32>
      %rev3A_1205 = arith.constant 15 : i32
      %rev3A_1206 = vector.broadcast %rev3A_1205 : i32 to vector<16xi32>
      %rev3A_1207 = tpu.iota {dimensions = array<i32: 0>} : vector<16xi32>
      %rev3A_1208 = arith.subi %rev3A_1206, %rev3A_1207 : vector<16xi32>
      %rev3A_1209 = tpu.dynamic_gather %masked_sort3A_951[%rev3A_1208] in [0] : vector<16xi32>, vector<16xi32> -> vector<16xi32>
      %ge3A_1210 = arith.cmpf oge, %masked_sort3A_911, %rev3A_1194 : vector<16xf32>
      %select_n3A_1211 = arith.select %ge3A_1210, %masked_sort3A_911, %rev3A_1194 : vector<16xi1>, vector<16xf32>
      %select_n3A_1212 = arith.select %ge3A_1210, %masked_sort3A_912, %rev3A_1199 : vector<16xi1>, vector<16xi32>
      %ge3A_1213 = arith.cmpf oge, %masked_sort3A_915, %rev3A_1204 : vector<16xf32>
      %select_n3A_1214 = arith.select %ge3A_1213, %masked_sort3A_915, %rev3A_1204 : vector<16xi1>, vector<16xf32>
      %select_n3A_1215 = arith.select %ge3A_1213, %masked_sort3A_916, %rev3A_1209 : vector<16xi1>, vector<16xi32>
      %ge3A_1216 = arith.cmpf oge, %select_n3A_1211, %select_n3A_1214 : vector<16xf32>
      %select_n3A_1217 = arith.select %ge3A_1216, %select_n3A_1211, %select_n3A_1214 : vector<16xi1>, vector<16xf32>
      %select_n3A_1218 = arith.select %ge3A_1216, %select_n3A_1212, %select_n3A_1215 : vector<16xi1>, vector<16xi32>
      %select_n3A_1219 = arith.select %ge3A_1216, %select_n3A_1214, %select_n3A_1211 : vector<16xi1>, vector<16xf32>
      %select_n3A_1220 = arith.select %ge3A_1216, %select_n3A_1215, %select_n3A_1212 : vector<16xi1>, vector<16xi32>
      %masked_sort3A_1221 = arith.constant dense<true> : vector<16xi1>
      %masked_sort3A_1222, %masked_sort3A_1223, %masked_sort3A_1224 = tpu.sort %select_n3A_1217, %select_n3A_1218 masked %masked_sort3A_1221 {descending = true} : (vector<16xf32>, vector<16xi32>, vector<16xi1>) -> (vector<16xi1>, vector<16xf32>, vector<16xi32>)
      %masked_sort3A_1225 = arith.constant dense<true> : vector<16xi1>
      %masked_sort3A_1226, %masked_sort3A_1227, %masked_sort3A_1228 = tpu.sort %select_n3A_1219, %select_n3A_1220 masked %masked_sort3A_1225 {descending = true} : (vector<16xf32>, vector<16xi32>, vector<16xi1>) -> (vector<16xi1>, vector<16xf32>, vector<16xi32>)
      %rev3A_1229 = arith.constant 15 : i32
      %rev3A_1230 = vector.broadcast %rev3A_1229 : i32 to vector<16xi32>
      %rev3A_1231 = tpu.iota {dimensions = array<i32: 0>} : vector<16xi32>
      %rev3A_1232 = arith.subi %rev3A_1230, %rev3A_1231 : vector<16xi32>
      %rev3A_1233 = tpu.dynamic_gather %masked_sort3A_1032[%rev3A_1232] in [0] : vector<16xf32>, vector<16xi32> -> vector<16xf32>
      %rev3A_1234 = arith.constant 15 : i32
      %rev3A_1235 = vector.broadcast %rev3A_1234 : i32 to vector<16xi32>
      %rev3A_1236 = tpu.iota {dimensions = array<i32: 0>} : vector<16xi32>
      %rev3A_1237 = arith.subi %rev3A_1235, %rev3A_1236 : vector<16xi32>
      %rev3A_1238 = tpu.dynamic_gather %masked_sort3A_1033[%rev3A_1237] in [0] : vector<16xi32>, vector<16xi32> -> vector<16xi32>
      %rev3A_1239 = arith.constant 15 : i32
      %rev3A_1240 = vector.broadcast %rev3A_1239 : i32 to vector<16xi32>
      %rev3A_1241 = tpu.iota {dimensions = array<i32: 0>} : vector<16xi32>
      %rev3A_1242 = arith.subi %rev3A_1240, %rev3A_1241 : vector<16xi32>
      %rev3A_1243 = tpu.dynamic_gather %masked_sort3A_1028[%rev3A_1242] in [0] : vector<16xf32>, vector<16xi32> -> vector<16xf32>
      %rev3A_1244 = arith.constant 15 : i32
      %rev3A_1245 = vector.broadcast %rev3A_1244 : i32 to vector<16xi32>
      %rev3A_1246 = tpu.iota {dimensions = array<i32: 0>} : vector<16xi32>
      %rev3A_1247 = arith.subi %rev3A_1245, %rev3A_1246 : vector<16xi32>
      %rev3A_1248 = tpu.dynamic_gather %masked_sort3A_1029[%rev3A_1247] in [0] : vector<16xi32>, vector<16xi32> -> vector<16xi32>
      %ge3A_1249 = arith.cmpf oge, %masked_sort3A_989, %rev3A_1233 : vector<16xf32>
      %select_n3A_1250 = arith.select %ge3A_1249, %masked_sort3A_989, %rev3A_1233 : vector<16xi1>, vector<16xf32>
      %select_n3A_1251 = arith.select %ge3A_1249, %masked_sort3A_990, %rev3A_1238 : vector<16xi1>, vector<16xi32>
      %ge3A_1252 = arith.cmpf oge, %masked_sort3A_993, %rev3A_1243 : vector<16xf32>
      %select_n3A_1253 = arith.select %ge3A_1252, %masked_sort3A_993, %rev3A_1243 : vector<16xi1>, vector<16xf32>
      %select_n3A_1254 = arith.select %ge3A_1252, %masked_sort3A_994, %rev3A_1248 : vector<16xi1>, vector<16xi32>
      %ge3A_1255 = arith.cmpf oge, %select_n3A_1250, %select_n3A_1253 : vector<16xf32>
      %select_n3A_1256 = arith.select %ge3A_1255, %select_n3A_1250, %select_n3A_1253 : vector<16xi1>, vector<16xf32>
      %select_n3A_1257 = arith.select %ge3A_1255, %select_n3A_1251, %select_n3A_1254 : vector<16xi1>, vector<16xi32>
      %select_n3A_1258 = arith.select %ge3A_1255, %select_n3A_1253, %select_n3A_1250 : vector<16xi1>, vector<16xf32>
      %select_n3A_1259 = arith.select %ge3A_1255, %select_n3A_1254, %select_n3A_1251 : vector<16xi1>, vector<16xi32>
      %masked_sort3A_1260 = arith.constant dense<true> : vector<16xi1>
      %masked_sort3A_1261, %masked_sort3A_1262, %masked_sort3A_1263 = tpu.sort %select_n3A_1256, %select_n3A_1257 masked %masked_sort3A_1260 {descending = true} : (vector<16xf32>, vector<16xi32>, vector<16xi1>) -> (vector<16xi1>, vector<16xf32>, vector<16xi32>)
      %masked_sort3A_1264 = arith.constant dense<true> : vector<16xi1>
      %masked_sort3A_1265, %masked_sort3A_1266, %masked_sort3A_1267 = tpu.sort %select_n3A_1258, %select_n3A_1259 masked %masked_sort3A_1264 {descending = true} : (vector<16xf32>, vector<16xi32>, vector<16xi1>) -> (vector<16xi1>, vector<16xf32>, vector<16xi32>)
      %rev3A_1268 = arith.constant 15 : i32
      %rev3A_1269 = vector.broadcast %rev3A_1268 : i32 to vector<16xi32>
      %rev3A_1270 = tpu.iota {dimensions = array<i32: 0>} : vector<16xi32>
      %rev3A_1271 = arith.subi %rev3A_1269, %rev3A_1270 : vector<16xi32>
      %rev3A_1272 = tpu.dynamic_gather %masked_sort3A_1110[%rev3A_1271] in [0] : vector<16xf32>, vector<16xi32> -> vector<16xf32>
      %rev3A_1273 = arith.constant 15 : i32
      %rev3A_1274 = vector.broadcast %rev3A_1273 : i32 to vector<16xi32>
      %rev3A_1275 = tpu.iota {dimensions = array<i32: 0>} : vector<16xi32>
      %rev3A_1276 = arith.subi %rev3A_1274, %rev3A_1275 : vector<16xi32>
      %rev3A_1277 = tpu.dynamic_gather %masked_sort3A_1111[%rev3A_1276] in [0] : vector<16xi32>, vector<16xi32> -> vector<16xi32>
      %rev3A_1278 = arith.constant 15 : i32
      %rev3A_1279 = vector.broadcast %rev3A_1278 : i32 to vector<16xi32>
      %rev3A_1280 = tpu.iota {dimensions = array<i32: 0>} : vector<16xi32>
      %rev3A_1281 = arith.subi %rev3A_1279, %rev3A_1280 : vector<16xi32>
      %rev3A_1282 = tpu.dynamic_gather %masked_sort3A_1106[%rev3A_1281] in [0] : vector<16xf32>, vector<16xi32> -> vector<16xf32>
      %rev3A_1283 = arith.constant 15 : i32
      %rev3A_1284 = vector.broadcast %rev3A_1283 : i32 to vector<16xi32>
      %rev3A_1285 = tpu.iota {dimensions = array<i32: 0>} : vector<16xi32>
      %rev3A_1286 = arith.subi %rev3A_1284, %rev3A_1285 : vector<16xi32>
      %rev3A_1287 = tpu.dynamic_gather %masked_sort3A_1107[%rev3A_1286] in [0] : vector<16xi32>, vector<16xi32> -> vector<16xi32>
      %ge3A_1288 = arith.cmpf oge, %masked_sort3A_1067, %rev3A_1272 : vector<16xf32>
      %select_n3A_1289 = arith.select %ge3A_1288, %masked_sort3A_1067, %rev3A_1272 : vector<16xi1>, vector<16xf32>
      %select_n3A_1290 = arith.select %ge3A_1288, %masked_sort3A_1068, %rev3A_1277 : vector<16xi1>, vector<16xi32>
      %ge3A_1291 = arith.cmpf oge, %masked_sort3A_1071, %rev3A_1282 : vector<16xf32>
      %select_n3A_1292 = arith.select %ge3A_1291, %masked_sort3A_1071, %rev3A_1282 : vector<16xi1>, vector<16xf32>
      %select_n3A_1293 = arith.select %ge3A_1291, %masked_sort3A_1072, %rev3A_1287 : vector<16xi1>, vector<16xi32>
      %ge3A_1294 = arith.cmpf oge, %select_n3A_1289, %select_n3A_1292 : vector<16xf32>
      %select_n3A_1295 = arith.select %ge3A_1294, %select_n3A_1289, %select_n3A_1292 : vector<16xi1>, vector<16xf32>
      %select_n3A_1296 = arith.select %ge3A_1294, %select_n3A_1290, %select_n3A_1293 : vector<16xi1>, vector<16xi32>
      %select_n3A_1297 = arith.select %ge3A_1294, %select_n3A_1292, %select_n3A_1289 : vector<16xi1>, vector<16xf32>
      %select_n3A_1298 = arith.select %ge3A_1294, %select_n3A_1293, %select_n3A_1290 : vector<16xi1>, vector<16xi32>
      %masked_sort3A_1299 = arith.constant dense<true> : vector<16xi1>
      %masked_sort3A_1300, %masked_sort3A_1301, %masked_sort3A_1302 = tpu.sort %select_n3A_1295, %select_n3A_1296 masked %masked_sort3A_1299 {descending = true} : (vector<16xf32>, vector<16xi32>, vector<16xi1>) -> (vector<16xi1>, vector<16xf32>, vector<16xi32>)
      %masked_sort3A_1303 = arith.constant dense<true> : vector<16xi1>
      %masked_sort3A_1304, %masked_sort3A_1305, %masked_sort3A_1306 = tpu.sort %select_n3A_1297, %select_n3A_1298 masked %masked_sort3A_1303 {descending = true} : (vector<16xf32>, vector<16xi32>, vector<16xi1>) -> (vector<16xi1>, vector<16xf32>, vector<16xi32>)
      %rev3A_1307 = arith.constant 15 : i32
      %rev3A_1308 = vector.broadcast %rev3A_1307 : i32 to vector<16xi32>
      %rev3A_1309 = tpu.iota {dimensions = array<i32: 0>} : vector<16xi32>
      %rev3A_1310 = arith.subi %rev3A_1308, %rev3A_1309 : vector<16xi32>
      %rev3A_1311 = tpu.dynamic_gather %masked_sort3A_1188[%rev3A_1310] in [0] : vector<16xf32>, vector<16xi32> -> vector<16xf32>
      %rev3A_1312 = arith.constant 15 : i32
      %rev3A_1313 = vector.broadcast %rev3A_1312 : i32 to vector<16xi32>
      %rev3A_1314 = tpu.iota {dimensions = array<i32: 0>} : vector<16xi32>
      %rev3A_1315 = arith.subi %rev3A_1313, %rev3A_1314 : vector<16xi32>
      %rev3A_1316 = tpu.dynamic_gather %masked_sort3A_1189[%rev3A_1315] in [0] : vector<16xi32>, vector<16xi32> -> vector<16xi32>
      %rev3A_1317 = arith.constant 15 : i32
      %rev3A_1318 = vector.broadcast %rev3A_1317 : i32 to vector<16xi32>
      %rev3A_1319 = tpu.iota {dimensions = array<i32: 0>} : vector<16xi32>
      %rev3A_1320 = arith.subi %rev3A_1318, %rev3A_1319 : vector<16xi32>
      %rev3A_1321 = tpu.dynamic_gather %masked_sort3A_1184[%rev3A_1320] in [0] : vector<16xf32>, vector<16xi32> -> vector<16xf32>
      %rev3A_1322 = arith.constant 15 : i32
      %rev3A_1323 = vector.broadcast %rev3A_1322 : i32 to vector<16xi32>
      %rev3A_1324 = tpu.iota {dimensions = array<i32: 0>} : vector<16xi32>
      %rev3A_1325 = arith.subi %rev3A_1323, %rev3A_1324 : vector<16xi32>
      %rev3A_1326 = tpu.dynamic_gather %masked_sort3A_1185[%rev3A_1325] in [0] : vector<16xi32>, vector<16xi32> -> vector<16xi32>
      %ge3A_1327 = arith.cmpf oge, %masked_sort3A_1145, %rev3A_1311 : vector<16xf32>
      %select_n3A_1328 = arith.select %ge3A_1327, %masked_sort3A_1145, %rev3A_1311 : vector<16xi1>, vector<16xf32>
      %select_n3A_1329 = arith.select %ge3A_1327, %masked_sort3A_1146, %rev3A_1316 : vector<16xi1>, vector<16xi32>
      %ge3A_1330 = arith.cmpf oge, %masked_sort3A_1149, %rev3A_1321 : vector<16xf32>
      %select_n3A_1331 = arith.select %ge3A_1330, %masked_sort3A_1149, %rev3A_1321 : vector<16xi1>, vector<16xf32>
      %select_n3A_1332 = arith.select %ge3A_1330, %masked_sort3A_1150, %rev3A_1326 : vector<16xi1>, vector<16xi32>
      %ge3A_1333 = arith.cmpf oge, %select_n3A_1328, %select_n3A_1331 : vector<16xf32>
      %select_n3A_1334 = arith.select %ge3A_1333, %select_n3A_1328, %select_n3A_1331 : vector<16xi1>, vector<16xf32>
      %select_n3A_1335 = arith.select %ge3A_1333, %select_n3A_1329, %select_n3A_1332 : vector<16xi1>, vector<16xi32>
      %select_n3A_1336 = arith.select %ge3A_1333, %select_n3A_1331, %select_n3A_1328 : vector<16xi1>, vector<16xf32>
      %select_n3A_1337 = arith.select %ge3A_1333, %select_n3A_1332, %select_n3A_1329 : vector<16xi1>, vector<16xi32>
      %masked_sort3A_1338 = arith.constant dense<true> : vector<16xi1>
      %masked_sort3A_1339, %masked_sort3A_1340, %masked_sort3A_1341 = tpu.sort %select_n3A_1334, %select_n3A_1335 masked %masked_sort3A_1338 {descending = true} : (vector<16xf32>, vector<16xi32>, vector<16xi1>) -> (vector<16xi1>, vector<16xf32>, vector<16xi32>)
      %masked_sort3A_1342 = arith.constant dense<true> : vector<16xi1>
      %masked_sort3A_1343, %masked_sort3A_1344, %masked_sort3A_1345 = tpu.sort %select_n3A_1336, %select_n3A_1337 masked %masked_sort3A_1342 {descending = true} : (vector<16xf32>, vector<16xi32>, vector<16xi1>) -> (vector<16xi1>, vector<16xf32>, vector<16xi32>)
      %rev3A_1346 = arith.constant 15 : i32
      %rev3A_1347 = vector.broadcast %rev3A_1346 : i32 to vector<16xi32>
      %rev3A_1348 = tpu.iota {dimensions = array<i32: 0>} : vector<16xi32>
      %rev3A_1349 = arith.subi %rev3A_1347, %rev3A_1348 : vector<16xi32>
      %rev3A_1350 = tpu.dynamic_gather %masked_sort3A_1266[%rev3A_1349] in [0] : vector<16xf32>, vector<16xi32> -> vector<16xf32>
      %rev3A_1351 = arith.constant 15 : i32
      %rev3A_1352 = vector.broadcast %rev3A_1351 : i32 to vector<16xi32>
      %rev3A_1353 = tpu.iota {dimensions = array<i32: 0>} : vector<16xi32>
      %rev3A_1354 = arith.subi %rev3A_1352, %rev3A_1353 : vector<16xi32>
      %rev3A_1355 = tpu.dynamic_gather %masked_sort3A_1267[%rev3A_1354] in [0] : vector<16xi32>, vector<16xi32> -> vector<16xi32>
      %rev3A_1356 = arith.constant 15 : i32
      %rev3A_1357 = vector.broadcast %rev3A_1356 : i32 to vector<16xi32>
      %rev3A_1358 = tpu.iota {dimensions = array<i32: 0>} : vector<16xi32>
      %rev3A_1359 = arith.subi %rev3A_1357, %rev3A_1358 : vector<16xi32>
      %rev3A_1360 = tpu.dynamic_gather %masked_sort3A_1262[%rev3A_1359] in [0] : vector<16xf32>, vector<16xi32> -> vector<16xf32>
      %rev3A_1361 = arith.constant 15 : i32
      %rev3A_1362 = vector.broadcast %rev3A_1361 : i32 to vector<16xi32>
      %rev3A_1363 = tpu.iota {dimensions = array<i32: 0>} : vector<16xi32>
      %rev3A_1364 = arith.subi %rev3A_1362, %rev3A_1363 : vector<16xi32>
      %rev3A_1365 = tpu.dynamic_gather %masked_sort3A_1263[%rev3A_1364] in [0] : vector<16xi32>, vector<16xi32> -> vector<16xi32>
      %ge3A_1366 = arith.cmpf oge, %masked_sort3A_1223, %rev3A_1350 : vector<16xf32>
      %select_n3A_1367 = arith.select %ge3A_1366, %masked_sort3A_1223, %rev3A_1350 : vector<16xi1>, vector<16xf32>
      %select_n3A_1368 = arith.select %ge3A_1366, %masked_sort3A_1224, %rev3A_1355 : vector<16xi1>, vector<16xi32>
      %ge3A_1369 = arith.cmpf oge, %masked_sort3A_1227, %rev3A_1360 : vector<16xf32>
      %select_n3A_1370 = arith.select %ge3A_1369, %masked_sort3A_1227, %rev3A_1360 : vector<16xi1>, vector<16xf32>
      %select_n3A_1371 = arith.select %ge3A_1369, %masked_sort3A_1228, %rev3A_1365 : vector<16xi1>, vector<16xi32>
      %ge3A_1372 = arith.cmpf oge, %select_n3A_1367, %select_n3A_1370 : vector<16xf32>
      %select_n3A_1373 = arith.select %ge3A_1372, %select_n3A_1367, %select_n3A_1370 : vector<16xi1>, vector<16xf32>
      %select_n3A_1374 = arith.select %ge3A_1372, %select_n3A_1368, %select_n3A_1371 : vector<16xi1>, vector<16xi32>
      %select_n3A_1375 = arith.select %ge3A_1372, %select_n3A_1370, %select_n3A_1367 : vector<16xi1>, vector<16xf32>
      %select_n3A_1376 = arith.select %ge3A_1372, %select_n3A_1371, %select_n3A_1368 : vector<16xi1>, vector<16xi32>
      %masked_sort3A_1377 = arith.constant dense<true> : vector<16xi1>
      %masked_sort3A_1378, %masked_sort3A_1379, %masked_sort3A_1380 = tpu.sort %select_n3A_1373, %select_n3A_1374 masked %masked_sort3A_1377 {descending = true} : (vector<16xf32>, vector<16xi32>, vector<16xi1>) -> (vector<16xi1>, vector<16xf32>, vector<16xi32>)
      %masked_sort3A_1381 = arith.constant dense<true> : vector<16xi1>
      %masked_sort3A_1382, %masked_sort3A_1383, %masked_sort3A_1384 = tpu.sort %select_n3A_1375, %select_n3A_1376 masked %masked_sort3A_1381 {descending = true} : (vector<16xf32>, vector<16xi32>, vector<16xi1>) -> (vector<16xi1>, vector<16xf32>, vector<16xi32>)
      %rev3A_1385 = arith.constant 15 : i32
      %rev3A_1386 = vector.broadcast %rev3A_1385 : i32 to vector<16xi32>
      %rev3A_1387 = tpu.iota {dimensions = array<i32: 0>} : vector<16xi32>
      %rev3A_1388 = arith.subi %rev3A_1386, %rev3A_1387 : vector<16xi32>
      %rev3A_1389 = tpu.dynamic_gather %masked_sort3A_1344[%rev3A_1388] in [0] : vector<16xf32>, vector<16xi32> -> vector<16xf32>
      %rev3A_1390 = arith.constant 15 : i32
      %rev3A_1391 = vector.broadcast %rev3A_1390 : i32 to vector<16xi32>
      %rev3A_1392 = tpu.iota {dimensions = array<i32: 0>} : vector<16xi32>
      %rev3A_1393 = arith.subi %rev3A_1391, %rev3A_1392 : vector<16xi32>
      %rev3A_1394 = tpu.dynamic_gather %masked_sort3A_1345[%rev3A_1393] in [0] : vector<16xi32>, vector<16xi32> -> vector<16xi32>
      %rev3A_1395 = arith.constant 15 : i32
      %rev3A_1396 = vector.broadcast %rev3A_1395 : i32 to vector<16xi32>
      %rev3A_1397 = tpu.iota {dimensions = array<i32: 0>} : vector<16xi32>
      %rev3A_1398 = arith.subi %rev3A_1396, %rev3A_1397 : vector<16xi32>
      %rev3A_1399 = tpu.dynamic_gather %masked_sort3A_1340[%rev3A_1398] in [0] : vector<16xf32>, vector<16xi32> -> vector<16xf32>
      %rev3A_1400 = arith.constant 15 : i32
      %rev3A_1401 = vector.broadcast %rev3A_1400 : i32 to vector<16xi32>
      %rev3A_1402 = tpu.iota {dimensions = array<i32: 0>} : vector<16xi32>
      %rev3A_1403 = arith.subi %rev3A_1401, %rev3A_1402 : vector<16xi32>
      %rev3A_1404 = tpu.dynamic_gather %masked_sort3A_1341[%rev3A_1403] in [0] : vector<16xi32>, vector<16xi32> -> vector<16xi32>
      %ge3A_1405 = arith.cmpf oge, %masked_sort3A_1301, %rev3A_1389 : vector<16xf32>
      %select_n3A_1406 = arith.select %ge3A_1405, %masked_sort3A_1301, %rev3A_1389 : vector<16xi1>, vector<16xf32>
      %select_n3A_1407 = arith.select %ge3A_1405, %masked_sort3A_1302, %rev3A_1394 : vector<16xi1>, vector<16xi32>
      %ge3A_1408 = arith.cmpf oge, %masked_sort3A_1305, %rev3A_1399 : vector<16xf32>
      %select_n3A_1409 = arith.select %ge3A_1408, %masked_sort3A_1305, %rev3A_1399 : vector<16xi1>, vector<16xf32>
      %select_n3A_1410 = arith.select %ge3A_1408, %masked_sort3A_1306, %rev3A_1404 : vector<16xi1>, vector<16xi32>
      %ge3A_1411 = arith.cmpf oge, %select_n3A_1406, %select_n3A_1409 : vector<16xf32>
      %select_n3A_1412 = arith.select %ge3A_1411, %select_n3A_1406, %select_n3A_1409 : vector<16xi1>, vector<16xf32>
      %select_n3A_1413 = arith.select %ge3A_1411, %select_n3A_1407, %select_n3A_1410 : vector<16xi1>, vector<16xi32>
      %select_n3A_1414 = arith.select %ge3A_1411, %select_n3A_1409, %select_n3A_1406 : vector<16xi1>, vector<16xf32>
      %select_n3A_1415 = arith.select %ge3A_1411, %select_n3A_1410, %select_n3A_1407 : vector<16xi1>, vector<16xi32>
      %masked_sort3A_1416 = arith.constant dense<true> : vector<16xi1>
      %masked_sort3A_1417, %masked_sort3A_1418, %masked_sort3A_1419 = tpu.sort %select_n3A_1412, %select_n3A_1413 masked %masked_sort3A_1416 {descending = true} : (vector<16xf32>, vector<16xi32>, vector<16xi1>) -> (vector<16xi1>, vector<16xf32>, vector<16xi32>)
      %masked_sort3A_1420 = arith.constant dense<true> : vector<16xi1>
      %masked_sort3A_1421, %masked_sort3A_1422, %masked_sort3A_1423 = tpu.sort %select_n3A_1414, %select_n3A_1415 masked %masked_sort3A_1420 {descending = true} : (vector<16xf32>, vector<16xi32>, vector<16xi1>) -> (vector<16xi1>, vector<16xf32>, vector<16xi32>)
      %rev3A_1424 = arith.constant 15 : i32
      %rev3A_1425 = vector.broadcast %rev3A_1424 : i32 to vector<16xi32>
      %rev3A_1426 = tpu.iota {dimensions = array<i32: 0>} : vector<16xi32>
      %rev3A_1427 = arith.subi %rev3A_1425, %rev3A_1426 : vector<16xi32>
      %rev3A_1428 = tpu.dynamic_gather %masked_sort3A_1422[%rev3A_1427] in [0] : vector<16xf32>, vector<16xi32> -> vector<16xf32>
      %rev3A_1429 = arith.constant 15 : i32
      %rev3A_1430 = vector.broadcast %rev3A_1429 : i32 to vector<16xi32>
      %rev3A_1431 = tpu.iota {dimensions = array<i32: 0>} : vector<16xi32>
      %rev3A_1432 = arith.subi %rev3A_1430, %rev3A_1431 : vector<16xi32>
      %rev3A_1433 = tpu.dynamic_gather %masked_sort3A_1423[%rev3A_1432] in [0] : vector<16xi32>, vector<16xi32> -> vector<16xi32>
      %rev3A_1434 = arith.constant 15 : i32
      %rev3A_1435 = vector.broadcast %rev3A_1434 : i32 to vector<16xi32>
      %rev3A_1436 = tpu.iota {dimensions = array<i32: 0>} : vector<16xi32>
      %rev3A_1437 = arith.subi %rev3A_1435, %rev3A_1436 : vector<16xi32>
      %rev3A_1438 = tpu.dynamic_gather %masked_sort3A_1418[%rev3A_1437] in [0] : vector<16xf32>, vector<16xi32> -> vector<16xf32>
      %rev3A_1439 = arith.constant 15 : i32
      %rev3A_1440 = vector.broadcast %rev3A_1439 : i32 to vector<16xi32>
      %rev3A_1441 = tpu.iota {dimensions = array<i32: 0>} : vector<16xi32>
      %rev3A_1442 = arith.subi %rev3A_1440, %rev3A_1441 : vector<16xi32>
      %rev3A_1443 = tpu.dynamic_gather %masked_sort3A_1419[%rev3A_1442] in [0] : vector<16xi32>, vector<16xi32> -> vector<16xi32>
      %ge3A_1444 = arith.cmpf oge, %masked_sort3A_1379, %rev3A_1428 : vector<16xf32>
      %select_n3A_1445 = arith.select %ge3A_1444, %masked_sort3A_1379, %rev3A_1428 : vector<16xi1>, vector<16xf32>
      %select_n3A_1446 = arith.select %ge3A_1444, %masked_sort3A_1380, %rev3A_1433 : vector<16xi1>, vector<16xi32>
      %ge3A_1447 = arith.cmpf oge, %masked_sort3A_1383, %rev3A_1438 : vector<16xf32>
      %select_n3A_1448 = arith.select %ge3A_1447, %masked_sort3A_1383, %rev3A_1438 : vector<16xi1>, vector<16xf32>
      %select_n3A_1449 = arith.select %ge3A_1447, %masked_sort3A_1384, %rev3A_1443 : vector<16xi1>, vector<16xi32>
      %ge3A_1450 = arith.cmpf oge, %select_n3A_1445, %select_n3A_1448 : vector<16xf32>
      %select_n3A_1451 = arith.select %ge3A_1450, %select_n3A_1445, %select_n3A_1448 : vector<16xi1>, vector<16xf32>
      %select_n3A_1452 = arith.select %ge3A_1450, %select_n3A_1446, %select_n3A_1449 : vector<16xi1>, vector<16xi32>
      %select_n3A_1453 = arith.select %ge3A_1450, %select_n3A_1448, %select_n3A_1445 : vector<16xi1>, vector<16xf32>
      %select_n3A_1454 = arith.select %ge3A_1450, %select_n3A_1449, %select_n3A_1446 : vector<16xi1>, vector<16xi32>
      %masked_sort3A_1455 = arith.constant dense<true> : vector<16xi1>
      %masked_sort3A_1456, %masked_sort3A_1457, %masked_sort3A_1458 = tpu.sort %select_n3A_1451, %select_n3A_1452 masked %masked_sort3A_1455 {descending = true} : (vector<16xf32>, vector<16xi32>, vector<16xi1>) -> (vector<16xi1>, vector<16xf32>, vector<16xi32>)
      %masked_sort3A_1459 = arith.constant dense<true> : vector<16xi1>
      %masked_sort3A_1460, %masked_sort3A_1461, %masked_sort3A_1462 = tpu.sort %select_n3A_1453, %select_n3A_1454 masked %masked_sort3A_1459 {descending = true} : (vector<16xf32>, vector<16xi32>, vector<16xi1>) -> (vector<16xi1>, vector<16xf32>, vector<16xi32>)
      %swap3A = arith.constant 0 : index
      %swap3A_1463 = tpu.vector_load %arg8[%swap3A] {strides = array<i32>} : memref<32xi32, #tpu.memory_space<vmem>>, vector<16xi32>,
      tpu.vector_store %arg8[%swap3A], %masked_sort3A_1458 {strides = array<i32>} : memref<32xi32, #tpu.memory_space<vmem>>, vector<16xi32>,
      %swap3A_1464 = arith.constant 16 : index
      %swap3A_1465 = tpu.vector_load %arg8[%swap3A_1464] {strides = array<i32>} : memref<32xi32, #tpu.memory_space<vmem>>, vector<16xi32>,
      tpu.vector_store %arg8[%swap3A_1464], %masked_sort3A_1462 {strides = array<i32>} : memref<32xi32, #tpu.memory_space<vmem>>, vector<16xi32>,
      %dma_start3A = arith.constant 0 : i32
      %dma_start3A_1466 = arith.constant 0 : i32
      %dma_start3A_1467 = tpu.memref_slice %arg4[%dma_start3A, %dma_start3A_1466] : memref<100000x128xf32, #tpu.memory_space<hbm>> -> memref<100000x128xf32, #tpu.memory_space<hbm>>
      tpu.enqueue_indirect_dma source(%dma_start3A_1467 : memref<100000x128xf32, #tpu.memory_space<hbm>>) target(%arg9 : memref<32x128xf32, #tpu.memory_space<vmem>>) offsets(%arg8 : memref<32xi32, #tpu.memory_space<vmem>>) semaphore(%arg10 : memref<!tpu.dma_semaphore, #tpu.memory_space<semaphore_mem>>)
      %dma_wait3A = arith.constant 0 : i32
      %dma_wait3A_1468 = arith.constant 0 : i32
      %dma_wait3A_1469 = tpu.memref_slice %arg4[%dma_wait3A, %dma_wait3A_1468] : memref<100000x128xf32, #tpu.memory_space<hbm>> -> memref<100000x128xf32, #tpu.memory_space<hbm>>
      tpu.wait_indirect_dma semaphore(%arg10 : memref<!tpu.dma_semaphore, #tpu.memory_space<semaphore_mem>>) src(%dma_wait3A_1469 : memref<100000x128xf32, #tpu.memory_space<hbm>>) dst(%arg9 : memref<32x128xf32, #tpu.memory_space<vmem>>)
      "tpu.region"() ({
        %run_scoped3A = tpu.sem_alloc : memref<!tpu.dma_semaphore, #tpu.memory_space<semaphore_mem>>
        %dma_start3A_1470 = arith.constant 0 : i32
        %dma_start3A_1471 = arith.constant 0 : i32
        %dma_start3A_1472 = tpu.memref_slice %arg9[%dma_start3A_1470, %dma_start3A_1471] : memref<32x128xf32, #tpu.memory_space<vmem>> -> memref<30x128xf32, #tpu.memory_space<vmem>>
        %dma_start3A_1473 = arith.constant 0 : i32
        %dma_start3A_1474 = arith.constant 0 : i32
        %dma_start3A_1475 = tpu.memref_slice %arg9[%dma_start3A_1473, %dma_start3A_1474] : memref<32x128xf32, #tpu.memory_space<vmem>> -> memref<30x128xf32, #tpu.memory_space<vmem>>
        tpu.enqueue_dma source(%dma_start3A_1475 : memref<30x128xf32, #tpu.memory_space<vmem>>) target(%arg5 : memref<30x128xf32, #tpu.memory_space<hbm>>) target_semaphore(%run_scoped3A : memref<!tpu.dma_semaphore, #tpu.memory_space<semaphore_mem>>)
        %dma_wait3A_1476 = arith.constant 0 : i32
        %dma_wait3A_1477 = arith.constant 0 : i32
        %dma_wait3A_1478 = tpu.memref_slice %arg9[%dma_wait3A_1476, %dma_wait3A_1477] : memref<32x128xf32, #tpu.memory_space<vmem>> -> memref<30x128xf32, #tpu.memory_space<vmem>>
        %dma_wait3A_1479 = arith.constant 0 : i32
        %dma_wait3A_1480 = arith.constant 0 : i32
        %dma_wait3A_1481 = tpu.memref_slice %arg9[%dma_wait3A_1479, %dma_wait3A_1480] : memref<32x128xf32, #tpu.memory_space<vmem>> -> memref<30x128xf32, #tpu.memory_space<vmem>>
        tpu.wait_dma2 semaphore(%run_scoped3A : memref<!tpu.dma_semaphore, #tpu.memory_space<semaphore_mem>>) src(%dma_wait3A_1481 : memref<30x128xf32, #tpu.memory_space<vmem>>) dst(%arg5 : memref<30x128xf32, #tpu.memory_space<hbm>>)
        tpu.yield
      }) : () -> ()
    } else {
    }
    return
  }
}

</mosaic_0001>

<sc_bundles>
// kernel: kernel.4.cloned.1.call-start
scs
__scs_entry_jumppad:
0x0: {  	(pc) =	sbr.rel $0x88, $3  }
0x1: {  	(tag) =	ssettag $0x0;
	lr =	simm.s32 $0x1  }
0x2: {  	[smem:$0x3FA0] =	sst lr;
	_ =	strace $0xD0000000  }
0x3: {  	_ = 	snop  }
0x4: {  	_ = 	snop  }
0x5: {  	_ = 	snop  }
0x6: {  	_ = 	snop  }
0x7: {  	_ = 	snop  }
__scs_overlays_trampoline_lowered:
0x8: {  	[smem:$0x3FAF] =	sst s0  }
0x9: {  	[smem:$0x3FB0] =	sst s1  }
0xa: {  	[smem:$0x3FB1] =	sst s2  }
0xb: {  	[smem:$0x3FB2] =	sst s3  }
0xc: {  	[smem:$0x3FB3] =	sst s4  }
0xd: {  	[smem:$0x3FB4] =	sst s5  }
0xe: {  	[smem:$0x3FB5] =	sst s6  }
0xf: {  	[smem:$0x3FB6] =	sst s7  }
0x10: {  	[smem:$0x3FB7] =	sst s8  }
0x11: {  	[smem:$0x3FB8] =	sst s9;
	s0 =	simm.s32 @!p0 $0x0  }
0x12: {  	s1 =	sld [smem:$0x3F9E];
	s0 =	simm.s32 @p0 $0x1  }
0x13: {  	[smem:$0x3FB9] =	sst s0;
	s0 =	simm.s32 @!p1 $0x0  }
0x14: {  	s2 =	sld [smem:$0x3F9D];
	s0 =	simm.s32 @p1 $0x1  }
0x15: {  	[smem:$0x3FBA] =	sst s0;
	s0 =	simm.s32 @!p2 $0x0  }
0x16: {  	s3 =	sld [smem:$0x3FDB];
	s0 =	simm.s32 @p2 $0x1  }
0x17: {  	s4 =	simm.s32 $0x1BF5;
	[smem:$0x3FBC] =	sst s0  }
0x18: {  	s0 =	sld [smem:$0x3F9F];
	_ =	swait.ge [sflag:s4], $0x0  }
0x19: {  	s7 =	sld [smem:$0x3FA0]  }
0x1a: {  	s8 =	sadd.s32 $0xFFFFE003, lr  }
0x1b: {  	s9 =	sadd.s32 $0xFFFFFEF7, lr;
	s5 =	simm.s32 $0xFFFFFFFF;
	p2 =	slt.u32 s8, $0xFFFFF086  }
0x1c: {  	p1 =	slt.u32 s9, $0xF7A;
	s5 =	simm.s32 @!p2 $0x0  }
0x1d: {  	s5 =	simm.s32 @p1 $0x1;
	p0 =	seq.s32 s7, s2  }
0x1e: {  	s7 =	smul.u32 @!p0 $0xF7A, s2;
	p2 =	seq.s32 @!p0 s5, $0x0  }
0x1f: {  	s9 =	smul.u32 $0xF7A, s1;
	s8 =	simm.s32 @!p0 $0x1BF5;
	p2 =	por !p2, p0  }
0x20: {  	[sflag:s8] =	ssyncset.s32 @!p0 $0xFFFFF086;
	s6 =	sadd.s32 @!p0 s3, s7;
	s7 =	simm.s32 @!p0 $0x108  }
0x21: {  	s3 =	sadd.s32 s3, s9;
	s6 =	sadd.s32 @!p0 $0x88, s6;
	s7 =	simm.s32 @p2 $0x1082  }
0x22: {  	[simem:s7], [sflag:s8] =	dma.local @!p0 [hbm:s6], $0xF7A  }
0x23: {  	s9 =	sor.u32 $0xD0000000, s2;
	s6 =	simm.s32 $0x108;
	_ =	swait.ge @!p0 [sflag:s8], $0x0  }
0x24: {  	s3 =	sadd.s32 $0x88, s3;
	s6 =	simm.s32 @!p1 $0x1082;
	[sflag:s4] =	ssyncset.s32 $0xFFFFF086  }
0x25: {  	[simem:s6], [sflag:s4] =	dma.local [hbm:s3], $0xF7A  }
0x26: {  	[smem:$0x3FA0] =	sst s1;
	(tag) =	ssettag s2;
	_ =	strace s9  }
0x27: {  	s1 =	sld [smem:$0x3FB0]  }
0x28: {  	s2 =	sld [smem:$0x3FB1]  }
0x29: {  	s4 =	sld [smem:$0x3FB3]  }
0x2a: {  	p0 =	seq.s32 s5, $0x0;
	s5 =	sld [smem:$0x3FB4]  }
0x2b: {  	s6 =	sld [smem:$0x3FB5]  }
0x2c: {  	s7 =	sld [smem:$0x3FB6]  }
0x2d: {  	s3 =	simm.s32 $0x108;
	s8 =	sld [smem:$0x3FB7]  }
0x2e: {  	s3 =	simm.s32 @!p0 $0x1082;
	s9 =	sld [smem:$0x3FB8]  }
0x2f: {  	lr =	sadd.s32 s0, s3;
	s0 =	sld [smem:$0x3FAF]  }
0x30: {  	s3 =	sld [smem:$0x3FB2]  }
0x31: {  	[smem:$0x3FBB] =	sst s10  }
0x32: {  	s10 =	sld [smem:$0x3FB9];
	_ =	sdelay $0x3  }
0x33: {  	p0 =	seq.s32 s10, $0x1;
	s10 =	sld [smem:$0x3FBB];
	_ =	sdelay $0x3  }
0x34: {  	[smem:$0x3FBB] =	sst s10  }
0x35: {  	s10 =	sld [smem:$0x3FBA];
	_ =	sdelay $0x3  }
0x36: {  	p1 =	seq.s32 s10, $0x1;
	s10 =	sld [smem:$0x3FBB];
	_ =	sdelay $0x3  }
0x37: {  	[smem:$0x3FBB] =	sst s10  }
0x38: {  	s10 =	sld [smem:$0x3FBC]  }
0x39: {  	_ = 	snop;
	(pc) =	sbr.ind lr, $3  }
0x3a: {  	_ = 	snop  }
0x3b: {  	_ = 	snop  }
0x3c: {  	p2 =	seq.s32 s10, $0x1;
	s10 =	sld [smem:$0x3FBB]  }
0x3d: {  	_ =	shalt  }
0x3e: {  	_ =	shalt  }
0x3f: {  	_ =	shalt  }
0x40: {  	_ =	shalt  }
0x41: {  	_ =	shalt  }
0x42: {  	_ =	shalt  }
0x43: {  	_ =	shalt  }
0x44: {  	_ =	shalt  }
0x45: {  	_ =	shalt  }
0x46: {  	_ =	shalt  }
0x47: {  	_ =	shalt  }
0x48: {  	_ =	shalt  }
0x49: {  	_ =	shalt  }
0x4a: {  	_ =	shalt  }
0x4b: {  	_ =	shalt  }
0x4c: {  	_ =	shalt  }
0x4d: {  	_ =	shalt  }
0x4e: {  	_ =	shalt  }
0x4f: {  	_ =	shalt  }
0x50: {  	_ =	shalt  }
0x51: {  	_ =	shalt  }
0x52: {  	_ =	shalt  }
0x53: {  	_ =	shalt  }
0x54: {  	_ =	shalt  }
0x55: {  	_ =	shalt  }
0x56: {  	_ =	shalt  }
0x57: {  	_ =	shalt  }
0x58: {  	_ =	shalt  }
0x59: {  	_ =	shalt  }
0x5a: {  	_ =	shalt  }
0x5b: {  	_ =	shalt  }
0x5c: {  	_ =	shalt  }
0x5d: {  	_ =	shalt  }
0x5e: {  	_ =	shalt  }
0x5f: {  	_ =	shalt  }
0x60: {  	_ =	shalt  }
0x61: {  	_ =	shalt  }
0x62: {  	_ =	shalt  }
0x63: {  	_ =	shalt  }
0x64: {  	_ =	shalt  }
0x65: {  	_ =	shalt  }
0x66: {  	_ =	shalt  }
0x67: {  	_ =	shalt  }
0x68: {  	_ =	shalt  }
0x69: {  	_ =	shalt  }
0x6a: {  	_ =	shalt  }
0x6b: {  	_ =	shalt  }
0x6c: {  	_ =	shalt  }
0x6d: {  	_ =	shalt  }
0x6e: {  	_ =	shalt  }
0x6f: {  	_ =	shalt  }
0x70: {  	_ =	shalt  }
0x71: {  	_ =	shalt  }
0x72: {  	_ =	shalt  }
0x73: {  	_ =	shalt  }
0x74: {  	_ =	shalt  }
0x75: {  	_ =	shalt  }
0x76: {  	_ =	shalt  }
0x77: {  	_ =	shalt  }
0x78: {  	_ =	shalt  }
0x79: {  	_ =	shalt  }
0x7a: {  	_ =	shalt  }
0x7b: {  	_ =	shalt  }
0x7c: {  	_ =	shalt  }
0x7d: {  	_ =	shalt  }
0x7e: {  	_ =	shalt  }
0x7f: {  	_ =	shalt  }
0x80: {  	_ =	shalt  }
0x81: {  	_ =	shalt  }
0x82: {  	_ =	shalt  }
0x83: {  	_ =	shalt  }
0x84: {  	_ =	shalt  }
0x85: {  	_ =	shalt  }
0x86: {  	_ =	shalt  }
0x87: {  	_ =	shalt  }
.Lfunc_end0:
.L_simem_size_0:
called_computation_lowered:
.L_overlay_start_0:
0x88: {  	s2 =	sld [smem:$0x3FD9]  }
0x89: {  	s3 =	sld [smem:$0x3FFE];
	_ =	sdelay $0x1  }
0x8a: {  	s1 =	srdreg.scid  }
0x8b: {  	s0 =	sand.u32 $0x1, s1  }
0x8c: {  	s17 =	sshll.u32 s0, $0xA;
	s2 =	sadd.s32 s3, s2  }
0x8d: {  	s2 =	sadd.s32 s2, s17  }
0x8e: {  	[smem:$0x3FC7] =	sst s2  }
0x8f: {  	_ = 	snop  }
0x90: {  	s2 =	sld [smem:$0x3FC9];
	(tm) =	ssettm $0x1  }
0x91: {  	s18 =	sld [smem:$0x3FFB];
	_ =	sdelay $0x3  }
0x92: {  	_ =	strace s18  }
0x93: {  	s3 =	sld [smem:$0x3FFC];
	_ =	sdelay $0x3  }
0x94: {  	_ =	strace s3  }
0x95: {  	s3 =	sld [smem:$0x3FFD];
	_ =	sdelay $0x3  }
0x96: {  	_ =	strace s3  }
0x97: {  	_ =	strace $0x8FFFFFFF  }
0x98: {  	s19 =	sld [smem:$0x3FDB];
	_ =	sdelay $0x1  }
0x99: {  	s4 =	simm.s32 $_scs_section_size  }
0x9a: {  	s5 =	simm.s32 $_size__tile_overlayer_lowered;
	s6 =	simm.s32 $_tile_overlayer_lowered  }
0x9b: {  	s22 =	simm.s32 $0x1BFF;
	s21 =	sshll.u32 s6, $0x1;
	s3 =	sadd.s32 s4, s19  }
0x9c: {  	s7 =	simm.s32 $0x0;
	s20 =	sshll.u32 s5, $0x1;
	s5 =	sadd.s32 s21, s3  }
0x9d: {  	[timem:s7], [sflag:s22] =	dma.local [hbm:s5], s20  }
0x9e: {  	_ =	swait.ge [sflag:s22], s20  }
0x9f: {  	s4 =	ssub.s32 $0x0, s20;
	[sflag:s22] =	ssyncset.done $0x0  }
0xa0: {  	[sflag:s22] =	ssyncadd.s32 s4;
	_ =	sdelay $0x1  }
0xa1: {  	s23 =	simm.s32 $0x1B8B  }
0xa2: {  	_ =	swait.ge [sflag:s23], $0x1  }
0xa3: {  	[sflag:s23] =	ssyncset.done $0x0  }
0xa4: {  	s25 =	simm.s32 $0x1B8E;
	s24 =	sld [smem:$0x3FFE];
	[sflag:s23] =	ssyncadd.s32 $0xFFFFFFFF  }
0xa5: {  	s26 =	simm.s32 $execute0_lowered;
	[smem:$0x3FD2] =	sst s25  }
0xa6: {  	s5 =	sshll.u32 s26, $0x1;
	_ =	strace $0x80000046;
	[dreg:$0x1] =	wrdreg $0xFFFFFFFF  }
0xa7: {  	s28 =	simm.s32 $_size_execute0_lowered;
	s3 =	sadd.s32 s3, s5;
	[dreg:$0x0] =	wrdreg $0x0  }
0xa8: {  	s5 =	sshll.u32 s28, $0x1;
	[dreg:$0x2] =	wrdreg s3  }
0xa9: {  	[dreg:$0x3] =	wrdreg s5  }
0xaa: {  	[dreg:$0x4] =	wrdreg $0xC0  }
0xab: {  	_ =	task [dreg:s7], $0x5FFFF  }
0xac: {  	[dreg:$0x1] =	wrdreg $0xFFFFFFFF  }
0xad: {  	[dreg:$0x0] =	wrdreg $0x60  }
0xae: {  	[dreg:$0x2] =	wrdreg s2  }
0xaf: {  	[dreg:$0x3] =	wrdreg s24  }
0xb0: {  	[dreg:$0x4] =	wrdreg $0x9  }
0xb1: {  	_ =	task.clear_ibuf [dreg:s7], $0x5FFFF;
	_ =	strace $0x90000046  }
0xb2: {  	s29 =	simm.s32 $0x9;
	_ =	strace $0x80000048  }
0xb3: {  	_ =	swait.ge [sflag:s29], $0x1  }
0xb4: {  	[sflag:s29] =	ssyncadd.s32 $0xFFFFFFFF  }
0xb5: {  	_ =	strace $0x90000048  }
0xb6: {  	_ =	sfence  }
0xb7: {  	s30 =	sld [smem:$0x0];
	_ =	sdelay $0x2  }
0xb8: {  	s31 =	sshll.u32 s1, $0xD;
	s1 =	sshrl.u32 s1, $0x2  }
0xb9: {  	s3 =	sand.u32 $0x4000, s31;
	s1 =	sadd.s32 s1, s30  }
0xba: {  	s0 =	sor.u32 s3, s0;
	s1 =	sshll.u32 s1, $0x11  }
0xbb: {  	s0 =	sor.u32 s1, s0  }
0xbc: {  	s0 =	sadd.s32 $0x8F2B, s0  }
0xbd: {  	[sflag:s0] =	ssyncadd.remote.s32 $0x1  }
0xbe: {  	_ =	sfence.sel $0xFFFF  }
0xbf: {  	[dreg:$0x0] =	wrdreg $0xFFFFFFFF;
	(pc) =	sbr.abs _section_cstart, $3  }
0xc0: {  	[dreg:$0x1] =	wrdreg $0xFFFFFFFF  }
0xc1: {  	_ =	task.clear_ibuf [dreg:s7], $0x2FFFF;
	_ =	strace $0x9FFFFFFF  }
0xc2: {  	(tm) =	ssettm $0x7FFFFFFF  }
0xc3: {  	_ =	shalt  }
tec
execute0_lowered:
.L_overlay_start_1:
0x0: {  	(tag) =	ssettag $0x1  }
0x1: {  	s1 =	rddreg [dreg:$0x0]  }
0x2: {  	s0 =	rddreg [dreg:$0x1]  }
0x3: {  	s2 =	simm.s32 $0x0;
	s3 =	srdreg.scid;
	s10 =	stileid.u32  }
0x4: {  	s6 =	simm.s32 $0xE20;
	s13 =	simm.s32 $0x80;
	s17 =	simm.s32 $0x1580  }
0x5: {  	s18 =	simm.s32 $0x680;
	s19 =	simm.s32 $0x1600;
	s20 =	simm.s32 $0x700  }
0x6: {  	s21 =	simm.s32 $0x1680;
	s22 =	simm.s32 $0x780;
	s23 =	simm.s32 $0x1700  }
0x7: {  	s24 =	simm.s32 $0x800;
	s28 =	simm.s32 $0x1800;
	s29 =	simm.s32 $0x1  }
0x8: {  	s30 =	simm.s32 $0x2000;
	s31 =	simm.s32 $0x2080;
	[smem:$0x7FF] =	sst s2  }
0x9: {  	s7 =	sadd.s32 $0xC00, s0;
	s12 =	sand.u32 $0x1, s3;
	s4 =	sadd.s32 $0x3E00, s0  }
0xa: {  	s14 =	smul.u32 $0xF80, s10;
	s5 =	sadd.s32 $0x4000, s0;
	p0 =	seq.s32 s10, $0xF  }
0xb: {  	s16 =	smul.u32 $0x900, s10;
	s0 =	simm.s32 $0x0;
	_ =	strace $0x80000047  }
0xc: {  	s8 =	ssub.s32 $0x2, s12;
	s6 =	simm.s32 @!p0 $0xF80;
	p0 =	sne.s32 s12, $0x0  }
.Ltmp0:
0xd: {  	s9 =	sshrl.u32 s8, $0x1;
	s15 =	sadd.s32 $0x9000, s14;
	(pc) =	sbr.rel .LBB2_1-.Ltmp0, $4  }
0xe: {  	v1 =	vlaneseq.u32;
	s12 =	simm.s32 $0x2;
	s11 =	ssub.s32 s8, s9;
	s25 =	sshrl.u32 s15, $0x3  }
0xf: {  	v4 =	vmul.u32 $0xFFFFFFFF, v1;
	s26 =	sshrl.u32 s16, $0x3;
	s8 =	sadd.s32 s7, s25;
	s11 =	smax.u32 s11, $0x1  }
0x10: {  	v2 =	vimm.f32 $-Inf;
	v3 =	vimm.s32 $0x0;
	s25 =	simm.s32 $0x1780;
	[dreg:$0x3] =	wrdreg s8;
	s8 =	sshll.u32 s10, $0x2  }
0x11: {  	v4 =	vadd.s32 $0xF, v4;
	v0 =	vor.u32 s15, v1;
	v1 =	vor.u32 s16, v1;
	s10 =	sadd.s32 s7, s26;
	s26 =	simm.s32 $0x880;
	s9 =	sor.u32 $0x40, s8  }
.LBB2_11:
0x12: {  	s3 =	smov.u32 s9  }
.LBB2_12:
0x13: {  	v5 =	vld [tilespmem:$0x1F00]  }
0x14: {  	v6 =	vld [tilespmem:$0x1F80]  }
0x15: {  	v7 =	vld [tilespmem:$0x1F10]  }
0x16: {  	v8 =	vld [tilespmem:$0x1F90]  }
0x17: {  	v9 =	vld [tilespmem:$0x1F20]  }
0x18: {  	v10 =	vld [tilespmem:$0x1FA0]  }
0x19: {  	v11 =	vld [tilespmem:$0x1F30]  }
0x1a: {  	v12 =	vld [tilespmem:$0x1FB0]  }
0x1b: {  	v13 =	vld [tilespmem:$0x1F40];
	(xrf1) =	vsort.dscd.msk.f32 $0xffff, v5, v6  }
0x1c: {  	v24 =	vld [tilespmem:$0x1F60];
	(xrf1) =	vsort.dscd.msk.f32 $0xffff, v7, v8  }
0x1d: {  	v5 =	vld [tilespmem:$0x1FC0]  }
0x1e: {  	v6 =	vld [tilespmem:$0x1F50];
	(xrf1) =	vsort.dscd.msk.f32 $0xffff, v9, v10  }
0x1f: {  	v7 =	vld [tilespmem:$0x1FD0];
	(xrf1) =	vsort.dscd.msk.f32 $0xffff, v11, v12  }
0x20: {  	v25 =	vld [tilespmem:$0x1FE0]  }
0x21: {  	v26 =	vld [tilespmem:$0x1F70]  }
0x22: {  	v27 =	vld [tilespmem:$0x1FF0]  }
0x23: {  	(xrf1) =	vsort.dscd.msk.f32 $0xffff, v13, v5  }
0x24: {  	(xrf1) =	vsort.dscd.msk.f32 $0xffff, v6, v7;
	_ =	sdelay $0x1  }
0x25: {  	(xrf1) =	vsort.dscd.msk.f32 $0xffff, v24, v25  }
0x26: {  	(xrf1) =	vsort.dscd.msk.f32 $0xffff, v26, v27;
	_ =	sdelay $0x1  }
0x27: {  	v5, v6, _ =	vpop (xrf1)  }
0x28: {  	v7, v28, _ =	vpop (xrf1)  }
0x29: {  	v7 =	vperm.xlane v7, v4  }
0x2a: {  	v29, v30, _ =	vpop (xrf1)  }
0x2b: {  	v8 =	vperm.xlane v28, v4;
	v31, v12, _ =	vpop (xrf1);
	vm0 =	vge.f32 v5, v7  }
0x2c: {  	v32 =	vsel vm0, v5, v7;
	v5 =	vsel vm0, v7, v5;
	v7 =	vperm.xlane v31, v4  }
0x2d: {  	v34 =	vperm.xlane v12, v4;
	v14 =	vsel vm0, v6, v8  }
0x2e: {  	v6 =	vsel vm0, v8, v6;
	(xrf1) =	vsort.dscd.msk.f32 $0xffff, v32, v14;
	vm15 =	vge.f32 v29, v7  }
0x2f: {  	v33, v15, _ =	vpop (xrf1);
	(xrf1) =	vsort.dscd.msk.f32 $0xffff, v5, v6;
	v6 =	vsel vm15, v30, v34  }
0x30: {  	v36, v35, _ =	vpop (xrf1);
	v5 =	vsel vm15, v29, v7  }
0x31: {  	v12 =	vperm.xlane v36, v4  }
0x32: {  	v37, v16, _ =	vpop (xrf1);
	v7 =	vsel vm15, v7, v29;
	v8 =	vsel vm15, v34, v30;
	(xrf1) =	vsort.dscd.msk.f32 $0xffff, v5, v6  }
0x33: {  	vm4 =	vge.f32 v33, v12;
	(xrf1) =	vsort.dscd.msk.f32 $0xffff, v7, v8;
	v7 =	vperm.xlane v35, v4;
	v5, v6, _ =	vpop (xrf1)  }
0x34: {  	v38 =	vsel vm4, v33, v12;
	v5 =	vperm.xlane v5, v4  }
0x35: {  	v40 =	vsel vm4, v12, v33;
	v39 =	vsel vm4, v15, v7;
	v6 =	vperm.xlane v6, v4  }
0x36: {  	v7 =	vsel vm4, v7, v15;
	(xrf1) =	vsort.dscd.msk.f32 $0xffff, v38, v39;
	vm5 =	vge.f32 v37, v5  }
0x37: {  	(xrf1) =	vsort.dscd.msk.f32 $0xffff, v40, v7;
	v7 =	vsel vm5, v37, v5;
	v41 =	vsel vm5, v16, v6  }
0x38: {  	v5 =	vsel vm5, v5, v37;
	v6 =	vsel vm5, v6, v16;
	(xrf1) =	vsort.dscd.msk.f32 $0xffff, v7, v41  }
0x39: {  	(xrf1) =	vsort.dscd.msk.f32 $0xffff, v5, v6;
	_ =	sdelay $0x4  }
0x3a: {  	v5, v6, _ =	vpop (xrf1)  }
0x3b: {  	v7, v8, _ =	vpop (xrf1)  }
0x3c: {  	v42, v43, _ =	vpop (xrf1)  }
0x3d: {  	v11, v12, _ =	vpop (xrf1)  }
0x3e: {  	v9 =	vperm.xlane v42, v4;
	v11 =	vperm.xlane v11, v4;
	_ =	sdelay $0x1  }
0x3f: {  	v10 =	vperm.xlane v43, v4;
	vm1 =	vge.f32 v7, v9;
	v44, v45, _ =	vpop (xrf1);
	vm6 =	vge.f32 v5, v11  }
0x40: {  	v12 =	vperm.xlane v12, v4;
	v7 =	vsel vm1, v7, v9;
	v46, v47, _ =	vpop (xrf1);
	v5 =	vsel vm6, v5, v11  }
0x41: {  	vm2 =	vge.f32 v5, v7;
	v49, v48, _ =	vpop (xrf1)  }
0x42: {  	v8 =	vsel vm1, v8, v10;
	v6 =	vsel vm6, v6, v12;
	v51 =	vsel vm2, v5, v7;
	v50, v17, _ =	vpop (xrf1)  }
0x43: {  	v18 =	vsel vm2, v6, v8;
	v9 =	vperm.xlane v49, v4;
	v12 =	vperm.xlane v50, v4  }
0x44: {  	v5 =	vsel vm2, v7, v5;
	v6 =	vsel vm2, v8, v6;
	v52 =	vperm.xlane v48, v4  }
0x45: {  	v7 =	vperm.xlane v17, v4;
	vm8 =	vge.f32 v46, v9;
	vm7 =	vge.f32 v44, v12  }
0x46: {  	(xrf1) =	vsort.dscd.msk.f32 $0xffff, v51, v18;
	v9 =	vsel vm8, v46, v9;
	v53 =	vsel vm7, v44, v12  }
0x47: {  	v8 =	vsel vm8, v47, v52;
	v7 =	vsel vm7, v45, v7;
	vm9 =	vge.f32 v53, v9  }
0x48: {  	(xrf1) =	vsort.dscd.msk.f32 $0xffff, v5, v6;
	v5 =	vsel vm9, v53, v9;
	v6 =	vsel vm9, v7, v8  }
0x49: {  	v9 =	vsel vm9, v9, v53;
	v7 =	vsel vm9, v8, v7;
	(xrf1) =	vsort.dscd.msk.f32 $0xffff, v5, v6  }
0x4a: {  	(xrf1) =	vsort.dscd.msk.f32 $0xffff, v9, v7;
	_ =	sdelay $0xa  }
0x4b: {  	v5, v6, _ =	vpop (xrf1)  }
0x4c: {  	v7, v8, _ =	vpop (xrf1)  }
0x4d: {  	v54, v10, _ =	vpop (xrf1)  }
0x4e: {  	v55, v56, _ =	vpop (xrf1)  }
0x4f: {  	v9 =	vperm.xlane v54, v4;
	v11 =	vperm.xlane v55, v4  }
0x50: {  	v10 =	vperm.xlane v10, v4  }
0x51: {  	v12 =	vperm.xlane v56, v4;
	vm11 =	vge.f32 v7, v9;
	vm10 =	vge.f32 v5, v11  }
0x52: {  	v7 =	vsel vm11, v7, v9;
	v5 =	vsel vm10, v5, v11  }
0x53: {  	v8 =	vsel vm11, v8, v10;
	v6 =	vsel vm10, v6, v12;
	vm12 =	vge.f32 v5, v7  }
0x54: {  	v9 =	vsel vm12, v5, v7;
	v10 =	vsel vm12, v6, v8  }
0x55: {  	v5 =	vsel vm12, v7, v5;
	v6 =	vsel vm12, v8, v6;
	(xrf1) =	vsort.dscd.msk.f32 $0xffff, v9, v10  }
0x56: {  	(xrf1) =	vsort.dscd.msk.f32 $0xffff, v5, v6;
	_ =	sdelay $0xa  }
0x57: {  	v5 =	vld [tilespmem:$0x2000]  }
0x58: {  	v6 =	vld [tilespmem:$0x2010]  }
0x59: {  	v58 =	vld [tilespmem:$0x2080];
	v7, v57, _ =	vpop (xrf1)  }
0x5a: {  	v61 =	vld [tilespmem:$0x2090];
	v60, v59, _ =	vpop (xrf1)  }
0x5b: {  	v7 =	vperm.xlane v7, v4;
	v10 =	vperm.xlane v60, v4  }
0x5c: {  	v8 =	vperm.xlane v57, v4  }
0x5d: {  	v11 =	vperm.xlane v59, v4;
	vm14 =	vge.f32 v6, v7;
	vm13 =	vge.f32 v5, v10  }
0x5e: {  	v6 =	vsel vm14, v6, v7;
	v5 =	vsel vm13, v5, v10  }
0x5f: {  	v8 =	vsel vm14, v61, v8;
	v7 =	vsel vm13, v58, v11;
	vm15 =	vge.f32 v5, v6  }
0x60: {  	v62 =	vsel vm15, v5, v6;
	v63 =	vsel vm15, v7, v8  }
0x61: {  	(xrf1) =	vsort.dscd.msk.f32 $0xffff, v62, v63  }
0x62: {  	v5 =	vsel vm15, v6, v5;
	v6 =	vsel vm15, v8, v7  }
0x63: {  	(xrf1) =	vsort.dscd.msk.f32 $0xffff, v5, v6;
	_ =	sdelay $0x4  }
0x64: {  	[tilespmem:$0x1F00] =	vst v2  }
0x65: {  	[tilespmem:$0x1F10] =	vst v2  }
0x66: {  	[tilespmem:$0x1F20] =	vst v2  }
0x67: {  	[tilespmem:$0x1F30] =	vst v2  }
0x68: {  	[tilespmem:$0x1F40] =	vst v2  }
0x69: {  	[tilespmem:$0x1F60] =	vst v2  }
0x6a: {  	[tilespmem:$0x1F70] =	vst v2  }
0x6b: {  	[tilespmem:$0x1F50] =	vst v2;
	v5, v6, _ =	vpop (xrf1)  }
0x6c: {  	[tilespmem:$0x2000] =	vst v5  }
0x6d: {  	v5, v7, _ =	vpop (xrf1);
	[tilespmem:$0x2080] =	vst v6  }
0x6e: {  	[tilespmem:$0x2010] =	vst v5  }
0x6f: {  	s7 =	sadd.s32 s4, s3;
	[tilespmem:$0x2090] =	vst v7  }
0x70: {  	[hbm4b:s7+s2] =	stream.linear.scatter [tilespmem:s30], [sflag:$0x2], $0x20, $0x38;
	[tilespmem:$0x2100] =	vst v63  }
0x71: {  	s0 =	sadd.s32 $0x1, s0;
	_ =	swait.ge [sflag:s12], $0x20  }
0x72: {  	p1 =	sne.s32 s0, s11;
	[sflag:s12] =	ssyncset.done $0x0  }
.Ltmp1:
0x73: {  	s16 =	sadd.s32 s5, s3;
	[sflag:s12] =	ssyncadd.s32 $0xFFFFFFE0;
	(pc) =	sbr.rel @!p1 .LBB2_13-.Ltmp1, $4  }
0x74: {  	[hbm4b:s16+s2] =	stream.linear.scatter [tilespmem:s31], [sflag:$0x2], $0x20, $0x38;
	[tilespmem:$0x2100] =	vst v63  }
0x75: {  	_ =	swait.ge [sflag:s12], $0x20  }
0x76: {  	[sflag:s12] =	ssyncset.done $0x0  }
0x77: {  	[sflag:s12] =	ssyncadd.s32 $0xFFFFFFE0  }
.LBB2_1:
0x78: {  	[tilespmem:$0x1F00] =	vst v2  }
0x79: {  	[tilespmem:$0x1F10] =	vst v2  }
0x7a: {  	[tilespmem:$0x1F20] =	vst v2  }
0x7b: {  	[tilespmem:$0x1F30] =	vst v2  }
0x7c: {  	[tilespmem:$0x1F40] =	vst v2  }
0x7d: {  	[tilespmem:$0x1F50] =	vst v2  }
0x7e: {  	[tilespmem:$0x1F60] =	vst v2  }
.Ltmp2:
0x7f: {  	[tilespmem:$0x1F70] =	vst v2;
	(pc) =	sbr.rel @p0 .LBB2_7-.Ltmp2, $4  }
0x80: {  	[tilespmem:$0x2000] =	vst v2  }
0x81: {  	[tilespmem:$0x2010] =	vst v2  }
0x82: {  	[tilespmem:$0x2080] =	vst v3  }
0x83: {  	[tilespmem:$0x2090] =	vst v3  }
0x84: {  	s3 =	simm.s32 $0x0  }
0x85: {  	[tilespmem:s3], [sflag:$0x2] =	stream.linear.gather [hbm4b:s10+s3], $0x900, $0x38;
	[tilespmem:$0x2100] =	vst v63  }
0x86: {  	_ =	swait.ge [sflag:s12], $0x900  }
0x87: {  	[sflag:s12] =	ssyncset.done $0x0  }
0x88: {  	s7 =	simm.s32 $0xF80;
	[sflag:s12] =	ssyncadd.s32 $0xFFFFF700  }
0x89: {  	[tilespmem:s7], [sflag:$0x1] =	stream.indirect.gather [hbm4b:s1+s13], $0x1, s3, s13, $0xb8;
	[tilespmem:$0x2100] =	vst v63  }
0x8a: {  	s14 =	simm.s32 $0x1000  }
0x8b: {  	[tilespmem:s14], [sflag:$0x1] =	stream.indirect.gather [hbm4b:s1+s13], $0x1, s13, s13, $0xb8;
	[tilespmem:$0x2100] =	vst v63  }
0x8c: {  	s16 =	simm.s32 $0x100;
	s15 =	simm.s32 $0x1080  }
0x8d: {  	[tilespmem:s15], [sflag:$0x1] =	stream.indirect.gather [hbm4b:s1+s13], $0x1, s16, s13, $0xb8;
	[tilespmem:$0x2100] =	vst v63  }
0x8e: {  	s15 =	simm.s32 $0x180;
	s16 =	simm.s32 $0x1100  }
0x8f: {  	[tilespmem:s16], [sflag:$0x1] =	stream.indirect.gather [hbm4b:s1+s13], $0x1, s15, s13, $0xb8;
	[tilespmem:$0x2100] =	vst v63  }
0x90: {  	s15 =	simm.s32 $0x200;
	s16 =	simm.s32 $0x1180  }
0x91: {  	[tilespmem:s16], [sflag:$0x1] =	stream.indirect.gather [hbm4b:s1+s13], $0x1, s15, s13, $0xb8;
	[tilespmem:$0x2100] =	vst v63  }
0x92: {  	s15 =	simm.s32 $0x280;
	s16 =	simm.s32 $0x1200  }
0x93: {  	[tilespmem:s16], [sflag:$0x1] =	stream.indirect.gather [hbm4b:s1+s13], $0x1, s15, s13, $0xb8;
	[tilespmem:$0x2100] =	vst v63  }
0x94: {  	s15 =	simm.s32 $0x300;
	s16 =	simm.s32 $0x1280  }
0x95: {  	[tilespmem:s16], [sflag:$0x1] =	stream.indirect.gather [hbm4b:s1+s13], $0x1, s15, s13, $0xb8;
	[tilespmem:$0x2100] =	vst v63  }
0x96: {  	s15 =	simm.s32 $0x380;
	s16 =	simm.s32 $0x1300  }
0x97: {  	[tilespmem:s16], [sflag:$0x1] =	stream.indirect.gather [hbm4b:s1+s13], $0x1, s15, s13, $0xb8;
	[tilespmem:$0x2100] =	vst v63  }
0x98: {  	s15 =	simm.s32 $0x400;
	s16 =	simm.s32 $0x1380  }
0x99: {  	[tilespmem:s16], [sflag:$0x1] =	stream.indirect.gather [hbm4b:s1+s13], $0x1, s15, s13, $0xb8;
	[tilespmem:$0x2100] =	vst v63  }
0x9a: {  	s15 =	simm.s32 $0x480;
	s16 =	simm.s32 $0x1400  }
0x9b: {  	[tilespmem:s16], [sflag:$0x1] =	stream.indirect.gather [hbm4b:s1+s13], $0x1, s15, s13, $0xb8;
	[tilespmem:$0x2100] =	vst v63  }
0x9c: {  	s15 =	simm.s32 $0x500;
	s16 =	simm.s32 $0x1480  }
0x9d: {  	[tilespmem:s16], [sflag:$0x1] =	stream.indirect.gather [hbm4b:s1+s13], $0x1, s15, s13, $0xb8;
	[tilespmem:$0x2100] =	vst v63  }
0x9e: {  	s15 =	simm.s32 $0x580;
	s16 =	simm.s32 $0x1500  }
0x9f: {  	[tilespmem:s16], [sflag:$0x1] =	stream.indirect.gather [hbm4b:s1+s13], $0x1, s15, s13, $0xb8;
	[tilespmem:$0x2100] =	vst v63  }
0xa0: {  	s16 =	simm.s32 $0x600  }
0xa1: {  	[tilespmem:s17], [sflag:$0x1] =	stream.indirect.gather [hbm4b:s1+s13], $0x1, s16, s13, $0xb8;
	[tilespmem:$0x2100] =	vst v63  }
0xa2: {  	_ = 	snop  }
0xa3: {  	[tilespmem:s19], [sflag:$0x1] =	stream.indirect.gather [hbm4b:s1+s13], $0x1, s18, s13, $0xb8;
	[tilespmem:$0x2100] =	vst v63  }
0xa4: {  	_ = 	snop  }
0xa5: {  	[tilespmem:s21], [sflag:$0x1] =	stream.indirect.gather [hbm4b:s1+s13], $0x1, s20, s13, $0xb8;
	[tilespmem:$0x2100] =	vst v63  }
0xa6: {  	_ = 	snop  }
0xa7: {  	[tilespmem:s23], [sflag:$0x1] =	stream.indirect.gather [hbm4b:s1+s13], $0x1, s22, s13, $0xb8;
	[tilespmem:$0x2100] =	vst v63  }
0xa8: {  	_ = 	snop  }
0xa9: {  	[tilespmem:s25], [sflag:$0x1] =	stream.indirect.gather [hbm4b:s1+s13], $0x1, s24, s13, $0xb8;
	[tilespmem:$0x2100] =	vst v63  }
0xaa: {  	_ = 	snop  }
0xab: {  	[tilespmem:s28], [sflag:$0x1] =	stream.indirect.gather [hbm4b:s1+s13], $0x1, s26, s13, $0xb8;
	[tilespmem:$0x2100] =	vst v63  }
0xac: {  	_ =	swait.ge [sflag:s29], $0x80  }
0xad: {  	[sflag:s29] =	ssyncset.done $0x0  }
0xae: {  	[sflag:s29] =	ssyncadd.s32 $0xFFFFFF80  }
0xaf: {  	_ =	swait.ge [sflag:s29], $0x80  }
0xb0: {  	[sflag:s29] =	ssyncset.done $0x0  }
0xb1: {  	[sflag:s29] =	ssyncadd.s32 $0xFFFFFF80  }
0xb2: {  	_ =	swait.ge [sflag:s29], $0x80  }
0xb3: {  	[sflag:s29] =	ssyncset.done $0x0  }
0xb4: {  	[sflag:s29] =	ssyncadd.s32 $0xFFFFFF80  }
0xb5: {  	_ =	swait.ge [sflag:s29], $0x80  }
0xb6: {  	[sflag:s29] =	ssyncset.done $0x0  }
0xb7: {  	[sflag:s29] =	ssyncadd.s32 $0xFFFFFF80  }
0xb8: {  	_ =	swait.ge [sflag:s29], $0x80  }
0xb9: {  	[sflag:s29] =	ssyncset.done $0x0  }
0xba: {  	[sflag:s29] =	ssyncadd.s32 $0xFFFFFF80  }
0xbb: {  	_ =	swait.ge [sflag:s29], $0x80  }
0xbc: {  	[sflag:s29] =	ssyncset.done $0x0  }
0xbd: {  	[sflag:s29] =	ssyncadd.s32 $0xFFFFFF80  }
0xbe: {  	_ =	swait.ge [sflag:s29], $0x80  }
0xbf: {  	[sflag:s29] =	ssyncset.done $0x0  }
0xc0: {  	[sflag:s29] =	ssyncadd.s32 $0xFFFFFF80  }
0xc1: {  	_ =	swait.ge [sflag:s29], $0x80  }
0xc2: {  	[sflag:s29] =	ssyncset.done $0x0  }
0xc3: {  	[sflag:s29] =	ssyncadd.s32 $0xFFFFFF80  }
0xc4: {  	_ =	swait.ge [sflag:s29], $0x80  }
0xc5: {  	[sflag:s29] =	ssyncset.done $0x0  }
0xc6: {  	[sflag:s29] =	ssyncadd.s32 $0xFFFFFF80  }
0xc7: {  	_ =	swait.ge [sflag:s29], $0x80  }
0xc8: {  	[sflag:s29] =	ssyncset.done $0x0  }
0xc9: {  	[sflag:s29] =	ssyncadd.s32 $0xFFFFFF80  }
0xca: {  	_ =	swait.ge [sflag:s29], $0x80  }
0xcb: {  	[sflag:s29] =	ssyncset.done $0x0  }
0xcc: {  	[sflag:s29] =	ssyncadd.s32 $0xFFFFFF80  }
0xcd: {  	_ =	swait.ge [sflag:s29], $0x80  }
0xce: {  	[sflag:s29] =	ssyncset.done $0x0  }
0xcf: {  	[sflag:s29] =	ssyncadd.s32 $0xFFFFFF80  }
0xd0: {  	_ =	swait.ge [sflag:s29], $0x80  }
0xd1: {  	[sflag:s29] =	ssyncset.done $0x0  }
0xd2: {  	[sflag:s29] =	ssyncadd.s32 $0xFFFFFF80  }
0xd3: {  	_ =	swait.ge [sflag:s29], $0x80  }
0xd4: {  	[sflag:s29] =	ssyncset.done $0x0  }
0xd5: {  	[sflag:s29] =	ssyncadd.s32 $0xFFFFFF80  }
0xd6: {  	_ =	swait.ge [sflag:s29], $0x80  }
0xd7: {  	[sflag:s29] =	ssyncset.done $0x0  }
0xd8: {  	[sflag:s29] =	ssyncadd.s32 $0xFFFFFF80  }
0xd9: {  	_ =	swait.ge [sflag:s29], $0x80  }
0xda: {  	[sflag:s29] =	ssyncset.done $0x0  }
0xdb: {  	[sflag:s29] =	ssyncadd.s32 $0xFFFFFF80  }
0xdc: {  	_ =	swait.ge [sflag:s29], $0x80  }
.Ltmp3:
0xdd: {  	[sflag:s29] =	ssyncset.done $0x0;
	(pc) =	sbr.rel .LBB2_3-.Ltmp3, $4  }
0xde: {  	[sflag:s29] =	ssyncadd.s32 $0xFFFFFF80  }
0xdf: {  	_ =	swait.ge [sflag:s29], $0x80  }
0xe0: {  	[sflag:s29] =	ssyncset.done $0x0  }
0xe1: {  	s14 =	simm.s32 $0x0;
	s15 =	simm.f32 $-Inf;
	[sflag:s29] =	ssyncadd.s32 $0xFFFFFF80  }
.LBB2_5:
0xe2: {  	s3 =	sadd.s32 $0x10, s3  }
0xe3: {  	p2 =	seq.s32 s3, $0x900  }
.Ltmp4:
0xe4: {  	_ = 	snop;
	(pc) =	sbr.rel @p2 .LBB2_6-.Ltmp4, $3  }
0xe5: {  	_ =	sdelay $0x1  }
0xe6: {  	p1 =	sgt.s32 s14, $0x70  }
0xe7: {  	s7 =	sadd.s32 $0x10, s7;
	s14 =	simm.s32 @p1 $0x0  }
.LBB2_3:
0xe8: {  	v5 =	vld [tilespmem:s7+$0x0];
	_ =	sdelay $0x4  }
0xe9: {  	vm0 =	vgt.f32 v5, s15  }
0xea: {  	v6 =	vmpcnt.ones.xlane vm0;
	_ =	sdelay $0x1  }
0xeb: {  	(v2sf) =	vpush v6, $0x0;
	_ =	sdelay $0xe  }
0xec: {  	[tilespmem:s14+$0x1F00] =	vst.msk vm0, v5;
	v6 =	vadd.s32 s3, v1;
	s16 =	spop (v2sf)  }
0xed: {  	[tilespmem:s14+$0x1F80] =	vst.msk vm0, v6;
	s14 =	sadd.s32 s14, s16  }
0xee: {  	p1 =	slt.s32 s14, $0x71  }
.Ltmp5:
0xef: {  	_ = 	snop;
	(pc) =	sbr.rel @p1 .LBB2_5-.Ltmp5, $1  }
0xf0: {  	_ =	sdelay $0x3  }
0xf1: {  	v5 =	vld [tilespmem:$0x1F00]  }
0xf2: {  	v6 =	vld [tilespmem:$0x1F80]  }
0xf3: {  	v7 =	vld [tilespmem:$0x1F10]  }
0xf4: {  	v8 =	vld [tilespmem:$0x1F90]  }
0xf5: {  	v9 =	vld [tilespmem:$0x1F20]  }
0xf6: {  	v10 =	vld [tilespmem:$0x1FA0]  }
0xf7: {  	v11 =	vld [tilespmem:$0x1F30]  }
0xf8: {  	v12 =	vld [tilespmem:$0x1FB0]  }
0xf9: {  	v13 =	vld [tilespmem:$0x1F40];
	(xrf1) =	vsort.dscd.msk.f32 $0xffff, v5, v6  }
0xfa: {  	v23 =	vld [tilespmem:$0x1F60];
	(xrf1) =	vsort.dscd.msk.f32 $0xffff, v7, v8  }
0xfb: {  	v5 =	vld [tilespmem:$0x1FC0]  }
0xfc: {  	v6 =	vld [tilespmem:$0x1F50];
	(xrf1) =	vsort.dscd.msk.f32 $0xffff, v9, v10  }
0xfd: {  	v7 =	vld [tilespmem:$0x1FD0];
	(xrf1) =	vsort.dscd.msk.f32 $0xffff, v11, v12  }
0xfe: {  	v24 =	vld [tilespmem:$0x1FE0]  }
0xff: {  	v25 =	vld [tilespmem:$0x1F70]  }
0x100: {  	v26 =	vld [tilespmem:$0x1FF0]  }
0x101: {  	(xrf1) =	vsort.dscd.msk.f32 $0xffff, v13, v5  }
0x102: {  	(xrf1) =	vsort.dscd.msk.f32 $0xffff, v6, v7;
	_ =	sdelay $0x1  }
0x103: {  	(xrf1) =	vsort.dscd.msk.f32 $0xffff, v23, v24  }
0x104: {  	(xrf1) =	vsort.dscd.msk.f32 $0xffff, v25, v26;
	_ =	sdelay $0x1  }
0x105: {  	v5, v6, _ =	vpop (xrf1)  }
0x106: {  	v7, v27, _ =	vpop (xrf1)  }
0x107: {  	v7 =	vperm.xlane v7, v4  }
0x108: {  	v28, v29, _ =	vpop (xrf1)  }
0x109: {  	v8 =	vperm.xlane v27, v4;
	v30, v12, _ =	vpop (xrf1);
	vm0 =	vge.f32 v5, v7  }
0x10a: {  	v31 =	vsel vm0, v5, v7;
	v5 =	vsel vm0, v7, v5;
	v7 =	vperm.xlane v30, v4  }
0x10b: {  	v33 =	vperm.xlane v12, v4;
	v14 =	vsel vm0, v6, v8  }
0x10c: {  	v6 =	vsel vm0, v8, v6;
	(xrf1) =	vsort.dscd.msk.f32 $0xffff, v31, v14;
	vm15 =	vge.f32 v28, v7  }
0x10d: {  	v32, v15, _ =	vpop (xrf1);
	(xrf1) =	vsort.dscd.msk.f32 $0xffff, v5, v6;
	v6 =	vsel vm15, v29, v33  }
0x10e: {  	v35, v34, _ =	vpop (xrf1);
	v5 =	vsel vm15, v28, v7  }
0x10f: {  	v12 =	vperm.xlane v35, v4  }
0x110: {  	v36, v16, _ =	vpop (xrf1);
	v7 =	vsel vm15, v7, v28;
	v8 =	vsel vm15, v33, v29;
	(xrf1) =	vsort.dscd.msk.f32 $0xffff, v5, v6  }
0x111: {  	vm4 =	vge.f32 v32, v12;
	(xrf1) =	vsort.dscd.msk.f32 $0xffff, v7, v8;
	v7 =	vperm.xlane v34, v4;
	v5, v6, _ =	vpop (xrf1)  }
0x112: {  	v37 =	vsel vm4, v32, v12;
	v5 =	vperm.xlane v5, v4  }
0x113: {  	v39 =	vsel vm4, v12, v32;
	v38 =	vsel vm4, v15, v7;
	v6 =	vperm.xlane v6, v4  }
0x114: {  	v7 =	vsel vm4, v7, v15;
	(xrf1) =	vsort.dscd.msk.f32 $0xffff, v37, v38;
	vm5 =	vge.f32 v36, v5  }
0x115: {  	(xrf1) =	vsort.dscd.msk.f32 $0xffff, v39, v7;
	v7 =	vsel vm5, v36, v5;
	v40 =	vsel vm5, v16, v6  }
0x116: {  	v5 =	vsel vm5, v5, v36;
	v6 =	vsel vm5, v6, v16;
	(xrf1) =	vsort.dscd.msk.f32 $0xffff, v7, v40  }
0x117: {  	(xrf1) =	vsort.dscd.msk.f32 $0xffff, v5, v6;
	_ =	sdelay $0x4  }
0x118: {  	v5, v6, _ =	vpop (xrf1)  }
0x119: {  	v7, v8, _ =	vpop (xrf1)  }
0x11a: {  	v41, v42, _ =	vpop (xrf1)  }
0x11b: {  	v11, v12, _ =	vpop (xrf1)  }
0x11c: {  	v9 =	vperm.xlane v41, v4;
	v11 =	vperm.xlane v11, v4;
	_ =	sdelay $0x1  }
0x11d: {  	v10 =	vperm.xlane v42, v4;
	vm1 =	vge.f32 v7, v9;
	v43, v44, _ =	vpop (xrf1);
	vm6 =	vge.f32 v5, v11  }
0x11e: {  	v12 =	vperm.xlane v12, v4;
	v7 =	vsel vm1, v7, v9;
	v45, v46, _ =	vpop (xrf1);
	v5 =	vsel vm6, v5, v11  }
0x11f: {  	vm2 =	vge.f32 v5, v7;
	v48, v47, _ =	vpop (xrf1)  }
0x120: {  	v8 =	vsel vm1, v8, v10;
	v6 =	vsel vm6, v6, v12;
	v50 =	vsel vm2, v5, v7;
	v49, v17, _ =	vpop (xrf1)  }
0x121: {  	v18 =	vsel vm2, v6, v8;
	v9 =	vperm.xlane v48, v4;
	v12 =	vperm.xlane v49, v4  }
0x122: {  	v5 =	vsel vm2, v7, v5;
	v6 =	vsel vm2, v8, v6;
	v51 =	vperm.xlane v47, v4  }
0x123: {  	v7 =	vperm.xlane v17, v4;
	vm8 =	vge.f32 v45, v9;
	vm7 =	vge.f32 v43, v12  }
0x124: {  	(xrf1) =	vsort.dscd.msk.f32 $0xffff, v50, v18;
	v9 =	vsel vm8, v45, v9;
	v52 =	vsel vm7, v43, v12  }
0x125: {  	v8 =	vsel vm8, v46, v51;
	v7 =	vsel vm7, v44, v7;
	vm9 =	vge.f32 v52, v9  }
0x126: {  	(xrf1) =	vsort.dscd.msk.f32 $0xffff, v5, v6;
	v5 =	vsel vm9, v52, v9;
	v6 =	vsel vm9, v7, v8  }
0x127: {  	v9 =	vsel vm9, v9, v52;
	v7 =	vsel vm9, v8, v7;
	(xrf1) =	vsort.dscd.msk.f32 $0xffff, v5, v6  }
0x128: {  	(xrf1) =	vsort.dscd.msk.f32 $0xffff, v9, v7;
	_ =	sdelay $0xa  }
0x129: {  	v5, v6, _ =	vpop (xrf1)  }
0x12a: {  	v7, v8, _ =	vpop (xrf1)  }
0x12b: {  	v53, v10, _ =	vpop (xrf1)  }
0x12c: {  	v54, v55, _ =	vpop (xrf1)  }
0x12d: {  	v9 =	vperm.xlane v53, v4;
	v11 =	vperm.xlane v54, v4  }
0x12e: {  	v10 =	vperm.xlane v10, v4  }
0x12f: {  	v12 =	vperm.xlane v55, v4;
	vm11 =	vge.f32 v7, v9;
	vm10 =	vge.f32 v5, v11  }
0x130: {  	v7 =	vsel vm11, v7, v9;
	v5 =	vsel vm10, v5, v11  }
0x131: {  	v8 =	vsel vm11, v8, v10;
	v6 =	vsel vm10, v6, v12;
	vm12 =	vge.f32 v5, v7  }
0x132: {  	v9 =	vsel vm12, v5, v7;
	v10 =	vsel vm12, v6, v8  }
0x133: {  	v5 =	vsel vm12, v7, v5;
	v6 =	vsel vm12, v8, v6;
	(xrf1) =	vsort.dscd.msk.f32 $0xffff, v9, v10  }
0x134: {  	(xrf1) =	vsort.dscd.msk.f32 $0xffff, v5, v6;
	_ =	sdelay $0xa  }
0x135: {  	v5 =	vld [tilespmem:$0x2000]  }
0x136: {  	v6 =	vld [tilespmem:$0x2010]  }
0x137: {  	v57 =	vld [tilespmem:$0x2080];
	v7, v56, _ =	vpop (xrf1)  }
0x138: {  	v60 =	vld [tilespmem:$0x2090];
	v59, v58, _ =	vpop (xrf1)  }
0x139: {  	v7 =	vperm.xlane v7, v4;
	v10 =	vperm.xlane v59, v4  }
0x13a: {  	v8 =	vperm.xlane v56, v4  }
0x13b: {  	v11 =	vperm.xlane v58, v4;
	vm14 =	vge.f32 v6, v7;
	vm13 =	vge.f32 v5, v10  }
0x13c: {  	v6 =	vsel vm14, v6, v7;
	v5 =	vsel vm13, v5, v10  }
0x13d: {  	v8 =	vsel vm14, v60, v8;
	v7 =	vsel vm13, v57, v11;
	vm15 =	vge.f32 v5, v6  }
0x13e: {  	v61 =	vsel vm15, v5, v6;
	v62 =	vsel vm15, v7, v8  }
0x13f: {  	v5 =	vsel vm15, v6, v5;
	v6 =	vsel vm15, v8, v7;
	(xrf1) =	vsort.dscd.msk.f32 $0xffff, v61, v62  }
0x140: {  	(xrf1) =	vsort.dscd.msk.f32 $0xffff, v5, v6;
	_ =	sdelay $0xc  }
0x141: {  	v5, v6, _ =	vpop (xrf1)  }
0x142: {  	v7, v8, _ =	vpop (xrf1)  }
0x143: {  	(xrf0) =	vmin.scan.msk.f32 $0xffff, v7;
	_ =	sdelay $0x5  }
0x144: {  	v63, _, _ =	vpop (xrf0)  }
0x145: {  	(v2sf) =	vpush v63, $0xF;
	_ =	sdelay $0x3  }
0x146: {  	[tilespmem:$0x1F00] =	vst v2  }
0x147: {  	[tilespmem:$0x1F10] =	vst v2  }
0x148: {  	[tilespmem:$0x1F20] =	vst v2  }
0x149: {  	[tilespmem:$0x1F30] =	vst v2  }
0x14a: {  	[tilespmem:$0x1F40] =	vst v2  }
0x14b: {  	[tilespmem:$0x1F60] =	vst v2  }
0x14c: {  	[tilespmem:$0x1F70] =	vst v2  }
.Ltmp6:
0x14d: {  	[tilespmem:$0x1F50] =	vst v2;
	(pc) =	sbr.rel .LBB2_5-.Ltmp6, $4  }
0x14e: {  	[tilespmem:$0x2000] =	vst v5  }
0x14f: {  	[tilespmem:$0x2080] =	vst v6  }
0x150: {  	[tilespmem:$0x2010] =	vst v7  }
0x151: {  	[tilespmem:$0x2090] =	vst v8;
	s15 =	spop (v2sf)  }
.LBB2_7:
0x152: {  	s7 =	simm.s32 $0x0;
	s3 =	rddreg [dreg:$0x3]  }
0x153: {  	[tilespmem:s7], [sflag:$0x2] =	stream.linear.gather [hbm4b:s3+s7], $0xF80, $0x38;
	[tilespmem:$0x2100] =	vst v63  }
0x154: {  	_ =	swait.ge [sflag:s12], $0xF80  }
0x155: {  	[sflag:s12] =	ssyncset.done $0x0  }
0x156: {  	s3 =	simm.s32 $0xF80;
	[sflag:s12] =	ssyncadd.s32 $0xFFFFF080  }
0x157: {  	[tilespmem:s3], [sflag:$0x1] =	stream.indirect.gather [hbm4b:s1+s13], $0x1, s7, s13, $0xb8;
	[tilespmem:$0x2100] =	vst v63  }
0x158: {  	s14 =	simm.s32 $0x1000  }
0x159: {  	[tilespmem:s14], [sflag:$0x1] =	stream.indirect.gather [hbm4b:s1+s13], $0x1, s13, s13, $0xb8;
	[tilespmem:$0x2100] =	vst v63  }
0x15a: {  	s16 =	simm.s32 $0x100;
	s15 =	simm.s32 $0x1080  }
0x15b: {  	[tilespmem:s15], [sflag:$0x1] =	stream.indirect.gather [hbm4b:s1+s13], $0x1, s16, s13, $0xb8;
	[tilespmem:$0x2100] =	vst v63  }
0x15c: {  	s15 =	simm.s32 $0x180;
	s16 =	simm.s32 $0x1100  }
0x15d: {  	[tilespmem:s16], [sflag:$0x1] =	stream.indirect.gather [hbm4b:s1+s13], $0x1, s15, s13, $0xb8;
	[tilespmem:$0x2100] =	vst v63  }
0x15e: {  	s15 =	simm.s32 $0x200;
	s16 =	simm.s32 $0x1180  }
0x15f: {  	[tilespmem:s16], [sflag:$0x1] =	stream.indirect.gather [hbm4b:s1+s13], $0x1, s15, s13, $0xb8;
	[tilespmem:$0x2100] =	vst v63  }
0x160: {  	s15 =	simm.s32 $0x280;
	s16 =	simm.s32 $0x1200  }
0x161: {  	[tilespmem:s16], [sflag:$0x1] =	stream.indirect.gather [hbm4b:s1+s13], $0x1, s15, s13, $0xb8;
	[tilespmem:$0x2100] =	vst v63  }
0x162: {  	s15 =	simm.s32 $0x300;
	s16 =	simm.s32 $0x1280  }
0x163: {  	[tilespmem:s16], [sflag:$0x1] =	stream.indirect.gather [hbm4b:s1+s13], $0x1, s15, s13, $0xb8;
	[tilespmem:$0x2100] =	vst v63  }
0x164: {  	s15 =	simm.s32 $0x380;
	s16 =	simm.s32 $0x1300  }
0x165: {  	[tilespmem:s16], [sflag:$0x1] =	stream.indirect.gather [hbm4b:s1+s13], $0x1, s15, s13, $0xb8;
	[tilespmem:$0x2100] =	vst v63  }
0x166: {  	s15 =	simm.s32 $0x400;
	s16 =	simm.s32 $0x1380  }
0x167: {  	[tilespmem:s16], [sflag:$0x1] =	stream.indirect.gather [hbm4b:s1+s13], $0x1, s15, s13, $0xb8;
	[tilespmem:$0x2100] =	vst v63  }
0x168: {  	s15 =	simm.s32 $0x480;
	s16 =	simm.s32 $0x1400  }
0x169: {  	[tilespmem:s16], [sflag:$0x1] =	stream.indirect.gather [hbm4b:s1+s13], $0x1, s15, s13, $0xb8;
	[tilespmem:$0x2100] =	vst v63  }
0x16a: {  	s15 =	simm.s32 $0x500;
	s16 =	simm.s32 $0x1480  }
0x16b: {  	[tilespmem:s16], [sflag:$0x1] =	stream.indirect.gather [hbm4b:s1+s13], $0x1, s15, s13, $0xb8;
	[tilespmem:$0x2100] =	vst v63  }
0x16c: {  	s15 =	simm.s32 $0x580;
	s16 =	simm.s32 $0x1500  }
0x16d: {  	[tilespmem:s16], [sflag:$0x1] =	stream.indirect.gather [hbm4b:s1+s13], $0x1, s15, s13, $0xb8;
	[tilespmem:$0x2100] =	vst v63  }
0x16e: {  	s16 =	simm.s32 $0x600  }
0x16f: {  	[tilespmem:s17], [sflag:$0x1] =	stream.indirect.gather [hbm4b:s1+s13], $0x1, s16, s13, $0xb8;
	[tilespmem:$0x2100] =	vst v63  }
0x170: {  	_ = 	snop  }
0x171: {  	[tilespmem:s19], [sflag:$0x1] =	stream.indirect.gather [hbm4b:s1+s13], $0x1, s18, s13, $0xb8;
	[tilespmem:$0x2100] =	vst v63  }
0x172: {  	_ = 	snop  }
0x173: {  	[tilespmem:s21], [sflag:$0x1] =	stream.indirect.gather [hbm4b:s1+s13], $0x1, s20, s13, $0xb8;
	[tilespmem:$0x2100] =	vst v63  }
0x174: {  	_ = 	snop  }
0x175: {  	[tilespmem:s23], [sflag:$0x1] =	stream.indirect.gather [hbm4b:s1+s13], $0x1, s22, s13, $0xb8;
	[tilespmem:$0x2100] =	vst v63  }
0x176: {  	_ = 	snop  }
0x177: {  	[tilespmem:s25], [sflag:$0x1] =	stream.indirect.gather [hbm4b:s1+s13], $0x1, s24, s13, $0xb8;
	[tilespmem:$0x2100] =	vst v63  }
0x178: {  	_ = 	snop  }
0x179: {  	[tilespmem:s28], [sflag:$0x1] =	stream.indirect.gather [hbm4b:s1+s13], $0x1, s26, s13, $0xb8;
	[tilespmem:$0x2100] =	vst v63  }
0x17a: {  	s15 =	simm.s32 $0x900;
	s16 =	simm.s32 $0x1880  }
0x17b: {  	[tilespmem:s16], [sflag:$0x1] =	stream.indirect.gather [hbm4b:s1+s13], $0x1, s15, s13, $0xb8;
	[tilespmem:$0x2100] =	vst v63  }
0x17c: {  	s15 =	simm.s32 $0x980;
	s16 =	simm.s32 $0x1900  }
0x17d: {  	[tilespmem:s16], [sflag:$0x1] =	stream.indirect.gather [hbm4b:s1+s13], $0x1, s15, s13, $0xb8;
	[tilespmem:$0x2100] =	vst v63  }
0x17e: {  	s15 =	simm.s32 $0xA00;
	s16 =	simm.s32 $0x1980  }
0x17f: {  	[tilespmem:s16], [sflag:$0x1] =	stream.indirect.gather [hbm4b:s1+s13], $0x1, s15, s13, $0xb8;
	[tilespmem:$0x2100] =	vst v63  }
0x180: {  	s15 =	simm.s32 $0xA80;
	s16 =	simm.s32 $0x1A00  }
0x181: {  	[tilespmem:s16], [sflag:$0x1] =	stream.indirect.gather [hbm4b:s1+s13], $0x1, s15, s13, $0xb8;
	[tilespmem:$0x2100] =	vst v63  }
0x182: {  	s15 =	simm.s32 $0xB00;
	s16 =	simm.s32 $0x1A80  }
0x183: {  	[tilespmem:s16], [sflag:$0x1] =	stream.indirect.gather [hbm4b:s1+s13], $0x1, s15, s13, $0xb8;
	[tilespmem:$0x2100] =	vst v63  }
0x184: {  	s15 =	simm.s32 $0xB80;
	s16 =	simm.s32 $0x1B00  }
0x185: {  	[tilespmem:s16], [sflag:$0x1] =	stream.indirect.gather [hbm4b:s1+s13], $0x1, s15, s13, $0xb8;
	[tilespmem:$0x2100] =	vst v63  }
0x186: {  	s15 =	simm.s32 $0xC00;
	s16 =	simm.s32 $0x1B80  }
0x187: {  	[tilespmem:s16], [sflag:$0x1] =	stream.indirect.gather [hbm4b:s1+s13], $0x1, s15, s13, $0xb8;
	[tilespmem:$0x2100] =	vst v63  }
0x188: {  	s15 =	simm.s32 $0xC80;
	s16 =	simm.s32 $0x1C00  }
0x189: {  	[tilespmem:s16], [sflag:$0x1] =	stream.indirect.gather [hbm4b:s1+s13], $0x1, s15, s13, $0xb8;
	[tilespmem:$0x2100] =	vst v63  }
0x18a: {  	s15 =	simm.s32 $0xD00;
	s16 =	simm.s32 $0x1C80  }
0x18b: {  	[tilespmem:s16], [sflag:$0x1] =	stream.indirect.gather [hbm4b:s1+s13], $0x1, s15, s13, $0xb8;
	[tilespmem:$0x2100] =	vst v63  }
0x18c: {  	s15 =	simm.s32 $0xD80;
	s16 =	simm.s32 $0x1D00  }
0x18d: {  	[tilespmem:s16], [sflag:$0x1] =	stream.indirect.gather [hbm4b:s1+s13], $0x1, s15, s13, $0xb8;
	[tilespmem:$0x2100] =	vst v63  }
0x18e: {  	s15 =	simm.s32 $0xE00;
	s16 =	simm.s32 $0x1D80  }
0x18f: {  	[tilespmem:s16], [sflag:$0x1] =	stream.indirect.gather [hbm4b:s1+s13], $0x1, s15, s13, $0xb8;
	[tilespmem:$0x2100] =	vst v63  }
0x190: {  	s15 =	simm.s32 $0xE80;
	s16 =	simm.s32 $0x1E00  }
0x191: {  	[tilespmem:s16], [sflag:$0x1] =	stream.indirect.gather [hbm4b:s1+s13], $0x1, s15, s13, $0xb8;
	[tilespmem:$0x2100] =	vst v63  }
0x192: {  	s15 =	simm.s32 $0xF00;
	s16 =	simm.s32 $0x1E80  }
0x193: {  	[tilespmem:s16], [sflag:$0x1] =	stream.indirect.gather [hbm4b:s1+s13], $0x1, s15, s13, $0xb8;
	[tilespmem:$0x2100] =	vst v63  }
0x194: {  	_ =	swait.ge [sflag:s29], $0x80  }
0x195: {  	[sflag:s29] =	ssyncset.done $0x0  }
0x196: {  	[sflag:s29] =	ssyncadd.s32 $0xFFFFFF80  }
0x197: {  	_ =	swait.ge [sflag:s29], $0x80  }
0x198: {  	[sflag:s29] =	ssyncset.done $0x0  }
0x199: {  	[sflag:s29] =	ssyncadd.s32 $0xFFFFFF80  }
0x19a: {  	_ =	swait.ge [sflag:s29], $0x80  }
0x19b: {  	[sflag:s29] =	ssyncset.done $0x0  }
0x19c: {  	[sflag:s29] =	ssyncadd.s32 $0xFFFFFF80  }
0x19d: {  	_ =	swait.ge [sflag:s29], $0x80  }
0x19e: {  	[sflag:s29] =	ssyncset.done $0x0  }
0x19f: {  	[sflag:s29] =	ssyncadd.s32 $0xFFFFFF80  }
0x1a0: {  	_ =	swait.ge [sflag:s29], $0x80  }
0x1a1: {  	[sflag:s29] =	ssyncset.done $0x0  }
0x1a2: {  	[sflag:s29] =	ssyncadd.s32 $0xFFFFFF80  }
0x1a3: {  	_ =	swait.ge [sflag:s29], $0x80  }
0x1a4: {  	[sflag:s29] =	ssyncset.done $0x0  }
0x1a5: {  	[sflag:s29] =	ssyncadd.s32 $0xFFFFFF80  }
0x1a6: {  	_ =	swait.ge [sflag:s29], $0x80  }
0x1a7: {  	[sflag:s29] =	ssyncset.done $0x0  }
0x1a8: {  	[sflag:s29] =	ssyncadd.s32 $0xFFFFFF80  }
0x1a9: {  	_ =	swait.ge [sflag:s29], $0x80  }
0x1aa: {  	[sflag:s29] =	ssyncset.done $0x0  }
0x1ab: {  	[sflag:s29] =	ssyncadd.s32 $0xFFFFFF80  }
0x1ac: {  	_ =	swait.ge [sflag:s29], $0x80  }
0x1ad: {  	[sflag:s29] =	ssyncset.done $0x0  }
0x1ae: {  	[sflag:s29] =	ssyncadd.s32 $0xFFFFFF80  }
0x1af: {  	_ =	swait.ge [sflag:s29], $0x80  }
0x1b0: {  	[sflag:s29] =	ssyncset.done $0x0  }
0x1b1: {  	[sflag:s29] =	ssyncadd.s32 $0xFFFFFF80  }
0x1b2: {  	_ =	swait.ge [sflag:s29], $0x80  }
0x1b3: {  	[sflag:s29] =	ssyncset.done $0x0  }
0x1b4: {  	[sflag:s29] =	ssyncadd.s32 $0xFFFFFF80  }
0x1b5: {  	_ =	swait.ge [sflag:s29], $0x80  }
0x1b6: {  	[sflag:s29] =	ssyncset.done $0x0  }
0x1b7: {  	[sflag:s29] =	ssyncadd.s32 $0xFFFFFF80  }
0x1b8: {  	_ =	swait.ge [sflag:s29], $0x80  }
0x1b9: {  	[sflag:s29] =	ssyncset.done $0x0  }
0x1ba: {  	[sflag:s29] =	ssyncadd.s32 $0xFFFFFF80  }
0x1bb: {  	_ =	swait.ge [sflag:s29], $0x80  }
0x1bc: {  	[sflag:s29] =	ssyncset.done $0x0  }
0x1bd: {  	[sflag:s29] =	ssyncadd.s32 $0xFFFFFF80  }
0x1be: {  	_ =	swait.ge [sflag:s29], $0x80  }
0x1bf: {  	[sflag:s29] =	ssyncset.done $0x0  }
0x1c0: {  	[sflag:s29] =	ssyncadd.s32 $0xFFFFFF80  }
0x1c1: {  	_ =	swait.ge [sflag:s29], $0x80  }
0x1c2: {  	[sflag:s29] =	ssyncset.done $0x0  }
0x1c3: {  	[sflag:s29] =	ssyncadd.s32 $0xFFFFFF80  }
0x1c4: {  	_ =	swait.ge [sflag:s29], $0x80  }
0x1c5: {  	[sflag:s29] =	ssyncset.done $0x0  }
0x1c6: {  	[sflag:s29] =	ssyncadd.s32 $0xFFFFFF80  }
0x1c7: {  	_ =	swait.ge [sflag:s29], $0x80  }
0x1c8: {  	[sflag:s29] =	ssyncset.done $0x0  }
0x1c9: {  	[sflag:s29] =	ssyncadd.s32 $0xFFFFFF80  }
0x1ca: {  	_ =	swait.ge [sflag:s29], $0x80  }
0x1cb: {  	[sflag:s29] =	ssyncset.done $0x0  }
0x1cc: {  	[sflag:s29] =	ssyncadd.s32 $0xFFFFFF80  }
0x1cd: {  	_ =	swait.ge [sflag:s29], $0x80  }
0x1ce: {  	[sflag:s29] =	ssyncset.done $0x0  }
0x1cf: {  	[sflag:s29] =	ssyncadd.s32 $0xFFFFFF80  }
0x1d0: {  	_ =	swait.ge [sflag:s29], $0x80  }
0x1d1: {  	[sflag:s29] =	ssyncset.done $0x0  }
0x1d2: {  	[sflag:s29] =	ssyncadd.s32 $0xFFFFFF80  }
0x1d3: {  	_ =	swait.ge [sflag:s29], $0x80  }
0x1d4: {  	[sflag:s29] =	ssyncset.done $0x0  }
0x1d5: {  	[sflag:s29] =	ssyncadd.s32 $0xFFFFFF80  }
0x1d6: {  	_ =	swait.ge [sflag:s29], $0x80  }
0x1d7: {  	[sflag:s29] =	ssyncset.done $0x0  }
0x1d8: {  	[sflag:s29] =	ssyncadd.s32 $0xFFFFFF80  }
0x1d9: {  	_ =	swait.ge [sflag:s29], $0x80  }
0x1da: {  	[sflag:s29] =	ssyncset.done $0x0  }
0x1db: {  	[sflag:s29] =	ssyncadd.s32 $0xFFFFFF80  }
0x1dc: {  	_ =	swait.ge [sflag:s29], $0x80  }
0x1dd: {  	[sflag:s29] =	ssyncset.done $0x0  }
0x1de: {  	[sflag:s29] =	ssyncadd.s32 $0xFFFFFF80  }
0x1df: {  	_ =	swait.ge [sflag:s29], $0x80  }
0x1e0: {  	[sflag:s29] =	ssyncset.done $0x0  }
0x1e1: {  	[sflag:s29] =	ssyncadd.s32 $0xFFFFFF80  }
0x1e2: {  	_ =	swait.ge [sflag:s29], $0x80  }
0x1e3: {  	[sflag:s29] =	ssyncset.done $0x0  }
0x1e4: {  	[sflag:s29] =	ssyncadd.s32 $0xFFFFFF80  }
0x1e5: {  	_ =	swait.ge [sflag:s29], $0x80  }
0x1e6: {  	[sflag:s29] =	ssyncset.done $0x0  }
0x1e7: {  	[sflag:s29] =	ssyncadd.s32 $0xFFFFFF80  }
0x1e8: {  	_ =	swait.ge [sflag:s29], $0x80  }
0x1e9: {  	[sflag:s29] =	ssyncset.done $0x0  }
0x1ea: {  	[sflag:s29] =	ssyncadd.s32 $0xFFFFFF80  }
0x1eb: {  	_ =	swait.ge [sflag:s29], $0x80  }
.Ltmp7:
0x1ec: {  	[sflag:s29] =	ssyncset.done $0x0;
	(pc) =	sbr.rel .LBB2_8-.Ltmp7, $4  }
0x1ed: {  	[sflag:s29] =	ssyncadd.s32 $0xFFFFFF80  }
0x1ee: {  	_ =	swait.ge [sflag:s29], $0x80  }
0x1ef: {  	[sflag:s29] =	ssyncset.done $0x0  }
0x1f0: {  	s14 =	simm.s32 $0x0;
	s15 =	simm.f32 $-Inf;
	[sflag:s29] =	ssyncadd.s32 $0xFFFFFF80  }
.LBB2_10:
0x1f1: {  	s7 =	sadd.s32 $0x10, s7  }
0x1f2: {  	p2 =	sne.s32 s6, s7  }
.Ltmp8:
0x1f3: {  	_ = 	snop;
	(pc) =	sbr.rel @!p2 .LBB2_11-.Ltmp8, $3  }
0x1f4: {  	_ =	sdelay $0x1  }
0x1f5: {  	p1 =	sgt.s32 s14, $0x70  }
0x1f6: {  	s3 =	sadd.s32 $0x10, s3;
	s14 =	simm.s32 @p1 $0x0  }
.LBB2_8:
0x1f7: {  	v5 =	vld [tilespmem:s3+$0x0];
	_ =	sdelay $0x4  }
0x1f8: {  	vm0 =	vgt.f32 v5, s15  }
0x1f9: {  	v6 =	vmpcnt.ones.xlane vm0;
	_ =	sdelay $0x1  }
0x1fa: {  	(v2sf) =	vpush v6, $0x0;
	_ =	sdelay $0xe  }
0x1fb: {  	[tilespmem:s14+$0x1F00] =	vst.msk vm0, v5;
	v6 =	vadd.s32 s7, v0;
	s16 =	spop (v2sf)  }
0x1fc: {  	[tilespmem:s14+$0x1F80] =	vst.msk vm0, v6;
	s14 =	sadd.s32 s14, s16  }
0x1fd: {  	p1 =	slt.s32 s14, $0x71  }
.Ltmp9:
0x1fe: {  	_ = 	snop;
	(pc) =	sbr.rel @p1 .LBB2_10-.Ltmp9, $1  }
0x1ff: {  	_ =	sdelay $0x3  }
0x200: {  	v5 =	vld [tilespmem:$0x1F00]  }
0x201: {  	v6 =	vld [tilespmem:$0x1F80]  }
0x202: {  	v7 =	vld [tilespmem:$0x1F10]  }
0x203: {  	v8 =	vld [tilespmem:$0x1F90]  }
0x204: {  	v9 =	vld [tilespmem:$0x1F20]  }
0x205: {  	v10 =	vld [tilespmem:$0x1FA0]  }
0x206: {  	v11 =	vld [tilespmem:$0x1F30]  }
0x207: {  	v12 =	vld [tilespmem:$0x1FB0]  }
0x208: {  	v13 =	vld [tilespmem:$0x1F40];
	(xrf1) =	vsort.dscd.msk.f32 $0xffff, v5, v6  }
0x209: {  	v23 =	vld [tilespmem:$0x1F60];
	(xrf1) =	vsort.dscd.msk.f32 $0xffff, v7, v8  }
0x20a: {  	v5 =	vld [tilespmem:$0x1FC0]  }
0x20b: {  	v6 =	vld [tilespmem:$0x1F50];
	(xrf1) =	vsort.dscd.msk.f32 $0xffff, v9, v10  }
0x20c: {  	v7 =	vld [tilespmem:$0x1FD0];
	(xrf1) =	vsort.dscd.msk.f32 $0xffff, v11, v12  }
0x20d: {  	v24 =	vld [tilespmem:$0x1FE0]  }
0x20e: {  	v25 =	vld [tilespmem:$0x1F70]  }
0x20f: {  	v26 =	vld [tilespmem:$0x1FF0]  }
0x210: {  	(xrf1) =	vsort.dscd.msk.f32 $0xffff, v13, v5  }
0x211: {  	(xrf1) =	vsort.dscd.msk.f32 $0xffff, v6, v7;
	_ =	sdelay $0x1  }
0x212: {  	(xrf1) =	vsort.dscd.msk.f32 $0xffff, v23, v24  }
0x213: {  	(xrf1) =	vsort.dscd.msk.f32 $0xffff, v25, v26;
	_ =	sdelay $0x1  }
0x214: {  	v5, v6, _ =	vpop (xrf1)  }
0x215: {  	v7, v27, _ =	vpop (xrf1)  }
0x216: {  	v7 =	vperm.xlane v7, v4  }
0x217: {  	v28, v29, _ =	vpop (xrf1)  }
0x218: {  	v8 =	vperm.xlane v27, v4;
	v30, v12, _ =	vpop (xrf1);
	vm0 =	vge.f32 v5, v7  }
0x219: {  	v31 =	vsel vm0, v5, v7;
	v5 =	vsel vm0, v7, v5;
	v7 =	vperm.xlane v30, v4  }
0x21a: {  	v33 =	vperm.xlane v12, v4;
	v14 =	vsel vm0, v6, v8  }
0x21b: {  	v6 =	vsel vm0, v8, v6;
	(xrf1) =	vsort.dscd.msk.f32 $0xffff, v31, v14;
	vm15 =	vge.f32 v28, v7  }
0x21c: {  	v32, v15, _ =	vpop (xrf1);
	(xrf1) =	vsort.dscd.msk.f32 $0xffff, v5, v6;
	v6 =	vsel vm15, v29, v33  }
0x21d: {  	v35, v34, _ =	vpop (xrf1);
	v5 =	vsel vm15, v28, v7  }
0x21e: {  	v12 =	vperm.xlane v35, v4  }
0x21f: {  	v36, v16, _ =	vpop (xrf1);
	v7 =	vsel vm15, v7, v28;
	v8 =	vsel vm15, v33, v29;
	(xrf1) =	vsort.dscd.msk.f32 $0xffff, v5, v6  }
0x220: {  	vm4 =	vge.f32 v32, v12;
	(xrf1) =	vsort.dscd.msk.f32 $0xffff, v7, v8;
	v7 =	vperm.xlane v34, v4;
	v5, v6, _ =	vpop (xrf1)  }
0x221: {  	v37 =	vsel vm4, v32, v12;
	v5 =	vperm.xlane v5, v4  }
0x222: {  	v39 =	vsel vm4, v12, v32;
	v38 =	vsel vm4, v15, v7;
	v6 =	vperm.xlane v6, v4  }
0x223: {  	v7 =	vsel vm4, v7, v15;
	(xrf1) =	vsort.dscd.msk.f32 $0xffff, v37, v38;
	vm5 =	vge.f32 v36, v5  }
0x224: {  	(xrf1) =	vsort.dscd.msk.f32 $0xffff, v39, v7;
	v7 =	vsel vm5, v36, v5;
	v40 =	vsel vm5, v16, v6  }
0x225: {  	v5 =	vsel vm5, v5, v36;
	v6 =	vsel vm5, v6, v16;
	(xrf1) =	vsort.dscd.msk.f32 $0xffff, v7, v40  }
0x226: {  	(xrf1) =	vsort.dscd.msk.f32 $0xffff, v5, v6;
	_ =	sdelay $0x4  }
0x227: {  	v5, v6, _ =	vpop (xrf1)  }
0x228: {  	v7, v8, _ =	vpop (xrf1)  }
0x229: {  	v41, v42, _ =	vpop (xrf1)  }
0x22a: {  	v11, v12, _ =	vpop (xrf1)  }
0x22b: {  	v9 =	vperm.xlane v41, v4;
	v11 =	vperm.xlane v11, v4;
	_ =	sdelay $0x1  }
0x22c: {  	v10 =	vperm.xlane v42, v4;
	vm1 =	vge.f32 v7, v9;
	v43, v44, _ =	vpop (xrf1);
	vm6 =	vge.f32 v5, v11  }
0x22d: {  	v12 =	vperm.xlane v12, v4;
	v7 =	vsel vm1, v7, v9;
	v45, v46, _ =	vpop (xrf1);
	v5 =	vsel vm6, v5, v11  }
0x22e: {  	vm2 =	vge.f32 v5, v7;
	v48, v47, _ =	vpop (xrf1)  }
0x22f: {  	v8 =	vsel vm1, v8, v10;
	v6 =	vsel vm6, v6, v12;
	v50 =	vsel vm2, v5, v7;
	v49, v17, _ =	vpop (xrf1)  }
0x230: {  	v18 =	vsel vm2, v6, v8;
	v9 =	vperm.xlane v48, v4;
	v12 =	vperm.xlane v49, v4  }
0x231: {  	v5 =	vsel vm2, v7, v5;
	v6 =	vsel vm2, v8, v6;
	v51 =	vperm.xlane v47, v4  }
0x232: {  	v7 =	vperm.xlane v17, v4;
	vm8 =	vge.f32 v45, v9;
	vm7 =	vge.f32 v43, v12  }
0x233: {  	(xrf1) =	vsort.dscd.msk.f32 $0xffff, v50, v18;
	v9 =	vsel vm8, v45, v9;
	v52 =	vsel vm7, v43, v12  }
0x234: {  	v8 =	vsel vm8, v46, v51;
	v7 =	vsel vm7, v44, v7;
	vm9 =	vge.f32 v52, v9  }
0x235: {  	(xrf1) =	vsort.dscd.msk.f32 $0xffff, v5, v6;
	v5 =	vsel vm9, v52, v9;
	v6 =	vsel vm9, v7, v8  }
0x236: {  	v9 =	vsel vm9, v9, v52;
	v7 =	vsel vm9, v8, v7;
	(xrf1) =	vsort.dscd.msk.f32 $0xffff, v5, v6  }
0x237: {  	(xrf1) =	vsort.dscd.msk.f32 $0xffff, v9, v7;
	_ =	sdelay $0xa  }
0x238: {  	v5, v6, _ =	vpop (xrf1)  }
0x239: {  	v7, v8, _ =	vpop (xrf1)  }
0x23a: {  	v53, v10, _ =	vpop (xrf1)  }
0x23b: {  	v54, v55, _ =	vpop (xrf1)  }
0x23c: {  	v9 =	vperm.xlane v53, v4;
	v11 =	vperm.xlane v54, v4  }
0x23d: {  	v10 =	vperm.xlane v10, v4  }
0x23e: {  	v12 =	vperm.xlane v55, v4;
	vm11 =	vge.f32 v7, v9;
	vm10 =	vge.f32 v5, v11  }
0x23f: {  	v7 =	vsel vm11, v7, v9;
	v5 =	vsel vm10, v5, v11  }
0x240: {  	v8 =	vsel vm11, v8, v10;
	v6 =	vsel vm10, v6, v12;
	vm12 =	vge.f32 v5, v7  }
0x241: {  	v9 =	vsel vm12, v5, v7;
	v10 =	vsel vm12, v6, v8  }
0x242: {  	v5 =	vsel vm12, v7, v5;
	v6 =	vsel vm12, v8, v6;
	(xrf1) =	vsort.dscd.msk.f32 $0xffff, v9, v10  }
0x243: {  	(xrf1) =	vsort.dscd.msk.f32 $0xffff, v5, v6;
	_ =	sdelay $0xa  }
0x244: {  	v5 =	vld [tilespmem:$0x2000]  }
0x245: {  	v6 =	vld [tilespmem:$0x2010]  }
0x246: {  	v57 =	vld [tilespmem:$0x2080];
	v7, v56, _ =	vpop (xrf1)  }
0x247: {  	v60 =	vld [tilespmem:$0x2090];
	v59, v58, _ =	vpop (xrf1)  }
0x248: {  	v7 =	vperm.xlane v7, v4;
	v10 =	vperm.xlane v59, v4  }
0x249: {  	v8 =	vperm.xlane v56, v4  }
0x24a: {  	v11 =	vperm.xlane v58, v4;
	vm14 =	vge.f32 v6, v7;
	vm13 =	vge.f32 v5, v10  }
0x24b: {  	v6 =	vsel vm14, v6, v7;
	v5 =	vsel vm13, v5, v10  }
0x24c: {  	v8 =	vsel vm14, v60, v8;
	v7 =	vsel vm13, v57, v11;
	vm15 =	vge.f32 v5, v6  }
0x24d: {  	v61 =	vsel vm15, v5, v6;
	v62 =	vsel vm15, v7, v8  }
0x24e: {  	v5 =	vsel vm15, v6, v5;
	v6 =	vsel vm15, v8, v7;
	(xrf1) =	vsort.dscd.msk.f32 $0xffff, v61, v62  }
0x24f: {  	(xrf1) =	vsort.dscd.msk.f32 $0xffff, v5, v6;
	_ =	sdelay $0xc  }
0x250: {  	v5, v6, _ =	vpop (xrf1)  }
0x251: {  	v7, v8, _ =	vpop (xrf1)  }
0x252: {  	(xrf0) =	vmin.scan.msk.f32 $0xffff, v7;
	_ =	sdelay $0x5  }
0x253: {  	v63, _, _ =	vpop (xrf0)  }
0x254: {  	(v2sf) =	vpush v63, $0xF;
	_ =	sdelay $0x3  }
0x255: {  	[tilespmem:$0x1F00] =	vst v2  }
0x256: {  	[tilespmem:$0x1F10] =	vst v2  }
0x257: {  	[tilespmem:$0x1F20] =	vst v2  }
0x258: {  	[tilespmem:$0x1F30] =	vst v2  }
0x259: {  	[tilespmem:$0x1F40] =	vst v2  }
0x25a: {  	[tilespmem:$0x1F60] =	vst v2  }
0x25b: {  	[tilespmem:$0x1F70] =	vst v2  }
.Ltmp10:
0x25c: {  	[tilespmem:$0x1F50] =	vst v2;
	(pc) =	sbr.rel .LBB2_10-.Ltmp10, $4  }
0x25d: {  	[tilespmem:$0x2000] =	vst v5  }
0x25e: {  	[tilespmem:$0x2080] =	vst v6  }
0x25f: {  	[tilespmem:$0x2010] =	vst v7  }
0x260: {  	[tilespmem:$0x2090] =	vst v8;
	s15 =	spop (v2sf)  }
.LBB2_6:
.Ltmp11:
0x261: {  	(pc) =	sbr.rel .LBB2_12-.Ltmp11, $2  }
0x262: {  	_ =	sdelay $0x2  }
0x263: {  	s3 =	smov.u32 s8  }
.LBB2_13:
0x264: {  	_ =	sfence.sel $0x180000  }
0x265: {  	[bflag:$0x0] =	sbarrier.arrive $0xFFFF  }
0x266: {  	_ =	strace $0x90000047  }
0x267: {  	s0 =	stileid.u32;
	[bflag:$0x2] =	sbarrier.arrive $0xFFFF  }
0x268: {  	p0 =	sne.s32 s0, $0x0;
	s0 =	rddreg [dreg:$0x2]  }
0x269: {  	s0 =	sadd.s32 @!p0 $0x100000, s0  }
0x26a: {  	[sflag:s0] =	ssyncadd.tile.s32 @!p0 $0x1;
	_ =	shalt  }
.Lfunc_end2:
_tile_overlayer_lowered:
.L_overlay_start_2:
0x26b: {  	(tag) =	ssettag $0x2  }
0x26c: {  	s0 =	rddreg [dreg:$0x0];
	s2 =	stileid.u32  }
0x26d: {  	s1 =	rddreg [dreg:$0x1];
	p0 =	sne.s32 s2, $0x0  }
0x26e: {  	s3 =	rddreg [dreg:$0x2];
	[bflag:$0x3] =	sbarrier.arrive $0xFFFF;
	s2 =	simm.s32 @!p0 $0x1C02  }
0x26f: {  	[timem:s3], [sflag:s2] =	dma.local @!p0 [hbm:s0], s1  }
0x270: {  	s0 =	simm.s32 @!p0 $0x2  }
0x271: {  	_ =	swait.ge @!p0 [sflag:s0], s1  }
0x272: {  	s1 =	ssub.s32 @!p0 $0x0, s1;
	[sflag:s0] =	ssyncset.done @!p0 $0x0  }
0x273: {  	[sflag:s0] =	ssyncadd.s32 @!p0 s1  }
0x274: {  	[bflag:$0x3] =	sbarrier.arrive $0xFFFF  }
0x275: {  	_ =	shalt  }

// kernel: kernel.7.cloned.1.call-start
scs
__scs_entry_jumppad:
0x0: {  	(pc) =	sbr.rel $0x88, $3  }
0x1: {  	(tag) =	ssettag $0x0;
	lr =	simm.s32 $0x1  }
0x2: {  	[smem:$0x3FA0] =	sst lr;
	_ =	strace $0xD0000000  }
0x3: {  	_ = 	snop  }
0x4: {  	_ = 	snop  }
0x5: {  	_ = 	snop  }
0x6: {  	_ = 	snop  }
0x7: {  	_ = 	snop  }
__scs_overlays_trampoline_lowered:
0x8: {  	[smem:$0x3FAF] =	sst s0  }
0x9: {  	[smem:$0x3FB0] =	sst s1  }
0xa: {  	[smem:$0x3FB1] =	sst s2  }
0xb: {  	[smem:$0x3FB2] =	sst s3  }
0xc: {  	[smem:$0x3FB3] =	sst s4  }
0xd: {  	[smem:$0x3FB4] =	sst s5  }
0xe: {  	[smem:$0x3FB5] =	sst s6  }
0xf: {  	[smem:$0x3FB6] =	sst s7  }
0x10: {  	[smem:$0x3FB7] =	sst s8  }
0x11: {  	[smem:$0x3FB8] =	sst s9;
	s0 =	simm.s32 @!p0 $0x0  }
0x12: {  	s1 =	sld [smem:$0x3F9E];
	s0 =	simm.s32 @p0 $0x1  }
0x13: {  	[smem:$0x3FB9] =	sst s0;
	s0 =	simm.s32 @!p1 $0x0  }
0x14: {  	s2 =	sld [smem:$0x3F9D];
	s0 =	simm.s32 @p1 $0x1  }
0x15: {  	[smem:$0x3FBA] =	sst s0;
	s0 =	simm.s32 @!p2 $0x0  }
0x16: {  	s3 =	sld [smem:$0x3FDB];
	s0 =	simm.s32 @p2 $0x1  }
0x17: {  	s4 =	simm.s32 $0x1BF5;
	[smem:$0x3FBC] =	sst s0  }
0x18: {  	s0 =	sld [smem:$0x3F9F];
	_ =	swait.ge [sflag:s4], $0x0  }
0x19: {  	s7 =	sld [smem:$0x3FA0]  }
0x1a: {  	s8 =	sadd.s32 $0xFFFFE003, lr  }
0x1b: {  	s9 =	sadd.s32 $0xFFFFFEF7, lr;
	s5 =	simm.s32 $0xFFFFFFFF;
	p2 =	slt.u32 s8, $0xFFFFF086  }
0x1c: {  	p1 =	slt.u32 s9, $0xF7A;
	s5 =	simm.s32 @!p2 $0x0  }
0x1d: {  	s5 =	simm.s32 @p1 $0x1;
	p0 =	seq.s32 s7, s2  }
0x1e: {  	s7 =	smul.u32 @!p0 $0xF7A, s2;
	p2 =	seq.s32 @!p0 s5, $0x0  }
0x1f: {  	s9 =	smul.u32 $0xF7A, s1;
	s8 =	simm.s32 @!p0 $0x1BF5;
	p2 =	por !p2, p0  }
0x20: {  	[sflag:s8] =	ssyncset.s32 @!p0 $0xFFFFF086;
	s6 =	sadd.s32 @!p0 s3, s7;
	s7 =	simm.s32 @!p0 $0x108  }
0x21: {  	s3 =	sadd.s32 s3, s9;
	s6 =	sadd.s32 @!p0 $0x88, s6;
	s7 =	simm.s32 @p2 $0x1082  }
0x22: {  	[simem:s7], [sflag:s8] =	dma.local @!p0 [hbm:s6], $0xF7A  }
0x23: {  	s9 =	sor.u32 $0xD0000000, s2;
	s6 =	simm.s32 $0x108;
	_ =	swait.ge @!p0 [sflag:s8], $0x0  }
0x24: {  	s3 =	sadd.s32 $0x88, s3;
	s6 =	simm.s32 @!p1 $0x1082;
	[sflag:s4] =	ssyncset.s32 $0xFFFFF086  }
0x25: {  	[simem:s6], [sflag:s4] =	dma.local [hbm:s3], $0xF7A  }
0x26: {  	[smem:$0x3FA0] =	sst s1;
	(tag) =	ssettag s2;
	_ =	strace s9  }
0x27: {  	s1 =	sld [smem:$0x3FB0]  }
0x28: {  	s2 =	sld [smem:$0x3FB1]  }
0x29: {  	s4 =	sld [smem:$0x3FB3]  }
0x2a: {  	p0 =	seq.s32 s5, $0x0;
	s5 =	sld [smem:$0x3FB4]  }
0x2b: {  	s6 =	sld [smem:$0x3FB5]  }
0x2c: {  	s7 =	sld [smem:$0x3FB6]  }
0x2d: {  	s3 =	simm.s32 $0x108;
	s8 =	sld [smem:$0x3FB7]  }
0x2e: {  	s3 =	simm.s32 @!p0 $0x1082;
	s9 =	sld [smem:$0x3FB8]  }
0x2f: {  	lr =	sadd.s32 s0, s3;
	s0 =	sld [smem:$0x3FAF]  }
0x30: {  	s3 =	sld [smem:$0x3FB2]  }
0x31: {  	[smem:$0x3FBB] =	sst s10  }
0x32: {  	s10 =	sld [smem:$0x3FB9];
	_ =	sdelay $0x3  }
0x33: {  	p0 =	seq.s32 s10, $0x1;
	s10 =	sld [smem:$0x3FBB];
	_ =	sdelay $0x3  }
0x34: {  	[smem:$0x3FBB] =	sst s10  }
0x35: {  	s10 =	sld [smem:$0x3FBA];
	_ =	sdelay $0x3  }
0x36: {  	p1 =	seq.s32 s10, $0x1;
	s10 =	sld [smem:$0x3FBB];
	_ =	sdelay $0x3  }
0x37: {  	[smem:$0x3FBB] =	sst s10  }
0x38: {  	s10 =	sld [smem:$0x3FBC]  }
0x39: {  	_ = 	snop;
	(pc) =	sbr.ind lr, $3  }
0x3a: {  	_ = 	snop  }
0x3b: {  	_ = 	snop  }
0x3c: {  	p2 =	seq.s32 s10, $0x1;
	s10 =	sld [smem:$0x3FBB]  }
0x3d: {  	_ =	shalt  }
0x3e: {  	_ =	shalt  }
0x3f: {  	_ =	shalt  }
0x40: {  	_ =	shalt  }
0x41: {  	_ =	shalt  }
0x42: {  	_ =	shalt  }
0x43: {  	_ =	shalt  }
0x44: {  	_ =	shalt  }
0x45: {  	_ =	shalt  }
0x46: {  	_ =	shalt  }
0x47: {  	_ =	shalt  }
0x48: {  	_ =	shalt  }
0x49: {  	_ =	shalt  }
0x4a: {  	_ =	shalt  }
0x4b: {  	_ =	shalt  }
0x4c: {  	_ =	shalt  }
0x4d: {  	_ =	shalt  }
0x4e: {  	_ =	shalt  }
0x4f: {  	_ =	shalt  }
0x50: {  	_ =	shalt  }
0x51: {  	_ =	shalt  }
0x52: {  	_ =	shalt  }
0x53: {  	_ =	shalt  }
0x54: {  	_ =	shalt  }
0x55: {  	_ =	shalt  }
0x56: {  	_ =	shalt  }
0x57: {  	_ =	shalt  }
0x58: {  	_ =	shalt  }
0x59: {  	_ =	shalt  }
0x5a: {  	_ =	shalt  }
0x5b: {  	_ =	shalt  }
0x5c: {  	_ =	shalt  }
0x5d: {  	_ =	shalt  }
0x5e: {  	_ =	shalt  }
0x5f: {  	_ =	shalt  }
0x60: {  	_ =	shalt  }
0x61: {  	_ =	shalt  }
0x62: {  	_ =	shalt  }
0x63: {  	_ =	shalt  }
0x64: {  	_ =	shalt  }
0x65: {  	_ =	shalt  }
0x66: {  	_ =	shalt  }
0x67: {  	_ =	shalt  }
0x68: {  	_ =	shalt  }
0x69: {  	_ =	shalt  }
0x6a: {  	_ =	shalt  }
0x6b: {  	_ =	shalt  }
0x6c: {  	_ =	shalt  }
0x6d: {  	_ =	shalt  }
0x6e: {  	_ =	shalt  }
0x6f: {  	_ =	shalt  }
0x70: {  	_ =	shalt  }
0x71: {  	_ =	shalt  }
0x72: {  	_ =	shalt  }
0x73: {  	_ =	shalt  }
0x74: {  	_ =	shalt  }
0x75: {  	_ =	shalt  }
0x76: {  	_ =	shalt  }
0x77: {  	_ =	shalt  }
0x78: {  	_ =	shalt  }
0x79: {  	_ =	shalt  }
0x7a: {  	_ =	shalt  }
0x7b: {  	_ =	shalt  }
0x7c: {  	_ =	shalt  }
0x7d: {  	_ =	shalt  }
0x7e: {  	_ =	shalt  }
0x7f: {  	_ =	shalt  }
0x80: {  	_ =	shalt  }
0x81: {  	_ =	shalt  }
0x82: {  	_ =	shalt  }
0x83: {  	_ =	shalt  }
0x84: {  	_ =	shalt  }
0x85: {  	_ =	shalt  }
0x86: {  	_ =	shalt  }
0x87: {  	_ =	shalt  }
.Lfunc_end0:
.L_simem_size_0:
called_computation.1_lowered:
.L_overlay_start_0:
0x88: {  	s2 =	sld [smem:$0x3FD9]  }
0x89: {  	s3 =	sld [smem:$0x3FFE];
	_ =	sdelay $0x1  }
0x8a: {  	s1 =	srdreg.scid  }
0x8b: {  	s0 =	sand.u32 $0x1, s1  }
0x8c: {  	s17 =	sshll.u32 s0, $0xA;
	s2 =	sadd.s32 s3, s2  }
0x8d: {  	s2 =	sadd.s32 s2, s17  }
0x8e: {  	[smem:$0x3FC7] =	sst s2  }
0x8f: {  	_ = 	snop  }
0x90: {  	s2 =	sld [smem:$0x3FC9]  }
0x91: {  	s18 =	sld [smem:$0x3FD0];
	(tm) =	ssettm $0x1  }
0x92: {  	s4 =	sld [smem:$0x3FFB];
	_ =	sdelay $0x3  }
0x93: {  	_ =	strace s4  }
0x94: {  	s4 =	sld [smem:$0x3FFC];
	_ =	sdelay $0x3  }
0x95: {  	_ =	strace s4  }
0x96: {  	s4 =	sld [smem:$0x3FFD];
	_ =	sdelay $0x3  }
0x97: {  	_ =	strace s4  }
0x98: {  	_ =	strace $0x8FFFFFFF  }
0x99: {  	s19 =	sld [smem:$0x3FDB];
	_ =	sdelay $0x1  }
0x9a: {  	s5 =	simm.s32 $_scs_section_size  }
0x9b: {  	s6 =	simm.s32 $_size__tile_overlayer_lowered;
	s7 =	simm.s32 $_tile_overlayer_lowered  }
0x9c: {  	s22 =	simm.s32 $0x1BFF;
	s21 =	sshll.u32 s7, $0x1;
	s4 =	sadd.s32 s5, s19  }
0x9d: {  	s8 =	simm.s32 $0x0;
	s20 =	sshll.u32 s6, $0x1;
	s6 =	sadd.s32 s21, s4  }
0x9e: {  	[timem:s8], [sflag:s22] =	dma.local [hbm:s6], s20  }
0x9f: {  	_ =	swait.ge [sflag:s22], s20  }
0xa0: {  	s5 =	ssub.s32 $0x0, s20;
	[sflag:s22] =	ssyncset.done $0x0  }
0xa1: {  	[sflag:s22] =	ssyncadd.s32 s5;
	_ =	sdelay $0x1  }
0xa2: {  	s23 =	simm.s32 $0x1B8B  }
0xa3: {  	_ =	swait.ge [sflag:s23], $0x1  }
0xa4: {  	[sflag:s23] =	ssyncset.done $0x0  }
0xa5: {  	s25 =	simm.s32 $0x1B8E;
	s24 =	sld [smem:$0x3FFE];
	[sflag:s23] =	ssyncadd.s32 $0xFFFFFFFF  }
0xa6: {  	s26 =	simm.s32 $execute0_lowered;
	[smem:$0x3FD2] =	sst s25  }
0xa7: {  	s6 =	sshll.u32 s26, $0x1;
	_ =	strace $0x80000049;
	[dreg:$0x1] =	wrdreg $0xFFFFFFFF  }
0xa8: {  	s28 =	simm.s32 $_size_execute0_lowered;
	s4 =	sadd.s32 s4, s6;
	[dreg:$0x0] =	wrdreg $0x0  }
0xa9: {  	s6 =	sshll.u32 s28, $0x1;
	[dreg:$0x2] =	wrdreg s4  }
0xaa: {  	[dreg:$0x3] =	wrdreg s6  }
0xab: {  	[dreg:$0x4] =	wrdreg $0xC0  }
0xac: {  	_ =	task [dreg:s8], $0x5FFFF  }
0xad: {  	[dreg:$0x1] =	wrdreg $0xFFFFFFFF  }
0xae: {  	[dreg:$0x0] =	wrdreg $0x60  }
0xaf: {  	[dreg:$0x2] =	wrdreg s24  }
0xb0: {  	[dreg:$0x3] =	wrdreg s2  }
0xb1: {  	[dreg:$0x4] =	wrdreg s18  }
0xb2: {  	[dreg:$0x5] =	wrdreg $0x9  }
0xb3: {  	_ =	task.clear_ibuf [dreg:s8], $0x6FFFF;
	_ =	strace $0x90000049  }
0xb4: {  	s29 =	simm.s32 $0x9;
	_ =	strace $0x8000004B  }
0xb5: {  	_ =	swait.ge [sflag:s29], $0x1  }
0xb6: {  	[sflag:s29] =	ssyncadd.s32 $0xFFFFFFFF  }
0xb7: {  	_ =	strace $0x9000004B  }
0xb8: {  	_ =	sfence  }
0xb9: {  	s30 =	sld [smem:$0x0];
	_ =	sdelay $0x2  }
0xba: {  	s31 =	sshll.u32 s1, $0xD;
	s1 =	sshrl.u32 s1, $0x2  }
0xbb: {  	s3 =	sand.u32 $0x4000, s31;
	s1 =	sadd.s32 s1, s30  }
0xbc: {  	s0 =	sor.u32 s3, s0;
	s1 =	sshll.u32 s1, $0x11  }
0xbd: {  	s0 =	sor.u32 s1, s0  }
0xbe: {  	s0 =	sadd.s32 $0x8F2B, s0  }
0xbf: {  	[sflag:s0] =	ssyncadd.remote.s32 $0x1  }
0xc0: {  	_ =	sfence.sel $0xFFFF  }
0xc1: {  	[dreg:$0x0] =	wrdreg $0xFFFFFFFF;
	(pc) =	sbr.abs _section_cstart, $3  }
0xc2: {  	[dreg:$0x1] =	wrdreg $0xFFFFFFFF  }
0xc3: {  	_ =	task.clear_ibuf [dreg:s8], $0x2FFFF;
	_ =	strace $0x9FFFFFFF  }
0xc4: {  	(tm) =	ssettm $0x7FFFFFFF  }
0xc5: {  	_ =	shalt  }
tec
execute0_lowered:
.L_overlay_start_1:
0x0: {  	(tag) =	ssettag $0x1  }
0x1: {  	s0 =	srdreg.scid  }
0x2: {  	s4 =	sand.u32 $0x1, s0;
	s0 =	stileid.u32  }
0x3: {  	s6 =	sshll.u32 s4, $0x4;
	s7 =	ssub.s32 $0x0, s0  }
0x4: {  	p0 =	sne.s32 s6, s7  }
.Ltmp0:
0x5: {  	_ = 	snop;
	(pc) =	sbr.rel @p0 .LBB2_3-.Ltmp0, $4  }
0x6: {  	s5 =	rddreg [dreg:$0x0]  }
0x7: {  	s2 =	rddreg [dreg:$0x1]  }
0x8: {  	s3 =	rddreg [dreg:$0x2]  }
0x9: {  	s1 =	rddreg [dreg:$0x3];
	_ =	strace $0x8000004A  }
0xa: {  	s6 =	ssub.s32 $0x2, s4  }
0xb: {  	s4 =	sadd.s32 $0x3E00, s5;
	v0 =	vlaneseq.u32;
	s5 =	sadd.s32 $0x4000, s5;
	s8 =	simm.s32 $0x2  }
0xc: {  	s9 =	simm.s32 $0x400;
	s10 =	simm.s32 $0x20;
	s7 =	sshrl.u32 s6, $0x1;
	v0 =	vmul.u32 $0xFFFFFFFF, v0  }
0xd: {  	s11 =	simm.s32 $0x800;
	s12 =	simm.s32 $0x880;
	s6 =	ssub.s32 s6, s7  }
0xe: {  	s13 =	simm.s32 $0x1;
	s7 =	simm.s32 $0x0;
	s6 =	smax.u32 s6, $0x1;
	v0 =	vadd.s32 $0xF, v0  }
.LBB2_2:
0xf: {  	[tilespmem:s7], [sflag:$0x2] =	stream.linear.gather [hbm4b:s4+s7], $0x400, $0x38;
	[tilespmem:$0x1880] =	vst v63  }
0x10: {  	_ =	swait.ge [sflag:s8], $0x400  }
0x11: {  	[sflag:s8] =	ssyncset.done $0x0  }
0x12: {  	[sflag:s8] =	ssyncadd.s32 $0xFFFFFC00  }
0x13: {  	[tilespmem:s9], [sflag:$0x2] =	stream.linear.gather [hbm4b:s5+s7], $0x400, $0x38;
	[tilespmem:$0x1880] =	vst v63  }
0x14: {  	_ =	swait.ge [sflag:s8], $0x400  }
0x15: {  	[sflag:s8] =	ssyncset.done $0x0  }
0x16: {  	[sflag:s8] =	ssyncadd.s32 $0xFFFFFC00  }
0x17: {  	v1 =	vld [tilespmem:$0x0]  }
0x18: {  	v2 =	vld [tilespmem:$0x400]  }
0x19: {  	v3 =	vld [tilespmem:$0x10]  }
0x1a: {  	v4 =	vld [tilespmem:$0x410]  }
0x1b: {  	v5 =	vld [tilespmem:$0x20]  }
0x1c: {  	v6 =	vld [tilespmem:$0x420]  }
0x1d: {  	v7 =	vld [tilespmem:$0x30]  }
0x1e: {  	v8 =	vld [tilespmem:$0x430]  }
0x1f: {  	v9 =	vld [tilespmem:$0x40]  }
0x20: {  	v10 =	vld [tilespmem:$0x440]  }
0x21: {  	v11 =	vld [tilespmem:$0x50]  }
0x22: {  	v12 =	vld [tilespmem:$0x450]  }
0x23: {  	v13 =	vld [tilespmem:$0x60]  }
0x24: {  	v14 =	vld [tilespmem:$0x460]  }
0x25: {  	v15 =	vld [tilespmem:$0x70]  }
0x26: {  	v16 =	vld [tilespmem:$0x470]  }
0x27: {  	v17 =	vld [tilespmem:$0x80]  }
0x28: {  	v18 =	vld [tilespmem:$0x480]  }
0x29: {  	v19 =	vld [tilespmem:$0x90]  }
0x2a: {  	v20 =	vld [tilespmem:$0x490]  }
0x2b: {  	v21 =	vld [tilespmem:$0xA0]  }
0x2c: {  	v22 =	vld [tilespmem:$0x4A0]  }
0x2d: {  	v23 =	vld [tilespmem:$0xB0]  }
0x2e: {  	v24 =	vld [tilespmem:$0x4B0]  }
0x2f: {  	v25 =	vld [tilespmem:$0xC0]  }
0x30: {  	v26 =	vld [tilespmem:$0x4C0]  }
0x31: {  	v27 =	vld [tilespmem:$0xD0]  }
0x32: {  	v28 =	vld [tilespmem:$0x4D0]  }
0x33: {  	v29 =	vld [tilespmem:$0xE0]  }
0x34: {  	v30 =	vld [tilespmem:$0x4E0]  }
0x35: {  	v31 =	vld [tilespmem:$0xF0]  }
0x36: {  	v32 =	vld [tilespmem:$0x4F0]  }
0x37: {  	v33 =	vld [tilespmem:$0x100]  }
0x38: {  	v34 =	vld [tilespmem:$0x500]  }
0x39: {  	v35 =	vld [tilespmem:$0x110]  }
0x3a: {  	v36 =	vld [tilespmem:$0x510]  }
0x3b: {  	v37 =	vld [tilespmem:$0x120]  }
0x3c: {  	v38 =	vld [tilespmem:$0x520]  }
0x3d: {  	v39 =	vld [tilespmem:$0x130];
	v7 =	vperm.xlane v7, v0  }
0x3e: {  	v40 =	vld [tilespmem:$0x530];
	v5 =	vperm.xlane v5, v0;
	v8 =	vperm.xlane v8, v0  }
0x3f: {  	v49 =	vld [tilespmem:$0x1E0];
	v6 =	vperm.xlane v6, v0;
	v57 =	vperm.xlane v15, v0  }
0x40: {  	v53 =	vld [tilespmem:$0x5E0];
	v13 =	vperm.xlane v13, v0;
	v14 =	vperm.xlane v14, v0  }
0x41: {  	v15 =	vld [tilespmem:$0x560];
	v59 =	vperm.xlane v23, v0;
	v21 =	vperm.xlane v21, v0  }
0x42: {  	v63 =	vperm.xlane v24, v0;
	v24 =	vperm.xlane v22, v0;
	v22 =	vld [tilespmem:$0x1D0]  }
0x43: {  	v45 =	vperm.xlane v31, v0;
	v54 =	vperm.xlane v39, v0;
	v39 =	vld [tilespmem:$0x220];
	vm0 =	vge.f32 v1, v7  }
0x44: {  	v46 =	vperm.xlane v29, v0;
	vm1 =	vge.f32 v3, v5;
	v1 =	vsel vm0, v1, v7;
	v7 =	vld [tilespmem:$0x140]  }
0x45: {  	v47 =	vperm.xlane v32, v0;
	v48 =	vperm.xlane v30, v0;
	v3 =	vsel vm1, v3, v5;
	v5 =	vld [tilespmem:$0x540]  }
0x46: {  	v55 =	vperm.xlane v37, v0;
	v31 =	vperm.xlane v53, v0;
	v4 =	vsel vm1, v4, v6;
	v6 =	vld [tilespmem:$0x150]  }
0x47: {  	vm11 =	vge.f32 v9, v57;
	vm12 =	vge.f32 v11, v13;
	v2 =	vsel vm0, v2, v8;
	v8 =	vld [tilespmem:$0x550]  }
0x48: {  	vm14 =	vge.f32 v17, v59;
	vm15 =	vge.f32 v19, v21;
	v58 =	vsel vm12, v11, v13;
	v11 =	vld [tilespmem:$0x180]  }
0x49: {  	vm4 =	vge.f32 v25, v45;
	vm5 =	vge.f32 v27, v46;
	v12 =	vsel vm12, v12, v14;
	v14 =	vld [tilespmem:$0x580]  }
0x4a: {  	vm7 =	vge.f32 v33, v54;
	vm8 =	vge.f32 v35, v55;
	v13 =	vsel vm14, v17, v59;
	v17 =	vld [tilespmem:$0x1A0]  }
0x4b: {  	v62 =	vsel vm15, v19, v21;
	v42 =	vsel vm15, v20, v24;
	v21 =	vld [tilespmem:$0x5B0];
	v23 =	vsel vm4, v25, v45  }
0x4c: {  	v19 =	vld [tilespmem:$0x5C0];
	v24 =	vsel vm5, v27, v46;
	v50 =	vsel vm4, v26, v47;
	v51 =	vsel vm5, v28, v48  }
0x4d: {  	v25 =	vld [tilespmem:$0x5D0];
	v29 =	vsel vm7, v33, v54;
	v30 =	vsel vm8, v35, v55;
	vm10 =	vge.f32 v1, v3  }
0x4e: {  	v59 =	vld [tilespmem:$0x200];
	vm2 =	vge.f32 v13, v62;
	vm6 =	vge.f32 v23, v24;
	vm9 =	vge.f32 v29, v30  }
0x4f: {  	v45 =	vld [tilespmem:$0x260];
	v56 =	vsel vm10, v1, v3;
	v41 =	vsel vm10, v2, v4;
	v1 =	vsel vm10, v3, v1  }
0x50: {  	v46 =	vld [tilespmem:$0x660];
	v2 =	vsel vm10, v4, v2;
	v4 =	vsel vm11, v9, v57;
	v43 =	vsel vm2, v13, v62  }
0x51: {  	v48 =	vld [tilespmem:$0x670];
	v13 =	vsel vm2, v62, v13;
	v52 =	vsel vm6, v23, v24;
	v28 =	vsel vm6, v50, v51  }
0x52: {  	v3 =	vld [tilespmem:$0x160];
	v23 =	vsel vm6, v24, v23;
	v37 =	vsel vm9, v29, v30;
	v29 =	vsel vm9, v30, v29  }
0x53: {  	v9 =	vld [tilespmem:$0x570];
	v15 =	vperm.xlane v15, v0;
	(xrf1) =	vsort.dscd.msk.f32 $0xffff, v56, v41;
	vm13 =	vge.f32 v4, v58  }
0x54: {  	v41 =	vsel vm14, v18, v63;
	v18 =	vld [tilespmem:$0x1B0];
	(xrf1) =	vsort.dscd.msk.f32 $0xffff, v1, v2;
	v1 =	vperm.xlane v16, v0  }
0x55: {  	v56 =	vld [tilespmem:$0x1F0];
	v60 =	vsel vm13, v4, v58;
	v4 =	vsel vm13, v58, v4;
	v58 =	vperm.xlane v40, v0  }
0x56: {  	v54 =	vperm.xlane v39, v0;
	v2 =	vld [tilespmem:$0x170];
	v44 =	vsel vm2, v41, v42;
	v1 =	vsel vm11, v10, v1  }
0x57: {  	v55 =	vld [tilespmem:$0x2B0];
	v17 =	vperm.xlane v17, v0;
	v63 =	vsel vm7, v34, v58;
	v61 =	vsel vm13, v1, v12  }
0x58: {  	v16 =	vld [tilespmem:$0x1C0];
	v1 =	vsel vm13, v12, v1;
	v3 =	vperm.xlane v3, v0;
	v9 =	vperm.xlane v9, v0  }
0x59: {  	v62 =	vld [tilespmem:$0x210];
	(xrf1) =	vsort.dscd.msk.f32 $0xffff, v60, v61;
	v60 =	vperm.xlane v38, v0;
	v18 =	vperm.xlane v18, v0  }
0x5a: {  	v10 =	vld [tilespmem:$0x190];
	v30 =	vperm.xlane v56, v0;
	(xrf1) =	vsort.dscd.msk.f32 $0xffff, v4, v1;
	v4 =	vsel vm2, v42, v41  }
0x5b: {  	v57 =	vld [tilespmem:$0x5F0];
	v2 =	vperm.xlane v2, v0;
	vm11 =	vge.f32 v6, v3;
	(xrf1) =	vsort.dscd.msk.f32 $0xffff, v43, v44  }
0x5c: {  	v40 =	vld [tilespmem:$0x620];
	v36 =	vsel vm8, v36, v60;
	v3 =	vsel vm11, v6, v3;
	v8 =	vsel vm11, v8, v15  }
0x5d: {  	v12 =	vld [tilespmem:$0x590];
	v44 =	vperm.xlane v21, v0;
	vm13 =	vge.f32 v11, v18;
	vm4 =	vge.f32 v16, v30  }
0x5e: {  	v61 =	vld [tilespmem:$0x600];
	vm8 =	vge.f32 v62, v54;
	(xrf1) =	vsort.dscd.msk.f32 $0xffff, v13, v4;
	v13 =	vsel vm6, v51, v50  }
0x5f: {  	v38 =	vld [tilespmem:$0x610];
	v34 =	vsel vm9, v63, v36;
	vm10 =	vge.f32 v7, v2;
	vm14 =	vge.f32 v10, v17  }
0x60: {  	v56 =	vld [tilespmem:$0x6B0];
	v11 =	vsel vm13, v11, v18;
	v4 =	vperm.xlane v49, v0;
	v16 =	vsel vm4, v16, v30  }
0x61: {  	v1 =	vld [tilespmem:$0x5A0];
	(xrf1) =	vsort.dscd.msk.f32 $0xffff, v52, v28;
	v2 =	vsel vm10, v7, v2;
	v5 =	vsel vm10, v5, v9  }
0x62: {  	v41 =	vld [tilespmem:$0x230];
	v10 =	vsel vm14, v10, v17;
	v9 =	vperm.xlane v45, v0;
	v17 =	vperm.xlane v46, v0  }
0x63: {  	v42 =	vld [tilespmem:$0x630];
	(xrf1) =	vsort.dscd.msk.f32 $0xffff, v23, v13;
	v23 =	vsel vm9, v36, v63;
	vm12 =	vge.f32 v2, v3  }
0x64: {  	v43 =	vld [tilespmem:$0x240];
	vm15 =	vge.f32 v11, v10;
	vm5 =	vge.f32 v22, v4;
	v13 =	vsel vm8, v62, v54  }
0x65: {  	v15 =	vld [tilespmem:$0x640];
	(xrf1) =	vsort.dscd.msk.f32 $0xffff, v37, v34;
	v63 =	vsel vm12, v2, v3;
	v34 =	vsel vm12, v5, v8  }
0x66: {  	v21 =	vld [tilespmem:$0x280];
	v2 =	vsel vm12, v3, v2;
	v3 =	vsel vm12, v8, v5;
	v1 =	vperm.xlane v1, v0  }
0x67: {  	v60 =	vld [tilespmem:$0x2D0];
	v47 =	vsel vm15, v11, v10;
	v10 =	vsel vm15, v10, v11;
	v4 =	vsel vm5, v22, v4  }
0x68: {  	v49 =	vld [tilespmem:$0x2A0];
	v53 =	vperm.xlane v41, v0;
	(xrf1) =	vsort.dscd.msk.f32 $0xffff, v29, v23;
	vm6 =	vge.f32 v16, v4  }
0x69: {  	v36 =	vld [tilespmem:$0x250];
	(xrf1) =	vsort.dscd.msk.f32 $0xffff, v63, v34;
	v1 =	vsel vm14, v12, v1;
	v50 =	vsel vm6, v16, v4  }
0x6a: {  	v37 =	vld [tilespmem:$0x650];
	v4 =	vsel vm6, v4, v16;
	vm7 =	vge.f32 v59, v53;
	v12 =	vperm.xlane v48, v0  }
0x6b: {  	v41 =	vld [tilespmem:$0x6E0];
	v16 =	vperm.xlane v56, v0;
	(xrf1) =	vsort.dscd.msk.f32 $0xffff, v2, v3;
	v2 =	vsel vm13, v14, v44  }
0x6c: {  	v51 =	vld [tilespmem:$0x6A0];
	v58 =	vsel vm7, v59, v53;
	v14 =	vsel vm15, v2, v1;
	v1 =	vsel vm15, v1, v2  }
0x6d: {  	v46 =	vld [tilespmem:$0x310];
	v2 =	vperm.xlane v57, v0;
	v57 =	vperm.xlane v40, v0;
	vm9 =	vge.f32 v58, v13  }
0x6e: {  	v48 =	vld [tilespmem:$0x320];
	vm11 =	vge.f32 v36, v9;
	(xrf1) =	vsort.dscd.msk.f32 $0xffff, v47, v14;
	v62 =	vsel vm9, v58, v13  }
0x6f: {  	v3 =	vld [tilespmem:$0x270];
	v8 =	vsel vm9, v13, v58;
	v9 =	vsel vm11, v36, v9;
	v37 =	vsel vm11, v37, v17  }
0x70: {  	v11 =	vld [tilespmem:$0x680];
	v13 =	vperm.xlane v41, v0;
	(xrf1) =	vsort.dscd.msk.f32 $0xffff, v10, v1;
	v1 =	vsel vm4, v19, v2  }
0x71: {  	v40 =	vld [tilespmem:$0x2E0];
	v2 =	vsel vm5, v25, v31;
	v6 =	vsel vm8, v38, v57;
	v25 =	vperm.xlane v55, v0  }
0x72: {  	v34 =	vld [tilespmem:$0x690];
	v10 =	vperm.xlane v49, v0;
	v19 =	vperm.xlane v51, v0;
	v52 =	vsel vm6, v1, v2  }
0x73: {  	v14 =	vld [tilespmem:$0x290];
	v1 =	vsel vm6, v2, v1;
	v2 =	vperm.xlane v42, v0;
	v29 =	vperm.xlane v48, v0  }
0x74: {  	v53 =	vld [tilespmem:$0x730];
	(xrf1) =	vsort.dscd.msk.f32 $0xffff, v50, v52;
	v39 =	vperm.xlane v3, v0;
	vm13 =	vge.f32 v21, v25  }
0x75: {  	v49 =	vld [tilespmem:$0x720];
	(xrf1) =	vsort.dscd.msk.f32 $0xffff, v4, v1;
	v61 =	vsel vm7, v61, v2;
	v21 =	vsel vm13, v21, v25  }
0x76: {  	v63 =	vld [tilespmem:$0x6D0];
	v11 =	vsel vm13, v11, v16;
	v30 =	vperm.xlane v40, v0;
	vm8 =	vge.f32 v46, v29  }
0x77: {  	v42 =	vld [tilespmem:$0x2F0];
	v38 =	vsel vm9, v61, v6;
	v6 =	vsel vm9, v6, v61;
	vm10 =	vge.f32 v43, v39  }
0x78: {  	vm14 =	vge.f32 v14, v10;
	v2, v1, _ =	vpop (xrf1);
	(xrf1) =	vsort.dscd.msk.f32 $0xffff, v62, v38;
	v7 =	vsel vm10, v43, v39  }
0x79: {  	v20 =	vld [tilespmem:$0x2C0];
	v36 =	vsel vm10, v15, v12;
	v10 =	vsel vm14, v14, v10;
	v51 =	vsel vm14, v34, v19  }
0x7a: {  	v47 =	vld [tilespmem:$0x710];
	vm5 =	vge.f32 v60, v30;
	v19 =	vperm.xlane v53, v0;
	v14 =	vperm.xlane v49, v0  }
0x7b: {  	v50 =	vld [tilespmem:$0x330];
	v4, v3, _ =	vpop (xrf1);
	(xrf1) =	vsort.dscd.msk.f32 $0xffff, v8, v6;
	vm12 =	vge.f32 v7, v9;
	vm15 =	vge.f32 v21, v10  }
0x7c: {  	v40 =	vld [tilespmem:$0x770];
	v24 =	vperm.xlane v42, v0;
	v23 =	vsel vm5, v60, v30;
	v13 =	vsel vm5, v63, v13  }
0x7d: {  	v44 =	vld [tilespmem:$0x300];
	v42 =	vsel vm8, v46, v29;
	v38 =	vsel vm12, v7, v9;
	v45 =	vsel vm12, v36, v37  }
0x7e: {  	v61 =	vld [tilespmem:$0x760];
	v7 =	vsel vm12, v9, v7;
	v6 =	vsel vm12, v37, v36;
	v52 =	vsel vm15, v21, v10  }
0x7f: {  	v43 =	vld [tilespmem:$0x6F0];
	v54 =	vsel vm15, v11, v51;
	v21 =	vsel vm15, v10, v21;
	v16 =	vsel vm15, v51, v11  }
0x80: {  	v39 =	vld [tilespmem:$0x700];
	v8, v5, _ =	vpop (xrf1);
	v25 =	vperm.xlane v50, v0;
	v14 =	vsel vm8, v47, v14;
	(xrf1) =	vsort.dscd.msk.f32 $0xffff, v38, v45  }
0x81: {  	v63 =	vld [tilespmem:$0x370];
	vm4 =	vge.f32 v20, v24;
	v51 =	vperm.xlane v40, v0;
	v8 =	vperm.xlane v8, v0  }
0x82: {  	v46 =	vld [tilespmem:$0x3B0];
	v12, v9, _ =	vpop (xrf1);
	v5 =	vperm.xlane v5, v0;
	(xrf1) =	vsort.dscd.msk.f32 $0xffff, v7, v6;
	v20 =	vsel vm4, v20, v24  }
0x83: {  	v33 =	vld [tilespmem:$0x340];
	vm7 =	vge.f32 v44, v25;
	v53 =	vperm.xlane v61, v0;
	v12 =	vperm.xlane v12, v0  }
0x84: {  	v59 =	vld [tilespmem:$0x6C0];
	v9 =	vperm.xlane v9, v0;
	v27 =	vperm.xlane v43, v0;
	vm6 =	vge.f32 v20, v23  }
0x85: {  	v56 =	vld [tilespmem:$0x350];
	v25 =	vsel vm7, v44, v25;
	v17 =	vsel vm7, v39, v19;
	vm8 =	vge.f32 v4, v8  }
0x86: {  	v58 =	vld [tilespmem:$0x360];
	v7, v6, _ =	vpop (xrf1);
	(xrf1) =	vsort.dscd.msk.f32 $0xffff, v52, v54;
	v60 =	vsel vm6, v20, v23;
	v20 =	vsel vm6, v23, v20  }
0x87: {  	v41 =	vld [tilespmem:$0x380];
	vm9 =	vge.f32 v25, v42;
	v49 =	vperm.xlane v63, v0;
	v19 =	vperm.xlane v46, v0  }
0x88: {  	v57 =	vld [tilespmem:$0x750];
	vm7 =	vge.f32 v2, v12;
	v4 =	vsel vm8, v4, v8;
	v3 =	vsel vm8, v3, v5  }
0x89: {  	v48 =	vld [tilespmem:$0x3A0];
	v11, v10, _ =	vpop (xrf1);
	(xrf1) =	vsort.dscd.msk.f32 $0xffff, v21, v16;
	v59 =	vsel vm4, v59, v27;
	v45 =	vsel vm9, v25, v42  }
0x8a: {  	v61 =	vld [tilespmem:$0x7F0];
	v47 =	vsel vm9, v17, v14;
	v25 =	vsel vm9, v42, v25;
	v14 =	vsel vm9, v14, v17  }
0x8b: {  	v54 =	vld [tilespmem:$0x7B0];
	v16 =	vperm.xlane v58, v0;
	v2 =	vsel vm7, v2, v12;
	v1 =	vsel vm7, v1, v9  }
0x8c: {  	v52 =	vld [tilespmem:$0x7A0];
	v62 =	vsel vm6, v59, v13;
	v13 =	vsel vm6, v13, v59;
	vm10 =	vge.f32 v33, v49  }
0x8d: {  	v55 =	vld [tilespmem:$0x740];
	vm13 =	vge.f32 v41, v19;
	vm9 =	vge.f32 v2, v4;
	v27, v30, _ =	vpop (xrf1);
	(xrf1) =	vsort.dscd.msk.f32 $0xffff, v60, v62  }
0x8e: {  	v44 =	vld [tilespmem:$0x390];
	vm11 =	vge.f32 v56, v16;
	v15 =	vsel vm10, v33, v49;
	v19 =	vsel vm13, v41, v19  }
0x8f: {  	v58 =	vld [tilespmem:$0x3E0];
	v23, v34, _ =	vpop (xrf1);
	(xrf1) =	vsort.dscd.msk.f32 $0xffff, v20, v13;
	v16 =	vsel vm11, v56, v16;
	v24 =	vsel vm11, v57, v53  }
0x90: {  	v50 =	vld [tilespmem:$0x790];
	v57 =	vperm.xlane v48, v0;
	v20, v31, _ =	vpop (xrf1);
	(xrf1) =	vsort.dscd.msk.f32 $0xffff, v45, v47;
	v26 =	vperm.xlane v54, v0  }
0x91: {  	v43 =	vld [tilespmem:$0x780];
	vm12 =	vge.f32 v15, v16;
	v21 =	vperm.xlane v52, v0;
	v47 =	vperm.xlane v61, v0  }
0x92: {  	v60 =	vld [tilespmem:$0x3F0];
	v54 =	vsel vm9, v2, v4;
	v2 =	vsel vm9, v4, v2;
	v28, v37, _ =	vpop (xrf1);
	(xrf1) =	vsort.dscd.msk.f32 $0xffff, v25, v14  }
0x93: {  	v14 =	vsel vm10, v55, v51;
	v32 =	vsel vm12, v15, v16;
	v15 =	vsel vm12, v16, v15  }
0x94: {  	v56 =	vld [tilespmem:$0x3D0];
	vm14 =	vge.f32 v44, v57;
	v17 =	vperm.xlane v58, v0;
	v58 =	vperm.xlane v27, v0  }
0x95: {  	v59 =	vsel vm12, v14, v24;
	v14 =	vsel vm12, v24, v14;
	v13 =	vsel vm14, v44, v57  }
0x96: {  	v63 =	vld [tilespmem:$0x7E0];
	v40 =	vsel vm13, v43, v26;
	v21 =	vsel vm14, v50, v21;
	v57 =	vperm.xlane v23, v0  }
0x97: {  	v33, v36, _ =	vpop (xrf1);
	(xrf1) =	vsort.dscd.msk.f32 $0xffff, v32, v59;
	vm15 =	vge.f32 v19, v13;
	v24 =	vperm.xlane v60, v0  }
0x98: {  	v55 =	vld [tilespmem:$0x3C0];
	vm11 =	vge.f32 v11, v58;
	v23 =	vperm.xlane v33, v0;
	v42 =	vsel vm15, v19, v13  }
0x99: {  	v41 =	vld [tilespmem:$0x7C0];
	v13 =	vsel vm15, v13, v19;
	v44 =	vsel vm15, v40, v21;
	vm5 =	vge.f32 v56, v17  }
0x9a: {  	v43 =	vld [tilespmem:$0x7D0];
	vm10 =	vge.f32 v7, v57;
	v59 =	vsel vm11, v11, v58;
	v62, v32, _ =	vpop (xrf1);
	(xrf1) =	vsort.dscd.msk.f32 $0xffff, v15, v14  }
0x9b: {  	v15 =	vsel vm15, v21, v40;
	v14 =	vperm.xlane v63, v0;
	v17 =	vsel vm5, v56, v17  }
0x9c: {  	v7 =	vsel vm10, v7, v57;
	vm14 =	vge.f32 v28, v23;
	v46, v45, _ =	vpop (xrf1);
	(xrf1) =	vsort.dscd.msk.f32 $0xffff, v42, v44  }
0x9d: {  	vm4 =	vge.f32 v55, v24;
	vm12 =	vge.f32 v7, v59;
	v60 =	vperm.xlane v62, v0  }
0x9e: {  	v27 =	vperm.xlane v32, v0;
	v19, v29, _ =	vpop (xrf1);
	(xrf1) =	vsort.dscd.msk.f32 $0xffff, v13, v15;
	v48 =	vsel vm4, v55, v24  }
0x9f: {  	v13 =	vsel vm4, v41, v47;
	v14 =	vsel vm5, v43, v14;
	v55 =	vsel vm9, v1, v3  }
0xa0: {  	v1 =	vsel vm9, v3, v1;
	vm6 =	vge.f32 v48, v17;
	v50, v49, _ =	vpop (xrf1);
	vm13 =	vge.f32 v20, v60  }
0xa1: {  	v24 =	vsel vm6, v48, v17;
	v51 =	vsel vm6, v13, v14;
	v15 =	vsel vm6, v17, v48;
	v53, v52, _ =	vpop (xrf1)  }
0xa2: {  	v13 =	vsel vm6, v14, v13;
	(xrf1) =	vsort.dscd.msk.f32 $0xffff, v24, v51;
	v8 =	vperm.xlane v53, v0  }
0xa3: {  	v14 =	vsel vm12, v7, v59;
	v3, v56, _ =	vpop (xrf1);
	v24 =	vsel vm14, v28, v23;
	(xrf1) =	vsort.dscd.msk.f32 $0xffff, v15, v13  }
0xa4: {  	v28 =	vperm.xlane v36, v0;
	v4, v5, _ =	vpop (xrf1);
	(xrf1) =	vsort.dscd.msk.f32 $0xffff, v54, v55;
	vm4 =	vge.f32 v46, v8  }
0xa5: {  	v62, v61, _ =	vpop (xrf1);
	(xrf1) =	vsort.dscd.msk.f32 $0xffff, v2, v1;
	v1 =	vperm.xlane v34, v0;
	v2 =	vperm.xlane v30, v0  }
0xa6: {  	v26, v25, _ =	vpop (xrf1);
	v30 =	vsel vm14, v37, v28;
	v34 =	vperm.xlane v50, v0;
	v11 =	vperm.xlane v62, v0  }
0xa7: {  	v8 =	vsel vm4, v46, v8;
	v41 =	vperm.xlane v61, v0;
	v40 =	vperm.xlane v25, v0  }
0xa8: {  	v1 =	vsel vm10, v6, v1;
	v2 =	vsel vm11, v10, v2;
	v6 =	vsel vm12, v59, v7  }
0xa9: {  	vm5 =	vge.f32 v19, v34;
	v10 =	vperm.xlane v26, v0;
	vm8 =	vge.f32 v4, v11  }
0xaa: {  	v63 =	vsel vm12, v1, v2;
	v1 =	vsel vm12, v2, v1;
	v2 =	vsel vm13, v20, v60  }
0xab: {  	v35 =	vsel vm5, v19, v34;
	v5 =	vsel vm8, v5, v41;
	(xrf1) =	vsort.dscd.msk.f32 $0xffff, v14, v63  }
0xac: {  	vm15 =	vge.f32 v2, v24;
	(xrf1) =	vsort.dscd.msk.f32 $0xffff, v6, v1;
	v1 =	vsel vm13, v31, v27  }
0xad: {  	v33, v16, _ =	vpop (xrf1);
	vm6 =	vge.f32 v8, v35;
	v31 =	vsel vm15, v2, v24;
	v32 =	vsel vm15, v1, v30  }
0xae: {  	v7, v15, _ =	vpop (xrf1);
	v2 =	vsel vm15, v24, v2;
	v1 =	vsel vm15, v30, v1;
	(xrf1) =	vsort.dscd.msk.f32 $0xffff, v31, v32  }
0xaf: {  	v36, v18, _ =	vpop (xrf1);
	(xrf1) =	vsort.dscd.msk.f32 $0xffff, v2, v1;
	v1 =	vperm.xlane v52, v0;
	v2 =	vperm.xlane v49, v0  }
0xb0: {  	vm7 =	vge.f32 v3, v10;
	v43 =	vperm.xlane v36, v0;
	v46 =	vperm.xlane v18, v0  }
0xb1: {  	v19 =	vsel vm6, v8, v35;
	v1 =	vsel vm4, v45, v1;
	v2 =	vsel vm5, v29, v2  }
0xb2: {  	v8 =	vsel vm6, v35, v8;
	vm11 =	vge.f32 v7, v43;
	v37 =	vsel vm6, v1, v2  }
0xb3: {  	v39, v38, _ =	vpop (xrf1);
	v1 =	vsel vm6, v2, v1;
	v2 =	vsel vm7, v3, v10;
	v3 =	vsel vm8, v4, v11  }
0xb4: {  	v4 =	vperm.xlane v39, v0;
	(xrf1) =	vsort.dscd.msk.f32 $0xffff, v19, v37;
	vm9 =	vge.f32 v2, v3  }
0xb5: {  	v9, v11, _ =	vpop (xrf1);
	v42 =	vsel vm9, v2, v3;
	v2 =	vsel vm9, v3, v2;
	v3 =	vperm.xlane v38, v0  }
0xb6: {  	v47 =	vsel vm11, v7, v43;
	v44, v45, _ =	vpop (xrf1);
	(xrf1) =	vsort.dscd.msk.f32 $0xffff, v8, v1;
	v1 =	vsel vm7, v56, v40  }
0xb7: {  	v10 =	vsel vm11, v15, v46;
	vm10 =	vge.f32 v33, v4;
	v49, v48, _ =	vpop (xrf1);
	v12 =	vsel vm9, v1, v5  }
0xb8: {  	v1 =	vsel vm9, v5, v1;
	v4 =	vsel vm10, v33, v4;
	v7 =	vperm.xlane v49, v0  }
0xb9: {  	(xrf1) =	vsort.dscd.msk.f32 $0xffff, v42, v12;
	vm12 =	vge.f32 v4, v47;
	v12 =	vperm.xlane v48, v0  }
0xba: {  	(xrf1) =	vsort.dscd.msk.f32 $0xffff, v2, v1;
	v1 =	vsel vm10, v16, v3;
	v13 =	vsel vm12, v4, v47;
	v2, v3, _ =	vpop (xrf1)  }
0xbb: {  	v4 =	vsel vm12, v47, v4;
	v2 =	vperm.xlane v2, v0;
	v3 =	vperm.xlane v3, v0  }
0xbc: {  	vm14 =	vge.f32 v44, v7;
	v50 =	vsel vm12, v1, v10;
	v1 =	vsel vm12, v10, v1;
	v51, v52, _ =	vpop (xrf1)  }
0xbd: {  	v5 =	vsel vm14, v44, v7;
	(xrf1) =	vsort.dscd.msk.f32 $0xffff, v13, v50;
	v13, v14, _ =	vpop (xrf1);
	vm13 =	vge.f32 v9, v2  }
0xbe: {  	v8 =	vsel vm14, v45, v12;
	(xrf1) =	vsort.dscd.msk.f32 $0xffff, v4, v1;
	v54, v53, _ =	vpop (xrf1);
	v2 =	vsel vm13, v9, v2  }
0xbf: {  	v1 =	vsel vm13, v11, v3;
	v7 =	vperm.xlane v54, v0;
	vm15 =	vge.f32 v2, v5;
	v3, v55, _ =	vpop (xrf1)  }
0xc0: {  	v9 =	vperm.xlane v53, v0;
	v56 =	vsel vm15, v2, v5;
	v3 =	vperm.xlane v3, v0  }
0xc1: {  	v12 =	vsel vm15, v1, v8;
	v2 =	vsel vm15, v5, v2;
	v1 =	vsel vm15, v8, v1  }
0xc2: {  	v4 =	vperm.xlane v55, v0;
	vm5 =	vge.f32 v13, v7;
	vm4 =	vge.f32 v51, v3  }
0xc3: {  	v57, v58, _ =	vpop (xrf1);
	(xrf1) =	vsort.dscd.msk.f32 $0xffff, v56, v12;
	v59 =	vsel vm5, v13, v7;
	v3 =	vsel vm4, v51, v3  }
0xc4: {  	v61, v60, _ =	vpop (xrf1);
	v9 =	vsel vm5, v14, v9;
	v4 =	vsel vm4, v52, v4;
	vm6 =	vge.f32 v3, v59  }
0xc5: {  	(xrf1) =	vsort.dscd.msk.f32 $0xffff, v2, v1;
	v1, v2, _ =	vpop (xrf1);
	v62 =	vsel vm6, v3, v59;
	v14 =	vsel vm6, v4, v9  }
0xc6: {  	v63, v16, _ =	vpop (xrf1);
	v3 =	vsel vm6, v59, v3;
	v4 =	vsel vm6, v9, v4;
	v1 =	vperm.xlane v1, v0  }
0xc7: {  	v2 =	vperm.xlane v2, v0;
	(xrf1) =	vsort.dscd.msk.f32 $0xffff, v62, v14;
	v17 =	vperm.xlane v63, v0  }
0xc8: {  	v18, v9, _ =	vpop (xrf1);
	(xrf1) =	vsort.dscd.msk.f32 $0xffff, v3, v4;
	v3 =	vperm.xlane v16, v0;
	vm8 =	vge.f32 v61, v1  }
0xc9: {  	v19, v20, _ =	vpop (xrf1);
	vm7 =	vge.f32 v57, v17;
	v1 =	vsel vm8, v61, v1  }
0xca: {  	v21, v22, _ =	vpop (xrf1);
	v2 =	vsel vm8, v60, v2;
	v5 =	vsel vm7, v57, v17;
	v3 =	vsel vm7, v58, v3  }
0xcb: {  	v25, v24, _ =	vpop (xrf1);
	v10 =	vperm.xlane v21, v0;
	v12 =	vperm.xlane v22, v0;
	vm9 =	vge.f32 v5, v1  }
0xcc: {  	v28 =	vperm.xlane v25, v0;
	v23 =	vsel vm9, v5, v1;
	v26 =	vsel vm9, v3, v2  }
0xcd: {  	v1 =	vsel vm9, v1, v5;
	v2 =	vsel vm9, v2, v3;
	vm11 =	vge.f32 v19, v10  }
0xce: {  	v3, v27, _ =	vpop (xrf1);
	(xrf1) =	vsort.dscd.msk.f32 $0xffff, v23, v26;
	vm10 =	vge.f32 v18, v28;
	v6 =	vsel vm11, v19, v10  }
0xcf: {  	v30, v29, _ =	vpop (xrf1);
	(xrf1) =	vsort.dscd.msk.f32 $0xffff, v1, v2;
	v1 =	vperm.xlane v24, v0;
	v4 =	vsel vm10, v18, v28  }
0xd0: {  	v2, v31, _ =	vpop (xrf1);
	vm12 =	vge.f32 v4, v6  }
0xd1: {  	v7 =	vsel vm11, v20, v12;
	v1 =	vsel vm10, v9, v1;
	v32, v33, _ =	vpop (xrf1);
	v10 =	vsel vm12, v4, v6  }
0xd2: {  	v2 =	vperm.xlane v2, v0;
	v4 =	vsel vm12, v6, v4;
	v8 =	vperm.xlane v32, v0  }
0xd3: {  	v38 =	vperm.xlane v31, v0;
	v12 =	vsel vm12, v1, v7;
	v1 =	vsel vm12, v7, v1  }
0xd4: {  	v34, v35, _ =	vpop (xrf1);
	v9 =	vperm.xlane v33, v0;
	vm14 =	vge.f32 v30, v2;
	vm13 =	vge.f32 v3, v8  }
0xd5: {  	(xrf1) =	vsort.dscd.msk.f32 $0xffff, v10, v12;
	v37, v36, _ =	vpop (xrf1);
	v2 =	vsel vm14, v30, v2;
	v3 =	vsel vm13, v3, v8  }
0xd6: {  	(xrf1) =	vsort.dscd.msk.f32 $0xffff, v4, v1;
	v1, v4, _ =	vpop (xrf1);
	vm15 =	vge.f32 v3, v2  }
0xd7: {  	v12 =	vsel vm14, v29, v38;
	v5 =	vsel vm13, v27, v9;
	v40, v39, _ =	vpop (xrf1);
	v41 =	vsel vm15, v3, v2  }
0xd8: {  	v14 =	vsel vm15, v5, v12;
	v1 =	vperm.xlane v1, v0;
	v9 =	vperm.xlane v40, v0  }
0xd9: {  	v2 =	vsel vm15, v2, v3;
	v3 =	vsel vm15, v12, v5;
	v4 =	vperm.xlane v4, v0  }
0xda: {  	v42 =	vperm.xlane v39, v0;
	vm5 =	vge.f32 v37, v1;
	vm4 =	vge.f32 v34, v9  }
0xdb: {  	(xrf1) =	vsort.dscd.msk.f32 $0xffff, v41, v14;
	v1 =	vsel vm5, v37, v1;
	v6 =	vsel vm4, v34, v9  }
0xdc: {  	v4 =	vsel vm5, v36, v4;
	v5 =	vsel vm4, v35, v42;
	vm6 =	vge.f32 v6, v1  }
0xdd: {  	(xrf1) =	vsort.dscd.msk.f32 $0xffff, v2, v3;
	v2 =	vsel vm6, v6, v1;
	v3 =	vsel vm6, v5, v4  }
0xde: {  	v1 =	vsel vm6, v1, v6;
	v4 =	vsel vm6, v4, v5;
	(xrf1) =	vsort.dscd.msk.f32 $0xffff, v2, v3  }
0xdf: {  	(xrf1) =	vsort.dscd.msk.f32 $0xffff, v1, v4;
	_ =	sdelay $0x4  }
0xe0: {  	v1, v2, _ =	vpop (xrf1)  }
0xe1: {  	v3, v43, _ =	vpop (xrf1)  }
0xe2: {  	v45, v44, _ =	vpop (xrf1)  }
0xe3: {  	v47, v46, _ =	vpop (xrf1)  }
0xe4: {  	v5 =	vperm.xlane v45, v0;
	v7 =	vperm.xlane v47, v0;
	_ =	sdelay $0x1  }
0xe5: {  	v6 =	vperm.xlane v44, v0;
	v48, v49, _ =	vpop (xrf1);
	vm8 =	vge.f32 v3, v5;
	vm7 =	vge.f32 v1, v7  }
0xe6: {  	v8 =	vperm.xlane v46, v0;
	v51, v50, _ =	vpop (xrf1);
	v3 =	vsel vm8, v3, v5;
	v1 =	vsel vm7, v1, v7  }
0xe7: {  	vm9 =	vge.f32 v1, v3;
	v53, v52, _ =	vpop (xrf1)  }
0xe8: {  	v4 =	vsel vm8, v43, v6;
	v2 =	vsel vm7, v2, v8;
	v56 =	vsel vm9, v1, v3;
	v55, v54, _ =	vpop (xrf1)  }
0xe9: {  	v57 =	vsel vm9, v2, v4;
	v5 =	vperm.xlane v53, v0;
	v8 =	vperm.xlane v55, v0  }
0xea: {  	v1 =	vsel vm9, v3, v1;
	v2 =	vsel vm9, v4, v2;
	v58 =	vperm.xlane v52, v0  }
0xeb: {  	v3 =	vperm.xlane v54, v0;
	vm11 =	vge.f32 v51, v5;
	vm10 =	vge.f32 v48, v8  }
0xec: {  	(xrf1) =	vsort.dscd.msk.f32 $0xffff, v56, v57;
	v5 =	vsel vm11, v51, v5;
	v59 =	vsel vm10, v48, v8  }
0xed: {  	v6 =	vsel vm11, v50, v58;
	v3 =	vsel vm10, v49, v3;
	vm12 =	vge.f32 v59, v5  }
0xee: {  	(xrf1) =	vsort.dscd.msk.f32 $0xffff, v1, v2;
	v1 =	vsel vm12, v59, v5;
	v2 =	vsel vm12, v3, v6  }
0xef: {  	v4 =	vsel vm12, v5, v59;
	v3 =	vsel vm12, v6, v3;
	(xrf1) =	vsort.dscd.msk.f32 $0xffff, v1, v2  }
0xf0: {  	(xrf1) =	vsort.dscd.msk.f32 $0xffff, v4, v3;
	_ =	sdelay $0xa  }
0xf1: {  	v1, v2, _ =	vpop (xrf1)  }
0xf2: {  	v3, v4, _ =	vpop (xrf1)  }
0xf3: {  	v60, v61, _ =	vpop (xrf1)  }
0xf4: {  	v62, v63, _ =	vpop (xrf1)  }
0xf5: {  	v5 =	vperm.xlane v60, v0;
	v7 =	vperm.xlane v62, v0  }
0xf6: {  	v6 =	vperm.xlane v61, v0  }
0xf7: {  	v8 =	vperm.xlane v63, v0;
	vm14 =	vge.f32 v3, v5;
	vm13 =	vge.f32 v1, v7  }
0xf8: {  	v3 =	vsel vm14, v3, v5;
	v1 =	vsel vm13, v1, v7  }
0xf9: {  	v4 =	vsel vm14, v4, v6;
	v2 =	vsel vm13, v2, v8;
	vm15 =	vge.f32 v1, v3  }
0xfa: {  	v5 =	vsel vm15, v1, v3;
	v6 =	vsel vm15, v2, v4  }
0xfb: {  	v1 =	vsel vm15, v3, v1;
	v2 =	vsel vm15, v4, v2;
	(xrf1) =	vsort.dscd.msk.f32 $0xffff, v5, v6  }
0xfc: {  	(xrf1) =	vsort.dscd.msk.f32 $0xffff, v1, v2;
	_ =	sdelay $0xc  }
0xfd: {  	_, v1, _ =	vpop (xrf1)  }
0xfe: {  	[tilespmem:$0x800] =	vst v1;
	_, v1, _ =	vpop (xrf1)  }
0xff: {  	[tilespmem:$0x810] =	vst v1  }
0x100: {  	[tilespmem:s12], [sflag:$0x1] =	stream.indirect.gather [hbm4b:s2+s10], $0x80, s11, s10, $0xb8;
	[tilespmem:$0x1880] =	vst v63  }
0x101: {  	_ =	swait.ge [sflag:s13], $0x1000  }
0x102: {  	p0 =	sne.s32 s6, $0x1;
	[sflag:s13] =	ssyncset.done $0x0  }
.Ltmp1:
0x103: {  	[sflag:s13] =	ssyncadd.s32 $0xFFFFF000;
	(pc) =	sbr.rel @p0 .LBB2_2-.Ltmp1, $4  }
0x104: {  	[hbm4b:s3+s7] =	stream.linear.scatter [tilespmem:s12], [sflag:$0x2], $0xF00, $0x38;
	[tilespmem:$0x1880] =	vst v63  }
0x105: {  	_ =	swait.ge [sflag:s8], $0xF00  }
0x106: {  	[sflag:s8] =	ssyncset.done $0x0  }
0x107: {  	s6 =	sadd.s32 $0xFFFFFFFF, s6;
	[sflag:s8] =	ssyncadd.s32 $0xFFFFF100  }
.LBB2_3:
0x108: {  	_ =	sfence.sel $0x180000  }
0x109: {  	[bflag:$0x0] =	sbarrier.arrive $0xFFFF  }
0x10a: {  	p0 =	sne.s32 s0, $0x0;
	_ =	strace $0x9000004A  }
0x10b: {  	s0 =	sadd.s32 @!p0 $0x100000, s1;
	[bflag:$0x2] =	sbarrier.arrive $0xFFFF  }
0x10c: {  	[sflag:s0] =	ssyncadd.tile.s32 @!p0 $0x1;
	_ =	shalt  }
.Lfunc_end2:
_tile_overlayer_lowered:
.L_overlay_start_2:
0x10d: {  	(tag) =	ssettag $0x2  }
0x10e: {  	s0 =	rddreg [dreg:$0x0];
	s2 =	stileid.u32  }
0x10f: {  	s1 =	rddreg [dreg:$0x1];
	p0 =	sne.s32 s2, $0x0  }
0x110: {  	s3 =	rddreg [dreg:$0x2];
	[bflag:$0x3] =	sbarrier.arrive $0xFFFF;
	s2 =	simm.s32 @!p0 $0x1C02  }
0x111: {  	[timem:s3], [sflag:s2] =	dma.local @!p0 [hbm:s0], s1  }
0x112: {  	s0 =	simm.s32 @!p0 $0x2  }
0x113: {  	_ =	swait.ge @!p0 [sflag:s0], s1  }
0x114: {  	s1 =	ssub.s32 @!p0 $0x0, s1;
	[sflag:s0] =	ssyncset.done @!p0 $0x0  }
0x115: {  	[sflag:s0] =	ssyncadd.s32 @!p0 s1  }
0x116: {  	[bflag:$0x3] =	sbarrier.arrive $0xFFFF  }
0x117: {  	_ =	shalt  }

</sc_bundles>
